<compile_context>
chip_gen: v7x
topology: tpu7x:2x2x1
jax: 0.10.2.dev20260603
libtpu: 0.0.44.dev20260713+nightly
codegen_flags: <defaults>
</compile_context>

<pallas_src>
import functools

import jax
import jax.numpy as jnp
from jax import lax
from jax.experimental import pallas as pl
from jax.experimental.pallas import tpu as pltpu
from jax.experimental.pallas import tpu_sc as plsc

N_ATOMS = 524288
N_SYSTEMS = 8192
D_FEAT = 128
NGRP = N_ATOMS // 128

NW = 32
MM_BLOCK = 16384
MM_G = MM_BLOCK // 128

CHUNK_ATOMS = [147456, 147456, 147456, 81920]
CHUNK_OFF = [0, 147456, 294912, 442368]
NHALF = len(CHUNK_ATOMS)


def _mm_body(emb_ref, w_ref, out_ref):
    mm_t = lax.dot_general(
        w_ref[...], emb_ref[...],
        dimension_numbers=(((0,), (1,)), ((), ())),
        preferred_element_type=jnp.float32,
    )
    out_ref[...] = jnp.swapaxes(
        mm_t.reshape(8, MM_G, 128), 0, 1)


def _make_mm(h):
    goff = CHUNK_OFF[h] // MM_BLOCK
    return pl.pallas_call(
        _mm_body,
        grid=(CHUNK_ATOMS[h] // MM_BLOCK,),
        in_specs=[
            pl.BlockSpec((MM_BLOCK, D_FEAT), lambda i, _g=goff: (i + _g, 0)),
            pl.BlockSpec((D_FEAT, 8), lambda i: (0, 0)),
        ],
        out_specs=pl.BlockSpec((MM_G, 8, 128), lambda i: (i, 0, 0)),
        out_shape=jax.ShapeDtypeStruct(
            (CHUNK_ATOMS[h] // 128, 8, 128), jnp.float32),
        compiler_params=pltpu.CompilerParams(
            dimension_semantics=("arbitrary",)),
    )


_mm_calls = [_make_mm(h) for h in range(NHALF)]


def _comb_body(*refs):
    part_refs = refs[:NHALF]
    ds_ref, e0_ref, e1_ref = refs[NHALF:]
    energy = part_refs[0][...].sum(axis=0)
    for pr in part_refs[1:]:
        energy = energy + pr[...].sum(axis=0)
    ds = ds_ref[...]
    zero = jnp.zeros_like(energy)
    e0_ref[...] = jnp.where(ds == 0, energy, zero)
    e1_ref[...] = jnp.where(ds == 1, energy, zero)


_comb_call = pl.pallas_call(
    _comb_body,
    out_shape=[jax.ShapeDtypeStruct((N_SYSTEMS,), jnp.float32)] * 2,
)

_sc_mesh = plsc.VectorSubcoreMesh(core_axis_name="c", subcore_axis_name="s")


def _make_sc(h, mode="both"):
  do_f = mode in ("both", "forces")
  do_e = mode in ("both", "energy")
  out_type = []
  if h == 0:
    out_type += [
        jax.ShapeDtypeStruct((NGRP * 512,), jnp.float32),
        jax.ShapeDtypeStruct((NGRP * 512,), jnp.float32),
    ]
  if mode == "forces":
    out_type += [jax.ShapeDtypeStruct((16,), jnp.float32)]
  if do_e:
    out_type += [jax.ShapeDtypeStruct((NW, N_SYSTEMS), jnp.float32)]

  if len(out_type) == 1:
    out_type = out_type[0]

  sub = CHUNK_ATOMS[h] // NW
  off = CHUNK_OFF[h]

  scratch_types = []
  if do_f:
    scratch_types.append(pltpu.VMEM((N_SYSTEMS,), jnp.int32))
  scratch_types.append(pltpu.VMEM((sub + 16,), jnp.int32))
  scratch_types.append(pltpu.VMEM((sub * 8,), jnp.float32))
  if do_f:
    scratch_types.append(pltpu.VMEM((sub * 4,), jnp.float32))
    scratch_types.append(pltpu.VMEM((sub * 4,), jnp.float32))
  if do_e:
    scratch_types.append(pltpu.VMEM((N_SYSTEMS,), jnp.float32))
  if mode == "forces":
    scratch_types.append(pltpu.VMEM((16,), jnp.float32))

  @functools.partial(
      pl.kernel,
      mesh=_sc_mesh,
      compiler_params=pltpu.CompilerParams(needs_layout_passes=False),
      out_type=out_type,
      scratch_types=scratch_types,
  )
  def _sc_route(*refs):
    it = list(refs)
    in8_hbm, b_hbm = it[0], it[1]
    i = 2
    ds_hbm = f0_hbm = f1_hbm = tok_hbm = part_hbm = None
    if do_f:
        ds_hbm, f0_hbm, f1_hbm = it[i], it[i + 1], it[i + 2]
        i += 3
    if mode == "energy":
        i += 1
    if mode == "forces":
        tok_hbm = it[i]
        i += 1
    if do_e:
        part_hbm = it[i]
        i += 1
    scr = it[i:]
    j = 0
    ds_v = f0_v = f1_v = acc = None
    if do_f:
        ds_v = scr[j]
        j += 1
    b_v = scr[j]
    in8_v = scr[j + 1]
    j += 2
    if do_f:
        f0_v, f1_v = scr[j], scr[j + 1]
        j += 2
    if do_e:
        acc = scr[j]
        j += 1
    tok_v = scr[j] if mode == "forces" else None

    wid = lax.axis_index("s") * 2 + lax.axis_index("c")
    iota = lax.iota(jnp.int32, 16)
    zero16 = jnp.zeros((16,), jnp.float32)
    one16 = jnp.ones((16,), jnp.float32)
    izero16 = jnp.zeros((16,), jnp.int32)
    i15_16 = jnp.full((16,), 15, jnp.int32)
    ineg16 = jnp.full((16,), -1, jnp.int32)

    def _ifull(x):
        return jnp.full((16,), x, jnp.int32)

    if do_e:
        def zbody(i, carry):
            acc[pl.ds(i * 16, 16)] = zero16
            return carry
        lax.fori_loop(0, N_SYSTEMS // 16, zbody, 0)

    if do_f:
        pltpu.sync_copy(ds_hbm, ds_v)

    base = wid * sub
    pltpu.sync_copy(
        b_hbm.at[pl.ds(off + base, sub)], b_v.at[pl.ds(0, sub)])
    b_v[pl.ds(sub, 16)] = ineg16
    pltpu.sync_copy(in8_hbm.at[pl.ds(base * 8, sub * 8)], in8_v)

    if do_f:
        @plsc.parallel_loop(0, sub // 16, unroll=4)
        def _floop(i):
            src = (i // 8) * 1024 + (i % 8) * 16
            dst = (i // 8) * 512 + (i % 8) * 16
            b = b_v[pl.ds(i * 16, 16)]
            dsid = plsc.load_gather(ds_v, [b])
            m = jnp.where(dsid == izero16, one16, zero16)
            for c in range(3):
                v = in8_v[pl.ds(src + c * 128, 16)]
                f0 = v * m
                f0_v[pl.ds(dst + c * 128, 16)] = f0
                f1_v[pl.ds(dst + c * 128, 16)] = v - f0

        pltpu.sync_copy(
            f0_v, f0_hbm.at[pl.ds((off + base) * 4, sub * 4)])
        pltpu.sync_copy(
            f1_v, f1_hbm.at[pl.ds((off + base) * 4, sub * 4)])

    if do_e:
        def eloop(i, carry):
            for k in range(2):
                j = i * 2 + k
                src = (j // 8) * 1024 + (j % 8) * 16
                e = in8_v[pl.ds(src + 384, 16)]
                b = b_v[pl.ds(j * 16, 16)]
                b_next = plsc.load_gather(b_v, [iota + _ifull(j * 16 + 1)])
                svec = plsc.cumsum(e)
                b_nx = jnp.where(iota == i15_16, ineg16, b_next)
                b2_nx = jnp.where(iota == i15_16, b, b_next)
                plsc.addupdate_scatter(acc, [b], svec, mask=b != b_nx)
                plsc.addupdate_scatter(
                    acc, [b_next], zero16 - svec, mask=b != b2_nx)
            return carry
        lax.fori_loop(0, sub // 32, eloop, 0)

        pltpu.sync_copy(acc, part_hbm.at[wid])

    if mode == "forces":
        tok_v[...] = zero16
        pltpu.sync_copy(tok_v, tok_hbm)

  return _sc_route


_sc_calls = [_make_sc(h) for h in range(NHALF - 1)]
_sc_f_last = _make_sc(NHALF - 1, "forces")
_sc_e_last = _make_sc(NHALF - 1, "energy")


def kernel(node_emb, batch_full, dataset_ids, W_forces, w_energy):
    w8 = jnp.concatenate(
        [W_forces, w_energy[:, None],
         jnp.zeros((D_FEAT, 4), jnp.float32)], axis=1)
    batch = batch_full.astype(jnp.int32)
    ds = dataset_ids.astype(jnp.int32)

    def _to_n3(fb):
        blocks = fb.reshape(NGRP, 4, 128)
        return blocks[:, :3, :].transpose(0, 2, 1).reshape(N_ATOMS, 3)

    blk = _mm_calls[0](node_emb, w8)
    f0buf, f1buf, part0 = _sc_calls[0](blk.reshape(-1), batch, ds)
    f0_ref = jax.new_ref(f0buf)
    f1_ref = jax.new_ref(f1buf)
    parts = [part0]
    for h in range(1, NHALF - 1):
        blk = _mm_calls[h](node_emb, w8)
        parts.append(
            _sc_calls[h](blk.reshape(-1), batch, ds, f0_ref, f1_ref))

    blk = _mm_calls[NHALF - 1](node_emb, w8)
    in8f = blk.reshape(-1)
    tok = _sc_f_last(in8f, batch, ds, f0_ref, f1_ref)
    parts.append(_sc_e_last(in8f, batch, tok))

    e0, e1 = _comb_call(*parts, ds)
    return (e0, _to_n3(f0_ref[...]), e1, _to_n3(f1_ref[...]))

# --- scband reference (transcript-rebuilt; emitter-appended) ---
"""Pipeline reference for scband-dataset-specific-single-head-wrapper-48275432407220 (READ-ONLY COPY).

The authoritative reference and input builder live on the scoring server;
editing this copy changes nothing except your own understanding.
"""

import jax, jax.numpy as jnp
import numpy as np

N_ATOMS = 524288
N_SYSTEMS = 8192
D_FEAT = 128
N_DATASETS = 2  # sorted dataset_names -> ids [0, 1]


def setup_inputs(seed: int = 0) -> dict:
    key = jax.random.key(seed)
    k1, k2, k3, k4, k5 = jax.random.split(key, 5)
    node_emb = jax.random.normal(k1, (N_ATOMS, D_FEAT), dtype=jnp.float32)
    batch_full = jnp.sort(jax.random.randint(k2, (N_ATOMS,), 0, N_SYSTEMS))
    dataset_ids = jax.random.randint(k3, (N_SYSTEMS,), 0, N_DATASETS)
    W_forces = jax.random.normal(k4, (D_FEAT, 3), dtype=jnp.float32) * 0.02
    w_energy = jax.random.normal(k5, (D_FEAT,), dtype=jnp.float32) * 0.02
    return {
        "node_emb": node_emb,
        "batch_full": batch_full,
        "dataset_ids": dataset_ids,
        "W_forces": W_forces,
        "w_energy": w_energy,
    }


def reference(node_emb, batch_full, dataset_ids, W_forces, w_energy):
    # --- inner head (linear energy/force head over backbone embeddings) ---
    forces = node_emb @ W_forces                      # [N_ATOMS, 3], per-atom output
    per_atom_e = node_emb @ w_energy                  # [N_ATOMS]
    energy = jax.ops.segment_sum(per_atom_e, batch_full, num_segments=N_SYSTEMS)  # [N_SYSTEMS], per-system output

    # --- DatasetSpecificSingleHeadWrapper routing ---
    # For each dataset name (sorted), build a zero tensor and scatter in only
    # the rows belonging to that dataset. Per-system tensors (energy) are masked
    # by the system-level dataset mask; per-atom tensors (forces) are masked by
    # atoms_mask = isin(batch_full, where(dataset_mask)) == dataset_mask[batch_full].
    outs = []
    for d in range(N_DATASETS):
        sys_mask = dataset_ids == d                   # [N_SYSTEMS] bool
        e_out = jnp.where(sys_mask, energy, jnp.zeros_like(energy))
        atom_mask = jnp.take(sys_mask, batch_full)    # [N_ATOMS] bool, gather by system id
        f_out = jnp.where(atom_mask[:, None], forces, jnp.zeros_like(forces))
        outs.append(e_out)   # f'{dataset_name}_energy'
        outs.append(f_out)   # f'{dataset_name}_forces'
    return tuple(outs)

if __name__ == "__main__":
    import jax
    _d = setup_inputs()
    print(jax.jit(kernel)(*tuple(_d.values())))

</pallas_src>

<mosaic_0001>
#map = affine_map<(d0, d1) -> (0)>
#map1 = affine_map<(d0, d1) -> (0, 0)>
module attributes {stable_mosaic.version = 14 : i64} {
  func.func @_sc_route(%arg0: i32, %arg1: i32, %arg2: memref<1179648xf32, #tpu.memory_space<hbm>>, %arg3: memref<524288xi32, #tpu.memory_space<hbm>>, %arg4: memref<8192xi32, #tpu.memory_space<hbm>>, %arg5: memref<2097152xf32, #tpu.memory_space<hbm>>, %arg6: memref<2097152xf32, #tpu.memory_space<hbm>>, %arg7: memref<32x8192xf32, #tpu.memory_space<hbm>>, %arg8: memref<8192xi32, #tpu.memory_space<vmem>>, %arg9: memref<4624xi32, #tpu.memory_space<vmem>>, %arg10: memref<36864xf32, #tpu.memory_space<vmem>>, %arg11: memref<18432xf32, #tpu.memory_space<vmem>>, %arg12: memref<18432xf32, #tpu.memory_space<vmem>>, %arg13: memref<8192xf32, #tpu.memory_space<vmem>>) attributes {dimension_semantics = [#tpu.dimension_semantics<core_parallel>, #tpu.dimension_semantics<subcore_parallel>], iteration_bounds = array<i64: 2, 16>, scalar_prefetch = 0 : i64, scratch_operands = 6 : i64, tpu.core_type = #tpu.core_type<sc_vector_subcore>, window_params = [{transform_indices = #map}, {transform_indices = #map}, {transform_indices = #map}, {transform_indices = #map}, {transform_indices = #map}, {transform_indices = #map1}]} {
    %mul3A = arith.constant 2 : i32
    %mul3A_0 = arith.muli %arg1, %mul3A : i32
    %add3A = arith.addi %mul3A_0, %arg0 : i32
    %iota3A = tpu.iota {dimensions = array<i32: 0>} : vector<16xi32>
    %broadcast_in_dim3A = arith.constant 0.000000e+00 : f32
    %broadcast_in_dim3A_1 = vector.broadcast %broadcast_in_dim3A : f32 to vector<16xf32>
    %broadcast_in_dim3A_2 = arith.constant 1.000000e+00 : f32
    %broadcast_in_dim3A_3 = vector.broadcast %broadcast_in_dim3A_2 : f32 to vector<16xf32>
    %broadcast_in_dim3A_4 = arith.constant 0 : i32
    %broadcast_in_dim3A_5 = vector.broadcast %broadcast_in_dim3A_4 : i32 to vector<16xi32>
    %broadcast_in_dim3A_6 = arith.constant 15 : i32
    %broadcast_in_dim3A_7 = vector.broadcast %broadcast_in_dim3A_6 : i32 to vector<16xi32>
    %broadcast_in_dim3A_8 = arith.constant -1 : i32
    %broadcast_in_dim3A_9 = vector.broadcast %broadcast_in_dim3A_8 : i32 to vector<16xi32>
    %scan3A = arith.constant 0 : i32
    %scan3A_10 = arith.constant 0 : i32
    %scan3A_11 = arith.constant 512 : i32
    %scan3A_12 = arith.addi %scan3A_10, %scan3A_11 : i32
    %scan3A_13 = arith.constant 1 : i32
    scf.for %scan3A_38 = %scan3A_10 to %scan3A_12 step %scan3A_13  : i32 {
      %mul3A_39 = arith.constant 16 : i32
      %mul3A_40 = arith.muli %scan3A_38, %mul3A_39 : i32
      %swap3A_41 = arith.index_cast %mul3A_40 : i32 to index
      %swap3A_42 = tpu.vector_load %arg13[%swap3A_41] {strides = array<i32>} : memref<8192xf32, #tpu.memory_space<vmem>>, vector<16xf32>,
      tpu.vector_store %arg13[%swap3A_41], %broadcast_in_dim3A_1 {strides = array<i32>} : memref<8192xf32, #tpu.memory_space<vmem>>, vector<16xf32>,
    }
    %scan3A_14 = arith.constant 512 : i32
    "tpu.region"() ({
      %run_scoped3A = tpu.sem_alloc : memref<!tpu.dma_semaphore, #tpu.memory_space<semaphore_mem>>
      tpu.enqueue_dma source(%arg4 : memref<8192xi32, #tpu.memory_space<hbm>>) target(%arg8 : memref<8192xi32, #tpu.memory_space<vmem>>) target_semaphore(%run_scoped3A : memref<!tpu.dma_semaphore, #tpu.memory_space<semaphore_mem>>)
      tpu.wait_dma2 semaphore(%run_scoped3A : memref<!tpu.dma_semaphore, #tpu.memory_space<semaphore_mem>>) src(%arg4 : memref<8192xi32, #tpu.memory_space<hbm>>) dst(%arg8 : memref<8192xi32, #tpu.memory_space<vmem>>)
      tpu.yield
    }) : () -> ()
    %mul3A_15 = arith.constant 4608 : i32
    %mul3A_16 = arith.muli %add3A, %mul3A_15 : i32
    %add3A_17 = arith.constant 0 : i32
    %add3A_18 = arith.addi %add3A_17, %mul3A_16 : i32
    "tpu.region"() ({
      %run_scoped3A = tpu.sem_alloc : memref<!tpu.dma_semaphore, #tpu.memory_space<semaphore_mem>>
      %dma_start3A = arith.constant 0 : i32
      %dma_start3A_38 = tpu.memref_slice %arg9[%dma_start3A] : memref<4624xi32, #tpu.memory_space<vmem>> -> memref<4608xi32, #tpu.memory_space<vmem>>
      %dma_start3A_39 = tpu.memref_slice %arg3[%add3A_18] : memref<524288xi32, #tpu.memory_space<hbm>> -> memref<4608xi32, #tpu.memory_space<hbm>>
      %dma_start3A_40 = arith.constant 0 : i32
      %dma_start3A_41 = tpu.memref_slice %arg9[%dma_start3A_40] : memref<4624xi32, #tpu.memory_space<vmem>> -> memref<4608xi32, #tpu.memory_space<vmem>>
      %dma_start3A_42 = tpu.memref_slice %arg3[%add3A_18] : memref<524288xi32, #tpu.memory_space<hbm>> -> memref<4608xi32, #tpu.memory_space<hbm>>
      tpu.enqueue_dma source(%dma_start3A_42 : memref<4608xi32, #tpu.memory_space<hbm>>) target(%dma_start3A_41 : memref<4608xi32, #tpu.memory_space<vmem>>) target_semaphore(%run_scoped3A : memref<!tpu.dma_semaphore, #tpu.memory_space<semaphore_mem>>)
      %dma_wait3A = arith.constant 0 : i32
      %dma_wait3A_43 = tpu.memref_slice %arg9[%dma_wait3A] : memref<4624xi32, #tpu.memory_space<vmem>> -> memref<4608xi32, #tpu.memory_space<vmem>>
      %dma_wait3A_44 = tpu.memref_slice %arg3[%add3A_18] : memref<524288xi32, #tpu.memory_space<hbm>> -> memref<4608xi32, #tpu.memory_space<hbm>>
      %dma_wait3A_45 = arith.constant 0 : i32
      %dma_wait3A_46 = tpu.memref_slice %arg9[%dma_wait3A_45] : memref<4624xi32, #tpu.memory_space<vmem>> -> memref<4608xi32, #tpu.memory_space<vmem>>
      %dma_wait3A_47 = tpu.memref_slice %arg3[%add3A_18] : memref<524288xi32, #tpu.memory_space<hbm>> -> memref<4608xi32, #tpu.memory_space<hbm>>
      tpu.wait_dma2 semaphore(%run_scoped3A : memref<!tpu.dma_semaphore, #tpu.memory_space<semaphore_mem>>) src(%dma_wait3A_47 : memref<4608xi32, #tpu.memory_space<hbm>>) dst(%dma_wait3A_46 : memref<4608xi32, #tpu.memory_space<vmem>>)
      tpu.yield
    }) : () -> ()
    %swap3A = arith.constant 4608 : index
    %swap3A_19 = tpu.vector_load %arg9[%swap3A] {strides = array<i32>} : memref<4624xi32, #tpu.memory_space<vmem>>, vector<16xi32>,
    tpu.vector_store %arg9[%swap3A], %broadcast_in_dim3A_9 {strides = array<i32>} : memref<4624xi32, #tpu.memory_space<vmem>>, vector<16xi32>,
    %mul3A_20 = arith.constant 8 : i32
    %mul3A_21 = arith.muli %mul3A_16, %mul3A_20 : i32
    "tpu.region"() ({
      %run_scoped3A = tpu.sem_alloc : memref<!tpu.dma_semaphore, #tpu.memory_space<semaphore_mem>>
      %dma_start3A = tpu.memref_slice %arg2[%mul3A_21] : memref<1179648xf32, #tpu.memory_space<hbm>> -> memref<36864xf32, #tpu.memory_space<hbm>>
      %dma_start3A_38 = tpu.memref_slice %arg2[%mul3A_21] : memref<1179648xf32, #tpu.memory_space<hbm>> -> memref<36864xf32, #tpu.memory_space<hbm>>
      tpu.enqueue_dma source(%dma_start3A_38 : memref<36864xf32, #tpu.memory_space<hbm>>) target(%arg10 : memref<36864xf32, #tpu.memory_space<vmem>>) target_semaphore(%run_scoped3A : memref<!tpu.dma_semaphore, #tpu.memory_space<semaphore_mem>>)
      %dma_wait3A = tpu.memref_slice %arg2[%mul3A_21] : memref<1179648xf32, #tpu.memory_space<hbm>> -> memref<36864xf32, #tpu.memory_space<hbm>>
      %dma_wait3A_39 = tpu.memref_slice %arg2[%mul3A_21] : memref<1179648xf32, #tpu.memory_space<hbm>> -> memref<36864xf32, #tpu.memory_space<hbm>>
      tpu.wait_dma2 semaphore(%run_scoped3A : memref<!tpu.dma_semaphore, #tpu.memory_space<semaphore_mem>>) src(%dma_wait3A_39 : memref<36864xf32, #tpu.memory_space<hbm>>) dst(%arg10 : memref<36864xf32, #tpu.memory_space<vmem>>)
      tpu.yield
    }) : () -> ()
    %parallel_loop3A = arith.constant 0 : i32
    %parallel_loop3A_22 = arith.constant 288 : i32
    %parallel_loop3A_23 = arith.constant 1 : i32
    scf.for %parallel_loop3A_38 = %parallel_loop3A to %parallel_loop3A_22 step %parallel_loop3A_23  : i32 {
      %parallel_loop3A_39 = arith.constant 8 : i32
      %parallel_loop3A_40 = arith.divsi %parallel_loop3A_38, %parallel_loop3A_39 : i32
      %parallel_loop3A_41 = arith.constant 0 : i32
      %parallel_loop3A_42 = arith.cmpi sgt, %parallel_loop3A_38, %parallel_loop3A_41 : i32
      %parallel_loop3A_43 = arith.extui %parallel_loop3A_42 : i1 to i32
      %parallel_loop3A_44 = arith.constant 0 : i32
      %parallel_loop3A_45 = arith.cmpi slt, %parallel_loop3A_38, %parallel_loop3A_44 : i32
      %parallel_loop3A_46 = arith.extui %parallel_loop3A_45 : i1 to i32
      %parallel_loop3A_47 = arith.subi %parallel_loop3A_43, %parallel_loop3A_46 : i32
      %parallel_loop3A_48 = arith.constant 0 : i32
      %parallel_loop3A_49 = arith.cmpi sgt, %parallel_loop3A_39, %parallel_loop3A_48 : i32
      %parallel_loop3A_50 = arith.extui %parallel_loop3A_49 : i1 to i32
      %parallel_loop3A_51 = arith.constant 0 : i32
      %parallel_loop3A_52 = arith.cmpi slt, %parallel_loop3A_39, %parallel_loop3A_51 : i32
      %parallel_loop3A_53 = arith.extui %parallel_loop3A_52 : i1 to i32
      %parallel_loop3A_54 = arith.subi %parallel_loop3A_50, %parallel_loop3A_53 : i32
      %parallel_loop3A_55 = arith.cmpi ne, %parallel_loop3A_47, %parallel_loop3A_54 : i32
      %parallel_loop3A_56 = arith.remsi %parallel_loop3A_38, %parallel_loop3A_39 : i32
      %parallel_loop3A_57 = arith.constant 0 : i32
      %parallel_loop3A_58 = arith.cmpi ne, %parallel_loop3A_56, %parallel_loop3A_57 : i32
      %parallel_loop3A_59 = arith.andi %parallel_loop3A_55, %parallel_loop3A_58 : i1
      %parallel_loop3A_60 = arith.constant 1 : i32
      %parallel_loop3A_61 = arith.subi %parallel_loop3A_40, %parallel_loop3A_60 : i32
      %parallel_loop3A_62 = arith.select %parallel_loop3A_59, %parallel_loop3A_61, %parallel_loop3A_40 : i32
      %parallel_loop3A_63 = arith.constant 1024 : i32
      %parallel_loop3A_64 = arith.muli %parallel_loop3A_62, %parallel_loop3A_63 : i32
      %parallel_loop3A_65 = arith.constant 8 : i32
      %parallel_loop3A_66 = arith.constant 0 : i32
      %parallel_loop3A_67 = arith.cmpi eq, %parallel_loop3A_65, %parallel_loop3A_66 : i32
      %parallel_loop3A_68 = arith.constant 1 : i32
      %parallel_loop3A_69 = arith.select %parallel_loop3A_67, %parallel_loop3A_68, %parallel_loop3A_65 : i32
      %parallel_loop3A_70 = arith.remsi %parallel_loop3A_38, %parallel_loop3A_69 : i32
      %parallel_loop3A_71 = arith.constant 0 : i32
      %parallel_loop3A_72 = arith.cmpi ne, %parallel_loop3A_70, %parallel_loop3A_71 : i32
      %parallel_loop3A_73 = arith.constant 0 : i32
      %parallel_loop3A_74 = arith.cmpi slt, %parallel_loop3A_70, %parallel_loop3A_73 : i32
      %parallel_loop3A_75 = arith.constant 0 : i32
      %parallel_loop3A_76 = arith.cmpi slt, %parallel_loop3A_69, %parallel_loop3A_75 : i32
      %parallel_loop3A_77 = arith.xori %parallel_loop3A_74, %parallel_loop3A_76 : i1
      %parallel_loop3A_78 = arith.andi %parallel_loop3A_77, %parallel_loop3A_72 : i1
      %parallel_loop3A_79 = arith.addi %parallel_loop3A_70, %parallel_loop3A_69 : i32
      %parallel_loop3A_80 = arith.select %parallel_loop3A_78, %parallel_loop3A_79, %parallel_loop3A_70 : i32
      %parallel_loop3A_81 = arith.constant 16 : i32
      %parallel_loop3A_82 = arith.muli %parallel_loop3A_80, %parallel_loop3A_81 : i32
      %parallel_loop3A_83 = arith.addi %parallel_loop3A_64, %parallel_loop3A_82 : i32
      %parallel_loop3A_84 = arith.constant 8 : i32
      %parallel_loop3A_85 = arith.divsi %parallel_loop3A_38, %parallel_loop3A_84 : i32
      %parallel_loop3A_86 = arith.constant 0 : i32
      %parallel_loop3A_87 = arith.cmpi sgt, %parallel_loop3A_38, %parallel_loop3A_86 : i32
      %parallel_loop3A_88 = arith.extui %parallel_loop3A_87 : i1 to i32
      %parallel_loop3A_89 = arith.constant 0 : i32
      %parallel_loop3A_90 = arith.cmpi slt, %parallel_loop3A_38, %parallel_loop3A_89 : i32
      %parallel_loop3A_91 = arith.extui %parallel_loop3A_90 : i1 to i32
      %parallel_loop3A_92 = arith.subi %parallel_loop3A_88, %parallel_loop3A_91 : i32
      %parallel_loop3A_93 = arith.constant 0 : i32
      %parallel_loop3A_94 = arith.cmpi sgt, %parallel_loop3A_84, %parallel_loop3A_93 : i32
      %parallel_loop3A_95 = arith.extui %parallel_loop3A_94 : i1 to i32
      %parallel_loop3A_96 = arith.constant 0 : i32
      %parallel_loop3A_97 = arith.cmpi slt, %parallel_loop3A_84, %parallel_loop3A_96 : i32
      %parallel_loop3A_98 = arith.extui %parallel_loop3A_97 : i1 to i32
      %parallel_loop3A_99 = arith.subi %parallel_loop3A_95, %parallel_loop3A_98 : i32
      %parallel_loop3A_100 = arith.cmpi ne, %parallel_loop3A_92, %parallel_loop3A_99 : i32
      %parallel_loop3A_101 = arith.remsi %parallel_loop3A_38, %parallel_loop3A_84 : i32
      %parallel_loop3A_102 = arith.constant 0 : i32
      %parallel_loop3A_103 = arith.cmpi ne, %parallel_loop3A_101, %parallel_loop3A_102 : i32
      %parallel_loop3A_104 = arith.andi %parallel_loop3A_100, %parallel_loop3A_103 : i1
      %parallel_loop3A_105 = arith.constant 1 : i32
      %parallel_loop3A_106 = arith.subi %parallel_loop3A_85, %parallel_loop3A_105 : i32
      %parallel_loop3A_107 = arith.select %parallel_loop3A_104, %parallel_loop3A_106, %parallel_loop3A_85 : i32
      %parallel_loop3A_108 = arith.constant 512 : i32
      %parallel_loop3A_109 = arith.muli %parallel_loop3A_107, %parallel_loop3A_108 : i32
      %parallel_loop3A_110 = arith.constant 8 : i32
      %parallel_loop3A_111 = arith.constant 0 : i32
      %parallel_loop3A_112 = arith.cmpi eq, %parallel_loop3A_110, %parallel_loop3A_111 : i32
      %parallel_loop3A_113 = arith.constant 1 : i32
      %parallel_loop3A_114 = arith.select %parallel_loop3A_112, %parallel_loop3A_113, %parallel_loop3A_110 : i32
      %parallel_loop3A_115 = arith.remsi %parallel_loop3A_38, %parallel_loop3A_114 : i32
      %parallel_loop3A_116 = arith.constant 0 : i32
      %parallel_loop3A_117 = arith.cmpi ne, %parallel_loop3A_115, %parallel_loop3A_116 : i32
      %parallel_loop3A_118 = arith.constant 0 : i32
      %parallel_loop3A_119 = arith.cmpi slt, %parallel_loop3A_115, %parallel_loop3A_118 : i32
      %parallel_loop3A_120 = arith.constant 0 : i32
      %parallel_loop3A_121 = arith.cmpi slt, %parallel_loop3A_114, %parallel_loop3A_120 : i32
      %parallel_loop3A_122 = arith.xori %parallel_loop3A_119, %parallel_loop3A_121 : i1
      %parallel_loop3A_123 = arith.andi %parallel_loop3A_122, %parallel_loop3A_117 : i1
      %parallel_loop3A_124 = arith.addi %parallel_loop3A_115, %parallel_loop3A_114 : i32
      %parallel_loop3A_125 = arith.select %parallel_loop3A_123, %parallel_loop3A_124, %parallel_loop3A_115 : i32
      %parallel_loop3A_126 = arith.constant 16 : i32
      %parallel_loop3A_127 = arith.muli %parallel_loop3A_125, %parallel_loop3A_126 : i32
      %parallel_loop3A_128 = arith.addi %parallel_loop3A_109, %parallel_loop3A_127 : i32
      %parallel_loop3A_129 = arith.constant 16 : i32
      %parallel_loop3A_130 = arith.muli %parallel_loop3A_38, %parallel_loop3A_129 : i32
      %parallel_loop3A_131 = arith.index_cast %parallel_loop3A_130 : i32 to index
      %parallel_loop3A_132 = tpu.vector_load %arg9[%parallel_loop3A_131] {strides = array<i32>} : memref<4624xi32, #tpu.memory_space<vmem>>, vector<16xi32>,
      %parallel_loop3A_133 = tpu.vector_load_idx %arg8[%parallel_loop3A_132] : memref<8192xi32, #tpu.memory_space<vmem>>[vector<16xi32>], vector<16xi32>,
      %parallel_loop3A_134 = arith.cmpi eq, %parallel_loop3A_133, %broadcast_in_dim3A_5 : vector<16xi32>
      %parallel_loop3A_135 = arith.select %parallel_loop3A_134, %broadcast_in_dim3A_3, %broadcast_in_dim3A_1 : vector<16xi1>, vector<16xf32>
      %parallel_loop3A_136 = arith.constant 0 : i32
      %parallel_loop3A_137 = arith.addi %parallel_loop3A_83, %parallel_loop3A_136 : i32
      %parallel_loop3A_138 = arith.index_cast %parallel_loop3A_137 : i32 to index
      %parallel_loop3A_139 = tpu.vector_load %arg10[%parallel_loop3A_138] {strides = array<i32>} : memref<36864xf32, #tpu.memory_space<vmem>>, vector<16xf32>,
      %parallel_loop3A_140 = arith.mulf %parallel_loop3A_139, %parallel_loop3A_135 : vector<16xf32>
      %parallel_loop3A_141 = arith.constant 0 : i32
      %parallel_loop3A_142 = arith.addi %parallel_loop3A_128, %parallel_loop3A_141 : i32
      %parallel_loop3A_143 = arith.index_cast %parallel_loop3A_142 : i32 to index
      %parallel_loop3A_144 = tpu.vector_load %arg11[%parallel_loop3A_143] {strides = array<i32>} : memref<18432xf32, #tpu.memory_space<vmem>>, vector<16xf32>,
      tpu.vector_store %arg11[%parallel_loop3A_143], %parallel_loop3A_140 {strides = array<i32>} : memref<18432xf32, #tpu.memory_space<vmem>>, vector<16xf32>,
      %parallel_loop3A_145 = arith.subf %parallel_loop3A_139, %parallel_loop3A_140 : vector<16xf32>
      %parallel_loop3A_146 = arith.constant 0 : i32
      %parallel_loop3A_147 = arith.addi %parallel_loop3A_128, %parallel_loop3A_146 : i32
      %parallel_loop3A_148 = arith.index_cast %parallel_loop3A_147 : i32 to index
      %parallel_loop3A_149 = tpu.vector_load %arg12[%parallel_loop3A_148] {strides = array<i32>} : memref<18432xf32, #tpu.memory_space<vmem>>, vector<16xf32>,
      tpu.vector_store %arg12[%parallel_loop3A_148], %parallel_loop3A_145 {strides = array<i32>} : memref<18432xf32, #tpu.memory_space<vmem>>, vector<16xf32>,
      %parallel_loop3A_150 = arith.constant 128 : i32
      %parallel_loop3A_151 = arith.addi %parallel_loop3A_83, %parallel_loop3A_150 : i32
      %parallel_loop3A_152 = arith.index_cast %parallel_loop3A_151 : i32 to index
      %parallel_loop3A_153 = tpu.vector_load %arg10[%parallel_loop3A_152] {strides = array<i32>} : memref<36864xf32, #tpu.memory_space<vmem>>, vector<16xf32>,
      %parallel_loop3A_154 = arith.mulf %parallel_loop3A_153, %parallel_loop3A_135 : vector<16xf32>
      %parallel_loop3A_155 = arith.constant 128 : i32
      %parallel_loop3A_156 = arith.addi %parallel_loop3A_128, %parallel_loop3A_155 : i32
      %parallel_loop3A_157 = arith.index_cast %parallel_loop3A_156 : i32 to index
      %parallel_loop3A_158 = tpu.vector_load %arg11[%parallel_loop3A_157] {strides = array<i32>} : memref<18432xf32, #tpu.memory_space<vmem>>, vector<16xf32>,
      tpu.vector_store %arg11[%parallel_loop3A_157], %parallel_loop3A_154 {strides = array<i32>} : memref<18432xf32, #tpu.memory_space<vmem>>, vector<16xf32>,
      %parallel_loop3A_159 = arith.subf %parallel_loop3A_153, %parallel_loop3A_154 : vector<16xf32>
      %parallel_loop3A_160 = arith.constant 128 : i32
      %parallel_loop3A_161 = arith.addi %parallel_loop3A_128, %parallel_loop3A_160 : i32
      %parallel_loop3A_162 = arith.index_cast %parallel_loop3A_161 : i32 to index
      %parallel_loop3A_163 = tpu.vector_load %arg12[%parallel_loop3A_162] {strides = array<i32>} : memref<18432xf32, #tpu.memory_space<vmem>>, vector<16xf32>,
      tpu.vector_store %arg12[%parallel_loop3A_162], %parallel_loop3A_159 {strides = array<i32>} : memref<18432xf32, #tpu.memory_space<vmem>>, vector<16xf32>,
      %parallel_loop3A_164 = arith.constant 256 : i32
      %parallel_loop3A_165 = arith.addi %parallel_loop3A_83, %parallel_loop3A_164 : i32
      %parallel_loop3A_166 = arith.index_cast %parallel_loop3A_165 : i32 to index
      %parallel_loop3A_167 = tpu.vector_load %arg10[%parallel_loop3A_166] {strides = array<i32>} : memref<36864xf32, #tpu.memory_space<vmem>>, vector<16xf32>,
      %parallel_loop3A_168 = arith.mulf %parallel_loop3A_167, %parallel_loop3A_135 : vector<16xf32>
      %parallel_loop3A_169 = arith.constant 256 : i32
      %parallel_loop3A_170 = arith.addi %parallel_loop3A_128, %parallel_loop3A_169 : i32
      %parallel_loop3A_171 = arith.index_cast %parallel_loop3A_170 : i32 to index
      %parallel_loop3A_172 = tpu.vector_load %arg11[%parallel_loop3A_171] {strides = array<i32>} : memref<18432xf32, #tpu.memory_space<vmem>>, vector<16xf32>,
      tpu.vector_store %arg11[%parallel_loop3A_171], %parallel_loop3A_168 {strides = array<i32>} : memref<18432xf32, #tpu.memory_space<vmem>>, vector<16xf32>,
      %parallel_loop3A_173 = arith.subf %parallel_loop3A_167, %parallel_loop3A_168 : vector<16xf32>
      %parallel_loop3A_174 = arith.constant 256 : i32
      %parallel_loop3A_175 = arith.addi %parallel_loop3A_128, %parallel_loop3A_174 : i32
      %parallel_loop3A_176 = arith.index_cast %parallel_loop3A_175 : i32 to index
      %parallel_loop3A_177 = tpu.vector_load %arg12[%parallel_loop3A_176] {strides = array<i32>} : memref<18432xf32, #tpu.memory_space<vmem>>, vector<16xf32>,
      tpu.vector_store %arg12[%parallel_loop3A_176], %parallel_loop3A_173 {strides = array<i32>} : memref<18432xf32, #tpu.memory_space<vmem>>, vector<16xf32>,
    } {sc.loop_unroll_factor = 4 : i64, sc.parallel_access}
    %add3A_24 = arith.constant 0 : i32
    %add3A_25 = arith.addi %add3A_24, %mul3A_16 : i32
    %mul3A_26 = arith.constant 4 : i32
    %mul3A_27 = arith.muli %add3A_25, %mul3A_26 : i32
    "tpu.region"() ({
      %run_scoped3A = tpu.sem_alloc : memref<!tpu.dma_semaphore, #tpu.memory_space<semaphore_mem>>
      %dma_start3A = tpu.memref_slice %arg5[%mul3A_27] : memref<2097152xf32, #tpu.memory_space<hbm>> -> memref<18432xf32, #tpu.memory_space<hbm>>
      %dma_start3A_38 = tpu.memref_slice %arg5[%mul3A_27] : memref<2097152xf32, #tpu.memory_space<hbm>> -> memref<18432xf32, #tpu.memory_space<hbm>>
      tpu.enqueue_dma source(%arg11 : memref<18432xf32, #tpu.memory_space<vmem>>) target(%dma_start3A_38 : memref<18432xf32, #tpu.memory_space<hbm>>) target_semaphore(%run_scoped3A : memref<!tpu.dma_semaphore, #tpu.memory_space<semaphore_mem>>)
      %dma_wait3A = tpu.memref_slice %arg5[%mul3A_27] : memref<2097152xf32, #tpu.memory_space<hbm>> -> memref<18432xf32, #tpu.memory_space<hbm>>
      %dma_wait3A_39 = tpu.memref_slice %arg5[%mul3A_27] : memref<2097152xf32, #tpu.memory_space<hbm>> -> memref<18432xf32, #tpu.memory_space<hbm>>
      tpu.wait_dma2 semaphore(%run_scoped3A : memref<!tpu.dma_semaphore, #tpu.memory_space<semaphore_mem>>) src(%arg11 : memref<18432xf32, #tpu.memory_space<vmem>>) dst(%dma_wait3A_39 : memref<18432xf32, #tpu.memory_space<hbm>>)
      tpu.yield
    }) : () -> ()
    %add3A_28 = arith.constant 0 : i32
    %add3A_29 = arith.addi %add3A_28, %mul3A_16 : i32
    %mul3A_30 = arith.constant 4 : i32
    %mul3A_31 = arith.muli %add3A_29, %mul3A_30 : i32
    "tpu.region"() ({
      %run_scoped3A = tpu.sem_alloc : memref<!tpu.dma_semaphore, #tpu.memory_space<semaphore_mem>>
      %dma_start3A = tpu.memref_slice %arg6[%mul3A_31] : memref<2097152xf32, #tpu.memory_space<hbm>> -> memref<18432xf32, #tpu.memory_space<hbm>>
      %dma_start3A_38 = tpu.memref_slice %arg6[%mul3A_31] : memref<2097152xf32, #tpu.memory_space<hbm>> -> memref<18432xf32, #tpu.memory_space<hbm>>
      tpu.enqueue_dma source(%arg12 : memref<18432xf32, #tpu.memory_space<vmem>>) target(%dma_start3A_38 : memref<18432xf32, #tpu.memory_space<hbm>>) target_semaphore(%run_scoped3A : memref<!tpu.dma_semaphore, #tpu.memory_space<semaphore_mem>>)
      %dma_wait3A = tpu.memref_slice %arg6[%mul3A_31] : memref<2097152xf32, #tpu.memory_space<hbm>> -> memref<18432xf32, #tpu.memory_space<hbm>>
      %dma_wait3A_39 = tpu.memref_slice %arg6[%mul3A_31] : memref<2097152xf32, #tpu.memory_space<hbm>> -> memref<18432xf32, #tpu.memory_space<hbm>>
      tpu.wait_dma2 semaphore(%run_scoped3A : memref<!tpu.dma_semaphore, #tpu.memory_space<semaphore_mem>>) src(%arg12 : memref<18432xf32, #tpu.memory_space<vmem>>) dst(%dma_wait3A_39 : memref<18432xf32, #tpu.memory_space<hbm>>)
      tpu.yield
    }) : () -> ()
    %scan3A_32 = arith.constant 0 : i32
    %scan3A_33 = arith.constant 0 : i32
    %scan3A_34 = arith.constant 144 : i32
    %scan3A_35 = arith.addi %scan3A_33, %scan3A_34 : i32
    %scan3A_36 = arith.constant 1 : i32
    scf.for %scan3A_38 = %scan3A_33 to %scan3A_35 step %scan3A_36  : i32 {
      %mul3A_39 = arith.constant 2 : i32
      %mul3A_40 = arith.muli %scan3A_38, %mul3A_39 : i32
      %add3A_41 = arith.constant 0 : i32
      %add3A_42 = arith.addi %mul3A_40, %add3A_41 : i32
      %jit3A = arith.constant 8 : i32
      %div3A = arith.divsi %add3A_42, %jit3A : i32
      %sign3A = arith.constant 0 : i32
      %sign3A_43 = arith.cmpi sgt, %add3A_42, %sign3A : i32
      %sign3A_44 = arith.extui %sign3A_43 : i1 to i32
      %sign3A_45 = arith.constant 0 : i32
      %sign3A_46 = arith.cmpi slt, %add3A_42, %sign3A_45 : i32
      %sign3A_47 = arith.extui %sign3A_46 : i1 to i32
      %sign3A_48 = arith.subi %sign3A_44, %sign3A_47 : i32
      %sign3A_49 = arith.constant 0 : i32
      %sign3A_50 = arith.cmpi sgt, %jit3A, %sign3A_49 : i32
      %sign3A_51 = arith.extui %sign3A_50 : i1 to i32
      %sign3A_52 = arith.constant 0 : i32
      %sign3A_53 = arith.cmpi slt, %jit3A, %sign3A_52 : i32
      %sign3A_54 = arith.extui %sign3A_53 : i1 to i32
      %sign3A_55 = arith.subi %sign3A_51, %sign3A_54 : i32
      %ne3A = arith.cmpi ne, %sign3A_48, %sign3A_55 : i32
      %rem3A = arith.remsi %add3A_42, %jit3A : i32
      %ne3A_56 = arith.constant 0 : i32
      %ne3A_57 = arith.cmpi ne, %rem3A, %ne3A_56 : i32
      %and3A = arith.andi %ne3A, %ne3A_57 : i1
      %sub3A = arith.constant 1 : i32
      %sub3A_58 = arith.subi %div3A, %sub3A : i32
      %select_n3A = arith.select %and3A, %sub3A_58, %div3A : i32
      %mul3A_59 = arith.constant 1024 : i32
      %mul3A_60 = arith.muli %select_n3A, %mul3A_59 : i32
      %jit3A_61 = arith.constant 8 : i32
      %eq3A = arith.constant 0 : i32
      %eq3A_62 = arith.cmpi eq, %jit3A_61, %eq3A : i32
      %jit3A_63 = arith.constant 1 : i32
      %select_n3A_64 = arith.select %eq3A_62, %jit3A_63, %jit3A_61 : i32
      %rem3A_65 = arith.remsi %add3A_42, %select_n3A_64 : i32
      %ne3A_66 = arith.constant 0 : i32
      %ne3A_67 = arith.cmpi ne, %rem3A_65, %ne3A_66 : i32
      %lt3A = arith.constant 0 : i32
      %lt3A_68 = arith.cmpi slt, %rem3A_65, %lt3A : i32
      %lt3A_69 = arith.constant 0 : i32
      %lt3A_70 = arith.cmpi slt, %select_n3A_64, %lt3A_69 : i32
      %ne3A_71 = arith.xori %lt3A_68, %lt3A_70 : i1
      %and3A_72 = arith.andi %ne3A_71, %ne3A_67 : i1
      %add3A_73 = arith.addi %rem3A_65, %select_n3A_64 : i32
      %select_n3A_74 = arith.select %and3A_72, %add3A_73, %rem3A_65 : i32
      %mul3A_75 = arith.constant 16 : i32
      %mul3A_76 = arith.muli %select_n3A_74, %mul3A_75 : i32
      %add3A_77 = arith.addi %mul3A_60, %mul3A_76 : i32
      %add3A_78 = arith.constant 384 : i32
      %add3A_79 = arith.addi %add3A_77, %add3A_78 : i32
      %get3A = arith.index_cast %add3A_79 : i32 to index
      %get3A_80 = tpu.vector_load %arg10[%get3A] {strides = array<i32>} : memref<36864xf32, #tpu.memory_space<vmem>>, vector<16xf32>,
      %mul3A_81 = arith.constant 16 : i32
      %mul3A_82 = arith.muli %add3A_42, %mul3A_81 : i32
      %get3A_83 = arith.index_cast %mul3A_82 : i32 to index
      %get3A_84 = tpu.vector_load %arg9[%get3A_83] {strides = array<i32>} : memref<4624xi32, #tpu.memory_space<vmem>>, vector<16xi32>,
      %mul3A_85 = arith.constant 16 : i32
      %mul3A_86 = arith.muli %add3A_42, %mul3A_85 : i32
      %add3A_87 = arith.constant 1 : i32
      %add3A_88 = arith.addi %mul3A_86, %add3A_87 : i32
      %broadcast_in_dim3A_89 = vector.broadcast %add3A_88 : i32 to vector<16xi32>
      %add3A_90 = arith.addi %iota3A, %broadcast_in_dim3A_89 : vector<16xi32>
      %gather3A = tpu.vector_load_idx %arg9[%add3A_90] : memref<4624xi32, #tpu.memory_space<vmem>>[vector<16xi32>], vector<16xi32>,
      %broadcast_in_dim3A_91 = arith.constant true
      %broadcast_in_dim3A_92 = vector.broadcast %broadcast_in_dim3A_91 : i1 to vector<16xi1>
      %masked_cumsum3A = tpu.scan <sum>, %get3A_80 masked %broadcast_in_dim3A_92 : vector<16xf32>, vector<16xi1> -> vector<16xf32>
      %eq3A_93 = arith.cmpi eq, %iota3A, %broadcast_in_dim3A_7 : vector<16xi32>
      %select_n3A_94 = arith.select %eq3A_93, %broadcast_in_dim3A_9, %gather3A : vector<16xi1>, vector<16xi32>
      %eq3A_95 = arith.cmpi eq, %iota3A, %broadcast_in_dim3A_7 : vector<16xi32>
      %select_n3A_96 = arith.select %eq3A_95, %get3A_84, %gather3A : vector<16xi1>, vector<16xi32>
      %ne3A_97 = arith.cmpi ne, %get3A_84, %select_n3A_94 : vector<16xi32>
      tpu.vector_store_idx %arg13[%get3A_84], %masked_cumsum3A masked %ne3A_97 {add = true} : memref<8192xf32, #tpu.memory_space<vmem>>[vector<16xi32>], vector<16xf32>, vector<16xi1>
      %sub3A_98 = arith.subf %broadcast_in_dim3A_1, %masked_cumsum3A : vector<16xf32>
      %ne3A_99 = arith.cmpi ne, %get3A_84, %select_n3A_96 : vector<16xi32>
      tpu.vector_store_idx %arg13[%gather3A], %sub3A_98 masked %ne3A_99 {add = true} : memref<8192xf32, #tpu.memory_space<vmem>>[vector<16xi32>], vector<16xf32>, vector<16xi1>
      %mul3A_100 = arith.constant 2 : i32
      %mul3A_101 = arith.muli %scan3A_38, %mul3A_100 : i32
      %add3A_102 = arith.constant 1 : i32
      %add3A_103 = arith.addi %mul3A_101, %add3A_102 : i32
      %jit3A_104 = arith.constant 8 : i32
      %div3A_105 = arith.divsi %add3A_103, %jit3A_104 : i32
      %sign3A_106 = arith.constant 0 : i32
      %sign3A_107 = arith.cmpi sgt, %add3A_103, %sign3A_106 : i32
      %sign3A_108 = arith.extui %sign3A_107 : i1 to i32
      %sign3A_109 = arith.constant 0 : i32
      %sign3A_110 = arith.cmpi slt, %add3A_103, %sign3A_109 : i32
      %sign3A_111 = arith.extui %sign3A_110 : i1 to i32
      %sign3A_112 = arith.subi %sign3A_108, %sign3A_111 : i32
      %sign3A_113 = arith.constant 0 : i32
      %sign3A_114 = arith.cmpi sgt, %jit3A_104, %sign3A_113 : i32
      %sign3A_115 = arith.extui %sign3A_114 : i1 to i32
      %sign3A_116 = arith.constant 0 : i32
      %sign3A_117 = arith.cmpi slt, %jit3A_104, %sign3A_116 : i32
      %sign3A_118 = arith.extui %sign3A_117 : i1 to i32
      %sign3A_119 = arith.subi %sign3A_115, %sign3A_118 : i32
      %ne3A_120 = arith.cmpi ne, %sign3A_112, %sign3A_119 : i32
      %rem3A_121 = arith.remsi %add3A_103, %jit3A_104 : i32
      %ne3A_122 = arith.constant 0 : i32
      %ne3A_123 = arith.cmpi ne, %rem3A_121, %ne3A_122 : i32
      %and3A_124 = arith.andi %ne3A_120, %ne3A_123 : i1
      %sub3A_125 = arith.constant 1 : i32
      %sub3A_126 = arith.subi %div3A_105, %sub3A_125 : i32
      %select_n3A_127 = arith.select %and3A_124, %sub3A_126, %div3A_105 : i32
      %mul3A_128 = arith.constant 1024 : i32
      %mul3A_129 = arith.muli %select_n3A_127, %mul3A_128 : i32
      %jit3A_130 = arith.constant 8 : i32
      %eq3A_131 = arith.constant 0 : i32
      %eq3A_132 = arith.cmpi eq, %jit3A_130, %eq3A_131 : i32
      %jit3A_133 = arith.constant 1 : i32
      %select_n3A_134 = arith.select %eq3A_132, %jit3A_133, %jit3A_130 : i32
      %rem3A_135 = arith.remsi %add3A_103, %select_n3A_134 : i32
      %ne3A_136 = arith.constant 0 : i32
      %ne3A_137 = arith.cmpi ne, %rem3A_135, %ne3A_136 : i32
      %lt3A_138 = arith.constant 0 : i32
      %lt3A_139 = arith.cmpi slt, %rem3A_135, %lt3A_138 : i32
      %lt3A_140 = arith.constant 0 : i32
      %lt3A_141 = arith.cmpi slt, %select_n3A_134, %lt3A_140 : i32
      %ne3A_142 = arith.xori %lt3A_139, %lt3A_141 : i1
      %and3A_143 = arith.andi %ne3A_142, %ne3A_137 : i1
      %add3A_144 = arith.addi %rem3A_135, %select_n3A_134 : i32
      %select_n3A_145 = arith.select %and3A_143, %add3A_144, %rem3A_135 : i32
      %mul3A_146 = arith.constant 16 : i32
      %mul3A_147 = arith.muli %select_n3A_145, %mul3A_146 : i32
      %add3A_148 = arith.addi %mul3A_129, %mul3A_147 : i32
      %add3A_149 = arith.constant 384 : i32
      %add3A_150 = arith.addi %add3A_148, %add3A_149 : i32
      %get3A_151 = arith.index_cast %add3A_150 : i32 to index
      %get3A_152 = tpu.vector_load %arg10[%get3A_151] {strides = array<i32>} : memref<36864xf32, #tpu.memory_space<vmem>>, vector<16xf32>,
      %mul3A_153 = arith.constant 16 : i32
      %mul3A_154 = arith.muli %add3A_103, %mul3A_153 : i32
      %get3A_155 = arith.index_cast %mul3A_154 : i32 to index
      %get3A_156 = tpu.vector_load %arg9[%get3A_155] {strides = array<i32>} : memref<4624xi32, #tpu.memory_space<vmem>>, vector<16xi32>,
      %mul3A_157 = arith.constant 16 : i32
      %mul3A_158 = arith.muli %add3A_103, %mul3A_157 : i32
      %add3A_159 = arith.constant 1 : i32
      %add3A_160 = arith.addi %mul3A_158, %add3A_159 : i32
      %broadcast_in_dim3A_161 = vector.broadcast %add3A_160 : i32 to vector<16xi32>
      %add3A_162 = arith.addi %iota3A, %broadcast_in_dim3A_161 : vector<16xi32>
      %gather3A_163 = tpu.vector_load_idx %arg9[%add3A_162] : memref<4624xi32, #tpu.memory_space<vmem>>[vector<16xi32>], vector<16xi32>,
      %broadcast_in_dim3A_164 = arith.constant true
      %broadcast_in_dim3A_165 = vector.broadcast %broadcast_in_dim3A_164 : i1 to vector<16xi1>
      %masked_cumsum3A_166 = tpu.scan <sum>, %get3A_152 masked %broadcast_in_dim3A_165 : vector<16xf32>, vector<16xi1> -> vector<16xf32>
      %eq3A_167 = arith.cmpi eq, %iota3A, %broadcast_in_dim3A_7 : vector<16xi32>
      %select_n3A_168 = arith.select %eq3A_167, %broadcast_in_dim3A_9, %gather3A_163 : vector<16xi1>, vector<16xi32>
      %eq3A_169 = arith.cmpi eq, %iota3A, %broadcast_in_dim3A_7 : vector<16xi32>
      %select_n3A_170 = arith.select %eq3A_169, %get3A_156, %gather3A_163 : vector<16xi1>, vector<16xi32>
      %ne3A_171 = arith.cmpi ne, %get3A_156, %select_n3A_168 : vector<16xi32>
      tpu.vector_store_idx %arg13[%get3A_156], %masked_cumsum3A_166 masked %ne3A_171 {add = true} : memref<8192xf32, #tpu.memory_space<vmem>>[vector<16xi32>], vector<16xf32>, vector<16xi1>
      %sub3A_172 = arith.subf %broadcast_in_dim3A_1, %masked_cumsum3A_166 : vector<16xf32>
      %ne3A_173 = arith.cmpi ne, %get3A_156, %select_n3A_170 : vector<16xi32>
      tpu.vector_store_idx %arg13[%gather3A_163], %sub3A_172 masked %ne3A_173 {add = true} : memref<8192xf32, #tpu.memory_space<vmem>>[vector<16xi32>], vector<16xf32>, vector<16xi1>
    }
    %scan3A_37 = arith.constant 144 : i32
    "tpu.region"() ({
      %run_scoped3A = tpu.sem_alloc : memref<!tpu.dma_semaphore, #tpu.memory_space<semaphore_mem>>
      %dma_start3A = arith.constant 0 : i32
      %dma_start3A_38 = tpu.memref_slice %arg7[%add3A, %dma_start3A] : memref<32x8192xf32, #tpu.memory_space<hbm>> -> memref<1x8192xf32, #tpu.memory_space<hbm>>
      %dma_start3A_39 = tpu.memref_squeeze %dma_start3A_38 : memref<1x8192xf32, #tpu.memory_space<hbm>> -> memref<8192xf32, #tpu.memory_space<hbm>>
      %dma_start3A_40 = arith.constant 0 : i32
      %dma_start3A_41 = tpu.memref_slice %arg7[%add3A, %dma_start3A_40] : memref<32x8192xf32, #tpu.memory_space<hbm>> -> memref<1x8192xf32, #tpu.memory_space<hbm>>
      %dma_start3A_42 = tpu.memref_squeeze %dma_start3A_41 : memref<1x8192xf32, #tpu.memory_space<hbm>> -> memref<8192xf32, #tpu.memory_space<hbm>>
      tpu.enqueue_dma source(%arg13 : memref<8192xf32, #tpu.memory_space<vmem>>) target(%dma_start3A_42 : memref<8192xf32, #tpu.memory_space<hbm>>) target_semaphore(%run_scoped3A : memref<!tpu.dma_semaphore, #tpu.memory_space<semaphore_mem>>)
      %dma_wait3A = arith.constant 0 : i32
      %dma_wait3A_43 = tpu.memref_slice %arg7[%add3A, %dma_wait3A] : memref<32x8192xf32, #tpu.memory_space<hbm>> -> memref<1x8192xf32, #tpu.memory_space<hbm>>
      %dma_wait3A_44 = tpu.memref_squeeze %dma_wait3A_43 : memref<1x8192xf32, #tpu.memory_space<hbm>> -> memref<8192xf32, #tpu.memory_space<hbm>>
      %dma_wait3A_45 = arith.constant 0 : i32
      %dma_wait3A_46 = tpu.memref_slice %arg7[%add3A, %dma_wait3A_45] : memref<32x8192xf32, #tpu.memory_space<hbm>> -> memref<1x8192xf32, #tpu.memory_space<hbm>>
      %dma_wait3A_47 = tpu.memref_squeeze %dma_wait3A_46 : memref<1x8192xf32, #tpu.memory_space<hbm>> -> memref<8192xf32, #tpu.memory_space<hbm>>
      tpu.wait_dma2 semaphore(%run_scoped3A : memref<!tpu.dma_semaphore, #tpu.memory_space<semaphore_mem>>) src(%arg13 : memref<8192xf32, #tpu.memory_space<vmem>>) dst(%dma_wait3A_47 : memref<8192xf32, #tpu.memory_space<hbm>>)
      tpu.yield
    }) : () -> ()
    return
  }
}

#map = affine_map<(d0, d1) -> (0)>
#map1 = affine_map<(d0, d1) -> (0, 0)>
module attributes {stable_mosaic.version = 14 : i64} {
  func.func @new_body(%arg0: i32, %arg1: i32, %arg2: memref<1179648xf32, #tpu.memory_space<hbm>>, %arg3: memref<524288xi32, #tpu.memory_space<hbm>>, %arg4: memref<8192xi32, #tpu.memory_space<hbm>>, %arg5: memref<2097152xf32, #tpu.memory_space<hbm>>, %arg6: memref<2097152xf32, #tpu.memory_space<hbm>>, %arg7: memref<32x8192xf32, #tpu.memory_space<hbm>>, %arg8: memref<2097152xf32, #tpu.memory_space<hbm>>, %arg9: memref<2097152xf32, #tpu.memory_space<hbm>>, %arg10: memref<8192xi32, #tpu.memory_space<vmem>>, %arg11: memref<4624xi32, #tpu.memory_space<vmem>>, %arg12: memref<36864xf32, #tpu.memory_space<vmem>>, %arg13: memref<18432xf32, #tpu.memory_space<vmem>>, %arg14: memref<18432xf32, #tpu.memory_space<vmem>>, %arg15: memref<8192xf32, #tpu.memory_space<vmem>>) attributes {dimension_semantics = [#tpu.dimension_semantics<core_parallel>, #tpu.dimension_semantics<subcore_parallel>], iteration_bounds = array<i64: 2, 16>, scalar_prefetch = 0 : i64, scratch_operands = 6 : i64, tpu.core_type = #tpu.core_type<sc_vector_subcore>, window_params = [{transform_indices = #map}, {transform_indices = #map}, {transform_indices = #map}, {transform_indices = #map}, {transform_indices = #map}, {transform_indices = #map1}, {transform_indices = #map}, {transform_indices = #map}]} {
    %mul3A = arith.constant 2 : i32
    %mul3A_0 = arith.muli %arg1, %mul3A : i32
    %add3A = arith.addi %mul3A_0, %arg0 : i32
    %iota3A = tpu.iota {dimensions = array<i32: 0>} : vector<16xi32>
    %broadcast_in_dim3A = arith.constant 0.000000e+00 : f32
    %broadcast_in_dim3A_1 = vector.broadcast %broadcast_in_dim3A : f32 to vector<16xf32>
    %broadcast_in_dim3A_2 = arith.constant 1.000000e+00 : f32
    %broadcast_in_dim3A_3 = vector.broadcast %broadcast_in_dim3A_2 : f32 to vector<16xf32>
    %broadcast_in_dim3A_4 = arith.constant 0 : i32
    %broadcast_in_dim3A_5 = vector.broadcast %broadcast_in_dim3A_4 : i32 to vector<16xi32>
    %broadcast_in_dim3A_6 = arith.constant 15 : i32
    %broadcast_in_dim3A_7 = vector.broadcast %broadcast_in_dim3A_6 : i32 to vector<16xi32>
    %broadcast_in_dim3A_8 = arith.constant -1 : i32
    %broadcast_in_dim3A_9 = vector.broadcast %broadcast_in_dim3A_8 : i32 to vector<16xi32>
    %scan3A = arith.constant 0 : i32
    %scan3A_10 = arith.constant 0 : i32
    %scan3A_11 = arith.constant 512 : i32
    %scan3A_12 = arith.addi %scan3A_10, %scan3A_11 : i32
    %scan3A_13 = arith.constant 1 : i32
    scf.for %scan3A_38 = %scan3A_10 to %scan3A_12 step %scan3A_13  : i32 {
      %mul3A_39 = arith.constant 16 : i32
      %mul3A_40 = arith.muli %scan3A_38, %mul3A_39 : i32
      %swap3A_41 = arith.index_cast %mul3A_40 : i32 to index
      %swap3A_42 = tpu.vector_load %arg15[%swap3A_41] {strides = array<i32>} : memref<8192xf32, #tpu.memory_space<vmem>>, vector<16xf32>,
      tpu.vector_store %arg15[%swap3A_41], %broadcast_in_dim3A_1 {strides = array<i32>} : memref<8192xf32, #tpu.memory_space<vmem>>, vector<16xf32>,
    }
    %scan3A_14 = arith.constant 512 : i32
    "tpu.region"() ({
      %run_scoped3A = tpu.sem_alloc : memref<!tpu.dma_semaphore, #tpu.memory_space<semaphore_mem>>
      tpu.enqueue_dma source(%arg4 : memref<8192xi32, #tpu.memory_space<hbm>>) target(%arg10 : memref<8192xi32, #tpu.memory_space<vmem>>) target_semaphore(%run_scoped3A : memref<!tpu.dma_semaphore, #tpu.memory_space<semaphore_mem>>)
      tpu.wait_dma2 semaphore(%run_scoped3A : memref<!tpu.dma_semaphore, #tpu.memory_space<semaphore_mem>>) src(%arg4 : memref<8192xi32, #tpu.memory_space<hbm>>) dst(%arg10 : memref<8192xi32, #tpu.memory_space<vmem>>)
      tpu.yield
    }) : () -> ()
    %mul3A_15 = arith.constant 4608 : i32
    %mul3A_16 = arith.muli %add3A, %mul3A_15 : i32
    %add3A_17 = arith.constant 147456 : i32
    %add3A_18 = arith.addi %add3A_17, %mul3A_16 : i32
    "tpu.region"() ({
      %run_scoped3A = tpu.sem_alloc : memref<!tpu.dma_semaphore, #tpu.memory_space<semaphore_mem>>
      %dma_start3A = arith.constant 0 : i32
      %dma_start3A_38 = tpu.memref_slice %arg11[%dma_start3A] : memref<4624xi32, #tpu.memory_space<vmem>> -> memref<4608xi32, #tpu.memory_space<vmem>>
      %dma_start3A_39 = tpu.memref_slice %arg3[%add3A_18] : memref<524288xi32, #tpu.memory_space<hbm>> -> memref<4608xi32, #tpu.memory_space<hbm>>
      %dma_start3A_40 = arith.constant 0 : i32
      %dma_start3A_41 = tpu.memref_slice %arg11[%dma_start3A_40] : memref<4624xi32, #tpu.memory_space<vmem>> -> memref<4608xi32, #tpu.memory_space<vmem>>
      %dma_start3A_42 = tpu.memref_slice %arg3[%add3A_18] : memref<524288xi32, #tpu.memory_space<hbm>> -> memref<4608xi32, #tpu.memory_space<hbm>>
      tpu.enqueue_dma source(%dma_start3A_42 : memref<4608xi32, #tpu.memory_space<hbm>>) target(%dma_start3A_41 : memref<4608xi32, #tpu.memory_space<vmem>>) target_semaphore(%run_scoped3A : memref<!tpu.dma_semaphore, #tpu.memory_space<semaphore_mem>>)
      %dma_wait3A = arith.constant 0 : i32
      %dma_wait3A_43 = tpu.memref_slice %arg11[%dma_wait3A] : memref<4624xi32, #tpu.memory_space<vmem>> -> memref<4608xi32, #tpu.memory_space<vmem>>
      %dma_wait3A_44 = tpu.memref_slice %arg3[%add3A_18] : memref<524288xi32, #tpu.memory_space<hbm>> -> memref<4608xi32, #tpu.memory_space<hbm>>
      %dma_wait3A_45 = arith.constant 0 : i32
      %dma_wait3A_46 = tpu.memref_slice %arg11[%dma_wait3A_45] : memref<4624xi32, #tpu.memory_space<vmem>> -> memref<4608xi32, #tpu.memory_space<vmem>>
      %dma_wait3A_47 = tpu.memref_slice %arg3[%add3A_18] : memref<524288xi32, #tpu.memory_space<hbm>> -> memref<4608xi32, #tpu.memory_space<hbm>>
      tpu.wait_dma2 semaphore(%run_scoped3A : memref<!tpu.dma_semaphore, #tpu.memory_space<semaphore_mem>>) src(%dma_wait3A_47 : memref<4608xi32, #tpu.memory_space<hbm>>) dst(%dma_wait3A_46 : memref<4608xi32, #tpu.memory_space<vmem>>)
      tpu.yield
    }) : () -> ()
    %swap3A = arith.constant 4608 : index
    %swap3A_19 = tpu.vector_load %arg11[%swap3A] {strides = array<i32>} : memref<4624xi32, #tpu.memory_space<vmem>>, vector<16xi32>,
    tpu.vector_store %arg11[%swap3A], %broadcast_in_dim3A_9 {strides = array<i32>} : memref<4624xi32, #tpu.memory_space<vmem>>, vector<16xi32>,
    %mul3A_20 = arith.constant 8 : i32
    %mul3A_21 = arith.muli %mul3A_16, %mul3A_20 : i32
    "tpu.region"() ({
      %run_scoped3A = tpu.sem_alloc : memref<!tpu.dma_semaphore, #tpu.memory_space<semaphore_mem>>
      %dma_start3A = tpu.memref_slice %arg2[%mul3A_21] : memref<1179648xf32, #tpu.memory_space<hbm>> -> memref<36864xf32, #tpu.memory_space<hbm>>
      %dma_start3A_38 = tpu.memref_slice %arg2[%mul3A_21] : memref<1179648xf32, #tpu.memory_space<hbm>> -> memref<36864xf32, #tpu.memory_space<hbm>>
      tpu.enqueue_dma source(%dma_start3A_38 : memref<36864xf32, #tpu.memory_space<hbm>>) target(%arg12 : memref<36864xf32, #tpu.memory_space<vmem>>) target_semaphore(%run_scoped3A : memref<!tpu.dma_semaphore, #tpu.memory_space<semaphore_mem>>)
      %dma_wait3A = tpu.memref_slice %arg2[%mul3A_21] : memref<1179648xf32, #tpu.memory_space<hbm>> -> memref<36864xf32, #tpu.memory_space<hbm>>
      %dma_wait3A_39 = tpu.memref_slice %arg2[%mul3A_21] : memref<1179648xf32, #tpu.memory_space<hbm>> -> memref<36864xf32, #tpu.memory_space<hbm>>
      tpu.wait_dma2 semaphore(%run_scoped3A : memref<!tpu.dma_semaphore, #tpu.memory_space<semaphore_mem>>) src(%dma_wait3A_39 : memref<36864xf32, #tpu.memory_space<hbm>>) dst(%arg12 : memref<36864xf32, #tpu.memory_space<vmem>>)
      tpu.yield
    }) : () -> ()
    %parallel_loop3A = arith.constant 0 : i32
    %parallel_loop3A_22 = arith.constant 288 : i32
    %parallel_loop3A_23 = arith.constant 1 : i32
    scf.for %parallel_loop3A_38 = %parallel_loop3A to %parallel_loop3A_22 step %parallel_loop3A_23  : i32 {
      %parallel_loop3A_39 = arith.constant 8 : i32
      %parallel_loop3A_40 = arith.divsi %parallel_loop3A_38, %parallel_loop3A_39 : i32
      %parallel_loop3A_41 = arith.constant 0 : i32
      %parallel_loop3A_42 = arith.cmpi sgt, %parallel_loop3A_38, %parallel_loop3A_41 : i32
      %parallel_loop3A_43 = arith.extui %parallel_loop3A_42 : i1 to i32
      %parallel_loop3A_44 = arith.constant 0 : i32
      %parallel_loop3A_45 = arith.cmpi slt, %parallel_loop3A_38, %parallel_loop3A_44 : i32
      %parallel_loop3A_46 = arith.extui %parallel_loop3A_45 : i1 to i32
      %parallel_loop3A_47 = arith.subi %parallel_loop3A_43, %parallel_loop3A_46 : i32
      %parallel_loop3A_48 = arith.constant 0 : i32
      %parallel_loop3A_49 = arith.cmpi sgt, %parallel_loop3A_39, %parallel_loop3A_48 : i32
      %parallel_loop3A_50 = arith.extui %parallel_loop3A_49 : i1 to i32
      %parallel_loop3A_51 = arith.constant 0 : i32
      %parallel_loop3A_52 = arith.cmpi slt, %parallel_loop3A_39, %parallel_loop3A_51 : i32
      %parallel_loop3A_53 = arith.extui %parallel_loop3A_52 : i1 to i32
      %parallel_loop3A_54 = arith.subi %parallel_loop3A_50, %parallel_loop3A_53 : i32
      %parallel_loop3A_55 = arith.cmpi ne, %parallel_loop3A_47, %parallel_loop3A_54 : i32
      %parallel_loop3A_56 = arith.remsi %parallel_loop3A_38, %parallel_loop3A_39 : i32
      %parallel_loop3A_57 = arith.constant 0 : i32
      %parallel_loop3A_58 = arith.cmpi ne, %parallel_loop3A_56, %parallel_loop3A_57 : i32
      %parallel_loop3A_59 = arith.andi %parallel_loop3A_55, %parallel_loop3A_58 : i1
      %parallel_loop3A_60 = arith.constant 1 : i32
      %parallel_loop3A_61 = arith.subi %parallel_loop3A_40, %parallel_loop3A_60 : i32
      %parallel_loop3A_62 = arith.select %parallel_loop3A_59, %parallel_loop3A_61, %parallel_loop3A_40 : i32
      %parallel_loop3A_63 = arith.constant 1024 : i32
      %parallel_loop3A_64 = arith.muli %parallel_loop3A_62, %parallel_loop3A_63 : i32
      %parallel_loop3A_65 = arith.constant 8 : i32
      %parallel_loop3A_66 = arith.constant 0 : i32
      %parallel_loop3A_67 = arith.cmpi eq, %parallel_loop3A_65, %parallel_loop3A_66 : i32
      %parallel_loop3A_68 = arith.constant 1 : i32
      %parallel_loop3A_69 = arith.select %parallel_loop3A_67, %parallel_loop3A_68, %parallel_loop3A_65 : i32
      %parallel_loop3A_70 = arith.remsi %parallel_loop3A_38, %parallel_loop3A_69 : i32
      %parallel_loop3A_71 = arith.constant 0 : i32
      %parallel_loop3A_72 = arith.cmpi ne, %parallel_loop3A_70, %parallel_loop3A_71 : i32
      %parallel_loop3A_73 = arith.constant 0 : i32
      %parallel_loop3A_74 = arith.cmpi slt, %parallel_loop3A_70, %parallel_loop3A_73 : i32
      %parallel_loop3A_75 = arith.constant 0 : i32
      %parallel_loop3A_76 = arith.cmpi slt, %parallel_loop3A_69, %parallel_loop3A_75 : i32
      %parallel_loop3A_77 = arith.xori %parallel_loop3A_74, %parallel_loop3A_76 : i1
      %parallel_loop3A_78 = arith.andi %parallel_loop3A_77, %parallel_loop3A_72 : i1
      %parallel_loop3A_79 = arith.addi %parallel_loop3A_70, %parallel_loop3A_69 : i32
      %parallel_loop3A_80 = arith.select %parallel_loop3A_78, %parallel_loop3A_79, %parallel_loop3A_70 : i32
      %parallel_loop3A_81 = arith.constant 16 : i32
      %parallel_loop3A_82 = arith.muli %parallel_loop3A_80, %parallel_loop3A_81 : i32
      %parallel_loop3A_83 = arith.addi %parallel_loop3A_64, %parallel_loop3A_82 : i32
      %parallel_loop3A_84 = arith.constant 8 : i32
      %parallel_loop3A_85 = arith.divsi %parallel_loop3A_38, %parallel_loop3A_84 : i32
      %parallel_loop3A_86 = arith.constant 0 : i32
      %parallel_loop3A_87 = arith.cmpi sgt, %parallel_loop3A_38, %parallel_loop3A_86 : i32
      %parallel_loop3A_88 = arith.extui %parallel_loop3A_87 : i1 to i32
      %parallel_loop3A_89 = arith.constant 0 : i32
      %parallel_loop3A_90 = arith.cmpi slt, %parallel_loop3A_38, %parallel_loop3A_89 : i32
      %parallel_loop3A_91 = arith.extui %parallel_loop3A_90 : i1 to i32
      %parallel_loop3A_92 = arith.subi %parallel_loop3A_88, %parallel_loop3A_91 : i32
      %parallel_loop3A_93 = arith.constant 0 : i32
      %parallel_loop3A_94 = arith.cmpi sgt, %parallel_loop3A_84, %parallel_loop3A_93 : i32
      %parallel_loop3A_95 = arith.extui %parallel_loop3A_94 : i1 to i32
      %parallel_loop3A_96 = arith.constant 0 : i32
      %parallel_loop3A_97 = arith.cmpi slt, %parallel_loop3A_84, %parallel_loop3A_96 : i32
      %parallel_loop3A_98 = arith.extui %parallel_loop3A_97 : i1 to i32
      %parallel_loop3A_99 = arith.subi %parallel_loop3A_95, %parallel_loop3A_98 : i32
      %parallel_loop3A_100 = arith.cmpi ne, %parallel_loop3A_92, %parallel_loop3A_99 : i32
      %parallel_loop3A_101 = arith.remsi %parallel_loop3A_38, %parallel_loop3A_84 : i32
      %parallel_loop3A_102 = arith.constant 0 : i32
      %parallel_loop3A_103 = arith.cmpi ne, %parallel_loop3A_101, %parallel_loop3A_102 : i32
      %parallel_loop3A_104 = arith.andi %parallel_loop3A_100, %parallel_loop3A_103 : i1
      %parallel_loop3A_105 = arith.constant 1 : i32
      %parallel_loop3A_106 = arith.subi %parallel_loop3A_85, %parallel_loop3A_105 : i32
      %parallel_loop3A_107 = arith.select %parallel_loop3A_104, %parallel_loop3A_106, %parallel_loop3A_85 : i32
      %parallel_loop3A_108 = arith.constant 512 : i32
      %parallel_loop3A_109 = arith.muli %parallel_loop3A_107, %parallel_loop3A_108 : i32
      %parallel_loop3A_110 = arith.constant 8 : i32
      %parallel_loop3A_111 = arith.constant 0 : i32
      %parallel_loop3A_112 = arith.cmpi eq, %parallel_loop3A_110, %parallel_loop3A_111 : i32
      %parallel_loop3A_113 = arith.constant 1 : i32
      %parallel_loop3A_114 = arith.select %parallel_loop3A_112, %parallel_loop3A_113, %parallel_loop3A_110 : i32
      %parallel_loop3A_115 = arith.remsi %parallel_loop3A_38, %parallel_loop3A_114 : i32
      %parallel_loop3A_116 = arith.constant 0 : i32
      %parallel_loop3A_117 = arith.cmpi ne, %parallel_loop3A_115, %parallel_loop3A_116 : i32
      %parallel_loop3A_118 = arith.constant 0 : i32
      %parallel_loop3A_119 = arith.cmpi slt, %parallel_loop3A_115, %parallel_loop3A_118 : i32
      %parallel_loop3A_120 = arith.constant 0 : i32
      %parallel_loop3A_121 = arith.cmpi slt, %parallel_loop3A_114, %parallel_loop3A_120 : i32
      %parallel_loop3A_122 = arith.xori %parallel_loop3A_119, %parallel_loop3A_121 : i1
      %parallel_loop3A_123 = arith.andi %parallel_loop3A_122, %parallel_loop3A_117 : i1
      %parallel_loop3A_124 = arith.addi %parallel_loop3A_115, %parallel_loop3A_114 : i32
      %parallel_loop3A_125 = arith.select %parallel_loop3A_123, %parallel_loop3A_124, %parallel_loop3A_115 : i32
      %parallel_loop3A_126 = arith.constant 16 : i32
      %parallel_loop3A_127 = arith.muli %parallel_loop3A_125, %parallel_loop3A_126 : i32
      %parallel_loop3A_128 = arith.addi %parallel_loop3A_109, %parallel_loop3A_127 : i32
      %parallel_loop3A_129 = arith.constant 16 : i32
      %parallel_loop3A_130 = arith.muli %parallel_loop3A_38, %parallel_loop3A_129 : i32
      %parallel_loop3A_131 = arith.index_cast %parallel_loop3A_130 : i32 to index
      %parallel_loop3A_132 = tpu.vector_load %arg11[%parallel_loop3A_131] {strides = array<i32>} : memref<4624xi32, #tpu.memory_space<vmem>>, vector<16xi32>,
      %parallel_loop3A_133 = tpu.vector_load_idx %arg10[%parallel_loop3A_132] : memref<8192xi32, #tpu.memory_space<vmem>>[vector<16xi32>], vector<16xi32>,
      %parallel_loop3A_134 = arith.cmpi eq, %parallel_loop3A_133, %broadcast_in_dim3A_5 : vector<16xi32>
      %parallel_loop3A_135 = arith.select %parallel_loop3A_134, %broadcast_in_dim3A_3, %broadcast_in_dim3A_1 : vector<16xi1>, vector<16xf32>
      %parallel_loop3A_136 = arith.constant 0 : i32
      %parallel_loop3A_137 = arith.addi %parallel_loop3A_83, %parallel_loop3A_136 : i32
      %parallel_loop3A_138 = arith.index_cast %parallel_loop3A_137 : i32 to index
      %parallel_loop3A_139 = tpu.vector_load %arg12[%parallel_loop3A_138] {strides = array<i32>} : memref<36864xf32, #tpu.memory_space<vmem>>, vector<16xf32>,
      %parallel_loop3A_140 = arith.mulf %parallel_loop3A_139, %parallel_loop3A_135 : vector<16xf32>
      %parallel_loop3A_141 = arith.constant 0 : i32
      %parallel_loop3A_142 = arith.addi %parallel_loop3A_128, %parallel_loop3A_141 : i32
      %parallel_loop3A_143 = arith.index_cast %parallel_loop3A_142 : i32 to index
      %parallel_loop3A_144 = tpu.vector_load %arg13[%parallel_loop3A_143] {strides = array<i32>} : memref<18432xf32, #tpu.memory_space<vmem>>, vector<16xf32>,
      tpu.vector_store %arg13[%parallel_loop3A_143], %parallel_loop3A_140 {strides = array<i32>} : memref<18432xf32, #tpu.memory_space<vmem>>, vector<16xf32>,
      %parallel_loop3A_145 = arith.subf %parallel_loop3A_139, %parallel_loop3A_140 : vector<16xf32>
      %parallel_loop3A_146 = arith.constant 0 : i32
      %parallel_loop3A_147 = arith.addi %parallel_loop3A_128, %parallel_loop3A_146 : i32
      %parallel_loop3A_148 = arith.index_cast %parallel_loop3A_147 : i32 to index
      %parallel_loop3A_149 = tpu.vector_load %arg14[%parallel_loop3A_148] {strides = array<i32>} : memref<18432xf32, #tpu.memory_space<vmem>>, vector<16xf32>,
      tpu.vector_store %arg14[%parallel_loop3A_148], %parallel_loop3A_145 {strides = array<i32>} : memref<18432xf32, #tpu.memory_space<vmem>>, vector<16xf32>,
      %parallel_loop3A_150 = arith.constant 128 : i32
      %parallel_loop3A_151 = arith.addi %parallel_loop3A_83, %parallel_loop3A_150 : i32
      %parallel_loop3A_152 = arith.index_cast %parallel_loop3A_151 : i32 to index
      %parallel_loop3A_153 = tpu.vector_load %arg12[%parallel_loop3A_152] {strides = array<i32>} : memref<36864xf32, #tpu.memory_space<vmem>>, vector<16xf32>,
      %parallel_loop3A_154 = arith.mulf %parallel_loop3A_153, %parallel_loop3A_135 : vector<16xf32>
      %parallel_loop3A_155 = arith.constant 128 : i32
      %parallel_loop3A_156 = arith.addi %parallel_loop3A_128, %parallel_loop3A_155 : i32
      %parallel_loop3A_157 = arith.index_cast %parallel_loop3A_156 : i32 to index
      %parallel_loop3A_158 = tpu.vector_load %arg13[%parallel_loop3A_157] {strides = array<i32>} : memref<18432xf32, #tpu.memory_space<vmem>>, vector<16xf32>,
      tpu.vector_store %arg13[%parallel_loop3A_157], %parallel_loop3A_154 {strides = array<i32>} : memref<18432xf32, #tpu.memory_space<vmem>>, vector<16xf32>,
      %parallel_loop3A_159 = arith.subf %parallel_loop3A_153, %parallel_loop3A_154 : vector<16xf32>
      %parallel_loop3A_160 = arith.constant 128 : i32
      %parallel_loop3A_161 = arith.addi %parallel_loop3A_128, %parallel_loop3A_160 : i32
      %parallel_loop3A_162 = arith.index_cast %parallel_loop3A_161 : i32 to index
      %parallel_loop3A_163 = tpu.vector_load %arg14[%parallel_loop3A_162] {strides = array<i32>} : memref<18432xf32, #tpu.memory_space<vmem>>, vector<16xf32>,
      tpu.vector_store %arg14[%parallel_loop3A_162], %parallel_loop3A_159 {strides = array<i32>} : memref<18432xf32, #tpu.memory_space<vmem>>, vector<16xf32>,
      %parallel_loop3A_164 = arith.constant 256 : i32
      %parallel_loop3A_165 = arith.addi %parallel_loop3A_83, %parallel_loop3A_164 : i32
      %parallel_loop3A_166 = arith.index_cast %parallel_loop3A_165 : i32 to index
      %parallel_loop3A_167 = tpu.vector_load %arg12[%parallel_loop3A_166] {strides = array<i32>} : memref<36864xf32, #tpu.memory_space<vmem>>, vector<16xf32>,
      %parallel_loop3A_168 = arith.mulf %parallel_loop3A_167, %parallel_loop3A_135 : vector<16xf32>
      %parallel_loop3A_169 = arith.constant 256 : i32
      %parallel_loop3A_170 = arith.addi %parallel_loop3A_128, %parallel_loop3A_169 : i32
      %parallel_loop3A_171 = arith.index_cast %parallel_loop3A_170 : i32 to index
      %parallel_loop3A_172 = tpu.vector_load %arg13[%parallel_loop3A_171] {strides = array<i32>} : memref<18432xf32, #tpu.memory_space<vmem>>, vector<16xf32>,
      tpu.vector_store %arg13[%parallel_loop3A_171], %parallel_loop3A_168 {strides = array<i32>} : memref<18432xf32, #tpu.memory_space<vmem>>, vector<16xf32>,
      %parallel_loop3A_173 = arith.subf %parallel_loop3A_167, %parallel_loop3A_168 : vector<16xf32>
      %parallel_loop3A_174 = arith.constant 256 : i32
      %parallel_loop3A_175 = arith.addi %parallel_loop3A_128, %parallel_loop3A_174 : i32
      %parallel_loop3A_176 = arith.index_cast %parallel_loop3A_175 : i32 to index
      %parallel_loop3A_177 = tpu.vector_load %arg14[%parallel_loop3A_176] {strides = array<i32>} : memref<18432xf32, #tpu.memory_space<vmem>>, vector<16xf32>,
      tpu.vector_store %arg14[%parallel_loop3A_176], %parallel_loop3A_173 {strides = array<i32>} : memref<18432xf32, #tpu.memory_space<vmem>>, vector<16xf32>,
    } {sc.loop_unroll_factor = 4 : i64, sc.parallel_access}
    %add3A_24 = arith.constant 147456 : i32
    %add3A_25 = arith.addi %add3A_24, %mul3A_16 : i32
    %mul3A_26 = arith.constant 4 : i32
    %mul3A_27 = arith.muli %add3A_25, %mul3A_26 : i32
    "tpu.region"() ({
      %run_scoped3A = tpu.sem_alloc : memref<!tpu.dma_semaphore, #tpu.memory_space<semaphore_mem>>
      %dma_start3A = tpu.memref_slice %arg5[%mul3A_27] : memref<2097152xf32, #tpu.memory_space<hbm>> -> memref<18432xf32, #tpu.memory_space<hbm>>
      %dma_start3A_38 = tpu.memref_slice %arg5[%mul3A_27] : memref<2097152xf32, #tpu.memory_space<hbm>> -> memref<18432xf32, #tpu.memory_space<hbm>>
      tpu.enqueue_dma source(%arg13 : memref<18432xf32, #tpu.memory_space<vmem>>) target(%dma_start3A_38 : memref<18432xf32, #tpu.memory_space<hbm>>) target_semaphore(%run_scoped3A : memref<!tpu.dma_semaphore, #tpu.memory_space<semaphore_mem>>)
      %dma_wait3A = tpu.memref_slice %arg5[%mul3A_27] : memref<2097152xf32, #tpu.memory_space<hbm>> -> memref<18432xf32, #tpu.memory_space<hbm>>
      %dma_wait3A_39 = tpu.memref_slice %arg5[%mul3A_27] : memref<2097152xf32, #tpu.memory_space<hbm>> -> memref<18432xf32, #tpu.memory_space<hbm>>
      tpu.wait_dma2 semaphore(%run_scoped3A : memref<!tpu.dma_semaphore, #tpu.memory_space<semaphore_mem>>) src(%arg13 : memref<18432xf32, #tpu.memory_space<vmem>>) dst(%dma_wait3A_39 : memref<18432xf32, #tpu.memory_space<hbm>>)
      tpu.yield
    }) : () -> ()
    %add3A_28 = arith.constant 147456 : i32
    %add3A_29 = arith.addi %add3A_28, %mul3A_16 : i32
    %mul3A_30 = arith.constant 4 : i32
    %mul3A_31 = arith.muli %add3A_29, %mul3A_30 : i32
    "tpu.region"() ({
      %run_scoped3A = tpu.sem_alloc : memref<!tpu.dma_semaphore, #tpu.memory_space<semaphore_mem>>
      %dma_start3A = tpu.memref_slice %arg6[%mul3A_31] : memref<2097152xf32, #tpu.memory_space<hbm>> -> memref<18432xf32, #tpu.memory_space<hbm>>
      %dma_start3A_38 = tpu.memref_slice %arg6[%mul3A_31] : memref<2097152xf32, #tpu.memory_space<hbm>> -> memref<18432xf32, #tpu.memory_space<hbm>>
      tpu.enqueue_dma source(%arg14 : memref<18432xf32, #tpu.memory_space<vmem>>) target(%dma_start3A_38 : memref<18432xf32, #tpu.memory_space<hbm>>) target_semaphore(%run_scoped3A : memref<!tpu.dma_semaphore, #tpu.memory_space<semaphore_mem>>)
      %dma_wait3A = tpu.memref_slice %arg6[%mul3A_31] : memref<2097152xf32, #tpu.memory_space<hbm>> -> memref<18432xf32, #tpu.memory_space<hbm>>
      %dma_wait3A_39 = tpu.memref_slice %arg6[%mul3A_31] : memref<2097152xf32, #tpu.memory_space<hbm>> -> memref<18432xf32, #tpu.memory_space<hbm>>
      tpu.wait_dma2 semaphore(%run_scoped3A : memref<!tpu.dma_semaphore, #tpu.memory_space<semaphore_mem>>) src(%arg14 : memref<18432xf32, #tpu.memory_space<vmem>>) dst(%dma_wait3A_39 : memref<18432xf32, #tpu.memory_space<hbm>>)
      tpu.yield
    }) : () -> ()
    %scan3A_32 = arith.constant 0 : i32
    %scan3A_33 = arith.constant 0 : i32
    %scan3A_34 = arith.constant 144 : i32
    %scan3A_35 = arith.addi %scan3A_33, %scan3A_34 : i32
    %scan3A_36 = arith.constant 1 : i32
    scf.for %scan3A_38 = %scan3A_33 to %scan3A_35 step %scan3A_36  : i32 {
      %mul3A_39 = arith.constant 2 : i32
      %mul3A_40 = arith.muli %scan3A_38, %mul3A_39 : i32
      %add3A_41 = arith.constant 0 : i32
      %add3A_42 = arith.addi %mul3A_40, %add3A_41 : i32
      %jit3A = arith.constant 8 : i32
      %div3A = arith.divsi %add3A_42, %jit3A : i32
      %sign3A = arith.constant 0 : i32
      %sign3A_43 = arith.cmpi sgt, %add3A_42, %sign3A : i32
      %sign3A_44 = arith.extui %sign3A_43 : i1 to i32
      %sign3A_45 = arith.constant 0 : i32
      %sign3A_46 = arith.cmpi slt, %add3A_42, %sign3A_45 : i32
      %sign3A_47 = arith.extui %sign3A_46 : i1 to i32
      %sign3A_48 = arith.subi %sign3A_44, %sign3A_47 : i32
      %sign3A_49 = arith.constant 0 : i32
      %sign3A_50 = arith.cmpi sgt, %jit3A, %sign3A_49 : i32
      %sign3A_51 = arith.extui %sign3A_50 : i1 to i32
      %sign3A_52 = arith.constant 0 : i32
      %sign3A_53 = arith.cmpi slt, %jit3A, %sign3A_52 : i32
      %sign3A_54 = arith.extui %sign3A_53 : i1 to i32
      %sign3A_55 = arith.subi %sign3A_51, %sign3A_54 : i32
      %ne3A = arith.cmpi ne, %sign3A_48, %sign3A_55 : i32
      %rem3A = arith.remsi %add3A_42, %jit3A : i32
      %ne3A_56 = arith.constant 0 : i32
      %ne3A_57 = arith.cmpi ne, %rem3A, %ne3A_56 : i32
      %and3A = arith.andi %ne3A, %ne3A_57 : i1
      %sub3A = arith.constant 1 : i32
      %sub3A_58 = arith.subi %div3A, %sub3A : i32
      %select_n3A = arith.select %and3A, %sub3A_58, %div3A : i32
      %mul3A_59 = arith.constant 1024 : i32
      %mul3A_60 = arith.muli %select_n3A, %mul3A_59 : i32
      %jit3A_61 = arith.constant 8 : i32
      %eq3A = arith.constant 0 : i32
      %eq3A_62 = arith.cmpi eq, %jit3A_61, %eq3A : i32
      %jit3A_63 = arith.constant 1 : i32
      %select_n3A_64 = arith.select %eq3A_62, %jit3A_63, %jit3A_61 : i32
      %rem3A_65 = arith.remsi %add3A_42, %select_n3A_64 : i32
      %ne3A_66 = arith.constant 0 : i32
      %ne3A_67 = arith.cmpi ne, %rem3A_65, %ne3A_66 : i32
      %lt3A = arith.constant 0 : i32
      %lt3A_68 = arith.cmpi slt, %rem3A_65, %lt3A : i32
      %lt3A_69 = arith.constant 0 : i32
      %lt3A_70 = arith.cmpi slt, %select_n3A_64, %lt3A_69 : i32
      %ne3A_71 = arith.xori %lt3A_68, %lt3A_70 : i1
      %and3A_72 = arith.andi %ne3A_71, %ne3A_67 : i1
      %add3A_73 = arith.addi %rem3A_65, %select_n3A_64 : i32
      %select_n3A_74 = arith.select %and3A_72, %add3A_73, %rem3A_65 : i32
      %mul3A_75 = arith.constant 16 : i32
      %mul3A_76 = arith.muli %select_n3A_74, %mul3A_75 : i32
      %add3A_77 = arith.addi %mul3A_60, %mul3A_76 : i32
      %add3A_78 = arith.constant 384 : i32
      %add3A_79 = arith.addi %add3A_77, %add3A_78 : i32
      %get3A = arith.index_cast %add3A_79 : i32 to index
      %get3A_80 = tpu.vector_load %arg12[%get3A] {strides = array<i32>} : memref<36864xf32, #tpu.memory_space<vmem>>, vector<16xf32>,
      %mul3A_81 = arith.constant 16 : i32
      %mul3A_82 = arith.muli %add3A_42, %mul3A_81 : i32
      %get3A_83 = arith.index_cast %mul3A_82 : i32 to index
      %get3A_84 = tpu.vector_load %arg11[%get3A_83] {strides = array<i32>} : memref<4624xi32, #tpu.memory_space<vmem>>, vector<16xi32>,
      %mul3A_85 = arith.constant 16 : i32
      %mul3A_86 = arith.muli %add3A_42, %mul3A_85 : i32
      %add3A_87 = arith.constant 1 : i32
      %add3A_88 = arith.addi %mul3A_86, %add3A_87 : i32
      %broadcast_in_dim3A_89 = vector.broadcast %add3A_88 : i32 to vector<16xi32>
      %add3A_90 = arith.addi %iota3A, %broadcast_in_dim3A_89 : vector<16xi32>
      %gather3A = tpu.vector_load_idx %arg11[%add3A_90] : memref<4624xi32, #tpu.memory_space<vmem>>[vector<16xi32>], vector<16xi32>,
      %broadcast_in_dim3A_91 = arith.constant true
      %broadcast_in_dim3A_92 = vector.broadcast %broadcast_in_dim3A_91 : i1 to vector<16xi1>
      %masked_cumsum3A = tpu.scan <sum>, %get3A_80 masked %broadcast_in_dim3A_92 : vector<16xf32>, vector<16xi1> -> vector<16xf32>
      %eq3A_93 = arith.cmpi eq, %iota3A, %broadcast_in_dim3A_7 : vector<16xi32>
      %select_n3A_94 = arith.select %eq3A_93, %broadcast_in_dim3A_9, %gather3A : vector<16xi1>, vector<16xi32>
      %eq3A_95 = arith.cmpi eq, %iota3A, %broadcast_in_dim3A_7 : vector<16xi32>
      %select_n3A_96 = arith.select %eq3A_95, %get3A_84, %gather3A : vector<16xi1>, vector<16xi32>
      %ne3A_97 = arith.cmpi ne, %get3A_84, %select_n3A_94 : vector<16xi32>
      tpu.vector_store_idx %arg15[%get3A_84], %masked_cumsum3A masked %ne3A_97 {add = true} : memref<8192xf32, #tpu.memory_space<vmem>>[vector<16xi32>], vector<16xf32>, vector<16xi1>
      %sub3A_98 = arith.subf %broadcast_in_dim3A_1, %masked_cumsum3A : vector<16xf32>
      %ne3A_99 = arith.cmpi ne, %get3A_84, %select_n3A_96 : vector<16xi32>
      tpu.vector_store_idx %arg15[%gather3A], %sub3A_98 masked %ne3A_99 {add = true} : memref<8192xf32, #tpu.memory_space<vmem>>[vector<16xi32>], vector<16xf32>, vector<16xi1>
      %mul3A_100 = arith.constant 2 : i32
      %mul3A_101 = arith.muli %scan3A_38, %mul3A_100 : i32
      %add3A_102 = arith.constant 1 : i32
      %add3A_103 = arith.addi %mul3A_101, %add3A_102 : i32
      %jit3A_104 = arith.constant 8 : i32
      %div3A_105 = arith.divsi %add3A_103, %jit3A_104 : i32
      %sign3A_106 = arith.constant 0 : i32
      %sign3A_107 = arith.cmpi sgt, %add3A_103, %sign3A_106 : i32
      %sign3A_108 = arith.extui %sign3A_107 : i1 to i32
      %sign3A_109 = arith.constant 0 : i32
      %sign3A_110 = arith.cmpi slt, %add3A_103, %sign3A_109 : i32
      %sign3A_111 = arith.extui %sign3A_110 : i1 to i32
      %sign3A_112 = arith.subi %sign3A_108, %sign3A_111 : i32
      %sign3A_113 = arith.constant 0 : i32
      %sign3A_114 = arith.cmpi sgt, %jit3A_104, %sign3A_113 : i32
      %sign3A_115 = arith.extui %sign3A_114 : i1 to i32
      %sign3A_116 = arith.constant 0 : i32
      %sign3A_117 = arith.cmpi slt, %jit3A_104, %sign3A_116 : i32
      %sign3A_118 = arith.extui %sign3A_117 : i1 to i32
      %sign3A_119 = arith.subi %sign3A_115, %sign3A_118 : i32
      %ne3A_120 = arith.cmpi ne, %sign3A_112, %sign3A_119 : i32
      %rem3A_121 = arith.remsi %add3A_103, %jit3A_104 : i32
      %ne3A_122 = arith.constant 0 : i32
      %ne3A_123 = arith.cmpi ne, %rem3A_121, %ne3A_122 : i32
      %and3A_124 = arith.andi %ne3A_120, %ne3A_123 : i1
      %sub3A_125 = arith.constant 1 : i32
      %sub3A_126 = arith.subi %div3A_105, %sub3A_125 : i32
      %select_n3A_127 = arith.select %and3A_124, %sub3A_126, %div3A_105 : i32
      %mul3A_128 = arith.constant 1024 : i32
      %mul3A_129 = arith.muli %select_n3A_127, %mul3A_128 : i32
      %jit3A_130 = arith.constant 8 : i32
      %eq3A_131 = arith.constant 0 : i32
      %eq3A_132 = arith.cmpi eq, %jit3A_130, %eq3A_131 : i32
      %jit3A_133 = arith.constant 1 : i32
      %select_n3A_134 = arith.select %eq3A_132, %jit3A_133, %jit3A_130 : i32
      %rem3A_135 = arith.remsi %add3A_103, %select_n3A_134 : i32
      %ne3A_136 = arith.constant 0 : i32
      %ne3A_137 = arith.cmpi ne, %rem3A_135, %ne3A_136 : i32
      %lt3A_138 = arith.constant 0 : i32
      %lt3A_139 = arith.cmpi slt, %rem3A_135, %lt3A_138 : i32
      %lt3A_140 = arith.constant 0 : i32
      %lt3A_141 = arith.cmpi slt, %select_n3A_134, %lt3A_140 : i32
      %ne3A_142 = arith.xori %lt3A_139, %lt3A_141 : i1
      %and3A_143 = arith.andi %ne3A_142, %ne3A_137 : i1
      %add3A_144 = arith.addi %rem3A_135, %select_n3A_134 : i32
      %select_n3A_145 = arith.select %and3A_143, %add3A_144, %rem3A_135 : i32
      %mul3A_146 = arith.constant 16 : i32
      %mul3A_147 = arith.muli %select_n3A_145, %mul3A_146 : i32
      %add3A_148 = arith.addi %mul3A_129, %mul3A_147 : i32
      %add3A_149 = arith.constant 384 : i32
      %add3A_150 = arith.addi %add3A_148, %add3A_149 : i32
      %get3A_151 = arith.index_cast %add3A_150 : i32 to index
      %get3A_152 = tpu.vector_load %arg12[%get3A_151] {strides = array<i32>} : memref<36864xf32, #tpu.memory_space<vmem>>, vector<16xf32>,
      %mul3A_153 = arith.constant 16 : i32
      %mul3A_154 = arith.muli %add3A_103, %mul3A_153 : i32
      %get3A_155 = arith.index_cast %mul3A_154 : i32 to index
      %get3A_156 = tpu.vector_load %arg11[%get3A_155] {strides = array<i32>} : memref<4624xi32, #tpu.memory_space<vmem>>, vector<16xi32>,
      %mul3A_157 = arith.constant 16 : i32
      %mul3A_158 = arith.muli %add3A_103, %mul3A_157 : i32
      %add3A_159 = arith.constant 1 : i32
      %add3A_160 = arith.addi %mul3A_158, %add3A_159 : i32
      %broadcast_in_dim3A_161 = vector.broadcast %add3A_160 : i32 to vector<16xi32>
      %add3A_162 = arith.addi %iota3A, %broadcast_in_dim3A_161 : vector<16xi32>
      %gather3A_163 = tpu.vector_load_idx %arg11[%add3A_162] : memref<4624xi32, #tpu.memory_space<vmem>>[vector<16xi32>], vector<16xi32>,
      %broadcast_in_dim3A_164 = arith.constant true
      %broadcast_in_dim3A_165 = vector.broadcast %broadcast_in_dim3A_164 : i1 to vector<16xi1>
      %masked_cumsum3A_166 = tpu.scan <sum>, %get3A_152 masked %broadcast_in_dim3A_165 : vector<16xf32>, vector<16xi1> -> vector<16xf32>
      %eq3A_167 = arith.cmpi eq, %iota3A, %broadcast_in_dim3A_7 : vector<16xi32>
      %select_n3A_168 = arith.select %eq3A_167, %broadcast_in_dim3A_9, %gather3A_163 : vector<16xi1>, vector<16xi32>
      %eq3A_169 = arith.cmpi eq, %iota3A, %broadcast_in_dim3A_7 : vector<16xi32>
      %select_n3A_170 = arith.select %eq3A_169, %get3A_156, %gather3A_163 : vector<16xi1>, vector<16xi32>
      %ne3A_171 = arith.cmpi ne, %get3A_156, %select_n3A_168 : vector<16xi32>
      tpu.vector_store_idx %arg15[%get3A_156], %masked_cumsum3A_166 masked %ne3A_171 {add = true} : memref<8192xf32, #tpu.memory_space<vmem>>[vector<16xi32>], vector<16xf32>, vector<16xi1>
      %sub3A_172 = arith.subf %broadcast_in_dim3A_1, %masked_cumsum3A_166 : vector<16xf32>
      %ne3A_173 = arith.cmpi ne, %get3A_156, %select_n3A_170 : vector<16xi32>
      tpu.vector_store_idx %arg15[%gather3A_163], %sub3A_172 masked %ne3A_173 {add = true} : memref<8192xf32, #tpu.memory_space<vmem>>[vector<16xi32>], vector<16xf32>, vector<16xi1>
    }
    %scan3A_37 = arith.constant 144 : i32
    "tpu.region"() ({
      %run_scoped3A = tpu.sem_alloc : memref<!tpu.dma_semaphore, #tpu.memory_space<semaphore_mem>>
      %dma_start3A = arith.constant 0 : i32
      %dma_start3A_38 = tpu.memref_slice %arg7[%add3A, %dma_start3A] : memref<32x8192xf32, #tpu.memory_space<hbm>> -> memref<1x8192xf32, #tpu.memory_space<hbm>>
      %dma_start3A_39 = tpu.memref_squeeze %dma_start3A_38 : memref<1x8192xf32, #tpu.memory_space<hbm>> -> memref<8192xf32, #tpu.memory_space<hbm>>
      %dma_start3A_40 = arith.constant 0 : i32
      %dma_start3A_41 = tpu.memref_slice %arg7[%add3A, %dma_start3A_40] : memref<32x8192xf32, #tpu.memory_space<hbm>> -> memref<1x8192xf32, #tpu.memory_space<hbm>>
      %dma_start3A_42 = tpu.memref_squeeze %dma_start3A_41 : memref<1x8192xf32, #tpu.memory_space<hbm>> -> memref<8192xf32, #tpu.memory_space<hbm>>
      tpu.enqueue_dma source(%arg15 : memref<8192xf32, #tpu.memory_space<vmem>>) target(%dma_start3A_42 : memref<8192xf32, #tpu.memory_space<hbm>>) target_semaphore(%run_scoped3A : memref<!tpu.dma_semaphore, #tpu.memory_space<semaphore_mem>>)
      %dma_wait3A = arith.constant 0 : i32
      %dma_wait3A_43 = tpu.memref_slice %arg7[%add3A, %dma_wait3A] : memref<32x8192xf32, #tpu.memory_space<hbm>> -> memref<1x8192xf32, #tpu.memory_space<hbm>>
      %dma_wait3A_44 = tpu.memref_squeeze %dma_wait3A_43 : memref<1x8192xf32, #tpu.memory_space<hbm>> -> memref<8192xf32, #tpu.memory_space<hbm>>
      %dma_wait3A_45 = arith.constant 0 : i32
      %dma_wait3A_46 = tpu.memref_slice %arg7[%add3A, %dma_wait3A_45] : memref<32x8192xf32, #tpu.memory_space<hbm>> -> memref<1x8192xf32, #tpu.memory_space<hbm>>
      %dma_wait3A_47 = tpu.memref_squeeze %dma_wait3A_46 : memref<1x8192xf32, #tpu.memory_space<hbm>> -> memref<8192xf32, #tpu.memory_space<hbm>>
      tpu.wait_dma2 semaphore(%run_scoped3A : memref<!tpu.dma_semaphore, #tpu.memory_space<semaphore_mem>>) src(%arg15 : memref<8192xf32, #tpu.memory_space<vmem>>) dst(%dma_wait3A_47 : memref<8192xf32, #tpu.memory_space<hbm>>)
      tpu.yield
    }) : () -> ()
    return
  }
}

#map = affine_map<(d0, d1) -> (0)>
#map1 = affine_map<(d0, d1) -> (0, 0)>
module attributes {stable_mosaic.version = 14 : i64} {
  func.func @new_body(%arg0: i32, %arg1: i32, %arg2: memref<1179648xf32, #tpu.memory_space<hbm>>, %arg3: memref<524288xi32, #tpu.memory_space<hbm>>, %arg4: memref<8192xi32, #tpu.memory_space<hbm>>, %arg5: memref<2097152xf32, #tpu.memory_space<hbm>>, %arg6: memref<2097152xf32, #tpu.memory_space<hbm>>, %arg7: memref<32x8192xf32, #tpu.memory_space<hbm>>, %arg8: memref<2097152xf32, #tpu.memory_space<hbm>>, %arg9: memref<2097152xf32, #tpu.memory_space<hbm>>, %arg10: memref<8192xi32, #tpu.memory_space<vmem>>, %arg11: memref<4624xi32, #tpu.memory_space<vmem>>, %arg12: memref<36864xf32, #tpu.memory_space<vmem>>, %arg13: memref<18432xf32, #tpu.memory_space<vmem>>, %arg14: memref<18432xf32, #tpu.memory_space<vmem>>, %arg15: memref<8192xf32, #tpu.memory_space<vmem>>) attributes {dimension_semantics = [#tpu.dimension_semantics<core_parallel>, #tpu.dimension_semantics<subcore_parallel>], iteration_bounds = array<i64: 2, 16>, scalar_prefetch = 0 : i64, scratch_operands = 6 : i64, tpu.core_type = #tpu.core_type<sc_vector_subcore>, window_params = [{transform_indices = #map}, {transform_indices = #map}, {transform_indices = #map}, {transform_indices = #map}, {transform_indices = #map}, {transform_indices = #map1}, {transform_indices = #map}, {transform_indices = #map}]} {
    %mul3A = arith.constant 2 : i32
    %mul3A_0 = arith.muli %arg1, %mul3A : i32
    %add3A = arith.addi %mul3A_0, %arg0 : i32
    %iota3A = tpu.iota {dimensions = array<i32: 0>} : vector<16xi32>
    %broadcast_in_dim3A = arith.constant 0.000000e+00 : f32
    %broadcast_in_dim3A_1 = vector.broadcast %broadcast_in_dim3A : f32 to vector<16xf32>
    %broadcast_in_dim3A_2 = arith.constant 1.000000e+00 : f32
    %broadcast_in_dim3A_3 = vector.broadcast %broadcast_in_dim3A_2 : f32 to vector<16xf32>
    %broadcast_in_dim3A_4 = arith.constant 0 : i32
    %broadcast_in_dim3A_5 = vector.broadcast %broadcast_in_dim3A_4 : i32 to vector<16xi32>
    %broadcast_in_dim3A_6 = arith.constant 15 : i32
    %broadcast_in_dim3A_7 = vector.broadcast %broadcast_in_dim3A_6 : i32 to vector<16xi32>
    %broadcast_in_dim3A_8 = arith.constant -1 : i32
    %broadcast_in_dim3A_9 = vector.broadcast %broadcast_in_dim3A_8 : i32 to vector<16xi32>
    %scan3A = arith.constant 0 : i32
    %scan3A_10 = arith.constant 0 : i32
    %scan3A_11 = arith.constant 512 : i32
    %scan3A_12 = arith.addi %scan3A_10, %scan3A_11 : i32
    %scan3A_13 = arith.constant 1 : i32
    scf.for %scan3A_38 = %scan3A_10 to %scan3A_12 step %scan3A_13  : i32 {
      %mul3A_39 = arith.constant 16 : i32
      %mul3A_40 = arith.muli %scan3A_38, %mul3A_39 : i32
      %swap3A_41 = arith.index_cast %mul3A_40 : i32 to index
      %swap3A_42 = tpu.vector_load %arg15[%swap3A_41] {strides = array<i32>} : memref<8192xf32, #tpu.memory_space<vmem>>, vector<16xf32>,
      tpu.vector_store %arg15[%swap3A_41], %broadcast_in_dim3A_1 {strides = array<i32>} : memref<8192xf32, #tpu.memory_space<vmem>>, vector<16xf32>,
    }
    %scan3A_14 = arith.constant 512 : i32
    "tpu.region"() ({
      %run_scoped3A = tpu.sem_alloc : memref<!tpu.dma_semaphore, #tpu.memory_space<semaphore_mem>>
      tpu.enqueue_dma source(%arg4 : memref<8192xi32, #tpu.memory_space<hbm>>) target(%arg10 : memref<8192xi32, #tpu.memory_space<vmem>>) target_semaphore(%run_scoped3A : memref<!tpu.dma_semaphore, #tpu.memory_space<semaphore_mem>>)
      tpu.wait_dma2 semaphore(%run_scoped3A : memref<!tpu.dma_semaphore, #tpu.memory_space<semaphore_mem>>) src(%arg4 : memref<8192xi32, #tpu.memory_space<hbm>>) dst(%arg10 : memref<8192xi32, #tpu.memory_space<vmem>>)
      tpu.yield
    }) : () -> ()
    %mul3A_15 = arith.constant 4608 : i32
    %mul3A_16 = arith.muli %add3A, %mul3A_15 : i32
    %add3A_17 = arith.constant 294912 : i32
    %add3A_18 = arith.addi %add3A_17, %mul3A_16 : i32
    "tpu.region"() ({
      %run_scoped3A = tpu.sem_alloc : memref<!tpu.dma_semaphore, #tpu.memory_space<semaphore_mem>>
      %dma_start3A = arith.constant 0 : i32
      %dma_start3A_38 = tpu.memref_slice %arg11[%dma_start3A] : memref<4624xi32, #tpu.memory_space<vmem>> -> memref<4608xi32, #tpu.memory_space<vmem>>
      %dma_start3A_39 = tpu.memref_slice %arg3[%add3A_18] : memref<524288xi32, #tpu.memory_space<hbm>> -> memref<4608xi32, #tpu.memory_space<hbm>>
      %dma_start3A_40 = arith.constant 0 : i32
      %dma_start3A_41 = tpu.memref_slice %arg11[%dma_start3A_40] : memref<4624xi32, #tpu.memory_space<vmem>> -> memref<4608xi32, #tpu.memory_space<vmem>>
      %dma_start3A_42 = tpu.memref_slice %arg3[%add3A_18] : memref<524288xi32, #tpu.memory_space<hbm>> -> memref<4608xi32, #tpu.memory_space<hbm>>
      tpu.enqueue_dma source(%dma_start3A_42 : memref<4608xi32, #tpu.memory_space<hbm>>) target(%dma_start3A_41 : memref<4608xi32, #tpu.memory_space<vmem>>) target_semaphore(%run_scoped3A : memref<!tpu.dma_semaphore, #tpu.memory_space<semaphore_mem>>)
      %dma_wait3A = arith.constant 0 : i32
      %dma_wait3A_43 = tpu.memref_slice %arg11[%dma_wait3A] : memref<4624xi32, #tpu.memory_space<vmem>> -> memref<4608xi32, #tpu.memory_space<vmem>>
      %dma_wait3A_44 = tpu.memref_slice %arg3[%add3A_18] : memref<524288xi32, #tpu.memory_space<hbm>> -> memref<4608xi32, #tpu.memory_space<hbm>>
      %dma_wait3A_45 = arith.constant 0 : i32
      %dma_wait3A_46 = tpu.memref_slice %arg11[%dma_wait3A_45] : memref<4624xi32, #tpu.memory_space<vmem>> -> memref<4608xi32, #tpu.memory_space<vmem>>
      %dma_wait3A_47 = tpu.memref_slice %arg3[%add3A_18] : memref<524288xi32, #tpu.memory_space<hbm>> -> memref<4608xi32, #tpu.memory_space<hbm>>
      tpu.wait_dma2 semaphore(%run_scoped3A : memref<!tpu.dma_semaphore, #tpu.memory_space<semaphore_mem>>) src(%dma_wait3A_47 : memref<4608xi32, #tpu.memory_space<hbm>>) dst(%dma_wait3A_46 : memref<4608xi32, #tpu.memory_space<vmem>>)
      tpu.yield
    }) : () -> ()
    %swap3A = arith.constant 4608 : index
    %swap3A_19 = tpu.vector_load %arg11[%swap3A] {strides = array<i32>} : memref<4624xi32, #tpu.memory_space<vmem>>, vector<16xi32>,
    tpu.vector_store %arg11[%swap3A], %broadcast_in_dim3A_9 {strides = array<i32>} : memref<4624xi32, #tpu.memory_space<vmem>>, vector<16xi32>,
    %mul3A_20 = arith.constant 8 : i32
    %mul3A_21 = arith.muli %mul3A_16, %mul3A_20 : i32
    "tpu.region"() ({
      %run_scoped3A = tpu.sem_alloc : memref<!tpu.dma_semaphore, #tpu.memory_space<semaphore_mem>>
      %dma_start3A = tpu.memref_slice %arg2[%mul3A_21] : memref<1179648xf32, #tpu.memory_space<hbm>> -> memref<36864xf32, #tpu.memory_space<hbm>>
      %dma_start3A_38 = tpu.memref_slice %arg2[%mul3A_21] : memref<1179648xf32, #tpu.memory_space<hbm>> -> memref<36864xf32, #tpu.memory_space<hbm>>
      tpu.enqueue_dma source(%dma_start3A_38 : memref<36864xf32, #tpu.memory_space<hbm>>) target(%arg12 : memref<36864xf32, #tpu.memory_space<vmem>>) target_semaphore(%run_scoped3A : memref<!tpu.dma_semaphore, #tpu.memory_space<semaphore_mem>>)
      %dma_wait3A = tpu.memref_slice %arg2[%mul3A_21] : memref<1179648xf32, #tpu.memory_space<hbm>> -> memref<36864xf32, #tpu.memory_space<hbm>>
      %dma_wait3A_39 = tpu.memref_slice %arg2[%mul3A_21] : memref<1179648xf32, #tpu.memory_space<hbm>> -> memref<36864xf32, #tpu.memory_space<hbm>>
      tpu.wait_dma2 semaphore(%run_scoped3A : memref<!tpu.dma_semaphore, #tpu.memory_space<semaphore_mem>>) src(%dma_wait3A_39 : memref<36864xf32, #tpu.memory_space<hbm>>) dst(%arg12 : memref<36864xf32, #tpu.memory_space<vmem>>)
      tpu.yield
    }) : () -> ()
    %parallel_loop3A = arith.constant 0 : i32
    %parallel_loop3A_22 = arith.constant 288 : i32
    %parallel_loop3A_23 = arith.constant 1 : i32
    scf.for %parallel_loop3A_38 = %parallel_loop3A to %parallel_loop3A_22 step %parallel_loop3A_23  : i32 {
      %parallel_loop3A_39 = arith.constant 8 : i32
      %parallel_loop3A_40 = arith.divsi %parallel_loop3A_38, %parallel_loop3A_39 : i32
      %parallel_loop3A_41 = arith.constant 0 : i32
      %parallel_loop3A_42 = arith.cmpi sgt, %parallel_loop3A_38, %parallel_loop3A_41 : i32
      %parallel_loop3A_43 = arith.extui %parallel_loop3A_42 : i1 to i32
      %parallel_loop3A_44 = arith.constant 0 : i32
      %parallel_loop3A_45 = arith.cmpi slt, %parallel_loop3A_38, %parallel_loop3A_44 : i32
      %parallel_loop3A_46 = arith.extui %parallel_loop3A_45 : i1 to i32
      %parallel_loop3A_47 = arith.subi %parallel_loop3A_43, %parallel_loop3A_46 : i32
      %parallel_loop3A_48 = arith.constant 0 : i32
      %parallel_loop3A_49 = arith.cmpi sgt, %parallel_loop3A_39, %parallel_loop3A_48 : i32
      %parallel_loop3A_50 = arith.extui %parallel_loop3A_49 : i1 to i32
      %parallel_loop3A_51 = arith.constant 0 : i32
      %parallel_loop3A_52 = arith.cmpi slt, %parallel_loop3A_39, %parallel_loop3A_51 : i32
      %parallel_loop3A_53 = arith.extui %parallel_loop3A_52 : i1 to i32
      %parallel_loop3A_54 = arith.subi %parallel_loop3A_50, %parallel_loop3A_53 : i32
      %parallel_loop3A_55 = arith.cmpi ne, %parallel_loop3A_47, %parallel_loop3A_54 : i32
      %parallel_loop3A_56 = arith.remsi %parallel_loop3A_38, %parallel_loop3A_39 : i32
      %parallel_loop3A_57 = arith.constant 0 : i32
      %parallel_loop3A_58 = arith.cmpi ne, %parallel_loop3A_56, %parallel_loop3A_57 : i32
      %parallel_loop3A_59 = arith.andi %parallel_loop3A_55, %parallel_loop3A_58 : i1
      %parallel_loop3A_60 = arith.constant 1 : i32
      %parallel_loop3A_61 = arith.subi %parallel_loop3A_40, %parallel_loop3A_60 : i32
      %parallel_loop3A_62 = arith.select %parallel_loop3A_59, %parallel_loop3A_61, %parallel_loop3A_40 : i32
      %parallel_loop3A_63 = arith.constant 1024 : i32
      %parallel_loop3A_64 = arith.muli %parallel_loop3A_62, %parallel_loop3A_63 : i32
      %parallel_loop3A_65 = arith.constant 8 : i32
      %parallel_loop3A_66 = arith.constant 0 : i32
      %parallel_loop3A_67 = arith.cmpi eq, %parallel_loop3A_65, %parallel_loop3A_66 : i32
      %parallel_loop3A_68 = arith.constant 1 : i32
      %parallel_loop3A_69 = arith.select %parallel_loop3A_67, %parallel_loop3A_68, %parallel_loop3A_65 : i32
      %parallel_loop3A_70 = arith.remsi %parallel_loop3A_38, %parallel_loop3A_69 : i32
      %parallel_loop3A_71 = arith.constant 0 : i32
      %parallel_loop3A_72 = arith.cmpi ne, %parallel_loop3A_70, %parallel_loop3A_71 : i32
      %parallel_loop3A_73 = arith.constant 0 : i32
      %parallel_loop3A_74 = arith.cmpi slt, %parallel_loop3A_70, %parallel_loop3A_73 : i32
      %parallel_loop3A_75 = arith.constant 0 : i32
      %parallel_loop3A_76 = arith.cmpi slt, %parallel_loop3A_69, %parallel_loop3A_75 : i32
      %parallel_loop3A_77 = arith.xori %parallel_loop3A_74, %parallel_loop3A_76 : i1
      %parallel_loop3A_78 = arith.andi %parallel_loop3A_77, %parallel_loop3A_72 : i1
      %parallel_loop3A_79 = arith.addi %parallel_loop3A_70, %parallel_loop3A_69 : i32
      %parallel_loop3A_80 = arith.select %parallel_loop3A_78, %parallel_loop3A_79, %parallel_loop3A_70 : i32
      %parallel_loop3A_81 = arith.constant 16 : i32
      %parallel_loop3A_82 = arith.muli %parallel_loop3A_80, %parallel_loop3A_81 : i32
      %parallel_loop3A_83 = arith.addi %parallel_loop3A_64, %parallel_loop3A_82 : i32
      %parallel_loop3A_84 = arith.constant 8 : i32
      %parallel_loop3A_85 = arith.divsi %parallel_loop3A_38, %parallel_loop3A_84 : i32
      %parallel_loop3A_86 = arith.constant 0 : i32
      %parallel_loop3A_87 = arith.cmpi sgt, %parallel_loop3A_38, %parallel_loop3A_86 : i32
      %parallel_loop3A_88 = arith.extui %parallel_loop3A_87 : i1 to i32
      %parallel_loop3A_89 = arith.constant 0 : i32
      %parallel_loop3A_90 = arith.cmpi slt, %parallel_loop3A_38, %parallel_loop3A_89 : i32
      %parallel_loop3A_91 = arith.extui %parallel_loop3A_90 : i1 to i32
      %parallel_loop3A_92 = arith.subi %parallel_loop3A_88, %parallel_loop3A_91 : i32
      %parallel_loop3A_93 = arith.constant 0 : i32
      %parallel_loop3A_94 = arith.cmpi sgt, %parallel_loop3A_84, %parallel_loop3A_93 : i32
      %parallel_loop3A_95 = arith.extui %parallel_loop3A_94 : i1 to i32
      %parallel_loop3A_96 = arith.constant 0 : i32
      %parallel_loop3A_97 = arith.cmpi slt, %parallel_loop3A_84, %parallel_loop3A_96 : i32
      %parallel_loop3A_98 = arith.extui %parallel_loop3A_97 : i1 to i32
      %parallel_loop3A_99 = arith.subi %parallel_loop3A_95, %parallel_loop3A_98 : i32
      %parallel_loop3A_100 = arith.cmpi ne, %parallel_loop3A_92, %parallel_loop3A_99 : i32
      %parallel_loop3A_101 = arith.remsi %parallel_loop3A_38, %parallel_loop3A_84 : i32
      %parallel_loop3A_102 = arith.constant 0 : i32
      %parallel_loop3A_103 = arith.cmpi ne, %parallel_loop3A_101, %parallel_loop3A_102 : i32
      %parallel_loop3A_104 = arith.andi %parallel_loop3A_100, %parallel_loop3A_103 : i1
      %parallel_loop3A_105 = arith.constant 1 : i32
      %parallel_loop3A_106 = arith.subi %parallel_loop3A_85, %parallel_loop3A_105 : i32
      %parallel_loop3A_107 = arith.select %parallel_loop3A_104, %parallel_loop3A_106, %parallel_loop3A_85 : i32
      %parallel_loop3A_108 = arith.constant 512 : i32
      %parallel_loop3A_109 = arith.muli %parallel_loop3A_107, %parallel_loop3A_108 : i32
      %parallel_loop3A_110 = arith.constant 8 : i32
      %parallel_loop3A_111 = arith.constant 0 : i32
      %parallel_loop3A_112 = arith.cmpi eq, %parallel_loop3A_110, %parallel_loop3A_111 : i32
      %parallel_loop3A_113 = arith.constant 1 : i32
      %parallel_loop3A_114 = arith.select %parallel_loop3A_112, %parallel_loop3A_113, %parallel_loop3A_110 : i32
      %parallel_loop3A_115 = arith.remsi %parallel_loop3A_38, %parallel_loop3A_114 : i32
      %parallel_loop3A_116 = arith.constant 0 : i32
      %parallel_loop3A_117 = arith.cmpi ne, %parallel_loop3A_115, %parallel_loop3A_116 : i32
      %parallel_loop3A_118 = arith.constant 0 : i32
      %parallel_loop3A_119 = arith.cmpi slt, %parallel_loop3A_115, %parallel_loop3A_118 : i32
      %parallel_loop3A_120 = arith.constant 0 : i32
      %parallel_loop3A_121 = arith.cmpi slt, %parallel_loop3A_114, %parallel_loop3A_120 : i32
      %parallel_loop3A_122 = arith.xori %parallel_loop3A_119, %parallel_loop3A_121 : i1
      %parallel_loop3A_123 = arith.andi %parallel_loop3A_122, %parallel_loop3A_117 : i1
      %parallel_loop3A_124 = arith.addi %parallel_loop3A_115, %parallel_loop3A_114 : i32
      %parallel_loop3A_125 = arith.select %parallel_loop3A_123, %parallel_loop3A_124, %parallel_loop3A_115 : i32
      %parallel_loop3A_126 = arith.constant 16 : i32
      %parallel_loop3A_127 = arith.muli %parallel_loop3A_125, %parallel_loop3A_126 : i32
      %parallel_loop3A_128 = arith.addi %parallel_loop3A_109, %parallel_loop3A_127 : i32
      %parallel_loop3A_129 = arith.constant 16 : i32
      %parallel_loop3A_130 = arith.muli %parallel_loop3A_38, %parallel_loop3A_129 : i32
      %parallel_loop3A_131 = arith.index_cast %parallel_loop3A_130 : i32 to index
      %parallel_loop3A_132 = tpu.vector_load %arg11[%parallel_loop3A_131] {strides = array<i32>} : memref<4624xi32, #tpu.memory_space<vmem>>, vector<16xi32>,
      %parallel_loop3A_133 = tpu.vector_load_idx %arg10[%parallel_loop3A_132] : memref<8192xi32, #tpu.memory_space<vmem>>[vector<16xi32>], vector<16xi32>,
      %parallel_loop3A_134 = arith.cmpi eq, %parallel_loop3A_133, %broadcast_in_dim3A_5 : vector<16xi32>
      %parallel_loop3A_135 = arith.select %parallel_loop3A_134, %broadcast_in_dim3A_3, %broadcast_in_dim3A_1 : vector<16xi1>, vector<16xf32>
      %parallel_loop3A_136 = arith.constant 0 : i32
      %parallel_loop3A_137 = arith.addi %parallel_loop3A_83, %parallel_loop3A_136 : i32
      %parallel_loop3A_138 = arith.index_cast %parallel_loop3A_137 : i32 to index
      %parallel_loop3A_139 = tpu.vector_load %arg12[%parallel_loop3A_138] {strides = array<i32>} : memref<36864xf32, #tpu.memory_space<vmem>>, vector<16xf32>,
      %parallel_loop3A_140 = arith.mulf %parallel_loop3A_139, %parallel_loop3A_135 : vector<16xf32>
      %parallel_loop3A_141 = arith.constant 0 : i32
      %parallel_loop3A_142 = arith.addi %parallel_loop3A_128, %parallel_loop3A_141 : i32
      %parallel_loop3A_143 = arith.index_cast %parallel_loop3A_142 : i32 to index
      %parallel_loop3A_144 = tpu.vector_load %arg13[%parallel_loop3A_143] {strides = array<i32>} : memref<18432xf32, #tpu.memory_space<vmem>>, vector<16xf32>,
      tpu.vector_store %arg13[%parallel_loop3A_143], %parallel_loop3A_140 {strides = array<i32>} : memref<18432xf32, #tpu.memory_space<vmem>>, vector<16xf32>,
      %parallel_loop3A_145 = arith.subf %parallel_loop3A_139, %parallel_loop3A_140 : vector<16xf32>
      %parallel_loop3A_146 = arith.constant 0 : i32
      %parallel_loop3A_147 = arith.addi %parallel_loop3A_128, %parallel_loop3A_146 : i32
      %parallel_loop3A_148 = arith.index_cast %parallel_loop3A_147 : i32 to index
      %parallel_loop3A_149 = tpu.vector_load %arg14[%parallel_loop3A_148] {strides = array<i32>} : memref<18432xf32, #tpu.memory_space<vmem>>, vector<16xf32>,
      tpu.vector_store %arg14[%parallel_loop3A_148], %parallel_loop3A_145 {strides = array<i32>} : memref<18432xf32, #tpu.memory_space<vmem>>, vector<16xf32>,
      %parallel_loop3A_150 = arith.constant 128 : i32
      %parallel_loop3A_151 = arith.addi %parallel_loop3A_83, %parallel_loop3A_150 : i32
      %parallel_loop3A_152 = arith.index_cast %parallel_loop3A_151 : i32 to index
      %parallel_loop3A_153 = tpu.vector_load %arg12[%parallel_loop3A_152] {strides = array<i32>} : memref<36864xf32, #tpu.memory_space<vmem>>, vector<16xf32>,
      %parallel_loop3A_154 = arith.mulf %parallel_loop3A_153, %parallel_loop3A_135 : vector<16xf32>
      %parallel_loop3A_155 = arith.constant 128 : i32
      %parallel_loop3A_156 = arith.addi %parallel_loop3A_128, %parallel_loop3A_155 : i32
      %parallel_loop3A_157 = arith.index_cast %parallel_loop3A_156 : i32 to index
      %parallel_loop3A_158 = tpu.vector_load %arg13[%parallel_loop3A_157] {strides = array<i32>} : memref<18432xf32, #tpu.memory_space<vmem>>, vector<16xf32>,
      tpu.vector_store %arg13[%parallel_loop3A_157], %parallel_loop3A_154 {strides = array<i32>} : memref<18432xf32, #tpu.memory_space<vmem>>, vector<16xf32>,
      %parallel_loop3A_159 = arith.subf %parallel_loop3A_153, %parallel_loop3A_154 : vector<16xf32>
      %parallel_loop3A_160 = arith.constant 128 : i32
      %parallel_loop3A_161 = arith.addi %parallel_loop3A_128, %parallel_loop3A_160 : i32
      %parallel_loop3A_162 = arith.index_cast %parallel_loop3A_161 : i32 to index
      %parallel_loop3A_163 = tpu.vector_load %arg14[%parallel_loop3A_162] {strides = array<i32>} : memref<18432xf32, #tpu.memory_space<vmem>>, vector<16xf32>,
      tpu.vector_store %arg14[%parallel_loop3A_162], %parallel_loop3A_159 {strides = array<i32>} : memref<18432xf32, #tpu.memory_space<vmem>>, vector<16xf32>,
      %parallel_loop3A_164 = arith.constant 256 : i32
      %parallel_loop3A_165 = arith.addi %parallel_loop3A_83, %parallel_loop3A_164 : i32
      %parallel_loop3A_166 = arith.index_cast %parallel_loop3A_165 : i32 to index
      %parallel_loop3A_167 = tpu.vector_load %arg12[%parallel_loop3A_166] {strides = array<i32>} : memref<36864xf32, #tpu.memory_space<vmem>>, vector<16xf32>,
      %parallel_loop3A_168 = arith.mulf %parallel_loop3A_167, %parallel_loop3A_135 : vector<16xf32>
      %parallel_loop3A_169 = arith.constant 256 : i32
      %parallel_loop3A_170 = arith.addi %parallel_loop3A_128, %parallel_loop3A_169 : i32
      %parallel_loop3A_171 = arith.index_cast %parallel_loop3A_170 : i32 to index
      %parallel_loop3A_172 = tpu.vector_load %arg13[%parallel_loop3A_171] {strides = array<i32>} : memref<18432xf32, #tpu.memory_space<vmem>>, vector<16xf32>,
      tpu.vector_store %arg13[%parallel_loop3A_171], %parallel_loop3A_168 {strides = array<i32>} : memref<18432xf32, #tpu.memory_space<vmem>>, vector<16xf32>,
      %parallel_loop3A_173 = arith.subf %parallel_loop3A_167, %parallel_loop3A_168 : vector<16xf32>
      %parallel_loop3A_174 = arith.constant 256 : i32
      %parallel_loop3A_175 = arith.addi %parallel_loop3A_128, %parallel_loop3A_174 : i32
      %parallel_loop3A_176 = arith.index_cast %parallel_loop3A_175 : i32 to index
      %parallel_loop3A_177 = tpu.vector_load %arg14[%parallel_loop3A_176] {strides = array<i32>} : memref<18432xf32, #tpu.memory_space<vmem>>, vector<16xf32>,
      tpu.vector_store %arg14[%parallel_loop3A_176], %parallel_loop3A_173 {strides = array<i32>} : memref<18432xf32, #tpu.memory_space<vmem>>, vector<16xf32>,
    } {sc.loop_unroll_factor = 4 : i64, sc.parallel_access}
    %add3A_24 = arith.constant 294912 : i32
    %add3A_25 = arith.addi %add3A_24, %mul3A_16 : i32
    %mul3A_26 = arith.constant 4 : i32
    %mul3A_27 = arith.muli %add3A_25, %mul3A_26 : i32
    "tpu.region"() ({
      %run_scoped3A = tpu.sem_alloc : memref<!tpu.dma_semaphore, #tpu.memory_space<semaphore_mem>>
      %dma_start3A = tpu.memref_slice %arg5[%mul3A_27] : memref<2097152xf32, #tpu.memory_space<hbm>> -> memref<18432xf32, #tpu.memory_space<hbm>>
      %dma_start3A_38 = tpu.memref_slice %arg5[%mul3A_27] : memref<2097152xf32, #tpu.memory_space<hbm>> -> memref<18432xf32, #tpu.memory_space<hbm>>
      tpu.enqueue_dma source(%arg13 : memref<18432xf32, #tpu.memory_space<vmem>>) target(%dma_start3A_38 : memref<18432xf32, #tpu.memory_space<hbm>>) target_semaphore(%run_scoped3A : memref<!tpu.dma_semaphore, #tpu.memory_space<semaphore_mem>>)
      %dma_wait3A = tpu.memref_slice %arg5[%mul3A_27] : memref<2097152xf32, #tpu.memory_space<hbm>> -> memref<18432xf32, #tpu.memory_space<hbm>>
      %dma_wait3A_39 = tpu.memref_slice %arg5[%mul3A_27] : memref<2097152xf32, #tpu.memory_space<hbm>> -> memref<18432xf32, #tpu.memory_space<hbm>>
      tpu.wait_dma2 semaphore(%run_scoped3A : memref<!tpu.dma_semaphore, #tpu.memory_space<semaphore_mem>>) src(%arg13 : memref<18432xf32, #tpu.memory_space<vmem>>) dst(%dma_wait3A_39 : memref<18432xf32, #tpu.memory_space<hbm>>)
      tpu.yield
    }) : () -> ()
    %add3A_28 = arith.constant 294912 : i32
    %add3A_29 = arith.addi %add3A_28, %mul3A_16 : i32
    %mul3A_30 = arith.constant 4 : i32
    %mul3A_31 = arith.muli %add3A_29, %mul3A_30 : i32
    "tpu.region"() ({
      %run_scoped3A = tpu.sem_alloc : memref<!tpu.dma_semaphore, #tpu.memory_space<semaphore_mem>>
      %dma_start3A = tpu.memref_slice %arg6[%mul3A_31] : memref<2097152xf32, #tpu.memory_space<hbm>> -> memref<18432xf32, #tpu.memory_space<hbm>>
      %dma_start3A_38 = tpu.memref_slice %arg6[%mul3A_31] : memref<2097152xf32, #tpu.memory_space<hbm>> -> memref<18432xf32, #tpu.memory_space<hbm>>
      tpu.enqueue_dma source(%arg14 : memref<18432xf32, #tpu.memory_space<vmem>>) target(%dma_start3A_38 : memref<18432xf32, #tpu.memory_space<hbm>>) target_semaphore(%run_scoped3A : memref<!tpu.dma_semaphore, #tpu.memory_space<semaphore_mem>>)
      %dma_wait3A = tpu.memref_slice %arg6[%mul3A_31] : memref<2097152xf32, #tpu.memory_space<hbm>> -> memref<18432xf32, #tpu.memory_space<hbm>>
      %dma_wait3A_39 = tpu.memref_slice %arg6[%mul3A_31] : memref<2097152xf32, #tpu.memory_space<hbm>> -> memref<18432xf32, #tpu.memory_space<hbm>>
      tpu.wait_dma2 semaphore(%run_scoped3A : memref<!tpu.dma_semaphore, #tpu.memory_space<semaphore_mem>>) src(%arg14 : memref<18432xf32, #tpu.memory_space<vmem>>) dst(%dma_wait3A_39 : memref<18432xf32, #tpu.memory_space<hbm>>)
      tpu.yield
    }) : () -> ()
    %scan3A_32 = arith.constant 0 : i32
    %scan3A_33 = arith.constant 0 : i32
    %scan3A_34 = arith.constant 144 : i32
    %scan3A_35 = arith.addi %scan3A_33, %scan3A_34 : i32
    %scan3A_36 = arith.constant 1 : i32
    scf.for %scan3A_38 = %scan3A_33 to %scan3A_35 step %scan3A_36  : i32 {
      %mul3A_39 = arith.constant 2 : i32
      %mul3A_40 = arith.muli %scan3A_38, %mul3A_39 : i32
      %add3A_41 = arith.constant 0 : i32
      %add3A_42 = arith.addi %mul3A_40, %add3A_41 : i32
      %jit3A = arith.constant 8 : i32
      %div3A = arith.divsi %add3A_42, %jit3A : i32
      %sign3A = arith.constant 0 : i32
      %sign3A_43 = arith.cmpi sgt, %add3A_42, %sign3A : i32
      %sign3A_44 = arith.extui %sign3A_43 : i1 to i32
      %sign3A_45 = arith.constant 0 : i32
      %sign3A_46 = arith.cmpi slt, %add3A_42, %sign3A_45 : i32
      %sign3A_47 = arith.extui %sign3A_46 : i1 to i32
      %sign3A_48 = arith.subi %sign3A_44, %sign3A_47 : i32
      %sign3A_49 = arith.constant 0 : i32
      %sign3A_50 = arith.cmpi sgt, %jit3A, %sign3A_49 : i32
      %sign3A_51 = arith.extui %sign3A_50 : i1 to i32
      %sign3A_52 = arith.constant 0 : i32
      %sign3A_53 = arith.cmpi slt, %jit3A, %sign3A_52 : i32
      %sign3A_54 = arith.extui %sign3A_53 : i1 to i32
      %sign3A_55 = arith.subi %sign3A_51, %sign3A_54 : i32
      %ne3A = arith.cmpi ne, %sign3A_48, %sign3A_55 : i32
      %rem3A = arith.remsi %add3A_42, %jit3A : i32
      %ne3A_56 = arith.constant 0 : i32
      %ne3A_57 = arith.cmpi ne, %rem3A, %ne3A_56 : i32
      %and3A = arith.andi %ne3A, %ne3A_57 : i1
      %sub3A = arith.constant 1 : i32
      %sub3A_58 = arith.subi %div3A, %sub3A : i32
      %select_n3A = arith.select %and3A, %sub3A_58, %div3A : i32
      %mul3A_59 = arith.constant 1024 : i32
      %mul3A_60 = arith.muli %select_n3A, %mul3A_59 : i32
      %jit3A_61 = arith.constant 8 : i32
      %eq3A = arith.constant 0 : i32
      %eq3A_62 = arith.cmpi eq, %jit3A_61, %eq3A : i32
      %jit3A_63 = arith.constant 1 : i32
      %select_n3A_64 = arith.select %eq3A_62, %jit3A_63, %jit3A_61 : i32
      %rem3A_65 = arith.remsi %add3A_42, %select_n3A_64 : i32
      %ne3A_66 = arith.constant 0 : i32
      %ne3A_67 = arith.cmpi ne, %rem3A_65, %ne3A_66 : i32
      %lt3A = arith.constant 0 : i32
      %lt3A_68 = arith.cmpi slt, %rem3A_65, %lt3A : i32
      %lt3A_69 = arith.constant 0 : i32
      %lt3A_70 = arith.cmpi slt, %select_n3A_64, %lt3A_69 : i32
      %ne3A_71 = arith.xori %lt3A_68, %lt3A_70 : i1
      %and3A_72 = arith.andi %ne3A_71, %ne3A_67 : i1
      %add3A_73 = arith.addi %rem3A_65, %select_n3A_64 : i32
      %select_n3A_74 = arith.select %and3A_72, %add3A_73, %rem3A_65 : i32
      %mul3A_75 = arith.constant 16 : i32
      %mul3A_76 = arith.muli %select_n3A_74, %mul3A_75 : i32
      %add3A_77 = arith.addi %mul3A_60, %mul3A_76 : i32
      %add3A_78 = arith.constant 384 : i32
      %add3A_79 = arith.addi %add3A_77, %add3A_78 : i32
      %get3A = arith.index_cast %add3A_79 : i32 to index
      %get3A_80 = tpu.vector_load %arg12[%get3A] {strides = array<i32>} : memref<36864xf32, #tpu.memory_space<vmem>>, vector<16xf32>,
      %mul3A_81 = arith.constant 16 : i32
      %mul3A_82 = arith.muli %add3A_42, %mul3A_81 : i32
      %get3A_83 = arith.index_cast %mul3A_82 : i32 to index
      %get3A_84 = tpu.vector_load %arg11[%get3A_83] {strides = array<i32>} : memref<4624xi32, #tpu.memory_space<vmem>>, vector<16xi32>,
      %mul3A_85 = arith.constant 16 : i32
      %mul3A_86 = arith.muli %add3A_42, %mul3A_85 : i32
      %add3A_87 = arith.constant 1 : i32
      %add3A_88 = arith.addi %mul3A_86, %add3A_87 : i32
      %broadcast_in_dim3A_89 = vector.broadcast %add3A_88 : i32 to vector<16xi32>
      %add3A_90 = arith.addi %iota3A, %broadcast_in_dim3A_89 : vector<16xi32>
      %gather3A = tpu.vector_load_idx %arg11[%add3A_90] : memref<4624xi32, #tpu.memory_space<vmem>>[vector<16xi32>], vector<16xi32>,
      %broadcast_in_dim3A_91 = arith.constant true
      %broadcast_in_dim3A_92 = vector.broadcast %broadcast_in_dim3A_91 : i1 to vector<16xi1>
      %masked_cumsum3A = tpu.scan <sum>, %get3A_80 masked %broadcast_in_dim3A_92 : vector<16xf32>, vector<16xi1> -> vector<16xf32>
      %eq3A_93 = arith.cmpi eq, %iota3A, %broadcast_in_dim3A_7 : vector<16xi32>
      %select_n3A_94 = arith.select %eq3A_93, %broadcast_in_dim3A_9, %gather3A : vector<16xi1>, vector<16xi32>
      %eq3A_95 = arith.cmpi eq, %iota3A, %broadcast_in_dim3A_7 : vector<16xi32>
      %select_n3A_96 = arith.select %eq3A_95, %get3A_84, %gather3A : vector<16xi1>, vector<16xi32>
      %ne3A_97 = arith.cmpi ne, %get3A_84, %select_n3A_94 : vector<16xi32>
      tpu.vector_store_idx %arg15[%get3A_84], %masked_cumsum3A masked %ne3A_97 {add = true} : memref<8192xf32, #tpu.memory_space<vmem>>[vector<16xi32>], vector<16xf32>, vector<16xi1>
      %sub3A_98 = arith.subf %broadcast_in_dim3A_1, %masked_cumsum3A : vector<16xf32>
      %ne3A_99 = arith.cmpi ne, %get3A_84, %select_n3A_96 : vector<16xi32>
      tpu.vector_store_idx %arg15[%gather3A], %sub3A_98 masked %ne3A_99 {add = true} : memref<8192xf32, #tpu.memory_space<vmem>>[vector<16xi32>], vector<16xf32>, vector<16xi1>
      %mul3A_100 = arith.constant 2 : i32
      %mul3A_101 = arith.muli %scan3A_38, %mul3A_100 : i32
      %add3A_102 = arith.constant 1 : i32
      %add3A_103 = arith.addi %mul3A_101, %add3A_102 : i32
      %jit3A_104 = arith.constant 8 : i32
      %div3A_105 = arith.divsi %add3A_103, %jit3A_104 : i32
      %sign3A_106 = arith.constant 0 : i32
      %sign3A_107 = arith.cmpi sgt, %add3A_103, %sign3A_106 : i32
      %sign3A_108 = arith.extui %sign3A_107 : i1 to i32
      %sign3A_109 = arith.constant 0 : i32
      %sign3A_110 = arith.cmpi slt, %add3A_103, %sign3A_109 : i32
      %sign3A_111 = arith.extui %sign3A_110 : i1 to i32
      %sign3A_112 = arith.subi %sign3A_108, %sign3A_111 : i32
      %sign3A_113 = arith.constant 0 : i32
      %sign3A_114 = arith.cmpi sgt, %jit3A_104, %sign3A_113 : i32
      %sign3A_115 = arith.extui %sign3A_114 : i1 to i32
      %sign3A_116 = arith.constant 0 : i32
      %sign3A_117 = arith.cmpi slt, %jit3A_104, %sign3A_116 : i32
      %sign3A_118 = arith.extui %sign3A_117 : i1 to i32
      %sign3A_119 = arith.subi %sign3A_115, %sign3A_118 : i32
      %ne3A_120 = arith.cmpi ne, %sign3A_112, %sign3A_119 : i32
      %rem3A_121 = arith.remsi %add3A_103, %jit3A_104 : i32
      %ne3A_122 = arith.constant 0 : i32
      %ne3A_123 = arith.cmpi ne, %rem3A_121, %ne3A_122 : i32
      %and3A_124 = arith.andi %ne3A_120, %ne3A_123 : i1
      %sub3A_125 = arith.constant 1 : i32
      %sub3A_126 = arith.subi %div3A_105, %sub3A_125 : i32
      %select_n3A_127 = arith.select %and3A_124, %sub3A_126, %div3A_105 : i32
      %mul3A_128 = arith.constant 1024 : i32
      %mul3A_129 = arith.muli %select_n3A_127, %mul3A_128 : i32
      %jit3A_130 = arith.constant 8 : i32
      %eq3A_131 = arith.constant 0 : i32
      %eq3A_132 = arith.cmpi eq, %jit3A_130, %eq3A_131 : i32
      %jit3A_133 = arith.constant 1 : i32
      %select_n3A_134 = arith.select %eq3A_132, %jit3A_133, %jit3A_130 : i32
      %rem3A_135 = arith.remsi %add3A_103, %select_n3A_134 : i32
      %ne3A_136 = arith.constant 0 : i32
      %ne3A_137 = arith.cmpi ne, %rem3A_135, %ne3A_136 : i32
      %lt3A_138 = arith.constant 0 : i32
      %lt3A_139 = arith.cmpi slt, %rem3A_135, %lt3A_138 : i32
      %lt3A_140 = arith.constant 0 : i32
      %lt3A_141 = arith.cmpi slt, %select_n3A_134, %lt3A_140 : i32
      %ne3A_142 = arith.xori %lt3A_139, %lt3A_141 : i1
      %and3A_143 = arith.andi %ne3A_142, %ne3A_137 : i1
      %add3A_144 = arith.addi %rem3A_135, %select_n3A_134 : i32
      %select_n3A_145 = arith.select %and3A_143, %add3A_144, %rem3A_135 : i32
      %mul3A_146 = arith.constant 16 : i32
      %mul3A_147 = arith.muli %select_n3A_145, %mul3A_146 : i32
      %add3A_148 = arith.addi %mul3A_129, %mul3A_147 : i32
      %add3A_149 = arith.constant 384 : i32
      %add3A_150 = arith.addi %add3A_148, %add3A_149 : i32
      %get3A_151 = arith.index_cast %add3A_150 : i32 to index
      %get3A_152 = tpu.vector_load %arg12[%get3A_151] {strides = array<i32>} : memref<36864xf32, #tpu.memory_space<vmem>>, vector<16xf32>,
      %mul3A_153 = arith.constant 16 : i32
      %mul3A_154 = arith.muli %add3A_103, %mul3A_153 : i32
      %get3A_155 = arith.index_cast %mul3A_154 : i32 to index
      %get3A_156 = tpu.vector_load %arg11[%get3A_155] {strides = array<i32>} : memref<4624xi32, #tpu.memory_space<vmem>>, vector<16xi32>,
      %mul3A_157 = arith.constant 16 : i32
      %mul3A_158 = arith.muli %add3A_103, %mul3A_157 : i32
      %add3A_159 = arith.constant 1 : i32
      %add3A_160 = arith.addi %mul3A_158, %add3A_159 : i32
      %broadcast_in_dim3A_161 = vector.broadcast %add3A_160 : i32 to vector<16xi32>
      %add3A_162 = arith.addi %iota3A, %broadcast_in_dim3A_161 : vector<16xi32>
      %gather3A_163 = tpu.vector_load_idx %arg11[%add3A_162] : memref<4624xi32, #tpu.memory_space<vmem>>[vector<16xi32>], vector<16xi32>,
      %broadcast_in_dim3A_164 = arith.constant true
      %broadcast_in_dim3A_165 = vector.broadcast %broadcast_in_dim3A_164 : i1 to vector<16xi1>
      %masked_cumsum3A_166 = tpu.scan <sum>, %get3A_152 masked %broadcast_in_dim3A_165 : vector<16xf32>, vector<16xi1> -> vector<16xf32>
      %eq3A_167 = arith.cmpi eq, %iota3A, %broadcast_in_dim3A_7 : vector<16xi32>
      %select_n3A_168 = arith.select %eq3A_167, %broadcast_in_dim3A_9, %gather3A_163 : vector<16xi1>, vector<16xi32>
      %eq3A_169 = arith.cmpi eq, %iota3A, %broadcast_in_dim3A_7 : vector<16xi32>
      %select_n3A_170 = arith.select %eq3A_169, %get3A_156, %gather3A_163 : vector<16xi1>, vector<16xi32>
      %ne3A_171 = arith.cmpi ne, %get3A_156, %select_n3A_168 : vector<16xi32>
      tpu.vector_store_idx %arg15[%get3A_156], %masked_cumsum3A_166 masked %ne3A_171 {add = true} : memref<8192xf32, #tpu.memory_space<vmem>>[vector<16xi32>], vector<16xf32>, vector<16xi1>
      %sub3A_172 = arith.subf %broadcast_in_dim3A_1, %masked_cumsum3A_166 : vector<16xf32>
      %ne3A_173 = arith.cmpi ne, %get3A_156, %select_n3A_170 : vector<16xi32>
      tpu.vector_store_idx %arg15[%gather3A_163], %sub3A_172 masked %ne3A_173 {add = true} : memref<8192xf32, #tpu.memory_space<vmem>>[vector<16xi32>], vector<16xf32>, vector<16xi1>
    }
    %scan3A_37 = arith.constant 144 : i32
    "tpu.region"() ({
      %run_scoped3A = tpu.sem_alloc : memref<!tpu.dma_semaphore, #tpu.memory_space<semaphore_mem>>
      %dma_start3A = arith.constant 0 : i32
      %dma_start3A_38 = tpu.memref_slice %arg7[%add3A, %dma_start3A] : memref<32x8192xf32, #tpu.memory_space<hbm>> -> memref<1x8192xf32, #tpu.memory_space<hbm>>
      %dma_start3A_39 = tpu.memref_squeeze %dma_start3A_38 : memref<1x8192xf32, #tpu.memory_space<hbm>> -> memref<8192xf32, #tpu.memory_space<hbm>>
      %dma_start3A_40 = arith.constant 0 : i32
      %dma_start3A_41 = tpu.memref_slice %arg7[%add3A, %dma_start3A_40] : memref<32x8192xf32, #tpu.memory_space<hbm>> -> memref<1x8192xf32, #tpu.memory_space<hbm>>
      %dma_start3A_42 = tpu.memref_squeeze %dma_start3A_41 : memref<1x8192xf32, #tpu.memory_space<hbm>> -> memref<8192xf32, #tpu.memory_space<hbm>>
      tpu.enqueue_dma source(%arg15 : memref<8192xf32, #tpu.memory_space<vmem>>) target(%dma_start3A_42 : memref<8192xf32, #tpu.memory_space<hbm>>) target_semaphore(%run_scoped3A : memref<!tpu.dma_semaphore, #tpu.memory_space<semaphore_mem>>)
      %dma_wait3A = arith.constant 0 : i32
      %dma_wait3A_43 = tpu.memref_slice %arg7[%add3A, %dma_wait3A] : memref<32x8192xf32, #tpu.memory_space<hbm>> -> memref<1x8192xf32, #tpu.memory_space<hbm>>
      %dma_wait3A_44 = tpu.memref_squeeze %dma_wait3A_43 : memref<1x8192xf32, #tpu.memory_space<hbm>> -> memref<8192xf32, #tpu.memory_space<hbm>>
      %dma_wait3A_45 = arith.constant 0 : i32
      %dma_wait3A_46 = tpu.memref_slice %arg7[%add3A, %dma_wait3A_45] : memref<32x8192xf32, #tpu.memory_space<hbm>> -> memref<1x8192xf32, #tpu.memory_space<hbm>>
      %dma_wait3A_47 = tpu.memref_squeeze %dma_wait3A_46 : memref<1x8192xf32, #tpu.memory_space<hbm>> -> memref<8192xf32, #tpu.memory_space<hbm>>
      tpu.wait_dma2 semaphore(%run_scoped3A : memref<!tpu.dma_semaphore, #tpu.memory_space<semaphore_mem>>) src(%arg15 : memref<8192xf32, #tpu.memory_space<vmem>>) dst(%dma_wait3A_47 : memref<8192xf32, #tpu.memory_space<hbm>>)
      tpu.yield
    }) : () -> ()
    return
  }
}

#map = affine_map<(d0, d1) -> (0)>
module attributes {stable_mosaic.version = 14 : i64} {
  func.func @new_body(%arg0: i32, %arg1: i32, %arg2: memref<655360xf32, #tpu.memory_space<hbm>>, %arg3: memref<524288xi32, #tpu.memory_space<hbm>>, %arg4: memref<8192xi32, #tpu.memory_space<hbm>>, %arg5: memref<2097152xf32, #tpu.memory_space<hbm>>, %arg6: memref<2097152xf32, #tpu.memory_space<hbm>>, %arg7: memref<16xf32, #tpu.memory_space<hbm>>, %arg8: memref<2097152xf32, #tpu.memory_space<hbm>>, %arg9: memref<2097152xf32, #tpu.memory_space<hbm>>, %arg10: memref<8192xi32, #tpu.memory_space<vmem>>, %arg11: memref<2576xi32, #tpu.memory_space<vmem>>, %arg12: memref<20480xf32, #tpu.memory_space<vmem>>, %arg13: memref<10240xf32, #tpu.memory_space<vmem>>, %arg14: memref<10240xf32, #tpu.memory_space<vmem>>, %arg15: memref<16xf32, #tpu.memory_space<vmem>>) attributes {dimension_semantics = [#tpu.dimension_semantics<core_parallel>, #tpu.dimension_semantics<subcore_parallel>], iteration_bounds = array<i64: 2, 16>, scalar_prefetch = 0 : i64, scratch_operands = 6 : i64, tpu.core_type = #tpu.core_type<sc_vector_subcore>, window_params = [{transform_indices = #map}, {transform_indices = #map}, {transform_indices = #map}, {transform_indices = #map}, {transform_indices = #map}, {transform_indices = #map}, {transform_indices = #map}, {transform_indices = #map}]} {
    %mul3A = arith.constant 2 : i32
    %mul3A_0 = arith.muli %arg1, %mul3A : i32
    %add3A = arith.addi %mul3A_0, %arg0 : i32
    %iota3A = tpu.iota {dimensions = array<i32: 0>} : vector<16xi32>
    %broadcast_in_dim3A = arith.constant 0.000000e+00 : f32
    %broadcast_in_dim3A_1 = vector.broadcast %broadcast_in_dim3A : f32 to vector<16xf32>
    %broadcast_in_dim3A_2 = arith.constant 1.000000e+00 : f32
    %broadcast_in_dim3A_3 = vector.broadcast %broadcast_in_dim3A_2 : f32 to vector<16xf32>
    %broadcast_in_dim3A_4 = arith.constant 0 : i32
    %broadcast_in_dim3A_5 = vector.broadcast %broadcast_in_dim3A_4 : i32 to vector<16xi32>
    %broadcast_in_dim3A_6 = arith.constant 15 : i32
    %broadcast_in_dim3A_7 = vector.broadcast %broadcast_in_dim3A_6 : i32 to vector<16xi32>
    %broadcast_in_dim3A_8 = arith.constant -1 : i32
    %broadcast_in_dim3A_9 = vector.broadcast %broadcast_in_dim3A_8 : i32 to vector<16xi32>
    "tpu.region"() ({
      %run_scoped3A = tpu.sem_alloc : memref<!tpu.dma_semaphore, #tpu.memory_space<semaphore_mem>>
      tpu.enqueue_dma source(%arg4 : memref<8192xi32, #tpu.memory_space<hbm>>) target(%arg10 : memref<8192xi32, #tpu.memory_space<vmem>>) target_semaphore(%run_scoped3A : memref<!tpu.dma_semaphore, #tpu.memory_space<semaphore_mem>>)
      tpu.wait_dma2 semaphore(%run_scoped3A : memref<!tpu.dma_semaphore, #tpu.memory_space<semaphore_mem>>) src(%arg4 : memref<8192xi32, #tpu.memory_space<hbm>>) dst(%arg10 : memref<8192xi32, #tpu.memory_space<vmem>>)
      tpu.yield
    }) : () -> ()
    %mul3A_10 = arith.constant 2560 : i32
    %mul3A_11 = arith.muli %add3A, %mul3A_10 : i32
    %add3A_12 = arith.constant 442368 : i32
    %add3A_13 = arith.addi %add3A_12, %mul3A_11 : i32
    "tpu.region"() ({
      %run_scoped3A = tpu.sem_alloc : memref<!tpu.dma_semaphore, #tpu.memory_space<semaphore_mem>>
      %dma_start3A = arith.constant 0 : i32
      %dma_start3A_29 = tpu.memref_slice %arg11[%dma_start3A] : memref<2576xi32, #tpu.memory_space<vmem>> -> memref<2560xi32, #tpu.memory_space<vmem>>
      %dma_start3A_30 = tpu.memref_slice %arg3[%add3A_13] : memref<524288xi32, #tpu.memory_space<hbm>> -> memref<2560xi32, #tpu.memory_space<hbm>>
      %dma_start3A_31 = arith.constant 0 : i32
      %dma_start3A_32 = tpu.memref_slice %arg11[%dma_start3A_31] : memref<2576xi32, #tpu.memory_space<vmem>> -> memref<2560xi32, #tpu.memory_space<vmem>>
      %dma_start3A_33 = tpu.memref_slice %arg3[%add3A_13] : memref<524288xi32, #tpu.memory_space<hbm>> -> memref<2560xi32, #tpu.memory_space<hbm>>
      tpu.enqueue_dma source(%dma_start3A_33 : memref<2560xi32, #tpu.memory_space<hbm>>) target(%dma_start3A_32 : memref<2560xi32, #tpu.memory_space<vmem>>) target_semaphore(%run_scoped3A : memref<!tpu.dma_semaphore, #tpu.memory_space<semaphore_mem>>)
      %dma_wait3A = arith.constant 0 : i32
      %dma_wait3A_34 = tpu.memref_slice %arg11[%dma_wait3A] : memref<2576xi32, #tpu.memory_space<vmem>> -> memref<2560xi32, #tpu.memory_space<vmem>>
      %dma_wait3A_35 = tpu.memref_slice %arg3[%add3A_13] : memref<524288xi32, #tpu.memory_space<hbm>> -> memref<2560xi32, #tpu.memory_space<hbm>>
      %dma_wait3A_36 = arith.constant 0 : i32
      %dma_wait3A_37 = tpu.memref_slice %arg11[%dma_wait3A_36] : memref<2576xi32, #tpu.memory_space<vmem>> -> memref<2560xi32, #tpu.memory_space<vmem>>
      %dma_wait3A_38 = tpu.memref_slice %arg3[%add3A_13] : memref<524288xi32, #tpu.memory_space<hbm>> -> memref<2560xi32, #tpu.memory_space<hbm>>
      tpu.wait_dma2 semaphore(%run_scoped3A : memref<!tpu.dma_semaphore, #tpu.memory_space<semaphore_mem>>) src(%dma_wait3A_38 : memref<2560xi32, #tpu.memory_space<hbm>>) dst(%dma_wait3A_37 : memref<2560xi32, #tpu.memory_space<vmem>>)
      tpu.yield
    }) : () -> ()
    %swap3A = arith.constant 2560 : index
    %swap3A_14 = tpu.vector_load %arg11[%swap3A] {strides = array<i32>} : memref<2576xi32, #tpu.memory_space<vmem>>, vector<16xi32>,
    tpu.vector_store %arg11[%swap3A], %broadcast_in_dim3A_9 {strides = array<i32>} : memref<2576xi32, #tpu.memory_space<vmem>>, vector<16xi32>,
    %mul3A_15 = arith.constant 8 : i32
    %mul3A_16 = arith.muli %mul3A_11, %mul3A_15 : i32
    "tpu.region"() ({
      %run_scoped3A = tpu.sem_alloc : memref<!tpu.dma_semaphore, #tpu.memory_space<semaphore_mem>>
      %dma_start3A = tpu.memref_slice %arg2[%mul3A_16] : memref<655360xf32, #tpu.memory_space<hbm>> -> memref<20480xf32, #tpu.memory_space<hbm>>
      %dma_start3A_29 = tpu.memref_slice %arg2[%mul3A_16] : memref<655360xf32, #tpu.memory_space<hbm>> -> memref<20480xf32, #tpu.memory_space<hbm>>
      tpu.enqueue_dma source(%dma_start3A_29 : memref<20480xf32, #tpu.memory_space<hbm>>) target(%arg12 : memref<20480xf32, #tpu.memory_space<vmem>>) target_semaphore(%run_scoped3A : memref<!tpu.dma_semaphore, #tpu.memory_space<semaphore_mem>>)
      %dma_wait3A = tpu.memref_slice %arg2[%mul3A_16] : memref<655360xf32, #tpu.memory_space<hbm>> -> memref<20480xf32, #tpu.memory_space<hbm>>
      %dma_wait3A_30 = tpu.memref_slice %arg2[%mul3A_16] : memref<655360xf32, #tpu.memory_space<hbm>> -> memref<20480xf32, #tpu.memory_space<hbm>>
      tpu.wait_dma2 semaphore(%run_scoped3A : memref<!tpu.dma_semaphore, #tpu.memory_space<semaphore_mem>>) src(%dma_wait3A_30 : memref<20480xf32, #tpu.memory_space<hbm>>) dst(%arg12 : memref<20480xf32, #tpu.memory_space<vmem>>)
      tpu.yield
    }) : () -> ()
    %parallel_loop3A = arith.constant 0 : i32
    %parallel_loop3A_17 = arith.constant 160 : i32
    %parallel_loop3A_18 = arith.constant 1 : i32
    scf.for %parallel_loop3A_29 = %parallel_loop3A to %parallel_loop3A_17 step %parallel_loop3A_18  : i32 {
      %parallel_loop3A_30 = arith.constant 8 : i32
      %parallel_loop3A_31 = arith.divsi %parallel_loop3A_29, %parallel_loop3A_30 : i32
      %parallel_loop3A_32 = arith.constant 0 : i32
      %parallel_loop3A_33 = arith.cmpi sgt, %parallel_loop3A_29, %parallel_loop3A_32 : i32
      %parallel_loop3A_34 = arith.extui %parallel_loop3A_33 : i1 to i32
      %parallel_loop3A_35 = arith.constant 0 : i32
      %parallel_loop3A_36 = arith.cmpi slt, %parallel_loop3A_29, %parallel_loop3A_35 : i32
      %parallel_loop3A_37 = arith.extui %parallel_loop3A_36 : i1 to i32
      %parallel_loop3A_38 = arith.subi %parallel_loop3A_34, %parallel_loop3A_37 : i32
      %parallel_loop3A_39 = arith.constant 0 : i32
      %parallel_loop3A_40 = arith.cmpi sgt, %parallel_loop3A_30, %parallel_loop3A_39 : i32
      %parallel_loop3A_41 = arith.extui %parallel_loop3A_40 : i1 to i32
      %parallel_loop3A_42 = arith.constant 0 : i32
      %parallel_loop3A_43 = arith.cmpi slt, %parallel_loop3A_30, %parallel_loop3A_42 : i32
      %parallel_loop3A_44 = arith.extui %parallel_loop3A_43 : i1 to i32
      %parallel_loop3A_45 = arith.subi %parallel_loop3A_41, %parallel_loop3A_44 : i32
      %parallel_loop3A_46 = arith.cmpi ne, %parallel_loop3A_38, %parallel_loop3A_45 : i32
      %parallel_loop3A_47 = arith.remsi %parallel_loop3A_29, %parallel_loop3A_30 : i32
      %parallel_loop3A_48 = arith.constant 0 : i32
      %parallel_loop3A_49 = arith.cmpi ne, %parallel_loop3A_47, %parallel_loop3A_48 : i32
      %parallel_loop3A_50 = arith.andi %parallel_loop3A_46, %parallel_loop3A_49 : i1
      %parallel_loop3A_51 = arith.constant 1 : i32
      %parallel_loop3A_52 = arith.subi %parallel_loop3A_31, %parallel_loop3A_51 : i32
      %parallel_loop3A_53 = arith.select %parallel_loop3A_50, %parallel_loop3A_52, %parallel_loop3A_31 : i32
      %parallel_loop3A_54 = arith.constant 1024 : i32
      %parallel_loop3A_55 = arith.muli %parallel_loop3A_53, %parallel_loop3A_54 : i32
      %parallel_loop3A_56 = arith.constant 8 : i32
      %parallel_loop3A_57 = arith.constant 0 : i32
      %parallel_loop3A_58 = arith.cmpi eq, %parallel_loop3A_56, %parallel_loop3A_57 : i32
      %parallel_loop3A_59 = arith.constant 1 : i32
      %parallel_loop3A_60 = arith.select %parallel_loop3A_58, %parallel_loop3A_59, %parallel_loop3A_56 : i32
      %parallel_loop3A_61 = arith.remsi %parallel_loop3A_29, %parallel_loop3A_60 : i32
      %parallel_loop3A_62 = arith.constant 0 : i32
      %parallel_loop3A_63 = arith.cmpi ne, %parallel_loop3A_61, %parallel_loop3A_62 : i32
      %parallel_loop3A_64 = arith.constant 0 : i32
      %parallel_loop3A_65 = arith.cmpi slt, %parallel_loop3A_61, %parallel_loop3A_64 : i32
      %parallel_loop3A_66 = arith.constant 0 : i32
      %parallel_loop3A_67 = arith.cmpi slt, %parallel_loop3A_60, %parallel_loop3A_66 : i32
      %parallel_loop3A_68 = arith.xori %parallel_loop3A_65, %parallel_loop3A_67 : i1
      %parallel_loop3A_69 = arith.andi %parallel_loop3A_68, %parallel_loop3A_63 : i1
      %parallel_loop3A_70 = arith.addi %parallel_loop3A_61, %parallel_loop3A_60 : i32
      %parallel_loop3A_71 = arith.select %parallel_loop3A_69, %parallel_loop3A_70, %parallel_loop3A_61 : i32
      %parallel_loop3A_72 = arith.constant 16 : i32
      %parallel_loop3A_73 = arith.muli %parallel_loop3A_71, %parallel_loop3A_72 : i32
      %parallel_loop3A_74 = arith.addi %parallel_loop3A_55, %parallel_loop3A_73 : i32
      %parallel_loop3A_75 = arith.constant 8 : i32
      %parallel_loop3A_76 = arith.divsi %parallel_loop3A_29, %parallel_loop3A_75 : i32
      %parallel_loop3A_77 = arith.constant 0 : i32
      %parallel_loop3A_78 = arith.cmpi sgt, %parallel_loop3A_29, %parallel_loop3A_77 : i32
      %parallel_loop3A_79 = arith.extui %parallel_loop3A_78 : i1 to i32
      %parallel_loop3A_80 = arith.constant 0 : i32
      %parallel_loop3A_81 = arith.cmpi slt, %parallel_loop3A_29, %parallel_loop3A_80 : i32
      %parallel_loop3A_82 = arith.extui %parallel_loop3A_81 : i1 to i32
      %parallel_loop3A_83 = arith.subi %parallel_loop3A_79, %parallel_loop3A_82 : i32
      %parallel_loop3A_84 = arith.constant 0 : i32
      %parallel_loop3A_85 = arith.cmpi sgt, %parallel_loop3A_75, %parallel_loop3A_84 : i32
      %parallel_loop3A_86 = arith.extui %parallel_loop3A_85 : i1 to i32
      %parallel_loop3A_87 = arith.constant 0 : i32
      %parallel_loop3A_88 = arith.cmpi slt, %parallel_loop3A_75, %parallel_loop3A_87 : i32
      %parallel_loop3A_89 = arith.extui %parallel_loop3A_88 : i1 to i32
      %parallel_loop3A_90 = arith.subi %parallel_loop3A_86, %parallel_loop3A_89 : i32
      %parallel_loop3A_91 = arith.cmpi ne, %parallel_loop3A_83, %parallel_loop3A_90 : i32
      %parallel_loop3A_92 = arith.remsi %parallel_loop3A_29, %parallel_loop3A_75 : i32
      %parallel_loop3A_93 = arith.constant 0 : i32
      %parallel_loop3A_94 = arith.cmpi ne, %parallel_loop3A_92, %parallel_loop3A_93 : i32
      %parallel_loop3A_95 = arith.andi %parallel_loop3A_91, %parallel_loop3A_94 : i1
      %parallel_loop3A_96 = arith.constant 1 : i32
      %parallel_loop3A_97 = arith.subi %parallel_loop3A_76, %parallel_loop3A_96 : i32
      %parallel_loop3A_98 = arith.select %parallel_loop3A_95, %parallel_loop3A_97, %parallel_loop3A_76 : i32
      %parallel_loop3A_99 = arith.constant 512 : i32
      %parallel_loop3A_100 = arith.muli %parallel_loop3A_98, %parallel_loop3A_99 : i32
      %parallel_loop3A_101 = arith.constant 8 : i32
      %parallel_loop3A_102 = arith.constant 0 : i32
      %parallel_loop3A_103 = arith.cmpi eq, %parallel_loop3A_101, %parallel_loop3A_102 : i32
      %parallel_loop3A_104 = arith.constant 1 : i32
      %parallel_loop3A_105 = arith.select %parallel_loop3A_103, %parallel_loop3A_104, %parallel_loop3A_101 : i32
      %parallel_loop3A_106 = arith.remsi %parallel_loop3A_29, %parallel_loop3A_105 : i32
      %parallel_loop3A_107 = arith.constant 0 : i32
      %parallel_loop3A_108 = arith.cmpi ne, %parallel_loop3A_106, %parallel_loop3A_107 : i32
      %parallel_loop3A_109 = arith.constant 0 : i32
      %parallel_loop3A_110 = arith.cmpi slt, %parallel_loop3A_106, %parallel_loop3A_109 : i32
      %parallel_loop3A_111 = arith.constant 0 : i32
      %parallel_loop3A_112 = arith.cmpi slt, %parallel_loop3A_105, %parallel_loop3A_111 : i32
      %parallel_loop3A_113 = arith.xori %parallel_loop3A_110, %parallel_loop3A_112 : i1
      %parallel_loop3A_114 = arith.andi %parallel_loop3A_113, %parallel_loop3A_108 : i1
      %parallel_loop3A_115 = arith.addi %parallel_loop3A_106, %parallel_loop3A_105 : i32
      %parallel_loop3A_116 = arith.select %parallel_loop3A_114, %parallel_loop3A_115, %parallel_loop3A_106 : i32
      %parallel_loop3A_117 = arith.constant 16 : i32
      %parallel_loop3A_118 = arith.muli %parallel_loop3A_116, %parallel_loop3A_117 : i32
      %parallel_loop3A_119 = arith.addi %parallel_loop3A_100, %parallel_loop3A_118 : i32
      %parallel_loop3A_120 = arith.constant 16 : i32
      %parallel_loop3A_121 = arith.muli %parallel_loop3A_29, %parallel_loop3A_120 : i32
      %parallel_loop3A_122 = arith.index_cast %parallel_loop3A_121 : i32 to index
      %parallel_loop3A_123 = tpu.vector_load %arg11[%parallel_loop3A_122] {strides = array<i32>} : memref<2576xi32, #tpu.memory_space<vmem>>, vector<16xi32>,
      %parallel_loop3A_124 = tpu.vector_load_idx %arg10[%parallel_loop3A_123] : memref<8192xi32, #tpu.memory_space<vmem>>[vector<16xi32>], vector<16xi32>,
      %parallel_loop3A_125 = arith.cmpi eq, %parallel_loop3A_124, %broadcast_in_dim3A_5 : vector<16xi32>
      %parallel_loop3A_126 = arith.select %parallel_loop3A_125, %broadcast_in_dim3A_3, %broadcast_in_dim3A_1 : vector<16xi1>, vector<16xf32>
      %parallel_loop3A_127 = arith.constant 0 : i32
      %parallel_loop3A_128 = arith.addi %parallel_loop3A_74, %parallel_loop3A_127 : i32
      %parallel_loop3A_129 = arith.index_cast %parallel_loop3A_128 : i32 to index
      %parallel_loop3A_130 = tpu.vector_load %arg12[%parallel_loop3A_129] {strides = array<i32>} : memref<20480xf32, #tpu.memory_space<vmem>>, vector<16xf32>,
      %parallel_loop3A_131 = arith.mulf %parallel_loop3A_130, %parallel_loop3A_126 : vector<16xf32>
      %parallel_loop3A_132 = arith.constant 0 : i32
      %parallel_loop3A_133 = arith.addi %parallel_loop3A_119, %parallel_loop3A_132 : i32
      %parallel_loop3A_134 = arith.index_cast %parallel_loop3A_133 : i32 to index
      %parallel_loop3A_135 = tpu.vector_load %arg13[%parallel_loop3A_134] {strides = array<i32>} : memref<10240xf32, #tpu.memory_space<vmem>>, vector<16xf32>,
      tpu.vector_store %arg13[%parallel_loop3A_134], %parallel_loop3A_131 {strides = array<i32>} : memref<10240xf32, #tpu.memory_space<vmem>>, vector<16xf32>,
      %parallel_loop3A_136 = arith.subf %parallel_loop3A_130, %parallel_loop3A_131 : vector<16xf32>
      %parallel_loop3A_137 = arith.constant 0 : i32
      %parallel_loop3A_138 = arith.addi %parallel_loop3A_119, %parallel_loop3A_137 : i32
      %parallel_loop3A_139 = arith.index_cast %parallel_loop3A_138 : i32 to index
      %parallel_loop3A_140 = tpu.vector_load %arg14[%parallel_loop3A_139] {strides = array<i32>} : memref<10240xf32, #tpu.memory_space<vmem>>, vector<16xf32>,
      tpu.vector_store %arg14[%parallel_loop3A_139], %parallel_loop3A_136 {strides = array<i32>} : memref<10240xf32, #tpu.memory_space<vmem>>, vector<16xf32>,
      %parallel_loop3A_141 = arith.constant 128 : i32
      %parallel_loop3A_142 = arith.addi %parallel_loop3A_74, %parallel_loop3A_141 : i32
      %parallel_loop3A_143 = arith.index_cast %parallel_loop3A_142 : i32 to index
      %parallel_loop3A_144 = tpu.vector_load %arg12[%parallel_loop3A_143] {strides = array<i32>} : memref<20480xf32, #tpu.memory_space<vmem>>, vector<16xf32>,
      %parallel_loop3A_145 = arith.mulf %parallel_loop3A_144, %parallel_loop3A_126 : vector<16xf32>
      %parallel_loop3A_146 = arith.constant 128 : i32
      %parallel_loop3A_147 = arith.addi %parallel_loop3A_119, %parallel_loop3A_146 : i32
      %parallel_loop3A_148 = arith.index_cast %parallel_loop3A_147 : i32 to index
      %parallel_loop3A_149 = tpu.vector_load %arg13[%parallel_loop3A_148] {strides = array<i32>} : memref<10240xf32, #tpu.memory_space<vmem>>, vector<16xf32>,
      tpu.vector_store %arg13[%parallel_loop3A_148], %parallel_loop3A_145 {strides = array<i32>} : memref<10240xf32, #tpu.memory_space<vmem>>, vector<16xf32>,
      %parallel_loop3A_150 = arith.subf %parallel_loop3A_144, %parallel_loop3A_145 : vector<16xf32>
      %parallel_loop3A_151 = arith.constant 128 : i32
      %parallel_loop3A_152 = arith.addi %parallel_loop3A_119, %parallel_loop3A_151 : i32
      %parallel_loop3A_153 = arith.index_cast %parallel_loop3A_152 : i32 to index
      %parallel_loop3A_154 = tpu.vector_load %arg14[%parallel_loop3A_153] {strides = array<i32>} : memref<10240xf32, #tpu.memory_space<vmem>>, vector<16xf32>,
      tpu.vector_store %arg14[%parallel_loop3A_153], %parallel_loop3A_150 {strides = array<i32>} : memref<10240xf32, #tpu.memory_space<vmem>>, vector<16xf32>,
      %parallel_loop3A_155 = arith.constant 256 : i32
      %parallel_loop3A_156 = arith.addi %parallel_loop3A_74, %parallel_loop3A_155 : i32
      %parallel_loop3A_157 = arith.index_cast %parallel_loop3A_156 : i32 to index
      %parallel_loop3A_158 = tpu.vector_load %arg12[%parallel_loop3A_157] {strides = array<i32>} : memref<20480xf32, #tpu.memory_space<vmem>>, vector<16xf32>,
      %parallel_loop3A_159 = arith.mulf %parallel_loop3A_158, %parallel_loop3A_126 : vector<16xf32>
      %parallel_loop3A_160 = arith.constant 256 : i32
      %parallel_loop3A_161 = arith.addi %parallel_loop3A_119, %parallel_loop3A_160 : i32
      %parallel_loop3A_162 = arith.index_cast %parallel_loop3A_161 : i32 to index
      %parallel_loop3A_163 = tpu.vector_load %arg13[%parallel_loop3A_162] {strides = array<i32>} : memref<10240xf32, #tpu.memory_space<vmem>>, vector<16xf32>,
      tpu.vector_store %arg13[%parallel_loop3A_162], %parallel_loop3A_159 {strides = array<i32>} : memref<10240xf32, #tpu.memory_space<vmem>>, vector<16xf32>,
      %parallel_loop3A_164 = arith.subf %parallel_loop3A_158, %parallel_loop3A_159 : vector<16xf32>
      %parallel_loop3A_165 = arith.constant 256 : i32
      %parallel_loop3A_166 = arith.addi %parallel_loop3A_119, %parallel_loop3A_165 : i32
      %parallel_loop3A_167 = arith.index_cast %parallel_loop3A_166 : i32 to index
      %parallel_loop3A_168 = tpu.vector_load %arg14[%parallel_loop3A_167] {strides = array<i32>} : memref<10240xf32, #tpu.memory_space<vmem>>, vector<16xf32>,
      tpu.vector_store %arg14[%parallel_loop3A_167], %parallel_loop3A_164 {strides = array<i32>} : memref<10240xf32, #tpu.memory_space<vmem>>, vector<16xf32>,
    } {sc.loop_unroll_factor = 4 : i64, sc.parallel_access}
    %add3A_19 = arith.constant 442368 : i32
    %add3A_20 = arith.addi %add3A_19, %mul3A_11 : i32
    %mul3A_21 = arith.constant 4 : i32
    %mul3A_22 = arith.muli %add3A_20, %mul3A_21 : i32
    "tpu.region"() ({
      %run_scoped3A = tpu.sem_alloc : memref<!tpu.dma_semaphore, #tpu.memory_space<semaphore_mem>>
      %dma_start3A = tpu.memref_slice %arg5[%mul3A_22] : memref<2097152xf32, #tpu.memory_space<hbm>> -> memref<10240xf32, #tpu.memory_space<hbm>>
      %dma_start3A_29 = tpu.memref_slice %arg5[%mul3A_22] : memref<2097152xf32, #tpu.memory_space<hbm>> -> memref<10240xf32, #tpu.memory_space<hbm>>
      tpu.enqueue_dma source(%arg13 : memref<10240xf32, #tpu.memory_space<vmem>>) target(%dma_start3A_29 : memref<10240xf32, #tpu.memory_space<hbm>>) target_semaphore(%run_scoped3A : memref<!tpu.dma_semaphore, #tpu.memory_space<semaphore_mem>>)
      %dma_wait3A = tpu.memref_slice %arg5[%mul3A_22] : memref<2097152xf32, #tpu.memory_space<hbm>> -> memref<10240xf32, #tpu.memory_space<hbm>>
      %dma_wait3A_30 = tpu.memref_slice %arg5[%mul3A_22] : memref<2097152xf32, #tpu.memory_space<hbm>> -> memref<10240xf32, #tpu.memory_space<hbm>>
      tpu.wait_dma2 semaphore(%run_scoped3A : memref<!tpu.dma_semaphore, #tpu.memory_space<semaphore_mem>>) src(%arg13 : memref<10240xf32, #tpu.memory_space<vmem>>) dst(%dma_wait3A_30 : memref<10240xf32, #tpu.memory_space<hbm>>)
      tpu.yield
    }) : () -> ()
    %add3A_23 = arith.constant 442368 : i32
    %add3A_24 = arith.addi %add3A_23, %mul3A_11 : i32
    %mul3A_25 = arith.constant 4 : i32
    %mul3A_26 = arith.muli %add3A_24, %mul3A_25 : i32
    "tpu.region"() ({
      %run_scoped3A = tpu.sem_alloc : memref<!tpu.dma_semaphore, #tpu.memory_space<semaphore_mem>>
      %dma_start3A = tpu.memref_slice %arg6[%mul3A_26] : memref<2097152xf32, #tpu.memory_space<hbm>> -> memref<10240xf32, #tpu.memory_space<hbm>>
      %dma_start3A_29 = tpu.memref_slice %arg6[%mul3A_26] : memref<2097152xf32, #tpu.memory_space<hbm>> -> memref<10240xf32, #tpu.memory_space<hbm>>
      tpu.enqueue_dma source(%arg14 : memref<10240xf32, #tpu.memory_space<vmem>>) target(%dma_start3A_29 : memref<10240xf32, #tpu.memory_space<hbm>>) target_semaphore(%run_scoped3A : memref<!tpu.dma_semaphore, #tpu.memory_space<semaphore_mem>>)
      %dma_wait3A = tpu.memref_slice %arg6[%mul3A_26] : memref<2097152xf32, #tpu.memory_space<hbm>> -> memref<10240xf32, #tpu.memory_space<hbm>>
      %dma_wait3A_30 = tpu.memref_slice %arg6[%mul3A_26] : memref<2097152xf32, #tpu.memory_space<hbm>> -> memref<10240xf32, #tpu.memory_space<hbm>>
      tpu.wait_dma2 semaphore(%run_scoped3A : memref<!tpu.dma_semaphore, #tpu.memory_space<semaphore_mem>>) src(%arg14 : memref<10240xf32, #tpu.memory_space<vmem>>) dst(%dma_wait3A_30 : memref<10240xf32, #tpu.memory_space<hbm>>)
      tpu.yield
    }) : () -> ()
    %swap3A_27 = arith.constant 0 : index
    %swap3A_28 = tpu.vector_load %arg15[%swap3A_27] {strides = array<i32>} : memref<16xf32, #tpu.memory_space<vmem>>, vector<16xf32>,
    tpu.vector_store %arg15[%swap3A_27], %broadcast_in_dim3A_1 {strides = array<i32>} : memref<16xf32, #tpu.memory_space<vmem>>, vector<16xf32>,
    "tpu.region"() ({
      %run_scoped3A = tpu.sem_alloc : memref<!tpu.dma_semaphore, #tpu.memory_space<semaphore_mem>>
      tpu.enqueue_dma source(%arg15 : memref<16xf32, #tpu.memory_space<vmem>>) target(%arg7 : memref<16xf32, #tpu.memory_space<hbm>>) target_semaphore(%run_scoped3A : memref<!tpu.dma_semaphore, #tpu.memory_space<semaphore_mem>>)
      tpu.wait_dma2 semaphore(%run_scoped3A : memref<!tpu.dma_semaphore, #tpu.memory_space<semaphore_mem>>) src(%arg15 : memref<16xf32, #tpu.memory_space<vmem>>) dst(%arg7 : memref<16xf32, #tpu.memory_space<hbm>>)
      tpu.yield
    }) : () -> ()
    return
  }
}

#map = affine_map<(d0, d1) -> (0)>
#map1 = affine_map<(d0, d1) -> (0, 0)>
module attributes {stable_mosaic.version = 14 : i64} {
  func.func @_sc_route(%arg0: i32, %arg1: i32, %arg2: memref<655360xf32, #tpu.memory_space<hbm>>, %arg3: memref<524288xi32, #tpu.memory_space<hbm>>, %arg4: memref<16xf32, #tpu.memory_space<hbm>>, %arg5: memref<32x8192xf32, #tpu.memory_space<hbm>>, %arg6: memref<2576xi32, #tpu.memory_space<vmem>>, %arg7: memref<20480xf32, #tpu.memory_space<vmem>>, %arg8: memref<8192xf32, #tpu.memory_space<vmem>>) attributes {dimension_semantics = [#tpu.dimension_semantics<core_parallel>, #tpu.dimension_semantics<subcore_parallel>], iteration_bounds = array<i64: 2, 16>, scalar_prefetch = 0 : i64, scratch_operands = 3 : i64, tpu.core_type = #tpu.core_type<sc_vector_subcore>, window_params = [{transform_indices = #map}, {transform_indices = #map}, {transform_indices = #map}, {transform_indices = #map1}]} {
    %mul3A = arith.constant 2 : i32
    %mul3A_0 = arith.muli %arg1, %mul3A : i32
    %add3A = arith.addi %mul3A_0, %arg0 : i32
    %iota3A = tpu.iota {dimensions = array<i32: 0>} : vector<16xi32>
    %broadcast_in_dim3A = arith.constant 0.000000e+00 : f32
    %broadcast_in_dim3A_1 = vector.broadcast %broadcast_in_dim3A : f32 to vector<16xf32>
    %broadcast_in_dim3A_2 = arith.constant 1.000000e+00 : f32
    %broadcast_in_dim3A_3 = vector.broadcast %broadcast_in_dim3A_2 : f32 to vector<16xf32>
    %broadcast_in_dim3A_4 = arith.constant 0 : i32
    %broadcast_in_dim3A_5 = vector.broadcast %broadcast_in_dim3A_4 : i32 to vector<16xi32>
    %broadcast_in_dim3A_6 = arith.constant 15 : i32
    %broadcast_in_dim3A_7 = vector.broadcast %broadcast_in_dim3A_6 : i32 to vector<16xi32>
    %broadcast_in_dim3A_8 = arith.constant -1 : i32
    %broadcast_in_dim3A_9 = vector.broadcast %broadcast_in_dim3A_8 : i32 to vector<16xi32>
    %scan3A = arith.constant 0 : i32
    %scan3A_10 = arith.constant 0 : i32
    %scan3A_11 = arith.constant 512 : i32
    %scan3A_12 = arith.addi %scan3A_10, %scan3A_11 : i32
    %scan3A_13 = arith.constant 1 : i32
    scf.for %scan3A_28 = %scan3A_10 to %scan3A_12 step %scan3A_13  : i32 {
      %mul3A_29 = arith.constant 16 : i32
      %mul3A_30 = arith.muli %scan3A_28, %mul3A_29 : i32
      %swap3A_31 = arith.index_cast %mul3A_30 : i32 to index
      %swap3A_32 = tpu.vector_load %arg8[%swap3A_31] {strides = array<i32>} : memref<8192xf32, #tpu.memory_space<vmem>>, vector<16xf32>,
      tpu.vector_store %arg8[%swap3A_31], %broadcast_in_dim3A_1 {strides = array<i32>} : memref<8192xf32, #tpu.memory_space<vmem>>, vector<16xf32>,
    }
    %scan3A_14 = arith.constant 512 : i32
    %mul3A_15 = arith.constant 2560 : i32
    %mul3A_16 = arith.muli %add3A, %mul3A_15 : i32
    %add3A_17 = arith.constant 442368 : i32
    %add3A_18 = arith.addi %add3A_17, %mul3A_16 : i32
    "tpu.region"() ({
      %run_scoped3A = tpu.sem_alloc : memref<!tpu.dma_semaphore, #tpu.memory_space<semaphore_mem>>
      %dma_start3A = arith.constant 0 : i32
      %dma_start3A_28 = tpu.memref_slice %arg6[%dma_start3A] : memref<2576xi32, #tpu.memory_space<vmem>> -> memref<2560xi32, #tpu.memory_space<vmem>>
      %dma_start3A_29 = tpu.memref_slice %arg3[%add3A_18] : memref<524288xi32, #tpu.memory_space<hbm>> -> memref<2560xi32, #tpu.memory_space<hbm>>
      %dma_start3A_30 = arith.constant 0 : i32
      %dma_start3A_31 = tpu.memref_slice %arg6[%dma_start3A_30] : memref<2576xi32, #tpu.memory_space<vmem>> -> memref<2560xi32, #tpu.memory_space<vmem>>
      %dma_start3A_32 = tpu.memref_slice %arg3[%add3A_18] : memref<524288xi32, #tpu.memory_space<hbm>> -> memref<2560xi32, #tpu.memory_space<hbm>>
      tpu.enqueue_dma source(%dma_start3A_32 : memref<2560xi32, #tpu.memory_space<hbm>>) target(%dma_start3A_31 : memref<2560xi32, #tpu.memory_space<vmem>>) target_semaphore(%run_scoped3A : memref<!tpu.dma_semaphore, #tpu.memory_space<semaphore_mem>>)
      %dma_wait3A = arith.constant 0 : i32
      %dma_wait3A_33 = tpu.memref_slice %arg6[%dma_wait3A] : memref<2576xi32, #tpu.memory_space<vmem>> -> memref<2560xi32, #tpu.memory_space<vmem>>
      %dma_wait3A_34 = tpu.memref_slice %arg3[%add3A_18] : memref<524288xi32, #tpu.memory_space<hbm>> -> memref<2560xi32, #tpu.memory_space<hbm>>
      %dma_wait3A_35 = arith.constant 0 : i32
      %dma_wait3A_36 = tpu.memref_slice %arg6[%dma_wait3A_35] : memref<2576xi32, #tpu.memory_space<vmem>> -> memref<2560xi32, #tpu.memory_space<vmem>>
      %dma_wait3A_37 = tpu.memref_slice %arg3[%add3A_18] : memref<524288xi32, #tpu.memory_space<hbm>> -> memref<2560xi32, #tpu.memory_space<hbm>>
      tpu.wait_dma2 semaphore(%run_scoped3A : memref<!tpu.dma_semaphore, #tpu.memory_space<semaphore_mem>>) src(%dma_wait3A_37 : memref<2560xi32, #tpu.memory_space<hbm>>) dst(%dma_wait3A_36 : memref<2560xi32, #tpu.memory_space<vmem>>)
      tpu.yield
    }) : () -> ()
    %swap3A = arith.constant 2560 : index
    %swap3A_19 = tpu.vector_load %arg6[%swap3A] {strides = array<i32>} : memref<2576xi32, #tpu.memory_space<vmem>>, vector<16xi32>,
    tpu.vector_store %arg6[%swap3A], %broadcast_in_dim3A_9 {strides = array<i32>} : memref<2576xi32, #tpu.memory_space<vmem>>, vector<16xi32>,
    %mul3A_20 = arith.constant 8 : i32
    %mul3A_21 = arith.muli %mul3A_16, %mul3A_20 : i32
    "tpu.region"() ({
      %run_scoped3A = tpu.sem_alloc : memref<!tpu.dma_semaphore, #tpu.memory_space<semaphore_mem>>
      %dma_start3A = tpu.memref_slice %arg2[%mul3A_21] : memref<655360xf32, #tpu.memory_space<hbm>> -> memref<20480xf32, #tpu.memory_space<hbm>>
      %dma_start3A_28 = tpu.memref_slice %arg2[%mul3A_21] : memref<655360xf32, #tpu.memory_space<hbm>> -> memref<20480xf32, #tpu.memory_space<hbm>>
      tpu.enqueue_dma source(%dma_start3A_28 : memref<20480xf32, #tpu.memory_space<hbm>>) target(%arg7 : memref<20480xf32, #tpu.memory_space<vmem>>) target_semaphore(%run_scoped3A : memref<!tpu.dma_semaphore, #tpu.memory_space<semaphore_mem>>)
      %dma_wait3A = tpu.memref_slice %arg2[%mul3A_21] : memref<655360xf32, #tpu.memory_space<hbm>> -> memref<20480xf32, #tpu.memory_space<hbm>>
      %dma_wait3A_29 = tpu.memref_slice %arg2[%mul3A_21] : memref<655360xf32, #tpu.memory_space<hbm>> -> memref<20480xf32, #tpu.memory_space<hbm>>
      tpu.wait_dma2 semaphore(%run_scoped3A : memref<!tpu.dma_semaphore, #tpu.memory_space<semaphore_mem>>) src(%dma_wait3A_29 : memref<20480xf32, #tpu.memory_space<hbm>>) dst(%arg7 : memref<20480xf32, #tpu.memory_space<vmem>>)
      tpu.yield
    }) : () -> ()
    %scan3A_22 = arith.constant 0 : i32
    %scan3A_23 = arith.constant 0 : i32
    %scan3A_24 = arith.constant 80 : i32
    %scan3A_25 = arith.addi %scan3A_23, %scan3A_24 : i32
    %scan3A_26 = arith.constant 1 : i32
    scf.for %scan3A_28 = %scan3A_23 to %scan3A_25 step %scan3A_26  : i32 {
      %mul3A_29 = arith.constant 2 : i32
      %mul3A_30 = arith.muli %scan3A_28, %mul3A_29 : i32
      %add3A_31 = arith.constant 0 : i32
      %add3A_32 = arith.addi %mul3A_30, %add3A_31 : i32
      %jit3A = arith.constant 8 : i32
      %div3A = arith.divsi %add3A_32, %jit3A : i32
      %sign3A = arith.constant 0 : i32
      %sign3A_33 = arith.cmpi sgt, %add3A_32, %sign3A : i32
      %sign3A_34 = arith.extui %sign3A_33 : i1 to i32
      %sign3A_35 = arith.constant 0 : i32
      %sign3A_36 = arith.cmpi slt, %add3A_32, %sign3A_35 : i32
      %sign3A_37 = arith.extui %sign3A_36 : i1 to i32
      %sign3A_38 = arith.subi %sign3A_34, %sign3A_37 : i32
      %sign3A_39 = arith.constant 0 : i32
      %sign3A_40 = arith.cmpi sgt, %jit3A, %sign3A_39 : i32
      %sign3A_41 = arith.extui %sign3A_40 : i1 to i32
      %sign3A_42 = arith.constant 0 : i32
      %sign3A_43 = arith.cmpi slt, %jit3A, %sign3A_42 : i32
      %sign3A_44 = arith.extui %sign3A_43 : i1 to i32
      %sign3A_45 = arith.subi %sign3A_41, %sign3A_44 : i32
      %ne3A = arith.cmpi ne, %sign3A_38, %sign3A_45 : i32
      %rem3A = arith.remsi %add3A_32, %jit3A : i32
      %ne3A_46 = arith.constant 0 : i32
      %ne3A_47 = arith.cmpi ne, %rem3A, %ne3A_46 : i32
      %and3A = arith.andi %ne3A, %ne3A_47 : i1
      %sub3A = arith.constant 1 : i32
      %sub3A_48 = arith.subi %div3A, %sub3A : i32
      %select_n3A = arith.select %and3A, %sub3A_48, %div3A : i32
      %mul3A_49 = arith.constant 1024 : i32
      %mul3A_50 = arith.muli %select_n3A, %mul3A_49 : i32
      %jit3A_51 = arith.constant 8 : i32
      %eq3A = arith.constant 0 : i32
      %eq3A_52 = arith.cmpi eq, %jit3A_51, %eq3A : i32
      %jit3A_53 = arith.constant 1 : i32
      %select_n3A_54 = arith.select %eq3A_52, %jit3A_53, %jit3A_51 : i32
      %rem3A_55 = arith.remsi %add3A_32, %select_n3A_54 : i32
      %ne3A_56 = arith.constant 0 : i32
      %ne3A_57 = arith.cmpi ne, %rem3A_55, %ne3A_56 : i32
      %lt3A = arith.constant 0 : i32
      %lt3A_58 = arith.cmpi slt, %rem3A_55, %lt3A : i32
      %lt3A_59 = arith.constant 0 : i32
      %lt3A_60 = arith.cmpi slt, %select_n3A_54, %lt3A_59 : i32
      %ne3A_61 = arith.xori %lt3A_58, %lt3A_60 : i1
      %and3A_62 = arith.andi %ne3A_61, %ne3A_57 : i1
      %add3A_63 = arith.addi %rem3A_55, %select_n3A_54 : i32
      %select_n3A_64 = arith.select %and3A_62, %add3A_63, %rem3A_55 : i32
      %mul3A_65 = arith.constant 16 : i32
      %mul3A_66 = arith.muli %select_n3A_64, %mul3A_65 : i32
      %add3A_67 = arith.addi %mul3A_50, %mul3A_66 : i32
      %add3A_68 = arith.constant 384 : i32
      %add3A_69 = arith.addi %add3A_67, %add3A_68 : i32
      %get3A = arith.index_cast %add3A_69 : i32 to index
      %get3A_70 = tpu.vector_load %arg7[%get3A] {strides = array<i32>} : memref<20480xf32, #tpu.memory_space<vmem>>, vector<16xf32>,
      %mul3A_71 = arith.constant 16 : i32
      %mul3A_72 = arith.muli %add3A_32, %mul3A_71 : i32
      %get3A_73 = arith.index_cast %mul3A_72 : i32 to index
      %get3A_74 = tpu.vector_load %arg6[%get3A_73] {strides = array<i32>} : memref<2576xi32, #tpu.memory_space<vmem>>, vector<16xi32>,
      %mul3A_75 = arith.constant 16 : i32
      %mul3A_76 = arith.muli %add3A_32, %mul3A_75 : i32
      %add3A_77 = arith.constant 1 : i32
      %add3A_78 = arith.addi %mul3A_76, %add3A_77 : i32
      %broadcast_in_dim3A_79 = vector.broadcast %add3A_78 : i32 to vector<16xi32>
      %add3A_80 = arith.addi %iota3A, %broadcast_in_dim3A_79 : vector<16xi32>
      %gather3A = tpu.vector_load_idx %arg6[%add3A_80] : memref<2576xi32, #tpu.memory_space<vmem>>[vector<16xi32>], vector<16xi32>,
      %broadcast_in_dim3A_81 = arith.constant true
      %broadcast_in_dim3A_82 = vector.broadcast %broadcast_in_dim3A_81 : i1 to vector<16xi1>
      %masked_cumsum3A = tpu.scan <sum>, %get3A_70 masked %broadcast_in_dim3A_82 : vector<16xf32>, vector<16xi1> -> vector<16xf32>
      %eq3A_83 = arith.cmpi eq, %iota3A, %broadcast_in_dim3A_7 : vector<16xi32>
      %select_n3A_84 = arith.select %eq3A_83, %broadcast_in_dim3A_9, %gather3A : vector<16xi1>, vector<16xi32>
      %eq3A_85 = arith.cmpi eq, %iota3A, %broadcast_in_dim3A_7 : vector<16xi32>
      %select_n3A_86 = arith.select %eq3A_85, %get3A_74, %gather3A : vector<16xi1>, vector<16xi32>
      %ne3A_87 = arith.cmpi ne, %get3A_74, %select_n3A_84 : vector<16xi32>
      tpu.vector_store_idx %arg8[%get3A_74], %masked_cumsum3A masked %ne3A_87 {add = true} : memref<8192xf32, #tpu.memory_space<vmem>>[vector<16xi32>], vector<16xf32>, vector<16xi1>
      %sub3A_88 = arith.subf %broadcast_in_dim3A_1, %masked_cumsum3A : vector<16xf32>
      %ne3A_89 = arith.cmpi ne, %get3A_74, %select_n3A_86 : vector<16xi32>
      tpu.vector_store_idx %arg8[%gather3A], %sub3A_88 masked %ne3A_89 {add = true} : memref<8192xf32, #tpu.memory_space<vmem>>[vector<16xi32>], vector<16xf32>, vector<16xi1>
      %mul3A_90 = arith.constant 2 : i32
      %mul3A_91 = arith.muli %scan3A_28, %mul3A_90 : i32
      %add3A_92 = arith.constant 1 : i32
      %add3A_93 = arith.addi %mul3A_91, %add3A_92 : i32
      %jit3A_94 = arith.constant 8 : i32
      %div3A_95 = arith.divsi %add3A_93, %jit3A_94 : i32
      %sign3A_96 = arith.constant 0 : i32
      %sign3A_97 = arith.cmpi sgt, %add3A_93, %sign3A_96 : i32
      %sign3A_98 = arith.extui %sign3A_97 : i1 to i32
      %sign3A_99 = arith.constant 0 : i32
      %sign3A_100 = arith.cmpi slt, %add3A_93, %sign3A_99 : i32
      %sign3A_101 = arith.extui %sign3A_100 : i1 to i32
      %sign3A_102 = arith.subi %sign3A_98, %sign3A_101 : i32
      %sign3A_103 = arith.constant 0 : i32
      %sign3A_104 = arith.cmpi sgt, %jit3A_94, %sign3A_103 : i32
      %sign3A_105 = arith.extui %sign3A_104 : i1 to i32
      %sign3A_106 = arith.constant 0 : i32
      %sign3A_107 = arith.cmpi slt, %jit3A_94, %sign3A_106 : i32
      %sign3A_108 = arith.extui %sign3A_107 : i1 to i32
      %sign3A_109 = arith.subi %sign3A_105, %sign3A_108 : i32
      %ne3A_110 = arith.cmpi ne, %sign3A_102, %sign3A_109 : i32
      %rem3A_111 = arith.remsi %add3A_93, %jit3A_94 : i32
      %ne3A_112 = arith.constant 0 : i32
      %ne3A_113 = arith.cmpi ne, %rem3A_111, %ne3A_112 : i32
      %and3A_114 = arith.andi %ne3A_110, %ne3A_113 : i1
      %sub3A_115 = arith.constant 1 : i32
      %sub3A_116 = arith.subi %div3A_95, %sub3A_115 : i32
      %select_n3A_117 = arith.select %and3A_114, %sub3A_116, %div3A_95 : i32
      %mul3A_118 = arith.constant 1024 : i32
      %mul3A_119 = arith.muli %select_n3A_117, %mul3A_118 : i32
      %jit3A_120 = arith.constant 8 : i32
      %eq3A_121 = arith.constant 0 : i32
      %eq3A_122 = arith.cmpi eq, %jit3A_120, %eq3A_121 : i32
      %jit3A_123 = arith.constant 1 : i32
      %select_n3A_124 = arith.select %eq3A_122, %jit3A_123, %jit3A_120 : i32
      %rem3A_125 = arith.remsi %add3A_93, %select_n3A_124 : i32
      %ne3A_126 = arith.constant 0 : i32
      %ne3A_127 = arith.cmpi ne, %rem3A_125, %ne3A_126 : i32
      %lt3A_128 = arith.constant 0 : i32
      %lt3A_129 = arith.cmpi slt, %rem3A_125, %lt3A_128 : i32
      %lt3A_130 = arith.constant 0 : i32
      %lt3A_131 = arith.cmpi slt, %select_n3A_124, %lt3A_130 : i32
      %ne3A_132 = arith.xori %lt3A_129, %lt3A_131 : i1
      %and3A_133 = arith.andi %ne3A_132, %ne3A_127 : i1
      %add3A_134 = arith.addi %rem3A_125, %select_n3A_124 : i32
      %select_n3A_135 = arith.select %and3A_133, %add3A_134, %rem3A_125 : i32
      %mul3A_136 = arith.constant 16 : i32
      %mul3A_137 = arith.muli %select_n3A_135, %mul3A_136 : i32
      %add3A_138 = arith.addi %mul3A_119, %mul3A_137 : i32
      %add3A_139 = arith.constant 384 : i32
      %add3A_140 = arith.addi %add3A_138, %add3A_139 : i32
      %get3A_141 = arith.index_cast %add3A_140 : i32 to index
      %get3A_142 = tpu.vector_load %arg7[%get3A_141] {strides = array<i32>} : memref<20480xf32, #tpu.memory_space<vmem>>, vector<16xf32>,
      %mul3A_143 = arith.constant 16 : i32
      %mul3A_144 = arith.muli %add3A_93, %mul3A_143 : i32
      %get3A_145 = arith.index_cast %mul3A_144 : i32 to index
      %get3A_146 = tpu.vector_load %arg6[%get3A_145] {strides = array<i32>} : memref<2576xi32, #tpu.memory_space<vmem>>, vector<16xi32>,
      %mul3A_147 = arith.constant 16 : i32
      %mul3A_148 = arith.muli %add3A_93, %mul3A_147 : i32
      %add3A_149 = arith.constant 1 : i32
      %add3A_150 = arith.addi %mul3A_148, %add3A_149 : i32
      %broadcast_in_dim3A_151 = vector.broadcast %add3A_150 : i32 to vector<16xi32>
      %add3A_152 = arith.addi %iota3A, %broadcast_in_dim3A_151 : vector<16xi32>
      %gather3A_153 = tpu.vector_load_idx %arg6[%add3A_152] : memref<2576xi32, #tpu.memory_space<vmem>>[vector<16xi32>], vector<16xi32>,
      %broadcast_in_dim3A_154 = arith.constant true
      %broadcast_in_dim3A_155 = vector.broadcast %broadcast_in_dim3A_154 : i1 to vector<16xi1>
      %masked_cumsum3A_156 = tpu.scan <sum>, %get3A_142 masked %broadcast_in_dim3A_155 : vector<16xf32>, vector<16xi1> -> vector<16xf32>
      %eq3A_157 = arith.cmpi eq, %iota3A, %broadcast_in_dim3A_7 : vector<16xi32>
      %select_n3A_158 = arith.select %eq3A_157, %broadcast_in_dim3A_9, %gather3A_153 : vector<16xi1>, vector<16xi32>
      %eq3A_159 = arith.cmpi eq, %iota3A, %broadcast_in_dim3A_7 : vector<16xi32>
      %select_n3A_160 = arith.select %eq3A_159, %get3A_146, %gather3A_153 : vector<16xi1>, vector<16xi32>
      %ne3A_161 = arith.cmpi ne, %get3A_146, %select_n3A_158 : vector<16xi32>
      tpu.vector_store_idx %arg8[%get3A_146], %masked_cumsum3A_156 masked %ne3A_161 {add = true} : memref<8192xf32, #tpu.memory_space<vmem>>[vector<16xi32>], vector<16xf32>, vector<16xi1>
      %sub3A_162 = arith.subf %broadcast_in_dim3A_1, %masked_cumsum3A_156 : vector<16xf32>
      %ne3A_163 = arith.cmpi ne, %get3A_146, %select_n3A_160 : vector<16xi32>
      tpu.vector_store_idx %arg8[%gather3A_153], %sub3A_162 masked %ne3A_163 {add = true} : memref<8192xf32, #tpu.memory_space<vmem>>[vector<16xi32>], vector<16xf32>, vector<16xi1>
    }
    %scan3A_27 = arith.constant 80 : i32
    "tpu.region"() ({
      %run_scoped3A = tpu.sem_alloc : memref<!tpu.dma_semaphore, #tpu.memory_space<semaphore_mem>>
      %dma_start3A = arith.constant 0 : i32
      %dma_start3A_28 = tpu.memref_slice %arg5[%add3A, %dma_start3A] : memref<32x8192xf32, #tpu.memory_space<hbm>> -> memref<1x8192xf32, #tpu.memory_space<hbm>>
      %dma_start3A_29 = tpu.memref_squeeze %dma_start3A_28 : memref<1x8192xf32, #tpu.memory_space<hbm>> -> memref<8192xf32, #tpu.memory_space<hbm>>
      %dma_start3A_30 = arith.constant 0 : i32
      %dma_start3A_31 = tpu.memref_slice %arg5[%add3A, %dma_start3A_30] : memref<32x8192xf32, #tpu.memory_space<hbm>> -> memref<1x8192xf32, #tpu.memory_space<hbm>>
      %dma_start3A_32 = tpu.memref_squeeze %dma_start3A_31 : memref<1x8192xf32, #tpu.memory_space<hbm>> -> memref<8192xf32, #tpu.memory_space<hbm>>
      tpu.enqueue_dma source(%arg8 : memref<8192xf32, #tpu.memory_space<vmem>>) target(%dma_start3A_32 : memref<8192xf32, #tpu.memory_space<hbm>>) target_semaphore(%run_scoped3A : memref<!tpu.dma_semaphore, #tpu.memory_space<semaphore_mem>>)
      %dma_wait3A = arith.constant 0 : i32
      %dma_wait3A_33 = tpu.memref_slice %arg5[%add3A, %dma_wait3A] : memref<32x8192xf32, #tpu.memory_space<hbm>> -> memref<1x8192xf32, #tpu.memory_space<hbm>>
      %dma_wait3A_34 = tpu.memref_squeeze %dma_wait3A_33 : memref<1x8192xf32, #tpu.memory_space<hbm>> -> memref<8192xf32, #tpu.memory_space<hbm>>
      %dma_wait3A_35 = arith.constant 0 : i32
      %dma_wait3A_36 = tpu.memref_slice %arg5[%add3A, %dma_wait3A_35] : memref<32x8192xf32, #tpu.memory_space<hbm>> -> memref<1x8192xf32, #tpu.memory_space<hbm>>
      %dma_wait3A_37 = tpu.memref_squeeze %dma_wait3A_36 : memref<1x8192xf32, #tpu.memory_space<hbm>> -> memref<8192xf32, #tpu.memory_space<hbm>>
      tpu.wait_dma2 semaphore(%run_scoped3A : memref<!tpu.dma_semaphore, #tpu.memory_space<semaphore_mem>>) src(%arg8 : memref<8192xf32, #tpu.memory_space<vmem>>) dst(%dma_wait3A_37 : memref<8192xf32, #tpu.memory_space<hbm>>)
      tpu.yield
    }) : () -> ()
    return
  }
}

module attributes {stable_mosaic.version = 14 : i64} {
  func.func @_mm_body(%arg0: i32, %arg1: memref<16384x128xf32, #tpu.memory_space<vmem>>, %arg2: memref<128x8xf32, #tpu.memory_space<vmem>>, %arg3: memref<128x8x128xf32, #tpu.memory_space<vmem>>) attributes {dimension_semantics = [#tpu.dimension_semantics<arbitrary>], iteration_bounds = array<i64: 9>, scalar_prefetch = 0 : i64, scratch_operands = 0 : i64, tpu.core_type = #tpu.core_type<tc>, window_params = [{transform_indices = @transform_0, window_bounds = array<i64: 16384, 128>}, {pipeline_mode = #tpu.pipeline_mode<synchronous>, transform_indices = @transform_1, window_bounds = array<i64: 128, 8>}, {transform_indices = @transform_2, window_bounds = array<i64: 128, 8, 128>}]} {
    %get3A = arith.constant 0 : index
    %get3A_0 = arith.constant 0 : index
    %get3A_1 = vector.load %arg2[%get3A, %get3A_0] : memref<128x8xf32, #tpu.memory_space<vmem>>, vector<128x8xf32>
    %get3A_2 = arith.constant 0 : index
    %get3A_3 = arith.constant 0 : index
    %get3A_4 = vector.load %arg1[%get3A_2, %get3A_3] : memref<16384x128xf32, #tpu.memory_space<vmem>>, vector<16384x128xf32>
    %dot_general3A = arith.constant dense<0.000000e+00> : vector<8x16384xf32>
    %dot_general3A_5 = tpu.matmul %get3A_1, %get3A_4, %dot_general3A {dimension_numbers = #tpu.dot_dimension_numbers<[0], [1], [1], [0], [0, 1, 1, 0], [], []>, transpose_lhs_hint = false} : vector<128x8xf32>, vector<16384x128xf32>, vector<8x16384xf32> -> vector<8x16384xf32>
    %reshape3A = vector.shape_cast %dot_general3A_5 : vector<8x16384xf32> to vector<8x128x128xf32>
    %transpose3A = tpu.transpose %reshape3A, [1, 0, 2] : vector<8x128x128xf32> -> vector<128x8x128xf32>
    %swap3A = arith.constant 0 : index
    %swap3A_6 = arith.constant 0 : index
    %swap3A_7 = arith.constant 0 : index
    %swap3A_8 = vector.load %arg3[%swap3A, %swap3A_6, %swap3A_7] : memref<128x8x128xf32, #tpu.memory_space<vmem>>, vector<128x8x128xf32>
    tpu.vector_store %arg3[%swap3A, %swap3A_6, %swap3A_7], %transpose3A {strides = array<i32>} : memref<128x8x128xf32, #tpu.memory_space<vmem>>, vector<128x8x128xf32>,
    return
  }
  func.func @transform_0(%arg0: i32) -> (i32, i32) {
    %add3A = arith.constant 0 : i32
    %add3A_0 = arith.addi %arg0, %add3A : i32
    %c0_i32 = arith.constant 0 : i32
    %c0_i32_1 = arith.constant 0 : i32
    return %add3A_0, %c0_i32 : i32, i32
  }
  func.func @transform_1(%arg0: i32) -> (i32, i32) {
    %c0_i32 = arith.constant 0 : i32
    %c0_i32_0 = arith.constant 0 : i32
    %c0_i32_1 = arith.constant 0 : i32
    return %c0_i32, %c0_i32_0 : i32, i32
  }
  func.func @transform_2(%arg0: i32) -> (i32, i32, i32) {
    %c0_i32 = arith.constant 0 : i32
    %c0_i32_0 = arith.constant 0 : i32
    %c0_i32_1 = arith.constant 0 : i32
    return %arg0, %c0_i32, %c0_i32_0 : i32, i32, i32
  }
}

module attributes {stable_mosaic.version = 14 : i64} {
  func.func @_mm_body(%arg0: i32, %arg1: memref<16384x128xf32, #tpu.memory_space<vmem>>, %arg2: memref<128x8xf32, #tpu.memory_space<vmem>>, %arg3: memref<128x8x128xf32, #tpu.memory_space<vmem>>) attributes {dimension_semantics = [#tpu.dimension_semantics<arbitrary>], iteration_bounds = array<i64: 9>, scalar_prefetch = 0 : i64, scratch_operands = 0 : i64, tpu.core_type = #tpu.core_type<tc>, window_params = [{transform_indices = @transform_0, window_bounds = array<i64: 16384, 128>}, {pipeline_mode = #tpu.pipeline_mode<synchronous>, transform_indices = @transform_1, window_bounds = array<i64: 128, 8>}, {transform_indices = @transform_2, window_bounds = array<i64: 128, 8, 128>}]} {
    %get3A = arith.constant 0 : index
    %get3A_0 = arith.constant 0 : index
    %get3A_1 = vector.load %arg2[%get3A, %get3A_0] : memref<128x8xf32, #tpu.memory_space<vmem>>, vector<128x8xf32>
    %get3A_2 = arith.constant 0 : index
    %get3A_3 = arith.constant 0 : index
    %get3A_4 = vector.load %arg1[%get3A_2, %get3A_3] : memref<16384x128xf32, #tpu.memory_space<vmem>>, vector<16384x128xf32>
    %dot_general3A = arith.constant dense<0.000000e+00> : vector<8x16384xf32>
    %dot_general3A_5 = tpu.matmul %get3A_1, %get3A_4, %dot_general3A {dimension_numbers = #tpu.dot_dimension_numbers<[0], [1], [1], [0], [0, 1, 1, 0], [], []>, transpose_lhs_hint = false} : vector<128x8xf32>, vector<16384x128xf32>, vector<8x16384xf32> -> vector<8x16384xf32>
    %reshape3A = vector.shape_cast %dot_general3A_5 : vector<8x16384xf32> to vector<8x128x128xf32>
    %transpose3A = tpu.transpose %reshape3A, [1, 0, 2] : vector<8x128x128xf32> -> vector<128x8x128xf32>
    %swap3A = arith.constant 0 : index
    %swap3A_6 = arith.constant 0 : index
    %swap3A_7 = arith.constant 0 : index
    %swap3A_8 = vector.load %arg3[%swap3A, %swap3A_6, %swap3A_7] : memref<128x8x128xf32, #tpu.memory_space<vmem>>, vector<128x8x128xf32>
    tpu.vector_store %arg3[%swap3A, %swap3A_6, %swap3A_7], %transpose3A {strides = array<i32>} : memref<128x8x128xf32, #tpu.memory_space<vmem>>, vector<128x8x128xf32>,
    return
  }
  func.func @transform_0(%arg0: i32) -> (i32, i32) {
    %add3A = arith.constant 9 : i32
    %add3A_0 = arith.addi %arg0, %add3A : i32
    %c0_i32 = arith.constant 0 : i32
    %c0_i32_1 = arith.constant 0 : i32
    return %add3A_0, %c0_i32 : i32, i32
  }
  func.func @transform_1(%arg0: i32) -> (i32, i32) {
    %c0_i32 = arith.constant 0 : i32
    %c0_i32_0 = arith.constant 0 : i32
    %c0_i32_1 = arith.constant 0 : i32
    return %c0_i32, %c0_i32_0 : i32, i32
  }
  func.func @transform_2(%arg0: i32) -> (i32, i32, i32) {
    %c0_i32 = arith.constant 0 : i32
    %c0_i32_0 = arith.constant 0 : i32
    %c0_i32_1 = arith.constant 0 : i32
    return %arg0, %c0_i32, %c0_i32_0 : i32, i32, i32
  }
}

module attributes {stable_mosaic.version = 14 : i64} {
  func.func @_mm_body(%arg0: i32, %arg1: memref<16384x128xf32, #tpu.memory_space<vmem>>, %arg2: memref<128x8xf32, #tpu.memory_space<vmem>>, %arg3: memref<128x8x128xf32, #tpu.memory_space<vmem>>) attributes {dimension_semantics = [#tpu.dimension_semantics<arbitrary>], iteration_bounds = array<i64: 9>, scalar_prefetch = 0 : i64, scratch_operands = 0 : i64, tpu.core_type = #tpu.core_type<tc>, window_params = [{transform_indices = @transform_0, window_bounds = array<i64: 16384, 128>}, {pipeline_mode = #tpu.pipeline_mode<synchronous>, transform_indices = @transform_1, window_bounds = array<i64: 128, 8>}, {transform_indices = @transform_2, window_bounds = array<i64: 128, 8, 128>}]} {
    %get3A = arith.constant 0 : index
    %get3A_0 = arith.constant 0 : index
    %get3A_1 = vector.load %arg2[%get3A, %get3A_0] : memref<128x8xf32, #tpu.memory_space<vmem>>, vector<128x8xf32>
    %get3A_2 = arith.constant 0 : index
    %get3A_3 = arith.constant 0 : index
    %get3A_4 = vector.load %arg1[%get3A_2, %get3A_3] : memref<16384x128xf32, #tpu.memory_space<vmem>>, vector<16384x128xf32>
    %dot_general3A = arith.constant dense<0.000000e+00> : vector<8x16384xf32>
    %dot_general3A_5 = tpu.matmul %get3A_1, %get3A_4, %dot_general3A {dimension_numbers = #tpu.dot_dimension_numbers<[0], [1], [1], [0], [0, 1, 1, 0], [], []>, transpose_lhs_hint = false} : vector<128x8xf32>, vector<16384x128xf32>, vector<8x16384xf32> -> vector<8x16384xf32>
    %reshape3A = vector.shape_cast %dot_general3A_5 : vector<8x16384xf32> to vector<8x128x128xf32>
    %transpose3A = tpu.transpose %reshape3A, [1, 0, 2] : vector<8x128x128xf32> -> vector<128x8x128xf32>
    %swap3A = arith.constant 0 : index
    %swap3A_6 = arith.constant 0 : index
    %swap3A_7 = arith.constant 0 : index
    %swap3A_8 = vector.load %arg3[%swap3A, %swap3A_6, %swap3A_7] : memref<128x8x128xf32, #tpu.memory_space<vmem>>, vector<128x8x128xf32>
    tpu.vector_store %arg3[%swap3A, %swap3A_6, %swap3A_7], %transpose3A {strides = array<i32>} : memref<128x8x128xf32, #tpu.memory_space<vmem>>, vector<128x8x128xf32>,
    return
  }
  func.func @transform_0(%arg0: i32) -> (i32, i32) {
    %add3A = arith.constant 18 : i32
    %add3A_0 = arith.addi %arg0, %add3A : i32
    %c0_i32 = arith.constant 0 : i32
    %c0_i32_1 = arith.constant 0 : i32
    return %add3A_0, %c0_i32 : i32, i32
  }
  func.func @transform_1(%arg0: i32) -> (i32, i32) {
    %c0_i32 = arith.constant 0 : i32
    %c0_i32_0 = arith.constant 0 : i32
    %c0_i32_1 = arith.constant 0 : i32
    return %c0_i32, %c0_i32_0 : i32, i32
  }
  func.func @transform_2(%arg0: i32) -> (i32, i32, i32) {
    %c0_i32 = arith.constant 0 : i32
    %c0_i32_0 = arith.constant 0 : i32
    %c0_i32_1 = arith.constant 0 : i32
    return %arg0, %c0_i32, %c0_i32_0 : i32, i32, i32
  }
}

module attributes {stable_mosaic.version = 14 : i64} {
  func.func @_mm_body(%arg0: i32, %arg1: memref<16384x128xf32, #tpu.memory_space<vmem>>, %arg2: memref<128x8xf32, #tpu.memory_space<vmem>>, %arg3: memref<128x8x128xf32, #tpu.memory_space<vmem>>) attributes {dimension_semantics = [#tpu.dimension_semantics<arbitrary>], iteration_bounds = array<i64: 5>, scalar_prefetch = 0 : i64, scratch_operands = 0 : i64, tpu.core_type = #tpu.core_type<tc>, window_params = [{transform_indices = @transform_0, window_bounds = array<i64: 16384, 128>}, {pipeline_mode = #tpu.pipeline_mode<synchronous>, transform_indices = @transform_1, window_bounds = array<i64: 128, 8>}, {transform_indices = @transform_2, window_bounds = array<i64: 128, 8, 128>}]} {
    %get3A = arith.constant 0 : index
    %get3A_0 = arith.constant 0 : index
    %get3A_1 = vector.load %arg2[%get3A, %get3A_0] : memref<128x8xf32, #tpu.memory_space<vmem>>, vector<128x8xf32>
    %get3A_2 = arith.constant 0 : index
    %get3A_3 = arith.constant 0 : index
    %get3A_4 = vector.load %arg1[%get3A_2, %get3A_3] : memref<16384x128xf32, #tpu.memory_space<vmem>>, vector<16384x128xf32>
    %dot_general3A = arith.constant dense<0.000000e+00> : vector<8x16384xf32>
    %dot_general3A_5 = tpu.matmul %get3A_1, %get3A_4, %dot_general3A {dimension_numbers = #tpu.dot_dimension_numbers<[0], [1], [1], [0], [0, 1, 1, 0], [], []>, transpose_lhs_hint = false} : vector<128x8xf32>, vector<16384x128xf32>, vector<8x16384xf32> -> vector<8x16384xf32>
    %reshape3A = vector.shape_cast %dot_general3A_5 : vector<8x16384xf32> to vector<8x128x128xf32>
    %transpose3A = tpu.transpose %reshape3A, [1, 0, 2] : vector<8x128x128xf32> -> vector<128x8x128xf32>
    %swap3A = arith.constant 0 : index
    %swap3A_6 = arith.constant 0 : index
    %swap3A_7 = arith.constant 0 : index
    %swap3A_8 = vector.load %arg3[%swap3A, %swap3A_6, %swap3A_7] : memref<128x8x128xf32, #tpu.memory_space<vmem>>, vector<128x8x128xf32>
    tpu.vector_store %arg3[%swap3A, %swap3A_6, %swap3A_7], %transpose3A {strides = array<i32>} : memref<128x8x128xf32, #tpu.memory_space<vmem>>, vector<128x8x128xf32>,
    return
  }
  func.func @transform_0(%arg0: i32) -> (i32, i32) {
    %add3A = arith.constant 27 : i32
    %add3A_0 = arith.addi %arg0, %add3A : i32
    %c0_i32 = arith.constant 0 : i32
    %c0_i32_1 = arith.constant 0 : i32
    return %add3A_0, %c0_i32 : i32, i32
  }
  func.func @transform_1(%arg0: i32) -> (i32, i32) {
    %c0_i32 = arith.constant 0 : i32
    %c0_i32_0 = arith.constant 0 : i32
    %c0_i32_1 = arith.constant 0 : i32
    return %c0_i32, %c0_i32_0 : i32, i32
  }
  func.func @transform_2(%arg0: i32) -> (i32, i32, i32) {
    %c0_i32 = arith.constant 0 : i32
    %c0_i32_0 = arith.constant 0 : i32
    %c0_i32_1 = arith.constant 0 : i32
    return %arg0, %c0_i32, %c0_i32_0 : i32, i32, i32
  }
}

module attributes {stable_mosaic.version = 14 : i64} {
  func.func @_comb_body(%arg0: memref<32x8192xf32, #tpu.memory_space<vmem>>, %arg1: memref<32x8192xf32, #tpu.memory_space<vmem>>, %arg2: memref<32x8192xf32, #tpu.memory_space<vmem>>, %arg3: memref<32x8192xf32, #tpu.memory_space<vmem>>, %arg4: memref<8192xi32, #tpu.memory_space<vmem>>, %arg5: memref<8192xf32, #tpu.memory_space<vmem>>, %arg6: memref<8192xf32, #tpu.memory_space<vmem>>) attributes {dimension_semantics = [], scalar_prefetch = 0 : i64, scratch_operands = 0 : i64, tpu.core_type = #tpu.core_type<tc>} {
    %get3A = arith.constant 0 : index
    %get3A_0 = arith.constant 0 : index
    %get3A_1 = vector.load %arg0[%get3A, %get3A_0] : memref<32x8192xf32, #tpu.memory_space<vmem>>, vector<32x8192xf32>
    %reduce_sum3A = arith.constant dense<0.000000e+00> : vector<8192xf32>
    %reduce_sum3A_2 = vector.multi_reduction <add>, %get3A_1, %reduce_sum3A [0] : vector<32x8192xf32> to vector<8192xf32>
    %get3A_3 = arith.constant 0 : index
    %get3A_4 = arith.constant 0 : index
    %get3A_5 = vector.load %arg1[%get3A_3, %get3A_4] : memref<32x8192xf32, #tpu.memory_space<vmem>>, vector<32x8192xf32>
    %reduce_sum3A_6 = arith.constant dense<0.000000e+00> : vector<8192xf32>
    %reduce_sum3A_7 = vector.multi_reduction <add>, %get3A_5, %reduce_sum3A_6 [0] : vector<32x8192xf32> to vector<8192xf32>
    %add3A = arith.addf %reduce_sum3A_2, %reduce_sum3A_7 : vector<8192xf32>
    %get3A_8 = arith.constant 0 : index
    %get3A_9 = arith.constant 0 : index
    %get3A_10 = vector.load %arg2[%get3A_8, %get3A_9] : memref<32x8192xf32, #tpu.memory_space<vmem>>, vector<32x8192xf32>
    %reduce_sum3A_11 = arith.constant dense<0.000000e+00> : vector<8192xf32>
    %reduce_sum3A_12 = vector.multi_reduction <add>, %get3A_10, %reduce_sum3A_11 [0] : vector<32x8192xf32> to vector<8192xf32>
    %add3A_13 = arith.addf %add3A, %reduce_sum3A_12 : vector<8192xf32>
    %get3A_14 = arith.constant 0 : index
    %get3A_15 = arith.constant 0 : index
    %get3A_16 = vector.load %arg3[%get3A_14, %get3A_15] : memref<32x8192xf32, #tpu.memory_space<vmem>>, vector<32x8192xf32>
    %reduce_sum3A_17 = arith.constant dense<0.000000e+00> : vector<8192xf32>
    %reduce_sum3A_18 = vector.multi_reduction <add>, %get3A_16, %reduce_sum3A_17 [0] : vector<32x8192xf32> to vector<8192xf32>
    %add3A_19 = arith.addf %add3A_13, %reduce_sum3A_18 : vector<8192xf32>
    %get3A_20 = arith.constant 0 : index
    %get3A_21 = vector.load %arg4[%get3A_20] : memref<8192xi32, #tpu.memory_space<vmem>>, vector<8192xi32>
    %broadcast_in_dim3A = arith.constant 0.000000e+00 : f32
    %broadcast_in_dim3A_22 = vector.broadcast %broadcast_in_dim3A : f32 to vector<8192xf32>
    %eq3A = arith.constant 0 : i32
    %eq3A_23 = vector.broadcast %eq3A : i32 to vector<8192xi32>
    %eq3A_24 = arith.cmpi eq, %get3A_21, %eq3A_23 : vector<8192xi32>
    %select_n3A = arith.select %eq3A_24, %add3A_19, %broadcast_in_dim3A_22 : vector<8192xi1>, vector<8192xf32>
    %swap3A = arith.constant 0 : index
    %swap3A_25 = vector.load %arg5[%swap3A] : memref<8192xf32, #tpu.memory_space<vmem>>, vector<8192xf32>
    tpu.vector_store %arg5[%swap3A], %select_n3A {strides = array<i32>} : memref<8192xf32, #tpu.memory_space<vmem>>, vector<8192xf32>,
    %eq3A_26 = arith.constant 1 : i32
    %eq3A_27 = vector.broadcast %eq3A_26 : i32 to vector<8192xi32>
    %eq3A_28 = arith.cmpi eq, %get3A_21, %eq3A_27 : vector<8192xi32>
    %select_n3A_29 = arith.select %eq3A_28, %add3A_19, %broadcast_in_dim3A_22 : vector<8192xi1>, vector<8192xf32>
    %swap3A_30 = arith.constant 0 : index
    %swap3A_31 = vector.load %arg6[%swap3A_30] : memref<8192xf32, #tpu.memory_space<vmem>>, vector<8192xf32>
    tpu.vector_store %arg6[%swap3A_30], %select_n3A_29 {strides = array<i32>} : memref<8192xf32, #tpu.memory_space<vmem>>, vector<8192xf32>,
    return
  }
}

</mosaic_0001>

<sc_bundles>
// kernel: kernel.12.cloned.1.call-start
scs
__scs_entry_jumppad:
0x0: {  	(pc) =	sbr.rel $0x88, $3  }
0x1: {  	(tag) =	ssettag $0x0;
	lr =	simm.s32 $0x1  }
0x2: {  	[smem:$0x3F9C] =	sst lr;
	_ =	strace $0xD0000000  }
0x3: {  	_ = 	snop  }
0x4: {  	_ = 	snop  }
0x5: {  	_ = 	snop  }
0x6: {  	_ = 	snop  }
0x7: {  	_ = 	snop  }
__scs_overlays_trampoline_lowered:
0x8: {  	[smem:$0x3FAB] =	sst s0  }
0x9: {  	[smem:$0x3FAC] =	sst s1  }
0xa: {  	[smem:$0x3FAD] =	sst s2  }
0xb: {  	[smem:$0x3FAE] =	sst s3  }
0xc: {  	[smem:$0x3FAF] =	sst s4  }
0xd: {  	[smem:$0x3FB0] =	sst s5  }
0xe: {  	[smem:$0x3FB1] =	sst s6  }
0xf: {  	[smem:$0x3FB2] =	sst s7  }
0x10: {  	[smem:$0x3FB3] =	sst s8  }
0x11: {  	[smem:$0x3FB4] =	sst s9;
	s0 =	simm.s32 @!p0 $0x0  }
0x12: {  	s1 =	sld [smem:$0x3F9A];
	s0 =	simm.s32 @p0 $0x1  }
0x13: {  	[smem:$0x3FB5] =	sst s0;
	s0 =	simm.s32 @!p1 $0x0  }
0x14: {  	s2 =	sld [smem:$0x3F99];
	s0 =	simm.s32 @p1 $0x1  }
0x15: {  	[smem:$0x3FB6] =	sst s0;
	s0 =	simm.s32 @!p2 $0x0  }
0x16: {  	s3 =	sld [smem:$0x3FDB];
	s0 =	simm.s32 @p2 $0x1  }
0x17: {  	s4 =	simm.s32 $0x1BF5;
	[smem:$0x3FB8] =	sst s0  }
0x18: {  	s0 =	sld [smem:$0x3F9B];
	_ =	swait.ge [sflag:s4], $0x0  }
0x19: {  	s7 =	sld [smem:$0x3F9C]  }
0x1a: {  	s8 =	sadd.s32 $0xFFFFE003, lr  }
0x1b: {  	s9 =	sadd.s32 $0xFFFFFEF7, lr;
	s5 =	simm.s32 $0xFFFFFFFF;
	p2 =	slt.u32 s8, $0xFFFFF086  }
0x1c: {  	p1 =	slt.u32 s9, $0xF7A;
	s5 =	simm.s32 @!p2 $0x0  }
0x1d: {  	s5 =	simm.s32 @p1 $0x1;
	p0 =	seq.s32 s7, s2  }
0x1e: {  	s7 =	smul.u32 @!p0 $0xF7A, s2;
	p2 =	seq.s32 @!p0 s5, $0x0  }
0x1f: {  	s9 =	smul.u32 $0xF7A, s1;
	s8 =	simm.s32 @!p0 $0x1BF5;
	p2 =	por !p2, p0  }
0x20: {  	[sflag:s8] =	ssyncset.s32 @!p0 $0xFFFFF086;
	s6 =	sadd.s32 @!p0 s3, s7;
	s7 =	simm.s32 @!p0 $0x108  }
0x21: {  	s3 =	sadd.s32 s3, s9;
	s6 =	sadd.s32 @!p0 $0x88, s6;
	s7 =	simm.s32 @p2 $0x1082  }
0x22: {  	[simem:s7], [sflag:s8] =	dma.local @!p0 [hbm:s6], $0xF7A  }
0x23: {  	s9 =	sor.u32 $0xD0000000, s2;
	s6 =	simm.s32 $0x108;
	_ =	swait.ge @!p0 [sflag:s8], $0x0  }
0x24: {  	s3 =	sadd.s32 $0x88, s3;
	s6 =	simm.s32 @!p1 $0x1082;
	[sflag:s4] =	ssyncset.s32 $0xFFFFF086  }
0x25: {  	[simem:s6], [sflag:s4] =	dma.local [hbm:s3], $0xF7A  }
0x26: {  	[smem:$0x3F9C] =	sst s1;
	(tag) =	ssettag s2;
	_ =	strace s9  }
0x27: {  	s1 =	sld [smem:$0x3FAC]  }
0x28: {  	s2 =	sld [smem:$0x3FAD]  }
0x29: {  	s4 =	sld [smem:$0x3FAF]  }
0x2a: {  	p0 =	seq.s32 s5, $0x0;
	s5 =	sld [smem:$0x3FB0]  }
0x2b: {  	s6 =	sld [smem:$0x3FB1]  }
0x2c: {  	s7 =	sld [smem:$0x3FB2]  }
0x2d: {  	s3 =	simm.s32 $0x108;
	s8 =	sld [smem:$0x3FB3]  }
0x2e: {  	s3 =	simm.s32 @!p0 $0x1082;
	s9 =	sld [smem:$0x3FB4]  }
0x2f: {  	lr =	sadd.s32 s0, s3;
	s0 =	sld [smem:$0x3FAB]  }
0x30: {  	s3 =	sld [smem:$0x3FAE]  }
0x31: {  	[smem:$0x3FB7] =	sst s10  }
0x32: {  	s10 =	sld [smem:$0x3FB5];
	_ =	sdelay $0x3  }
0x33: {  	p0 =	seq.s32 s10, $0x1;
	s10 =	sld [smem:$0x3FB7];
	_ =	sdelay $0x3  }
0x34: {  	[smem:$0x3FB7] =	sst s10  }
0x35: {  	s10 =	sld [smem:$0x3FB6];
	_ =	sdelay $0x3  }
0x36: {  	p1 =	seq.s32 s10, $0x1;
	s10 =	sld [smem:$0x3FB7];
	_ =	sdelay $0x3  }
0x37: {  	[smem:$0x3FB7] =	sst s10  }
0x38: {  	s10 =	sld [smem:$0x3FB8]  }
0x39: {  	_ = 	snop;
	(pc) =	sbr.ind lr, $3  }
0x3a: {  	_ = 	snop  }
0x3b: {  	_ = 	snop  }
0x3c: {  	p2 =	seq.s32 s10, $0x1;
	s10 =	sld [smem:$0x3FB7]  }
0x3d: {  	_ =	shalt  }
0x3e: {  	_ =	shalt  }
0x3f: {  	_ =	shalt  }
0x40: {  	_ =	shalt  }
0x41: {  	_ =	shalt  }
0x42: {  	_ =	shalt  }
0x43: {  	_ =	shalt  }
0x44: {  	_ =	shalt  }
0x45: {  	_ =	shalt  }
0x46: {  	_ =	shalt  }
0x47: {  	_ =	shalt  }
0x48: {  	_ =	shalt  }
0x49: {  	_ =	shalt  }
0x4a: {  	_ =	shalt  }
0x4b: {  	_ =	shalt  }
0x4c: {  	_ =	shalt  }
0x4d: {  	_ =	shalt  }
0x4e: {  	_ =	shalt  }
0x4f: {  	_ =	shalt  }
0x50: {  	_ =	shalt  }
0x51: {  	_ =	shalt  }
0x52: {  	_ =	shalt  }
0x53: {  	_ =	shalt  }
0x54: {  	_ =	shalt  }
0x55: {  	_ =	shalt  }
0x56: {  	_ =	shalt  }
0x57: {  	_ =	shalt  }
0x58: {  	_ =	shalt  }
0x59: {  	_ =	shalt  }
0x5a: {  	_ =	shalt  }
0x5b: {  	_ =	shalt  }
0x5c: {  	_ =	shalt  }
0x5d: {  	_ =	shalt  }
0x5e: {  	_ =	shalt  }
0x5f: {  	_ =	shalt  }
0x60: {  	_ =	shalt  }
0x61: {  	_ =	shalt  }
0x62: {  	_ =	shalt  }
0x63: {  	_ =	shalt  }
0x64: {  	_ =	shalt  }
0x65: {  	_ =	shalt  }
0x66: {  	_ =	shalt  }
0x67: {  	_ =	shalt  }
0x68: {  	_ =	shalt  }
0x69: {  	_ =	shalt  }
0x6a: {  	_ =	shalt  }
0x6b: {  	_ =	shalt  }
0x6c: {  	_ =	shalt  }
0x6d: {  	_ =	shalt  }
0x6e: {  	_ =	shalt  }
0x6f: {  	_ =	shalt  }
0x70: {  	_ =	shalt  }
0x71: {  	_ =	shalt  }
0x72: {  	_ =	shalt  }
0x73: {  	_ =	shalt  }
0x74: {  	_ =	shalt  }
0x75: {  	_ =	shalt  }
0x76: {  	_ =	shalt  }
0x77: {  	_ =	shalt  }
0x78: {  	_ =	shalt  }
0x79: {  	_ =	shalt  }
0x7a: {  	_ =	shalt  }
0x7b: {  	_ =	shalt  }
0x7c: {  	_ =	shalt  }
0x7d: {  	_ =	shalt  }
0x7e: {  	_ =	shalt  }
0x7f: {  	_ =	shalt  }
0x80: {  	_ =	shalt  }
0x81: {  	_ =	shalt  }
0x82: {  	_ =	shalt  }
0x83: {  	_ =	shalt  }
0x84: {  	_ =	shalt  }
0x85: {  	_ =	shalt  }
0x86: {  	_ =	shalt  }
0x87: {  	_ =	shalt  }
.Lfunc_end0:
.L_simem_size_0:
called_computation_lowered:
.L_overlay_start_0:
0x88: {  	s2 =	sld [smem:$0x3FD9]  }
0x89: {  	s3 =	sld [smem:$0x3FFE];
	_ =	sdelay $0x1  }
0x8a: {  	s1 =	srdreg.scid  }
0x8b: {  	s0 =	sand.u32 $0x1, s1  }
0x8c: {  	s14 =	sshll.u32 s0, $0xA;
	s2 =	sadd.s32 s3, s2  }
0x8d: {  	s2 =	sadd.s32 s2, s14  }
0x8e: {  	[smem:$0x3FC3] =	sst s2  }
0x8f: {  	_ = 	snop  }
0x90: {  	s2 =	sld [smem:$0x3FD0];
	_ =	sdelay $0x1  }
0x91: {  	s15 =	sld [smem:$0x3FC8]  }
0x92: {  	s5 =	simm.s32 $0xA;
	s6 =	simm.s32 $0x10;
	s4 =	sld [smem:$0x3FC7]  }
0x93: {  	[smem:s6], [sflag:s5] =	dma.local [hbm:s2], $0x1  }
0x94: {  	_ =	swait.eq [sflag:s5], $0x1  }
0x95: {  	[sflag:s5] =	ssyncset.done $0x0  }
0x96: {  	s16 =	sld [smem:$0x11];
	[sflag:s5] =	ssyncadd.s32 $0xFFFFFFFF  }
0x97: {  	s17 =	sld [smem:$0x13];
	(tm) =	ssettm $0x1  }
0x98: {  	s18 =	sld [smem:$0x3FFB];
	_ =	sdelay $0x3  }
0x99: {  	_ =	strace s18  }
0x9a: {  	s6 =	sld [smem:$0x3FFC];
	_ =	sdelay $0x3  }
0x9b: {  	_ =	strace s6  }
0x9c: {  	s6 =	sld [smem:$0x3FFD];
	_ =	sdelay $0x3  }
0x9d: {  	_ =	strace s6  }
0x9e: {  	_ =	strace $0x8FFFFFFF  }
0x9f: {  	s19 =	sld [smem:$0x3FDB];
	_ =	sdelay $0x1  }
0xa0: {  	s7 =	simm.s32 $_scs_section_size  }
0xa1: {  	s8 =	simm.s32 $_size__tile_overlayer_lowered;
	s9 =	simm.s32 $_tile_overlayer_lowered  }
0xa2: {  	s22 =	simm.s32 $0x1BFF;
	s21 =	sshll.u32 s9, $0x1;
	s6 =	sadd.s32 s7, s19  }
0xa3: {  	s10 =	simm.s32 $0x0;
	s20 =	sshll.u32 s8, $0x1;
	s8 =	sadd.s32 s21, s6  }
0xa4: {  	[timem:s10], [sflag:s22] =	dma.local [hbm:s8], s20  }
0xa5: {  	_ =	swait.ge [sflag:s22], s20  }
0xa6: {  	s7 =	ssub.s32 $0x0, s20;
	[sflag:s22] =	ssyncset.done $0x0  }
0xa7: {  	[sflag:s22] =	ssyncadd.s32 s7;
	_ =	sdelay $0x1  }
0xa8: {  	s23 =	simm.s32 $0x1B8B  }
0xa9: {  	_ =	swait.ge [sflag:s23], $0x1  }
0xaa: {  	[sflag:s23] =	ssyncset.done $0x0  }
0xab: {  	s25 =	simm.s32 $0x1B8E;
	s24 =	sld [smem:$0x3FFE];
	[sflag:s23] =	ssyncadd.s32 $0xFFFFFFFF  }
0xac: {  	s26 =	simm.s32 $execute0_lowered;
	[smem:$0x3FD2] =	sst s25  }
0xad: {  	s8 =	sshll.u32 s26, $0x1;
	_ =	strace $0x80000046;
	[dreg:$0x1] =	wrdreg $0xFFFFFFFF  }
0xae: {  	s28 =	simm.s32 $_size_execute0_lowered;
	s6 =	sadd.s32 s6, s8;
	[dreg:$0x0] =	wrdreg $0x0  }
0xaf: {  	s8 =	sshll.u32 s28, $0x1;
	[dreg:$0x2] =	wrdreg s6  }
0xb0: {  	[dreg:$0x3] =	wrdreg s8  }
0xb1: {  	[dreg:$0x4] =	wrdreg $0xC0  }
0xb2: {  	_ =	task [dreg:s10], $0x5FFFF  }
0xb3: {  	[dreg:$0x1] =	wrdreg $0xFFFFFFFF  }
0xb4: {  	[dreg:$0x0] =	wrdreg $0x60  }
0xb5: {  	[dreg:$0x2] =	wrdreg s24  }
0xb6: {  	[dreg:$0x3] =	wrdreg s15  }
0xb7: {  	[dreg:$0x4] =	wrdreg s4  }
0xb8: {  	[dreg:$0x5] =	wrdreg s16  }
0xb9: {  	[dreg:$0x6] =	wrdreg s17  }
0xba: {  	[dreg:$0x7] =	wrdreg $0x9  }
0xbb: {  	_ =	task.clear_ibuf [dreg:s10], $0x8FFFF;
	_ =	strace $0x90000046  }
0xbc: {  	s29 =	simm.s32 $0x9;
	_ =	strace $0x80000048  }
0xbd: {  	_ =	swait.ge [sflag:s29], $0x1  }
0xbe: {  	[sflag:s29] =	ssyncadd.s32 $0xFFFFFFFF  }
0xbf: {  	_ =	strace $0x90000048  }
0xc0: {  	_ =	sfence  }
0xc1: {  	s30 =	sld [smem:$0x0];
	_ =	sdelay $0x2  }
0xc2: {  	s31 =	sshll.u32 s1, $0xD;
	s1 =	sshrl.u32 s1, $0x2  }
0xc3: {  	s3 =	sand.u32 $0x4000, s31;
	s1 =	sadd.s32 s1, s30  }
0xc4: {  	s0 =	sor.u32 s3, s0;
	s1 =	sshll.u32 s1, $0x11  }
0xc5: {  	s0 =	sor.u32 s1, s0  }
0xc6: {  	s0 =	sadd.s32 $0x8F2B, s0  }
0xc7: {  	[sflag:s0] =	ssyncadd.remote.s32 $0x1  }
0xc8: {  	_ =	sfence.sel $0xFFFF  }
0xc9: {  	[dreg:$0x0] =	wrdreg $0xFFFFFFFF;
	(pc) =	sbr.abs _section_cstart, $3  }
0xca: {  	[dreg:$0x1] =	wrdreg $0xFFFFFFFF  }
0xcb: {  	_ =	task.clear_ibuf [dreg:s10], $0x2FFFF;
	_ =	strace $0x9FFFFFFF  }
0xcc: {  	(tm) =	ssettm $0x7FFFFFFF  }
0xcd: {  	_ =	shalt  }
tec
execute0_lowered:
.L_overlay_start_1:
0x0: {  	(tag) =	ssettag $0x1  }
0x1: {  	s0 =	rddreg [dreg:$0x0]  }
0x2: {  	s2 =	rddreg [dreg:$0x1]  }
0x3: {  	s3 =	srdreg.scid;
	s6 =	rddreg [dreg:$0x3]  }
0x4: {  	s1 =	stileid.u32;
	s7 =	rddreg [dreg:$0x4]  }
0x5: {  	s15 =	simm.s32 $0x15280;
	s4 =	sand.u32 $0x1, s3;
	s28 =	sshll.u32 s1, $0x1  }
0x6: {  	s18 =	simm.s32 $0x0;
	s3 =	simm.s32 $0x0;
	s5 =	sor.u32 s4, s28  }
0x7: {  	s9 =	sshll.u32 s1, $0xB;
	[smem:$0x7FF] =	sst s3;
	s8 =	smul.u32 $0x1200, s5  }
0x8: {  	s9 =	sand.u32 $0x6000, s9;
	s4 =	ssub.s32 $0x2, s4;
	s29 =	smul.u32 $0x240, s5  }
0x9: {  	s10 =	sshrl.u32 s4, $0x1;
	s11 =	smul.u32 $0x900, s5;
	s5 =	sshll.u32 s5, $0x4  }
0xa: {  	_ =	strace $0x80000047;
	s10 =	ssub.s32 s4, s10;
	s31 =	sand.u32 $0x70, s5  }
0xb: {  	s8 =	sadd.s32 s8, s0;
	s0 =	sadd.s32 s9, s0;
	s30 =	sadd.s32 s2, s29  }
0xc: {  	s6 =	sadd.s32 s6, s11;
	s7 =	sadd.s32 s7, s11;
	s9 =	smax.u32 s10, $0x1  }
0xd: {  	v0 =	vimm.f32 $0.0e+00;
	s10 =	simm.s32 $0x1;
	s11 =	simm.s32 $0x2000;
	s0 =	sadd.s32 s31, s0  }
0xe: {  	v1 =	vimm.s32 $0xFFFFFFFF;
	v2 =	vlaneseq.u32;
	vm0 =	vmmov $0x7fff;
	[dreg:$0x6] =	wrdreg s30;
	s5 =	sadd.s32 $0x3E00, s8;
	s8 =	sadd.s32 $0x27E00, s0  }
.LBB2_1:
0xf: {  	s0 =	simm.s32 $0x40;
	s2 =	simm.s32 $0x0  }
.LBB2_2:
0x10: {  	p0 =	sne.s32 s0, $0x7FC0;
	[tilespmem:s2+$0x15280] =	vst v0;
	s2 =	smov.u32 s0;
	s0 =	sadd.s32 $0x40, s0  }
.Ltmp0:
0x11: {  	(pc) =	sbr.rel @p0 .LBB2_2-.Ltmp0, $2  }
0x12: {  	_ =	sdelay $0x2  }
0x13: {  	s2 =	sshra.s32 s2, $0x2  }
0x14: {  	[tilespmem:s2+$0x15280] =	vst v0;
	s0 =	simm.s32 $0x0;
	s1 =	rddreg [dreg:$0x2]  }
0x15: {  	[tilespmem:s0], [sflag:$0x1] =	stream.linear.gather [hbm4b:s1+s0], $0x2000, $0x38;
	[tilespmem:$0x17280] =	vst v63  }
0x16: {  	_ =	swait.ge [sflag:s10], $0x2000  }
0x17: {  	[sflag:s10] =	ssyncset.done $0x0  }
0x18: {  	s20 =	rddreg [dreg:$0x6];
	[sflag:s10] =	ssyncadd.s32 $0xFFFFE000  }
0x19: {  	[tilespmem:s11], [sflag:$0x1] =	stream.linear.gather [hbm4b:s20+s0], $0x1200, $0x38;
	[tilespmem:$0x17280] =	vst v63  }
0x1a: {  	_ =	swait.ge [sflag:s10], $0x1200  }
0x1b: {  	[sflag:s10] =	ssyncset.done $0x0  }
0x1c: {  	[sflag:s10] =	ssyncadd.s32 $0xFFFFEE00  }
0x1d: {  	s21 =	simm.s32 $0x3280;
	[tilespmem:$0x3200] =	vst v1  }
0x1e: {  	[tilespmem:s21], [sflag:$0x1] =	stream.linear.gather [hbm4b:s5+s0], $0x9000, $0x38;
	[tilespmem:$0x17280] =	vst v63  }
0x1f: {  	_ =	swait.ge [sflag:s10], $0x9000  }
0x20: {  	[sflag:s10] =	ssyncset.done $0x0  }
0x21: {  	s22 =	simm.s32 $0x2020;
	[sflag:s10] =	ssyncadd.s32 $0xFFFF7000  }
0x22: {  	v3 =	vld [tilespmem:s22+$0x10];
	_ =	sdelay $0x3  }
0x23: {  	v4 =	vld [tilespmem:s22+$0xFFFFFFE0]  }
0x24: {  	v5 =	vld [tilespmem:s22+$0xFFFFFFF0]  }
0x25: {  	s23 =	simm.s32 $0x0  }
0x26: {  	s19 =	simm.s32 $0x30;
	s2 =	sand.u32 $0x3FFFFC00, s23;
	v6 =	vld [tilespmem:s22+$0x0]  }
0x27: {  	s24 =	simm.s32 $0x10;
	s19 =	sand.u32 $0x70, s19;
	s20 =	sadd.s32 $0x3280, s2;
	v3 =	vld.idx.msk [tilespmem:v3+s3+$0x0], $0xffff  }
0x28: {  	s23 =	sand.u32 $0x50, s24;
	s22 =	sor.u32 s19, s20  }
0x29: {  	s2 =	sor.u32 s23, s20;
	v7 =	vld [tilespmem:s22+$0x0]  }
0x2a: {  	v9 =	vld [tilespmem:s2+$0x0]  }
0x2b: {  	s21 =	sand.u32 $0x40, s0;
	v4 =	vld.idx.msk [tilespmem:v4+s3+$0x0], $0xffff  }
0x2c: {  	s26 =	sor.u32 s21, s20;
	v5 =	vld.idx.msk [tilespmem:v5+s3+$0x0], $0xffff;
	vm1 =	veq.s32 v3, $0x0  }
0x2d: {  	s25 =	simm.s32 $0x20;
	v3 =	vld [tilespmem:s26+$0x0];
	v8 =	vsel vm1, $0x3F800000, v0  }
0x2e: {  	s24 =	sand.u32 $0x60, s25;
	s1 =	simm.s32 $0x0;
	v6 =	vld.idx.msk [tilespmem:v6+s3+$0x0], $0xffff;
	v10 =	vmul.f32 v8, v7  }
0x2f: {  	s0 =	sor.u32 s24, s20;
	s20 =	sand.u32 $0xFFFFFE00, s1  }
0x30: {  	v11 =	vld [tilespmem:s0+$0x0];
	s29 =	sor.u32 s20, s19;
	vm1 =	veq.s32 v4, $0x0;
	v4 =	vsub.f32 v7, v10  }
0x31: {  	v7 =	vsel vm1, $0x3F800000, v0;
	vm1 =	veq.s32 v5, $0x0;
	[tilespmem:s29+$0xC280] =	vst v10  }
0x32: {  	v15 =	vsel vm1, $0x3F800000, v0;
	v5 =	vmul.f32 v7, v3;
	[tilespmem:s29+$0x10A80] =	vst v4  }
0x33: {  	s21 =	sor.u32 s21, s20;
	vm1 =	veq.s32 v6, $0x0;
	v4 =	vmul.f32 v15, v9;
	v6 =	vld [tilespmem:s22+$0x80]  }
0x34: {  	s25 =	simm.s32 $0x2060;
	s19 =	sor.u32 s20, s23;
	v18 =	vsel vm1, $0x3F800000, v0;
	v3 =	vsub.f32 v3, v5;
	[tilespmem:s21+$0xC280] =	vst v5  }
0x35: {  	v10 =	vmul.f32 v18, v11;
	v5 =	vsub.f32 v9, v4;
	v9 =	vld [tilespmem:s25+$0x10];
	[tilespmem:s19+$0xC280] =	vst v4  }
0x36: {  	s4 =	simm.s32 $0x200;
	v4 =	vld [tilespmem:s25+$0x0];
	[tilespmem:s21+$0x10A80] =	vst v3  }
0x37: {  	s13 =	simm.s32 $0x70;
	s12 =	sand.u32 $0x3FFFFC00, s4;
	v3 =	vsub.f32 v11, v10;
	[tilespmem:s19+$0x10A80] =	vst v5;
	v5 =	vld [tilespmem:s25+$0xFFFFFFE0]  }
0x38: {  	s30 =	sand.u32 $0x70, s13;
	s14 =	sadd.s32 $0x3280, s12;
	s20 =	sor.u32 s20, s24;
	v12 =	vld [tilespmem:s26+$0x80];
	v11 =	vmul.f32 v6, v8  }
0x39: {  	s28 =	sor.u32 s30, s14;
	[tilespmem:s20+$0x10A80] =	vst v3;
	v3 =	vld [tilespmem:s25+$0xFFFFFFF0]  }
0x3a: {  	v14 =	vld [tilespmem:s28+$0x0];
	[tilespmem:s20+$0xC280] =	vst v10;
	v6 =	vsub.f32 v6, v11  }
0x3b: {  	v10 =	vld [tilespmem:s2+$0x80];
	[tilespmem:s29+$0xC300] =	vst v11  }
0x3c: {  	v11 =	vld [tilespmem:s0+$0x80];
	[tilespmem:s29+$0x10B00] =	vst v6  }
0x3d: {  	v13 =	vmul.f32 v12, v7;
	v6 =	vld [tilespmem:s22+$0x100]  }
0x3e: {  	v9 =	vld.idx.msk [tilespmem:v9+s3+$0x0], $0xffff  }
0x3f: {  	s25 =	simm.s32 $0x40;
	v16 =	vld.idx.msk [tilespmem:v4+s3+$0x0], $0xffff;
	v12 =	vsub.f32 v12, v13  }
0x40: {  	s16 =	simm.s32 $0x50;
	s31 =	sand.u32 $0x40, s25;
	[tilespmem:s21+$0xC300] =	vst v13;
	v13 =	vmul.f32 v10, v15;
	v5 =	vld.idx.msk [tilespmem:v5+s3+$0x0], $0xffff  }
0x41: {  	s17 =	simm.s32 $0x60;
	s12 =	sand.u32 $0x50, s16;
	s23 =	sor.u32 s31, s14;
	v3 =	vld.idx.msk [tilespmem:v3+s3+$0x0], $0xffff;
	[tilespmem:s21+$0x10B00] =	vst v12;
	v12 =	vmul.f32 v11, v18  }
0x42: {  	s1 =	sand.u32 $0x60, s17;
	s22 =	sor.u32 s12, s14;
	[tilespmem:s19+$0xC300] =	vst v13;
	v4 =	vsub.f32 v10, v13;
	v13 =	vld [tilespmem:s23+$0x0];
	v8 =	vmul.f32 v6, v8  }
0x43: {  	s24 =	sor.u32 s1, s14;
	v17 =	vld [tilespmem:s22+$0x0];
	[tilespmem:s20+$0xC300] =	vst v12;
	v10 =	vsub.f32 v11, v12;
	vm1 =	veq.s32 v9, $0x0  }
0x44: {  	v19 =	vld [tilespmem:s24+$0x0];
	[tilespmem:s19+$0x10B00] =	vst v4;
	v4 =	vsub.f32 v6, v8;
	v6 =	vsel vm1, $0x3F800000, v0  }
0x45: {  	s13 =	simm.s32 $0x100;
	v20 =	vld [tilespmem:s26+$0x100];
	[tilespmem:s20+$0x10B00] =	vst v10;
	vm1 =	veq.s32 v5, $0x0;
	v9 =	vmul.f32 v6, v14  }
0x46: {  	s13 =	sand.u32 $0xFFFFFE00, s13;
	v10 =	vld [tilespmem:s2+$0x100];
	vm2 =	veq.s32 v3, $0x0;
	[tilespmem:s29+$0xC380] =	vst v8;
	v3 =	vsel vm1, $0x3F800000, v0;
	vm1 =	veq.s32 v16, $0x0  }
0x47: {  	s26 =	sor.u32 s13, s30;
	v11 =	vld [tilespmem:s0+$0x100];
	[tilespmem:s29+$0x10B80] =	vst v4;
	v4 =	vsel vm2, $0x3F800000, v0;
	v21 =	vmul.f32 v3, v13;
	v16 =	vsub.f32 v14, v9  }
0x48: {  	v5 =	vsel vm1, $0x3F800000, v0;
	v12 =	vmul.f32 v4, v17;
	[tilespmem:s26+$0xC280] =	vst v9  }
0x49: {  	s31 =	sor.u32 s31, s13;
	v14 =	vmul.f32 v5, v19;
	v8 =	vsub.f32 v13, v21;
	[tilespmem:s26+$0x10A80] =	vst v16  }
0x4a: {  	v9 =	vmul.f32 v20, v7;
	[tilespmem:s31+$0xC280] =	vst v21;
	v16 =	vsub.f32 v17, v12;
	v13 =	vld [tilespmem:s28+$0x80]  }
0x4b: {  	s30 =	sor.u32 s13, s12;
	v17 =	vsub.f32 v19, v14;
	[tilespmem:s31+$0x10A80] =	vst v8;
	v8 =	vmul.f32 v10, v15  }
0x4c: {  	s2 =	simm.s32 $0x4;
	s0 =	simm.s32 $0x20A0;
	s29 =	sor.u32 s13, s1;
	v7 =	vmul.f32 v11, v18;
	v15 =	vld [tilespmem:s23+$0x80];
	[tilespmem:s30+$0x10A80] =	vst v16;
	v16 =	vsub.f32 v20, v9  }
.LBB2_4:
0x4d: {  	v18 =	vld [tilespmem:s0+$0x10];
	[tilespmem:s29+$0x10A80] =	vst v17;
	v10 =	vsub.f32 v10, v8  }
0x4e: {  	v17 =	vld [tilespmem:s0+$0xFFFFFFE0];
	[tilespmem:s30+$0xC280] =	vst v12;
	v11 =	vsub.f32 v11, v7  }
0x4f: {  	v12 =	vld [tilespmem:s0+$0xFFFFFFF0];
	[tilespmem:s29+$0xC280] =	vst v14;
	v14 =	vmul.f32 v13, v6  }
0x50: {  	v19 =	vld [tilespmem:s0+$0x0];
	[tilespmem:s21+$0x10B80] =	vst v16  }
0x51: {  	v16 =	vmul.f32 v15, v3;
	v20 =	vld [tilespmem:s22+$0x80];
	v13 =	vsub.f32 v13, v14;
	[tilespmem:s19+$0x10B80] =	vst v10  }
0x52: {  	v10 =	vld [tilespmem:s24+$0x80];
	[tilespmem:s26+$0xC300] =	vst v14  }
0x53: {  	s2 =	sadd.s32 $0x4, s2;
	v14 =	vsub.f32 v15, v16;
	[tilespmem:s26+$0x10B00] =	vst v13  }
0x54: {  	s25 =	sadd.s32 $0x40, s25;
	s1 =	sshll.u32 s2, $0x7;
	p0 =	slt.u32 s2, $0x11C;
	[tilespmem:s31+$0xC300] =	vst v16;
	v13 =	vld [tilespmem:s28+$0x100]  }
0x55: {  	s12 =	sadd.s32 $0x10, s25;
	s13 =	sadd.s32 $0x30, s25;
	s1 =	sand.u32 $0x3FFFFC00, s1;
	v15 =	vld.idx.msk [tilespmem:v18+s3+$0x0], $0xffff;
	[tilespmem:s31+$0x10B00] =	vst v14  }
0x56: {  	s13 =	sand.u32 $0x70, s13;
	s1 =	sadd.s32 $0x3280, s1;
	s28 =	sadd.s32 $0x20, s25;
	v14 =	vld.idx.msk [tilespmem:v17+s3+$0x0], $0xffff;
	v16 =	vmul.f32 v20, v4;
	[tilespmem:s20+$0x10B80] =	vst v11  }
0x57: {  	s12 =	sand.u32 $0x50, s12;
	s14 =	sand.u32 $0x60, s28;
	s28 =	sor.u32 s13, s1;
	v11 =	vld.idx.msk [tilespmem:v12+s3+$0x0], $0xffff;
	v12 =	vmul.f32 v10, v5;
	[tilespmem:s21+$0xC380] =	vst v9  }
0x58: {  	s16 =	sand.u32 $0x40, s25;
	s17 =	sor.u32 s12, s1;
	s4 =	sor.u32 s14, s1;
	v9 =	vld [tilespmem:s28+$0x0];
	[tilespmem:s30+$0xC300] =	vst v16;
	v16 =	vsub.f32 v20, v16  }
0x59: {  	s1 =	sor.u32 s16, s1;
	s21 =	smov.u32 s31;
	v17 =	vld.idx.msk [tilespmem:v19+s3+$0x0], $0xffff;
	[tilespmem:s29+$0xC300] =	vst v12;
	v10 =	vsub.f32 v10, v12;
	v12 =	vmul.f32 v13, v6  }
0x5a: {  	v18 =	vld [tilespmem:s1+$0x0];
	[tilespmem:s30+$0x10B00] =	vst v16  }
0x5b: {  	vm1 =	veq.s32 v15, $0x0;
	v16 =	vld [tilespmem:s17+$0x0];
	[tilespmem:s29+$0x10B00] =	vst v10;
	v10 =	vsub.f32 v13, v12  }
0x5c: {  	vm2 =	veq.s32 v14, $0x0;
	v6 =	vsel vm1, $0x3F800000, v0;
	v15 =	vld [tilespmem:s4+$0x0];
	[tilespmem:s19+$0xC380] =	vst v8;
	s19 =	smov.u32 s30  }
0x5d: {  	s30 =	sshll.u32 s2, $0x6;
	v8 =	vsel vm2, $0x3F800000, v0;
	vm1 =	veq.s32 v11, $0x0;
	v13 =	vmul.f32 v6, v9;
	v19 =	vld [tilespmem:s23+$0x100];
	[tilespmem:s26+$0x10B80] =	vst v10;
	s23 =	smov.u32 s1  }
0x5e: {  	s1 =	sand.u32 $0xFFFFFE00, s30;
	v20 =	vsel vm1, $0x3F800000, v0;
	v10 =	vld [tilespmem:s22+$0x100];
	[tilespmem:s20+$0xC380] =	vst v7;
	s22 =	smov.u32 s17;
	s20 =	smov.u32 s29  }
0x5f: {  	s31 =	sor.u32 s16, s1;
	s30 =	sor.u32 s1, s12;
	vm1 =	veq.s32 v17, $0x0;
	v7 =	vmul.f32 v8, v18;
	v9 =	vsub.f32 v9, v13;
	v11 =	vld [tilespmem:s24+$0x100];
	[tilespmem:s26+$0xC380] =	vst v12;
	s26 =	sor.u32 s1, s13  }
.Ltmp1:
0x60: {  	s29 =	sor.u32 s1, s14;
	v21 =	vsel vm1, $0x3F800000, v0;
	s24 =	smov.u32 s4;
	v12 =	vmul.f32 v20, v16;
	[tilespmem:s26+$0xC280] =	vst v13;
	(pc) =	sbr.rel @p0 .LBB2_4-.Ltmp1, $4  }
0x61: {  	v17 =	vsub.f32 v18, v7;
	v14 =	vmul.f32 v21, v15;
	[tilespmem:s26+$0x10A80] =	vst v9  }
0x62: {  	[tilespmem:s31+$0xC280] =	vst v7;
	v7 =	vsub.f32 v16, v12;
	v13 =	vld [tilespmem:s28+$0x80];
	v9 =	vmul.f32 v19, v3;
	v3 =	vmov v8  }
0x63: {  	[tilespmem:s31+$0x10A80] =	vst v17;
	v17 =	vsub.f32 v15, v14;
	v8 =	vmul.f32 v10, v4;
	v4 =	vmov v20  }
0x64: {  	s0 =	sadd.s32 $0x40, s0;
	v15 =	vld [tilespmem:s23+$0x80];
	[tilespmem:s30+$0x10A80] =	vst v7;
	v16 =	vsub.f32 v19, v9;
	v7 =	vmul.f32 v11, v5;
	v5 =	vmov v21  }
0x65: {  	[tilespmem:s29+$0x10A80] =	vst v17  }
0x66: {  	[tilespmem:s30+$0xC280] =	vst v12  }
0x67: {  	[tilespmem:s29+$0xC280] =	vst v14  }
0x68: {  	[tilespmem:s21+$0xC380] =	vst v9  }
0x69: {  	[tilespmem:s19+$0xC380] =	vst v8;
	v53 =	vld [tilespmem:s22+$0x80];
	v52 =	vmul.f32 v13, v6  }
0x6a: {  	v17 =	vld [tilespmem:s24+$0x80];
	[tilespmem:s21+$0x10B80] =	vst v16  }
0x6b: {  	[tilespmem:s20+$0xC380] =	vst v7;
	v54 =	vmul.f32 v15, v3;
	v13 =	vsub.f32 v13, v52  }
0x6c: {  	[tilespmem:s26+$0xC300] =	vst v52  }
0x6d: {  	v55 =	vsub.f32 v15, v54;
	[tilespmem:s26+$0x10B00] =	vst v13  }
0x6e: {  	[tilespmem:s31+$0xC300] =	vst v54;
	v56 =	vmul.f32 v53, v4;
	v57 =	vld [tilespmem:s28+$0x100]  }
0x6f: {  	v58 =	vmul.f32 v17, v5;
	[tilespmem:s31+$0x10B00] =	vst v55  }
0x70: {  	[tilespmem:s30+$0xC300] =	vst v56;
	v13 =	vsub.f32 v53, v56;
	v59 =	vld [tilespmem:s23+$0x100]  }
0x71: {  	[tilespmem:s29+$0xC300] =	vst v58;
	v12 =	vsub.f32 v17, v58  }
0x72: {  	v10 =	vsub.f32 v10, v8;
	[tilespmem:s30+$0x10B00] =	vst v13  }
0x73: {  	v11 =	vsub.f32 v11, v7;
	[tilespmem:s29+$0x10B00] =	vst v12;
	v60 =	vld [tilespmem:s22+$0x100];
	v6 =	vmul.f32 v57, v6  }
0x74: {  	[tilespmem:s19+$0x10B80] =	vst v10;
	v61 =	vld [tilespmem:s24+$0x100]  }
0x75: {  	[tilespmem:s20+$0x10B80] =	vst v11;
	v62 =	vsub.f32 v57, v6;
	v3 =	vmul.f32 v59, v3  }
0x76: {  	[tilespmem:s26+$0xC380] =	vst v6  }
0x77: {  	[tilespmem:s26+$0x10B80] =	vst v62;
	v7 =	vsub.f32 v59, v3  }
0x78: {  	v4 =	vmul.f32 v60, v4;
	[tilespmem:s31+$0xC380] =	vst v3  }
0x79: {  	v5 =	vmul.f32 v61, v5;
	[tilespmem:s31+$0x10B80] =	vst v7  }
0x7a: {  	v6 =	vsub.f32 v60, v4;
	[tilespmem:s30+$0xC380] =	vst v4  }
0x7b: {  	v63 =	vsub.f32 v61, v5;
	[tilespmem:s29+$0xC380] =	vst v5  }
0x7c: {  	[tilespmem:s30+$0x10B80] =	vst v6  }
0x7d: {  	s0 =	simm.s32 $0x0;
	s1 =	simm.s32 $0xC280;
	[tilespmem:s29+$0x10B80] =	vst v63  }
0x7e: {  	[hbm4b:s6+s0] =	stream.linear.scatter [tilespmem:s1], [sflag:$0x1], $0x4800, $0x38;
	[tilespmem:$0x17280] =	vst v63  }
0x7f: {  	_ =	swait.ge [sflag:s10], $0x4800  }
0x80: {  	[sflag:s10] =	ssyncset.done $0x0  }
0x81: {  	s25 =	simm.s32 $0x10A80;
	[sflag:s10] =	ssyncadd.s32 $0xFFFFB800  }
0x82: {  	[hbm4b:s7+s0] =	stream.linear.scatter [tilespmem:s25], [sflag:$0x1], $0x4800, $0x38;
	[tilespmem:$0x17280] =	vst v63  }
0x83: {  	s0 =	sand.u32 $0x3F000, s0  }
0x84: {  	s26 =	simm.s32 $0x0;
	_ =	swait.ge [sflag:s10], $0x4800;
	s0 =	sshrl.u32 s0, $0x2  }
0x85: {  	s1 =	sand.u32 $0x60, s26;
	[sflag:s10] =	ssyncset.done $0x0;
	s2 =	sadd.s32 $0x3280, s0  }
0x86: {  	s28 =	simm.s32 $0x1;
	[sflag:s10] =	ssyncadd.s32 $0xFFFFB800;
	s1 =	sor.u32 s1, s2  }
0x87: {  	v3 =	vadd.s32 s28, v2;
	v4 =	vld [tilespmem:s1+$0x180];
	_ =	sdelay $0x4  }
0x88: {  	s0 =	simm.s32 $0x2010;
	v3 =	vld.idx.msk [tilespmem:v3+s11+$0x0], $0xffff;
	(xrf2) =	vadd.scan.msk.f32 $0xffff, v4  }
0x89: {  	v4 =	vld [tilespmem:s0+$0xFFFFFFF0];
	_ =	sdelay $0x2  }
0x8a: {  	vm1 =	veq.s32 v2, $0xF  }
0x8b: {  	v5 =	vsel vm1, $0xFFFFFFFF, v3  }
0x8c: {  	v6 =	vsel vm0, v3, v4;
	vm2 =	vne.s32 v4, v5  }
0x8d: {  	vm3 =	vne.s32 v4, v6;
	_ =	sdelay $0x2  }
0x8e: {  	v5, _, _ =	vpop (xrf2)  }
0x8f: {  	s29 =	simm.s32 $0x10;
	v6 =	vsub.f32 $0.0e+00, v5  }
0x90: {  	s4 =	simm.s32 $0x11;
	s1 =	sand.u32 $0x70, s29;
	[tilespmem:v4+s15+$0x0] =	vst.idx.add.f32.msk vm2, v5  }
0x91: {  	s1 =	sor.u32 s1, s2;
	v4 =	vadd.s32 s4, v2;
	[tilespmem:v3+s15+$0x0] =	vst.idx.add.f32.msk vm3, v6  }
0x92: {  	v5 =	vld [tilespmem:s1+$0x180];
	_ =	sdelay $0x3  }
0x93: {  	v3 =	vld.idx.msk [tilespmem:v4+s11+$0x0], $0xffff  }
0x94: {  	v4 =	vld [tilespmem:s0+$0x0];
	(xrf2) =	vadd.scan.msk.f32 $0xffff, v5;
	_ =	sdelay $0x3  }
0x95: {  	v5 =	vsel vm1, $0xFFFFFFFF, v3  }
0x96: {  	vm3 =	vne.s32 v4, v5  }
0x97: {  	v5 =	vsel vm0, v3, v4  }
0x98: {  	vm2 =	vne.s32 v4, v5  }
0x99: {  	s19 =	simm.s32 $0x400  }
0x9a: {  	s22 =	simm.s32 $0x51;
	s30 =	sand.u32 $0x3F000, s19  }
0x9b: {  	s24 =	simm.s32 $0x21;
	s31 =	simm.s32 $0x20;
	s1 =	sshrl.u32 s30, $0x2;
	v6, _, _ =	vpop (xrf2)  }
0x9c: {  	s23 =	sand.u32 $0x60, s31;
	s2 =	simm.s32 $0x31;
	s21 =	sadd.s32 $0x3280, s1;
	[tilespmem:v4+s15+$0x0] =	vst.idx.add.f32.msk vm3, v6;
	v4 =	vsub.f32 $0.0e+00, v6  }
.LBB2_6:
0x9d: {  	s1 =	sor.u32 s23, s21  }
0x9e: {  	v5 =	vadd.s32 s24, v2;
	[tilespmem:v3+s15+$0x0] =	vst.idx.add.f32.msk vm2, v4;
	s0 =	sadd.s32 $0x20, s0;
	s4 =	smov.u32 s22;
	s20 =	sadd.s32 $0x20, s22  }
0x9f: {  	p0 =	sne.s32 s22, $0x11F1;
	v3 =	vld [tilespmem:s1+$0x180];
	_ =	sdelay $0x3  }
0xa0: {  	v4 =	vld.idx.msk [tilespmem:v5+s11+$0x0], $0xffff  }
0xa1: {  	v5 =	vld [tilespmem:s0+$0xFFFFFFF0];
	(xrf2) =	vadd.scan.msk.f32 $0xffff, v3;
	_ =	sdelay $0x4  }
0xa2: {  	v3 =	vsel vm1, $0xFFFFFFFF, v4;
	v6 =	vsel vm0, v4, v5  }
0xa3: {  	vm2 =	vne.s32 v5, v3  }
0xa4: {  	vm3 =	vne.s32 v5, v6;
	_ =	sdelay $0x2  }
0xa5: {  	v3, _, _ =	vpop (xrf2)  }
0xa6: {  	s1 =	sadd.s32 $0xFFFFFFFF, s2;
	v6 =	vsub.f32 $0.0e+00, v3  }
0xa7: {  	s1 =	sand.u32 $0x70, s1;
	[tilespmem:v5+s15+$0x0] =	vst.idx.add.f32.msk vm2, v3;
	v3 =	vadd.s32 s2, v2;
	s2 =	smov.u32 s4  }
0xa8: {  	s1 =	sor.u32 s1, s21;
	[tilespmem:v4+s15+$0x0] =	vst.idx.add.f32.msk vm3, v6  }
0xa9: {  	v4 =	vld [tilespmem:s1+$0x180];
	_ =	sdelay $0x2  }
0xaa: {  	v3 =	vld.idx.msk [tilespmem:v3+s11+$0x0], $0xffff  }
0xab: {  	v5 =	vld [tilespmem:s0+$0x0]  }
0xac: {  	(xrf2) =	vadd.scan.msk.f32 $0xffff, v4;
	_ =	sdelay $0x3  }
0xad: {  	v4 =	vsel vm1, $0xFFFFFFFF, v3;
	v6 =	vsel vm0, v3, v5  }
0xae: {  	vm3 =	vne.s32 v5, v4;
	_ =	sdelay $0x1  }
0xaf: {  	vm2 =	vne.s32 v5, v6  }
.Ltmp2:
0xb0: {  	(pc) =	sbr.rel @p0 .LBB2_6-.Ltmp2, $4  }
0xb1: {  	s19 =	sadd.s32 $0x400, s19  }
0xb2: {  	s1 =	sand.u32 $0x3F000, s19;
	v4, _, _ =	vpop (xrf2)  }
0xb3: {  	s22 =	smov.u32 s20;
	s4 =	sadd.s32 $0xFFFFFFEF, s2;
	s1 =	sshrl.u32 s1, $0x2;
	[tilespmem:v5+s15+$0x0] =	vst.idx.add.f32.msk vm3, v4;
	v4 =	vsub.f32 $0.0e+00, v4  }
0xb4: {  	s24 =	sadd.s32 $0xFFFFFFF0, s2;
	s23 =	sand.u32 $0x60, s4;
	s21 =	sadd.s32 $0x3280, s1  }
0xb5: {  	_ =	sdelay $0x4  }
0xb6: {  	s1 =	sor.u32 s23, s21;
	[tilespmem:v3+s15+$0x0] =	vst.idx.add.f32.msk vm2, v4  }
0xb7: {  	v3 =	vadd.s32 s24, v2;
	v4 =	vld [tilespmem:s1+$0x180];
	_ =	sdelay $0x4  }
0xb8: {  	s0 =	sadd.s32 $0x20, s0;
	v3 =	vld.idx.msk [tilespmem:v3+s11+$0x0], $0xffff;
	(xrf2) =	vadd.scan.msk.f32 $0xffff, v4  }
0xb9: {  	v56 =	vld [tilespmem:s0+$0xFFFFFFF0];
	_ =	sdelay $0x2  }
0xba: {  	vm1 =	veq.s32 v2, $0xF  }
0xbb: {  	v5 =	vsel vm1, $0xFFFFFFFF, v3  }
0xbc: {  	v6 =	vsel vm0, v3, v56;
	vm2 =	vne.s32 v56, v5  }
0xbd: {  	vm3 =	vne.s32 v56, v6;
	_ =	sdelay $0x2  }
0xbe: {  	v57, _, _ =	vpop (xrf2)  }
0xbf: {  	s29 =	sadd.s32 $0xFFFFFFFF, s2;
	v58 =	vsub.f32 $0.0e+00, v57  }
0xc0: {  	s1 =	sand.u32 $0x70, s29;
	[tilespmem:v56+s15+$0x0] =	vst.idx.add.f32.msk vm2, v57  }
0xc1: {  	s1 =	sor.u32 s1, s21;
	[tilespmem:v3+s15+$0x0] =	vst.idx.add.f32.msk vm3, v58  }
0xc2: {  	v3 =	vadd.s32 s2, v2;
	v4 =	vld [tilespmem:s1+$0x180];
	_ =	sdelay $0x4  }
0xc3: {  	v3 =	vld.idx.msk [tilespmem:v3+s11+$0x0], $0xffff;
	(xrf2) =	vadd.scan.msk.f32 $0xffff, v4  }
0xc4: {  	v59 =	vld [tilespmem:s0+$0x0];
	_ =	sdelay $0x3  }
0xc5: {  	v60 =	vsel vm1, $0xFFFFFFFF, v3  }
0xc6: {  	v61 =	vsel vm0, v3, v59;
	vm1 =	vne.s32 v59, v60  }
0xc7: {  	vm2 =	vne.s32 v59, v61;
	_ =	sdelay $0x2  }
0xc8: {  	v62, _, _ =	vpop (xrf2)  }
0xc9: {  	s18 =	sadd.s32 $0x1, s18;
	v63 =	vsub.f32 $0.0e+00, v62  }
0xca: {  	p0 =	sne.s32 s18, s9;
	[tilespmem:v59+s15+$0x0] =	vst.idx.add.f32.msk vm1, v62  }
.Ltmp3:
0xcb: {  	s30 =	simm.s32 $0x80;
	s31 =	simm.s32 $0x400;
	[tilespmem:v3+s15+$0x0] =	vst.idx.add.f32.msk vm2, v63;
	(pc) =	sbr.rel @p0 .LBB2_1-.Ltmp3, $4  }
0xcc: {  	[hbm4b:s8+s30] =	stream.strided.scatter [tilespmem:s15], [sflag:$0x1], $0x2000, s31, s30, $0x38;
	[tilespmem:$0x17280] =	vst v63  }
0xcd: {  	_ =	swait.ge [sflag:s10], $0x2000  }
0xce: {  	[sflag:s10] =	ssyncset.done $0x0  }
0xcf: {  	[sflag:s10] =	ssyncadd.s32 $0xFFFFE000  }
0xd0: {  	_ =	sfence.sel $0x180000  }
0xd1: {  	[bflag:$0x0] =	sbarrier.arrive $0xFFFF  }
0xd2: {  	_ =	strace $0x90000047  }
0xd3: {  	s0 =	stileid.u32;
	[bflag:$0x2] =	sbarrier.arrive $0xFFFF  }
0xd4: {  	p0 =	sne.s32 s0, $0x0;
	s0 =	rddreg [dreg:$0x5]  }
0xd5: {  	s0 =	sadd.s32 @!p0 $0x100000, s0  }
0xd6: {  	[sflag:s0] =	ssyncadd.tile.s32 @!p0 $0x1;
	_ =	shalt  }
.Lfunc_end2:
_tile_overlayer_lowered:
.L_overlay_start_2:
0xd7: {  	(tag) =	ssettag $0x2  }
0xd8: {  	s0 =	rddreg [dreg:$0x0];
	s2 =	stileid.u32  }
0xd9: {  	s1 =	rddreg [dreg:$0x1];
	p0 =	sne.s32 s2, $0x0  }
0xda: {  	s3 =	rddreg [dreg:$0x2];
	[bflag:$0x3] =	sbarrier.arrive $0xFFFF;
	s2 =	simm.s32 @!p0 $0x1C01  }
0xdb: {  	[timem:s3], [sflag:s2] =	dma.local @!p0 [hbm:s0], s1  }
0xdc: {  	s0 =	simm.s32 @!p0 $0x1  }
0xdd: {  	_ =	swait.ge @!p0 [sflag:s0], s1  }
0xde: {  	s1 =	ssub.s32 @!p0 $0x0, s1;
	[sflag:s0] =	ssyncset.done @!p0 $0x0  }
0xdf: {  	[sflag:s0] =	ssyncadd.s32 @!p0 s1  }
0xe0: {  	[bflag:$0x3] =	sbarrier.arrive $0xFFFF  }
0xe1: {  	_ =	shalt  }

// kernel: kernel.15.cloned.1.call-start
scs
__scs_entry_jumppad:
0x0: {  	(pc) =	sbr.rel $0x88, $3  }
0x1: {  	(tag) =	ssettag $0x0;
	lr =	simm.s32 $0x1  }
0x2: {  	[smem:$0x3F9C] =	sst lr;
	_ =	strace $0xD0000000  }
0x3: {  	_ = 	snop  }
0x4: {  	_ = 	snop  }
0x5: {  	_ = 	snop  }
0x6: {  	_ = 	snop  }
0x7: {  	_ = 	snop  }
__scs_overlays_trampoline_lowered:
0x8: {  	[smem:$0x3FAB] =	sst s0  }
0x9: {  	[smem:$0x3FAC] =	sst s1  }
0xa: {  	[smem:$0x3FAD] =	sst s2  }
0xb: {  	[smem:$0x3FAE] =	sst s3  }
0xc: {  	[smem:$0x3FAF] =	sst s4  }
0xd: {  	[smem:$0x3FB0] =	sst s5  }
0xe: {  	[smem:$0x3FB1] =	sst s6  }
0xf: {  	[smem:$0x3FB2] =	sst s7  }
0x10: {  	[smem:$0x3FB3] =	sst s8  }
0x11: {  	[smem:$0x3FB4] =	sst s9;
	s0 =	simm.s32 @!p0 $0x0  }
0x12: {  	s1 =	sld [smem:$0x3F9A];
	s0 =	simm.s32 @p0 $0x1  }
0x13: {  	[smem:$0x3FB5] =	sst s0;
	s0 =	simm.s32 @!p1 $0x0  }
0x14: {  	s2 =	sld [smem:$0x3F99];
	s0 =	simm.s32 @p1 $0x1  }
0x15: {  	[smem:$0x3FB6] =	sst s0;
	s0 =	simm.s32 @!p2 $0x0  }
0x16: {  	s3 =	sld [smem:$0x3FDB];
	s0 =	simm.s32 @p2 $0x1  }
0x17: {  	s4 =	simm.s32 $0x1BF5;
	[smem:$0x3FB8] =	sst s0  }
0x18: {  	s0 =	sld [smem:$0x3F9B];
	_ =	swait.ge [sflag:s4], $0x0  }
0x19: {  	s7 =	sld [smem:$0x3F9C]  }
0x1a: {  	s8 =	sadd.s32 $0xFFFFE003, lr  }
0x1b: {  	s9 =	sadd.s32 $0xFFFFFEF7, lr;
	s5 =	simm.s32 $0xFFFFFFFF;
	p2 =	slt.u32 s8, $0xFFFFF086  }
0x1c: {  	p1 =	slt.u32 s9, $0xF7A;
	s5 =	simm.s32 @!p2 $0x0  }
0x1d: {  	s5 =	simm.s32 @p1 $0x1;
	p0 =	seq.s32 s7, s2  }
0x1e: {  	s7 =	smul.u32 @!p0 $0xF7A, s2;
	p2 =	seq.s32 @!p0 s5, $0x0  }
0x1f: {  	s9 =	smul.u32 $0xF7A, s1;
	s8 =	simm.s32 @!p0 $0x1BF5;
	p2 =	por !p2, p0  }
0x20: {  	[sflag:s8] =	ssyncset.s32 @!p0 $0xFFFFF086;
	s6 =	sadd.s32 @!p0 s3, s7;
	s7 =	simm.s32 @!p0 $0x108  }
0x21: {  	s3 =	sadd.s32 s3, s9;
	s6 =	sadd.s32 @!p0 $0x88, s6;
	s7 =	simm.s32 @p2 $0x1082  }
0x22: {  	[simem:s7], [sflag:s8] =	dma.local @!p0 [hbm:s6], $0xF7A  }
0x23: {  	s9 =	sor.u32 $0xD0000000, s2;
	s6 =	simm.s32 $0x108;
	_ =	swait.ge @!p0 [sflag:s8], $0x0  }
0x24: {  	s3 =	sadd.s32 $0x88, s3;
	s6 =	simm.s32 @!p1 $0x1082;
	[sflag:s4] =	ssyncset.s32 $0xFFFFF086  }
0x25: {  	[simem:s6], [sflag:s4] =	dma.local [hbm:s3], $0xF7A  }
0x26: {  	[smem:$0x3F9C] =	sst s1;
	(tag) =	ssettag s2;
	_ =	strace s9  }
0x27: {  	s1 =	sld [smem:$0x3FAC]  }
0x28: {  	s2 =	sld [smem:$0x3FAD]  }
0x29: {  	s4 =	sld [smem:$0x3FAF]  }
0x2a: {  	p0 =	seq.s32 s5, $0x0;
	s5 =	sld [smem:$0x3FB0]  }
0x2b: {  	s6 =	sld [smem:$0x3FB1]  }
0x2c: {  	s7 =	sld [smem:$0x3FB2]  }
0x2d: {  	s3 =	simm.s32 $0x108;
	s8 =	sld [smem:$0x3FB3]  }
0x2e: {  	s3 =	simm.s32 @!p0 $0x1082;
	s9 =	sld [smem:$0x3FB4]  }
0x2f: {  	lr =	sadd.s32 s0, s3;
	s0 =	sld [smem:$0x3FAB]  }
0x30: {  	s3 =	sld [smem:$0x3FAE]  }
0x31: {  	[smem:$0x3FB7] =	sst s10  }
0x32: {  	s10 =	sld [smem:$0x3FB5];
	_ =	sdelay $0x3  }
0x33: {  	p0 =	seq.s32 s10, $0x1;
	s10 =	sld [smem:$0x3FB7];
	_ =	sdelay $0x3  }
0x34: {  	[smem:$0x3FB7] =	sst s10  }
0x35: {  	s10 =	sld [smem:$0x3FB6];
	_ =	sdelay $0x3  }
0x36: {  	p1 =	seq.s32 s10, $0x1;
	s10 =	sld [smem:$0x3FB7];
	_ =	sdelay $0x3  }
0x37: {  	[smem:$0x3FB7] =	sst s10  }
0x38: {  	s10 =	sld [smem:$0x3FB8]  }
0x39: {  	_ = 	snop;
	(pc) =	sbr.ind lr, $3  }
0x3a: {  	_ = 	snop  }
0x3b: {  	_ = 	snop  }
0x3c: {  	p2 =	seq.s32 s10, $0x1;
	s10 =	sld [smem:$0x3FB7]  }
0x3d: {  	_ =	shalt  }
0x3e: {  	_ =	shalt  }
0x3f: {  	_ =	shalt  }
0x40: {  	_ =	shalt  }
0x41: {  	_ =	shalt  }
0x42: {  	_ =	shalt  }
0x43: {  	_ =	shalt  }
0x44: {  	_ =	shalt  }
0x45: {  	_ =	shalt  }
0x46: {  	_ =	shalt  }
0x47: {  	_ =	shalt  }
0x48: {  	_ =	shalt  }
0x49: {  	_ =	shalt  }
0x4a: {  	_ =	shalt  }
0x4b: {  	_ =	shalt  }
0x4c: {  	_ =	shalt  }
0x4d: {  	_ =	shalt  }
0x4e: {  	_ =	shalt  }
0x4f: {  	_ =	shalt  }
0x50: {  	_ =	shalt  }
0x51: {  	_ =	shalt  }
0x52: {  	_ =	shalt  }
0x53: {  	_ =	shalt  }
0x54: {  	_ =	shalt  }
0x55: {  	_ =	shalt  }
0x56: {  	_ =	shalt  }
0x57: {  	_ =	shalt  }
0x58: {  	_ =	shalt  }
0x59: {  	_ =	shalt  }
0x5a: {  	_ =	shalt  }
0x5b: {  	_ =	shalt  }
0x5c: {  	_ =	shalt  }
0x5d: {  	_ =	shalt  }
0x5e: {  	_ =	shalt  }
0x5f: {  	_ =	shalt  }
0x60: {  	_ =	shalt  }
0x61: {  	_ =	shalt  }
0x62: {  	_ =	shalt  }
0x63: {  	_ =	shalt  }
0x64: {  	_ =	shalt  }
0x65: {  	_ =	shalt  }
0x66: {  	_ =	shalt  }
0x67: {  	_ =	shalt  }
0x68: {  	_ =	shalt  }
0x69: {  	_ =	shalt  }
0x6a: {  	_ =	shalt  }
0x6b: {  	_ =	shalt  }
0x6c: {  	_ =	shalt  }
0x6d: {  	_ =	shalt  }
0x6e: {  	_ =	shalt  }
0x6f: {  	_ =	shalt  }
0x70: {  	_ =	shalt  }
0x71: {  	_ =	shalt  }
0x72: {  	_ =	shalt  }
0x73: {  	_ =	shalt  }
0x74: {  	_ =	shalt  }
0x75: {  	_ =	shalt  }
0x76: {  	_ =	shalt  }
0x77: {  	_ =	shalt  }
0x78: {  	_ =	shalt  }
0x79: {  	_ =	shalt  }
0x7a: {  	_ =	shalt  }
0x7b: {  	_ =	shalt  }
0x7c: {  	_ =	shalt  }
0x7d: {  	_ =	shalt  }
0x7e: {  	_ =	shalt  }
0x7f: {  	_ =	shalt  }
0x80: {  	_ =	shalt  }
0x81: {  	_ =	shalt  }
0x82: {  	_ =	shalt  }
0x83: {  	_ =	shalt  }
0x84: {  	_ =	shalt  }
0x85: {  	_ =	shalt  }
0x86: {  	_ =	shalt  }
0x87: {  	_ =	shalt  }
.Lfunc_end0:
.L_simem_size_0:
called_computation.1_lowered:
.L_overlay_start_0:
0x88: {  	s2 =	sld [smem:$0x3FD9]  }
0x89: {  	s3 =	sld [smem:$0x3FFE];
	_ =	sdelay $0x1  }
0x8a: {  	s1 =	srdreg.scid  }
0x8b: {  	s0 =	sand.u32 $0x1, s1  }
0x8c: {  	s14 =	sshll.u32 s0, $0xA;
	s2 =	sadd.s32 s3, s2  }
0x8d: {  	s2 =	sadd.s32 s2, s14  }
0x8e: {  	[smem:$0x3FC3] =	sst s2  }
0x8f: {  	_ = 	snop  }
0x90: {  	s2 =	sld [smem:$0x3FD0];
	_ =	sdelay $0x1  }
0x91: {  	s15 =	sld [smem:$0x3FC8]  }
0x92: {  	s5 =	simm.s32 $0xA;
	s6 =	simm.s32 $0x10;
	s4 =	sld [smem:$0x3FC7]  }
0x93: {  	[smem:s6], [sflag:s5] =	dma.local [hbm:s2], $0x1  }
0x94: {  	_ =	swait.eq [sflag:s5], $0x1  }
0x95: {  	[sflag:s5] =	ssyncset.done $0x0  }
0x96: {  	s16 =	sld [smem:$0x11];
	[sflag:s5] =	ssyncadd.s32 $0xFFFFFFFF  }
0x97: {  	s17 =	sld [smem:$0x13];
	(tm) =	ssettm $0x1  }
0x98: {  	s18 =	sld [smem:$0x3FFB];
	_ =	sdelay $0x3  }
0x99: {  	_ =	strace s18  }
0x9a: {  	s6 =	sld [smem:$0x3FFC];
	_ =	sdelay $0x3  }
0x9b: {  	_ =	strace s6  }
0x9c: {  	s6 =	sld [smem:$0x3FFD];
	_ =	sdelay $0x3  }
0x9d: {  	_ =	strace s6  }
0x9e: {  	_ =	strace $0x8FFFFFFF  }
0x9f: {  	s19 =	sld [smem:$0x3FDB];
	_ =	sdelay $0x1  }
0xa0: {  	s7 =	simm.s32 $_scs_section_size  }
0xa1: {  	s8 =	simm.s32 $_size__tile_overlayer_lowered;
	s9 =	simm.s32 $_tile_overlayer_lowered  }
0xa2: {  	s22 =	simm.s32 $0x1BFF;
	s21 =	sshll.u32 s9, $0x1;
	s6 =	sadd.s32 s7, s19  }
0xa3: {  	s10 =	simm.s32 $0x0;
	s20 =	sshll.u32 s8, $0x1;
	s8 =	sadd.s32 s21, s6  }
0xa4: {  	[timem:s10], [sflag:s22] =	dma.local [hbm:s8], s20  }
0xa5: {  	_ =	swait.ge [sflag:s22], s20  }
0xa6: {  	s7 =	ssub.s32 $0x0, s20;
	[sflag:s22] =	ssyncset.done $0x0  }
0xa7: {  	[sflag:s22] =	ssyncadd.s32 s7;
	_ =	sdelay $0x1  }
0xa8: {  	s23 =	simm.s32 $0x1B8B  }
0xa9: {  	_ =	swait.ge [sflag:s23], $0x1  }
0xaa: {  	[sflag:s23] =	ssyncset.done $0x0  }
0xab: {  	s25 =	simm.s32 $0x1B8E;
	s24 =	sld [smem:$0x3FFE];
	[sflag:s23] =	ssyncadd.s32 $0xFFFFFFFF  }
0xac: {  	s26 =	simm.s32 $execute0_lowered;
	[smem:$0x3FD2] =	sst s25  }
0xad: {  	s8 =	sshll.u32 s26, $0x1;
	_ =	strace $0x80000049;
	[dreg:$0x1] =	wrdreg $0xFFFFFFFF  }
0xae: {  	s28 =	simm.s32 $_size_execute0_lowered;
	s6 =	sadd.s32 s6, s8;
	[dreg:$0x0] =	wrdreg $0x0  }
0xaf: {  	s8 =	sshll.u32 s28, $0x1;
	[dreg:$0x2] =	wrdreg s6  }
0xb0: {  	[dreg:$0x3] =	wrdreg s8  }
0xb1: {  	[dreg:$0x4] =	wrdreg $0xC0  }
0xb2: {  	_ =	task [dreg:s10], $0x5FFFF  }
0xb3: {  	[dreg:$0x1] =	wrdreg $0xFFFFFFFF  }
0xb4: {  	[dreg:$0x0] =	wrdreg $0x60  }
0xb5: {  	[dreg:$0x2] =	wrdreg s24  }
0xb6: {  	[dreg:$0x3] =	wrdreg s15  }
0xb7: {  	[dreg:$0x4] =	wrdreg s4  }
0xb8: {  	[dreg:$0x5] =	wrdreg s16  }
0xb9: {  	[dreg:$0x6] =	wrdreg s17  }
0xba: {  	[dreg:$0x7] =	wrdreg $0x9  }
0xbb: {  	_ =	task.clear_ibuf [dreg:s10], $0x8FFFF;
	_ =	strace $0x90000049  }
0xbc: {  	s29 =	simm.s32 $0x9;
	_ =	strace $0x8000004B  }
0xbd: {  	_ =	swait.ge [sflag:s29], $0x1  }
0xbe: {  	[sflag:s29] =	ssyncadd.s32 $0xFFFFFFFF  }
0xbf: {  	_ =	strace $0x9000004B  }
0xc0: {  	_ =	sfence  }
0xc1: {  	s30 =	sld [smem:$0x0];
	_ =	sdelay $0x2  }
0xc2: {  	s31 =	sshll.u32 s1, $0xD;
	s1 =	sshrl.u32 s1, $0x2  }
0xc3: {  	s3 =	sand.u32 $0x4000, s31;
	s1 =	sadd.s32 s1, s30  }
0xc4: {  	s0 =	sor.u32 s3, s0;
	s1 =	sshll.u32 s1, $0x11  }
0xc5: {  	s0 =	sor.u32 s1, s0  }
0xc6: {  	s0 =	sadd.s32 $0x8F2B, s0  }
0xc7: {  	[sflag:s0] =	ssyncadd.remote.s32 $0x1  }
0xc8: {  	_ =	sfence.sel $0xFFFF  }
0xc9: {  	[dreg:$0x0] =	wrdreg $0xFFFFFFFF;
	(pc) =	sbr.abs _section_cstart, $3  }
0xca: {  	[dreg:$0x1] =	wrdreg $0xFFFFFFFF  }
0xcb: {  	_ =	task.clear_ibuf [dreg:s10], $0x2FFFF;
	_ =	strace $0x9FFFFFFF  }
0xcc: {  	(tm) =	ssettm $0x7FFFFFFF  }
0xcd: {  	_ =	shalt  }
tec
execute0_lowered:
.L_overlay_start_1:
0x0: {  	(tag) =	ssettag $0x1  }
0x1: {  	s0 =	rddreg [dreg:$0x0]  }
0x2: {  	s2 =	rddreg [dreg:$0x1]  }
0x3: {  	s6 =	rddreg [dreg:$0x3];
	s3 =	srdreg.scid  }
0x4: {  	s1 =	stileid.u32;
	s7 =	rddreg [dreg:$0x4];
	s11 =	simm.s32 $0x2000  }
0x5: {  	s15 =	simm.s32 $0x15280;
	s18 =	simm.s32 $0x0;
	s4 =	sand.u32 $0x1, s3  }
0x6: {  	s5 =	sshll.u32 s1, $0x1;
	s3 =	simm.s32 $0x0;
	s9 =	sshll.u32 s1, $0xB  }
0x7: {  	s5 =	sor.u32 s4, s5;
	[smem:$0x7FF] =	sst s3;
	s9 =	sand.u32 $0x6000, s9  }
0x8: {  	s4 =	ssub.s32 $0x2, s4;
	s8 =	smul.u32 $0x1200, s5;
	s5 =	sshll.u32 s5, $0x4  }
0x9: {  	_ =	strace $0x8000004A;
	s26 =	sshrl.u32 s4, $0x1;
	s31 =	sand.u32 $0x70, s5  }
0xa: {  	s10 =	sadd.s32 s8, s0;
	s0 =	sadd.s32 s9, s0;
	s8 =	sadd.s32 $0x24000, s8  }
0xb: {  	s9 =	ssub.s32 s4, s26;
	s28 =	sshrl.u32 s8, $0x3;
	s30 =	sshrl.u32 s8, $0x1  }
0xc: {  	s5 =	sadd.s32 $0x2FE00, s10;
	s0 =	sadd.s32 s31, s0;
	s9 =	smax.u32 s9, $0x1  }
0xd: {  	v0 =	vimm.f32 $0.0e+00;
	s10 =	simm.s32 $0x1;
	s29 =	sadd.s32 s2, s28;
	s6 =	sadd.s32 s6, s30  }
0xe: {  	v1 =	vimm.s32 $0xFFFFFFFF;
	v2 =	vlaneseq.u32;
	vm0 =	vmmov $0x7fff;
	s7 =	sadd.s32 s7, s30;
	s8 =	sadd.s32 $0x3E00, s0;
	[dreg:$0x6] =	wrdreg s29  }
.LBB2_1:
0xf: {  	s0 =	simm.s32 $0x40;
	s2 =	simm.s32 $0x0  }
.LBB2_2:
0x10: {  	p0 =	sne.s32 s0, $0x7FC0;
	[tilespmem:s2+$0x15280] =	vst v0;
	s2 =	smov.u32 s0;
	s0 =	sadd.s32 $0x40, s0  }
.Ltmp0:
0x11: {  	(pc) =	sbr.rel @p0 .LBB2_2-.Ltmp0, $2  }
0x12: {  	_ =	sdelay $0x2  }
0x13: {  	s2 =	sshra.s32 s2, $0x2  }
0x14: {  	[tilespmem:s2+$0x15280] =	vst v0;
	s0 =	simm.s32 $0x0;
	s1 =	rddreg [dreg:$0x2]  }
0x15: {  	[tilespmem:s0], [sflag:$0x1] =	stream.linear.gather [hbm4b:s1+s0], $0x2000, $0x38;
	[tilespmem:$0x17280] =	vst v63  }
0x16: {  	_ =	swait.ge [sflag:s10], $0x2000  }
0x17: {  	[sflag:s10] =	ssyncset.done $0x0  }
0x18: {  	s20 =	rddreg [dreg:$0x6];
	[sflag:s10] =	ssyncadd.s32 $0xFFFFE000  }
0x19: {  	[tilespmem:s11], [sflag:$0x1] =	stream.linear.gather [hbm4b:s20+s0], $0x1200, $0x38;
	[tilespmem:$0x17280] =	vst v63  }
0x1a: {  	_ =	swait.ge [sflag:s10], $0x1200  }
0x1b: {  	[sflag:s10] =	ssyncset.done $0x0  }
0x1c: {  	[sflag:s10] =	ssyncadd.s32 $0xFFFFEE00  }
0x1d: {  	s21 =	simm.s32 $0x3280;
	[tilespmem:$0x3200] =	vst v1  }
0x1e: {  	[tilespmem:s21], [sflag:$0x1] =	stream.linear.gather [hbm4b:s5+s0], $0x9000, $0x38;
	[tilespmem:$0x17280] =	vst v63  }
0x1f: {  	_ =	swait.ge [sflag:s10], $0x9000  }
0x20: {  	[sflag:s10] =	ssyncset.done $0x0  }
0x21: {  	s22 =	simm.s32 $0x2020;
	[sflag:s10] =	ssyncadd.s32 $0xFFFF7000  }
0x22: {  	v3 =	vld [tilespmem:s22+$0x10];
	_ =	sdelay $0x3  }
0x23: {  	v4 =	vld [tilespmem:s22+$0xFFFFFFE0]  }
0x24: {  	v5 =	vld [tilespmem:s22+$0xFFFFFFF0]  }
0x25: {  	s23 =	simm.s32 $0x0  }
0x26: {  	s19 =	simm.s32 $0x30;
	s2 =	sand.u32 $0x3FFFFC00, s23;
	v6 =	vld [tilespmem:s22+$0x0]  }
0x27: {  	s24 =	simm.s32 $0x10;
	s19 =	sand.u32 $0x70, s19;
	s20 =	sadd.s32 $0x3280, s2;
	v3 =	vld.idx.msk [tilespmem:v3+s3+$0x0], $0xffff  }
0x28: {  	s23 =	sand.u32 $0x50, s24;
	s22 =	sor.u32 s19, s20  }
0x29: {  	s2 =	sor.u32 s23, s20;
	v7 =	vld [tilespmem:s22+$0x0]  }
0x2a: {  	v9 =	vld [tilespmem:s2+$0x0]  }
0x2b: {  	s21 =	sand.u32 $0x40, s0;
	v4 =	vld.idx.msk [tilespmem:v4+s3+$0x0], $0xffff  }
0x2c: {  	s26 =	sor.u32 s21, s20;
	v5 =	vld.idx.msk [tilespmem:v5+s3+$0x0], $0xffff;
	vm1 =	veq.s32 v3, $0x0  }
0x2d: {  	s25 =	simm.s32 $0x20;
	v3 =	vld [tilespmem:s26+$0x0];
	v8 =	vsel vm1, $0x3F800000, v0  }
0x2e: {  	s24 =	sand.u32 $0x60, s25;
	s1 =	simm.s32 $0x0;
	v6 =	vld.idx.msk [tilespmem:v6+s3+$0x0], $0xffff;
	v10 =	vmul.f32 v8, v7  }
0x2f: {  	s0 =	sor.u32 s24, s20;
	s20 =	sand.u32 $0xFFFFFE00, s1  }
0x30: {  	v11 =	vld [tilespmem:s0+$0x0];
	s29 =	sor.u32 s20, s19;
	vm1 =	veq.s32 v4, $0x0;
	v4 =	vsub.f32 v7, v10  }
0x31: {  	v7 =	vsel vm1, $0x3F800000, v0;
	vm1 =	veq.s32 v5, $0x0;
	[tilespmem:s29+$0xC280] =	vst v10  }
0x32: {  	v15 =	vsel vm1, $0x3F800000, v0;
	v5 =	vmul.f32 v7, v3;
	[tilespmem:s29+$0x10A80] =	vst v4  }
0x33: {  	s21 =	sor.u32 s21, s20;
	vm1 =	veq.s32 v6, $0x0;
	v4 =	vmul.f32 v15, v9;
	v6 =	vld [tilespmem:s22+$0x80]  }
0x34: {  	s25 =	simm.s32 $0x2060;
	s19 =	sor.u32 s20, s23;
	v18 =	vsel vm1, $0x3F800000, v0;
	v3 =	vsub.f32 v3, v5;
	[tilespmem:s21+$0xC280] =	vst v5  }
0x35: {  	v10 =	vmul.f32 v18, v11;
	v5 =	vsub.f32 v9, v4;
	v9 =	vld [tilespmem:s25+$0x10];
	[tilespmem:s19+$0xC280] =	vst v4  }
0x36: {  	s4 =	simm.s32 $0x200;
	v4 =	vld [tilespmem:s25+$0x0];
	[tilespmem:s21+$0x10A80] =	vst v3  }
0x37: {  	s13 =	simm.s32 $0x70;
	s12 =	sand.u32 $0x3FFFFC00, s4;
	v3 =	vsub.f32 v11, v10;
	[tilespmem:s19+$0x10A80] =	vst v5;
	v5 =	vld [tilespmem:s25+$0xFFFFFFE0]  }
0x38: {  	s30 =	sand.u32 $0x70, s13;
	s14 =	sadd.s32 $0x3280, s12;
	s20 =	sor.u32 s20, s24;
	v12 =	vld [tilespmem:s26+$0x80];
	v11 =	vmul.f32 v6, v8  }
0x39: {  	s28 =	sor.u32 s30, s14;
	[tilespmem:s20+$0x10A80] =	vst v3;
	v3 =	vld [tilespmem:s25+$0xFFFFFFF0]  }
0x3a: {  	v14 =	vld [tilespmem:s28+$0x0];
	[tilespmem:s20+$0xC280] =	vst v10;
	v6 =	vsub.f32 v6, v11  }
0x3b: {  	v10 =	vld [tilespmem:s2+$0x80];
	[tilespmem:s29+$0xC300] =	vst v11  }
0x3c: {  	v11 =	vld [tilespmem:s0+$0x80];
	[tilespmem:s29+$0x10B00] =	vst v6  }
0x3d: {  	v13 =	vmul.f32 v12, v7;
	v6 =	vld [tilespmem:s22+$0x100]  }
0x3e: {  	v9 =	vld.idx.msk [tilespmem:v9+s3+$0x0], $0xffff  }
0x3f: {  	s25 =	simm.s32 $0x40;
	v16 =	vld.idx.msk [tilespmem:v4+s3+$0x0], $0xffff;
	v12 =	vsub.f32 v12, v13  }
0x40: {  	s16 =	simm.s32 $0x50;
	s31 =	sand.u32 $0x40, s25;
	[tilespmem:s21+$0xC300] =	vst v13;
	v13 =	vmul.f32 v10, v15;
	v5 =	vld.idx.msk [tilespmem:v5+s3+$0x0], $0xffff  }
0x41: {  	s17 =	simm.s32 $0x60;
	s12 =	sand.u32 $0x50, s16;
	s23 =	sor.u32 s31, s14;
	v3 =	vld.idx.msk [tilespmem:v3+s3+$0x0], $0xffff;
	[tilespmem:s21+$0x10B00] =	vst v12;
	v12 =	vmul.f32 v11, v18  }
0x42: {  	s1 =	sand.u32 $0x60, s17;
	s22 =	sor.u32 s12, s14;
	[tilespmem:s19+$0xC300] =	vst v13;
	v4 =	vsub.f32 v10, v13;
	v13 =	vld [tilespmem:s23+$0x0];
	v8 =	vmul.f32 v6, v8  }
0x43: {  	s24 =	sor.u32 s1, s14;
	v17 =	vld [tilespmem:s22+$0x0];
	[tilespmem:s20+$0xC300] =	vst v12;
	v10 =	vsub.f32 v11, v12;
	vm1 =	veq.s32 v9, $0x0  }
0x44: {  	v19 =	vld [tilespmem:s24+$0x0];
	[tilespmem:s19+$0x10B00] =	vst v4;
	v4 =	vsub.f32 v6, v8;
	v6 =	vsel vm1, $0x3F800000, v0  }
0x45: {  	s13 =	simm.s32 $0x100;
	v20 =	vld [tilespmem:s26+$0x100];
	[tilespmem:s20+$0x10B00] =	vst v10;
	vm1 =	veq.s32 v5, $0x0;
	v9 =	vmul.f32 v6, v14  }
0x46: {  	s13 =	sand.u32 $0xFFFFFE00, s13;
	v10 =	vld [tilespmem:s2+$0x100];
	vm2 =	veq.s32 v3, $0x0;
	[tilespmem:s29+$0xC380] =	vst v8;
	v3 =	vsel vm1, $0x3F800000, v0;
	vm1 =	veq.s32 v16, $0x0  }
0x47: {  	s26 =	sor.u32 s13, s30;
	v11 =	vld [tilespmem:s0+$0x100];
	[tilespmem:s29+$0x10B80] =	vst v4;
	v4 =	vsel vm2, $0x3F800000, v0;
	v21 =	vmul.f32 v3, v13;
	v16 =	vsub.f32 v14, v9  }
0x48: {  	v5 =	vsel vm1, $0x3F800000, v0;
	v12 =	vmul.f32 v4, v17;
	[tilespmem:s26+$0xC280] =	vst v9  }
0x49: {  	s31 =	sor.u32 s31, s13;
	v14 =	vmul.f32 v5, v19;
	v8 =	vsub.f32 v13, v21;
	[tilespmem:s26+$0x10A80] =	vst v16  }
0x4a: {  	v9 =	vmul.f32 v20, v7;
	[tilespmem:s31+$0xC280] =	vst v21;
	v16 =	vsub.f32 v17, v12;
	v13 =	vld [tilespmem:s28+$0x80]  }
0x4b: {  	s30 =	sor.u32 s13, s12;
	v17 =	vsub.f32 v19, v14;
	[tilespmem:s31+$0x10A80] =	vst v8;
	v8 =	vmul.f32 v10, v15  }
0x4c: {  	s2 =	simm.s32 $0x4;
	s0 =	simm.s32 $0x20A0;
	s29 =	sor.u32 s13, s1;
	v7 =	vmul.f32 v11, v18;
	v15 =	vld [tilespmem:s23+$0x80];
	[tilespmem:s30+$0x10A80] =	vst v16;
	v16 =	vsub.f32 v20, v9  }
.LBB2_4:
0x4d: {  	v18 =	vld [tilespmem:s0+$0x10];
	[tilespmem:s29+$0x10A80] =	vst v17;
	v10 =	vsub.f32 v10, v8  }
0x4e: {  	v17 =	vld [tilespmem:s0+$0xFFFFFFE0];
	[tilespmem:s30+$0xC280] =	vst v12;
	v11 =	vsub.f32 v11, v7  }
0x4f: {  	v12 =	vld [tilespmem:s0+$0xFFFFFFF0];
	[tilespmem:s29+$0xC280] =	vst v14;
	v14 =	vmul.f32 v13, v6  }
0x50: {  	v19 =	vld [tilespmem:s0+$0x0];
	[tilespmem:s21+$0x10B80] =	vst v16  }
0x51: {  	v16 =	vmul.f32 v15, v3;
	v20 =	vld [tilespmem:s22+$0x80];
	v13 =	vsub.f32 v13, v14;
	[tilespmem:s19+$0x10B80] =	vst v10  }
0x52: {  	v10 =	vld [tilespmem:s24+$0x80];
	[tilespmem:s26+$0xC300] =	vst v14  }
0x53: {  	s2 =	sadd.s32 $0x4, s2;
	v14 =	vsub.f32 v15, v16;
	[tilespmem:s26+$0x10B00] =	vst v13  }
0x54: {  	s25 =	sadd.s32 $0x40, s25;
	s1 =	sshll.u32 s2, $0x7;
	p0 =	slt.u32 s2, $0x11C;
	[tilespmem:s31+$0xC300] =	vst v16;
	v13 =	vld [tilespmem:s28+$0x100]  }
0x55: {  	s12 =	sadd.s32 $0x10, s25;
	s13 =	sadd.s32 $0x30, s25;
	s1 =	sand.u32 $0x3FFFFC00, s1;
	v15 =	vld.idx.msk [tilespmem:v18+s3+$0x0], $0xffff;
	[tilespmem:s31+$0x10B00] =	vst v14  }
0x56: {  	s13 =	sand.u32 $0x70, s13;
	s1 =	sadd.s32 $0x3280, s1;
	s28 =	sadd.s32 $0x20, s25;
	v14 =	vld.idx.msk [tilespmem:v17+s3+$0x0], $0xffff;
	v16 =	vmul.f32 v20, v4;
	[tilespmem:s20+$0x10B80] =	vst v11  }
0x57: {  	s12 =	sand.u32 $0x50, s12;
	s14 =	sand.u32 $0x60, s28;
	s28 =	sor.u32 s13, s1;
	v11 =	vld.idx.msk [tilespmem:v12+s3+$0x0], $0xffff;
	v12 =	vmul.f32 v10, v5;
	[tilespmem:s21+$0xC380] =	vst v9  }
0x58: {  	s16 =	sand.u32 $0x40, s25;
	s17 =	sor.u32 s12, s1;
	s4 =	sor.u32 s14, s1;
	v9 =	vld [tilespmem:s28+$0x0];
	[tilespmem:s30+$0xC300] =	vst v16;
	v16 =	vsub.f32 v20, v16  }
0x59: {  	s1 =	sor.u32 s16, s1;
	s21 =	smov.u32 s31;
	v17 =	vld.idx.msk [tilespmem:v19+s3+$0x0], $0xffff;
	[tilespmem:s29+$0xC300] =	vst v12;
	v10 =	vsub.f32 v10, v12;
	v12 =	vmul.f32 v13, v6  }
0x5a: {  	v18 =	vld [tilespmem:s1+$0x0];
	[tilespmem:s30+$0x10B00] =	vst v16  }
0x5b: {  	vm1 =	veq.s32 v15, $0x0;
	v16 =	vld [tilespmem:s17+$0x0];
	[tilespmem:s29+$0x10B00] =	vst v10;
	v10 =	vsub.f32 v13, v12  }
0x5c: {  	vm2 =	veq.s32 v14, $0x0;
	v6 =	vsel vm1, $0x3F800000, v0;
	v15 =	vld [tilespmem:s4+$0x0];
	[tilespmem:s19+$0xC380] =	vst v8;
	s19 =	smov.u32 s30  }
0x5d: {  	s30 =	sshll.u32 s2, $0x6;
	v8 =	vsel vm2, $0x3F800000, v0;
	vm1 =	veq.s32 v11, $0x0;
	v13 =	vmul.f32 v6, v9;
	v19 =	vld [tilespmem:s23+$0x100];
	[tilespmem:s26+$0x10B80] =	vst v10;
	s23 =	smov.u32 s1  }
0x5e: {  	s1 =	sand.u32 $0xFFFFFE00, s30;
	v20 =	vsel vm1, $0x3F800000, v0;
	v10 =	vld [tilespmem:s22+$0x100];
	[tilespmem:s20+$0xC380] =	vst v7;
	s22 =	smov.u32 s17;
	s20 =	smov.u32 s29  }
0x5f: {  	s31 =	sor.u32 s16, s1;
	s30 =	sor.u32 s1, s12;
	vm1 =	veq.s32 v17, $0x0;
	v7 =	vmul.f32 v8, v18;
	v9 =	vsub.f32 v9, v13;
	v11 =	vld [tilespmem:s24+$0x100];
	[tilespmem:s26+$0xC380] =	vst v12;
	s26 =	sor.u32 s1, s13  }
.Ltmp1:
0x60: {  	s29 =	sor.u32 s1, s14;
	v21 =	vsel vm1, $0x3F800000, v0;
	s24 =	smov.u32 s4;
	v12 =	vmul.f32 v20, v16;
	[tilespmem:s26+$0xC280] =	vst v13;
	(pc) =	sbr.rel @p0 .LBB2_4-.Ltmp1, $4  }
0x61: {  	v17 =	vsub.f32 v18, v7;
	v14 =	vmul.f32 v21, v15;
	[tilespmem:s26+$0x10A80] =	vst v9  }
0x62: {  	[tilespmem:s31+$0xC280] =	vst v7;
	v7 =	vsub.f32 v16, v12;
	v13 =	vld [tilespmem:s28+$0x80];
	v9 =	vmul.f32 v19, v3;
	v3 =	vmov v8  }
0x63: {  	[tilespmem:s31+$0x10A80] =	vst v17;
	v17 =	vsub.f32 v15, v14;
	v8 =	vmul.f32 v10, v4;
	v4 =	vmov v20  }
0x64: {  	s0 =	sadd.s32 $0x40, s0;
	v15 =	vld [tilespmem:s23+$0x80];
	[tilespmem:s30+$0x10A80] =	vst v7;
	v16 =	vsub.f32 v19, v9;
	v7 =	vmul.f32 v11, v5;
	v5 =	vmov v21  }
0x65: {  	[tilespmem:s29+$0x10A80] =	vst v17  }
0x66: {  	[tilespmem:s30+$0xC280] =	vst v12  }
0x67: {  	[tilespmem:s29+$0xC280] =	vst v14  }
0x68: {  	[tilespmem:s21+$0xC380] =	vst v9  }
0x69: {  	[tilespmem:s19+$0xC380] =	vst v8;
	v53 =	vld [tilespmem:s22+$0x80];
	v52 =	vmul.f32 v13, v6  }
0x6a: {  	v17 =	vld [tilespmem:s24+$0x80];
	[tilespmem:s21+$0x10B80] =	vst v16  }
0x6b: {  	[tilespmem:s20+$0xC380] =	vst v7;
	v54 =	vmul.f32 v15, v3;
	v13 =	vsub.f32 v13, v52  }
0x6c: {  	[tilespmem:s26+$0xC300] =	vst v52  }
0x6d: {  	v55 =	vsub.f32 v15, v54;
	[tilespmem:s26+$0x10B00] =	vst v13  }
0x6e: {  	[tilespmem:s31+$0xC300] =	vst v54;
	v56 =	vmul.f32 v53, v4;
	v57 =	vld [tilespmem:s28+$0x100]  }
0x6f: {  	v58 =	vmul.f32 v17, v5;
	[tilespmem:s31+$0x10B00] =	vst v55  }
0x70: {  	[tilespmem:s30+$0xC300] =	vst v56;
	v13 =	vsub.f32 v53, v56;
	v59 =	vld [tilespmem:s23+$0x100]  }
0x71: {  	[tilespmem:s29+$0xC300] =	vst v58;
	v12 =	vsub.f32 v17, v58  }
0x72: {  	v10 =	vsub.f32 v10, v8;
	[tilespmem:s30+$0x10B00] =	vst v13  }
0x73: {  	v11 =	vsub.f32 v11, v7;
	[tilespmem:s29+$0x10B00] =	vst v12;
	v60 =	vld [tilespmem:s22+$0x100];
	v6 =	vmul.f32 v57, v6  }
0x74: {  	[tilespmem:s19+$0x10B80] =	vst v10;
	v61 =	vld [tilespmem:s24+$0x100]  }
0x75: {  	[tilespmem:s20+$0x10B80] =	vst v11;
	v62 =	vsub.f32 v57, v6;
	v3 =	vmul.f32 v59, v3  }
0x76: {  	[tilespmem:s26+$0xC380] =	vst v6  }
0x77: {  	[tilespmem:s26+$0x10B80] =	vst v62;
	v7 =	vsub.f32 v59, v3  }
0x78: {  	v4 =	vmul.f32 v60, v4;
	[tilespmem:s31+$0xC380] =	vst v3  }
0x79: {  	v5 =	vmul.f32 v61, v5;
	[tilespmem:s31+$0x10B80] =	vst v7  }
0x7a: {  	v6 =	vsub.f32 v60, v4;
	[tilespmem:s30+$0xC380] =	vst v4  }
0x7b: {  	v63 =	vsub.f32 v61, v5;
	[tilespmem:s29+$0xC380] =	vst v5  }
0x7c: {  	[tilespmem:s30+$0x10B80] =	vst v6  }
0x7d: {  	s0 =	simm.s32 $0x0;
	s1 =	simm.s32 $0xC280;
	[tilespmem:s29+$0x10B80] =	vst v63  }
0x7e: {  	[hbm4b:s6+s0] =	stream.linear.scatter [tilespmem:s1], [sflag:$0x1], $0x4800, $0x38;
	[tilespmem:$0x17280] =	vst v63  }
0x7f: {  	_ =	swait.ge [sflag:s10], $0x4800  }
0x80: {  	[sflag:s10] =	ssyncset.done $0x0  }
0x81: {  	s25 =	simm.s32 $0x10A80;
	[sflag:s10] =	ssyncadd.s32 $0xFFFFB800  }
0x82: {  	[hbm4b:s7+s0] =	stream.linear.scatter [tilespmem:s25], [sflag:$0x1], $0x4800, $0x38;
	[tilespmem:$0x17280] =	vst v63  }
0x83: {  	s0 =	sand.u32 $0x3F000, s0  }
0x84: {  	s26 =	simm.s32 $0x0;
	_ =	swait.ge [sflag:s10], $0x4800;
	s0 =	sshrl.u32 s0, $0x2  }
0x85: {  	s1 =	sand.u32 $0x60, s26;
	[sflag:s10] =	ssyncset.done $0x0;
	s2 =	sadd.s32 $0x3280, s0  }
0x86: {  	s28 =	simm.s32 $0x1;
	[sflag:s10] =	ssyncadd.s32 $0xFFFFB800;
	s1 =	sor.u32 s1, s2  }
0x87: {  	v3 =	vadd.s32 s28, v2;
	v4 =	vld [tilespmem:s1+$0x180];
	_ =	sdelay $0x4  }
0x88: {  	s0 =	simm.s32 $0x2010;
	v3 =	vld.idx.msk [tilespmem:v3+s11+$0x0], $0xffff;
	(xrf2) =	vadd.scan.msk.f32 $0xffff, v4  }
0x89: {  	v4 =	vld [tilespmem:s0+$0xFFFFFFF0];
	_ =	sdelay $0x2  }
0x8a: {  	vm1 =	veq.s32 v2, $0xF  }
0x8b: {  	v5 =	vsel vm1, $0xFFFFFFFF, v3  }
0x8c: {  	v6 =	vsel vm0, v3, v4;
	vm2 =	vne.s32 v4, v5  }
0x8d: {  	vm3 =	vne.s32 v4, v6;
	_ =	sdelay $0x2  }
0x8e: {  	v5, _, _ =	vpop (xrf2)  }
0x8f: {  	s29 =	simm.s32 $0x10;
	v6 =	vsub.f32 $0.0e+00, v5  }
0x90: {  	s4 =	simm.s32 $0x11;
	s1 =	sand.u32 $0x70, s29;
	[tilespmem:v4+s15+$0x0] =	vst.idx.add.f32.msk vm2, v5  }
0x91: {  	s1 =	sor.u32 s1, s2;
	v4 =	vadd.s32 s4, v2;
	[tilespmem:v3+s15+$0x0] =	vst.idx.add.f32.msk vm3, v6  }
0x92: {  	v5 =	vld [tilespmem:s1+$0x180];
	_ =	sdelay $0x3  }
0x93: {  	v3 =	vld.idx.msk [tilespmem:v4+s11+$0x0], $0xffff  }
0x94: {  	v4 =	vld [tilespmem:s0+$0x0];
	(xrf2) =	vadd.scan.msk.f32 $0xffff, v5;
	_ =	sdelay $0x3  }
0x95: {  	v5 =	vsel vm1, $0xFFFFFFFF, v3  }
0x96: {  	vm3 =	vne.s32 v4, v5  }
0x97: {  	v5 =	vsel vm0, v3, v4  }
0x98: {  	vm2 =	vne.s32 v4, v5  }
0x99: {  	s19 =	simm.s32 $0x400  }
0x9a: {  	s22 =	simm.s32 $0x51;
	s30 =	sand.u32 $0x3F000, s19  }
0x9b: {  	s24 =	simm.s32 $0x21;
	s31 =	simm.s32 $0x20;
	s1 =	sshrl.u32 s30, $0x2;
	v6, _, _ =	vpop (xrf2)  }
0x9c: {  	s23 =	sand.u32 $0x60, s31;
	s2 =	simm.s32 $0x31;
	s21 =	sadd.s32 $0x3280, s1;
	[tilespmem:v4+s15+$0x0] =	vst.idx.add.f32.msk vm3, v6;
	v4 =	vsub.f32 $0.0e+00, v6  }
.LBB2_6:
0x9d: {  	s1 =	sor.u32 s23, s21  }
0x9e: {  	v5 =	vadd.s32 s24, v2;
	[tilespmem:v3+s15+$0x0] =	vst.idx.add.f32.msk vm2, v4;
	s0 =	sadd.s32 $0x20, s0;
	s4 =	smov.u32 s22;
	s20 =	sadd.s32 $0x20, s22  }
0x9f: {  	p0 =	sne.s32 s22, $0x11F1;
	v3 =	vld [tilespmem:s1+$0x180];
	_ =	sdelay $0x3  }
0xa0: {  	v4 =	vld.idx.msk [tilespmem:v5+s11+$0x0], $0xffff  }
0xa1: {  	v5 =	vld [tilespmem:s0+$0xFFFFFFF0];
	(xrf2) =	vadd.scan.msk.f32 $0xffff, v3;
	_ =	sdelay $0x4  }
0xa2: {  	v3 =	vsel vm1, $0xFFFFFFFF, v4;
	v6 =	vsel vm0, v4, v5  }
0xa3: {  	vm2 =	vne.s32 v5, v3  }
0xa4: {  	vm3 =	vne.s32 v5, v6;
	_ =	sdelay $0x2  }
0xa5: {  	v3, _, _ =	vpop (xrf2)  }
0xa6: {  	s1 =	sadd.s32 $0xFFFFFFFF, s2;
	v6 =	vsub.f32 $0.0e+00, v3  }
0xa7: {  	s1 =	sand.u32 $0x70, s1;
	[tilespmem:v5+s15+$0x0] =	vst.idx.add.f32.msk vm2, v3;
	v3 =	vadd.s32 s2, v2;
	s2 =	smov.u32 s4  }
0xa8: {  	s1 =	sor.u32 s1, s21;
	[tilespmem:v4+s15+$0x0] =	vst.idx.add.f32.msk vm3, v6  }
0xa9: {  	v4 =	vld [tilespmem:s1+$0x180];
	_ =	sdelay $0x2  }
0xaa: {  	v3 =	vld.idx.msk [tilespmem:v3+s11+$0x0], $0xffff  }
0xab: {  	v5 =	vld [tilespmem:s0+$0x0]  }
0xac: {  	(xrf2) =	vadd.scan.msk.f32 $0xffff, v4;
	_ =	sdelay $0x3  }
0xad: {  	v4 =	vsel vm1, $0xFFFFFFFF, v3;
	v6 =	vsel vm0, v3, v5  }
0xae: {  	vm3 =	vne.s32 v5, v4;
	_ =	sdelay $0x1  }
0xaf: {  	vm2 =	vne.s32 v5, v6  }
.Ltmp2:
0xb0: {  	(pc) =	sbr.rel @p0 .LBB2_6-.Ltmp2, $4  }
0xb1: {  	s19 =	sadd.s32 $0x400, s19  }
0xb2: {  	s1 =	sand.u32 $0x3F000, s19;
	v4, _, _ =	vpop (xrf2)  }
0xb3: {  	s22 =	smov.u32 s20;
	s4 =	sadd.s32 $0xFFFFFFEF, s2;
	s1 =	sshrl.u32 s1, $0x2;
	[tilespmem:v5+s15+$0x0] =	vst.idx.add.f32.msk vm3, v4;
	v4 =	vsub.f32 $0.0e+00, v4  }
0xb4: {  	s24 =	sadd.s32 $0xFFFFFFF0, s2;
	s23 =	sand.u32 $0x60, s4;
	s21 =	sadd.s32 $0x3280, s1  }
0xb5: {  	_ =	sdelay $0x4  }
0xb6: {  	s1 =	sor.u32 s23, s21;
	[tilespmem:v3+s15+$0x0] =	vst.idx.add.f32.msk vm2, v4  }
0xb7: {  	v3 =	vadd.s32 s24, v2;
	v4 =	vld [tilespmem:s1+$0x180];
	_ =	sdelay $0x4  }
0xb8: {  	s0 =	sadd.s32 $0x20, s0;
	v3 =	vld.idx.msk [tilespmem:v3+s11+$0x0], $0xffff;
	(xrf2) =	vadd.scan.msk.f32 $0xffff, v4  }
0xb9: {  	v56 =	vld [tilespmem:s0+$0xFFFFFFF0];
	_ =	sdelay $0x2  }
0xba: {  	vm1 =	veq.s32 v2, $0xF  }
0xbb: {  	v5 =	vsel vm1, $0xFFFFFFFF, v3  }
0xbc: {  	v6 =	vsel vm0, v3, v56;
	vm2 =	vne.s32 v56, v5  }
0xbd: {  	vm3 =	vne.s32 v56, v6;
	_ =	sdelay $0x2  }
0xbe: {  	v57, _, _ =	vpop (xrf2)  }
0xbf: {  	s29 =	sadd.s32 $0xFFFFFFFF, s2;
	v58 =	vsub.f32 $0.0e+00, v57  }
0xc0: {  	s1 =	sand.u32 $0x70, s29;
	[tilespmem:v56+s15+$0x0] =	vst.idx.add.f32.msk vm2, v57  }
0xc1: {  	s1 =	sor.u32 s1, s21;
	[tilespmem:v3+s15+$0x0] =	vst.idx.add.f32.msk vm3, v58  }
0xc2: {  	v3 =	vadd.s32 s2, v2;
	v4 =	vld [tilespmem:s1+$0x180];
	_ =	sdelay $0x4  }
0xc3: {  	v3 =	vld.idx.msk [tilespmem:v3+s11+$0x0], $0xffff;
	(xrf2) =	vadd.scan.msk.f32 $0xffff, v4  }
0xc4: {  	v59 =	vld [tilespmem:s0+$0x0];
	_ =	sdelay $0x3  }
0xc5: {  	v60 =	vsel vm1, $0xFFFFFFFF, v3  }
0xc6: {  	v61 =	vsel vm0, v3, v59;
	vm1 =	vne.s32 v59, v60  }
0xc7: {  	vm2 =	vne.s32 v59, v61;
	_ =	sdelay $0x2  }
0xc8: {  	v62, _, _ =	vpop (xrf2)  }
0xc9: {  	s18 =	sadd.s32 $0x1, s18;
	v63 =	vsub.f32 $0.0e+00, v62  }
0xca: {  	p0 =	sne.s32 s18, s9;
	[tilespmem:v59+s15+$0x0] =	vst.idx.add.f32.msk vm1, v62  }
.Ltmp3:
0xcb: {  	s30 =	simm.s32 $0x80;
	s31 =	simm.s32 $0x400;
	[tilespmem:v3+s15+$0x0] =	vst.idx.add.f32.msk vm2, v63;
	(pc) =	sbr.rel @p0 .LBB2_1-.Ltmp3, $4  }
0xcc: {  	[hbm4b:s8+s30] =	stream.strided.scatter [tilespmem:s15], [sflag:$0x1], $0x2000, s31, s30, $0x38;
	[tilespmem:$0x17280] =	vst v63  }
0xcd: {  	_ =	swait.ge [sflag:s10], $0x2000  }
0xce: {  	[sflag:s10] =	ssyncset.done $0x0  }
0xcf: {  	[sflag:s10] =	ssyncadd.s32 $0xFFFFE000  }
0xd0: {  	_ =	sfence.sel $0x180000  }
0xd1: {  	[bflag:$0x0] =	sbarrier.arrive $0xFFFF  }
0xd2: {  	_ =	strace $0x9000004A  }
0xd3: {  	s0 =	stileid.u32;
	[bflag:$0x2] =	sbarrier.arrive $0xFFFF  }
0xd4: {  	p0 =	sne.s32 s0, $0x0;
	s0 =	rddreg [dreg:$0x5]  }
0xd5: {  	s0 =	sadd.s32 @!p0 $0x100000, s0  }
0xd6: {  	[sflag:s0] =	ssyncadd.tile.s32 @!p0 $0x1;
	_ =	shalt  }
.Lfunc_end2:
_tile_overlayer_lowered:
.L_overlay_start_2:
0xd7: {  	(tag) =	ssettag $0x2  }
0xd8: {  	s0 =	rddreg [dreg:$0x0];
	s2 =	stileid.u32  }
0xd9: {  	s1 =	rddreg [dreg:$0x1];
	p0 =	sne.s32 s2, $0x0  }
0xda: {  	s3 =	rddreg [dreg:$0x2];
	[bflag:$0x3] =	sbarrier.arrive $0xFFFF;
	s2 =	simm.s32 @!p0 $0x1C01  }
0xdb: {  	[timem:s3], [sflag:s2] =	dma.local @!p0 [hbm:s0], s1  }
0xdc: {  	s0 =	simm.s32 @!p0 $0x1  }
0xdd: {  	_ =	swait.ge @!p0 [sflag:s0], s1  }
0xde: {  	s1 =	ssub.s32 @!p0 $0x0, s1;
	[sflag:s0] =	ssyncset.done @!p0 $0x0  }
0xdf: {  	[sflag:s0] =	ssyncadd.s32 @!p0 s1  }
0xe0: {  	[bflag:$0x3] =	sbarrier.arrive $0xFFFF  }
0xe1: {  	_ =	shalt  }

// kernel: kernel.18.cloned.1.call-start
scs
__scs_entry_jumppad:
0x0: {  	(pc) =	sbr.rel $0x88, $3  }
0x1: {  	(tag) =	ssettag $0x0;
	lr =	simm.s32 $0x1  }
0x2: {  	[smem:$0x3F9C] =	sst lr;
	_ =	strace $0xD0000000  }
0x3: {  	_ = 	snop  }
0x4: {  	_ = 	snop  }
0x5: {  	_ = 	snop  }
0x6: {  	_ = 	snop  }
0x7: {  	_ = 	snop  }
__scs_overlays_trampoline_lowered:
0x8: {  	[smem:$0x3FAB] =	sst s0  }
0x9: {  	[smem:$0x3FAC] =	sst s1  }
0xa: {  	[smem:$0x3FAD] =	sst s2  }
0xb: {  	[smem:$0x3FAE] =	sst s3  }
0xc: {  	[smem:$0x3FAF] =	sst s4  }
0xd: {  	[smem:$0x3FB0] =	sst s5  }
0xe: {  	[smem:$0x3FB1] =	sst s6  }
0xf: {  	[smem:$0x3FB2] =	sst s7  }
0x10: {  	[smem:$0x3FB3] =	sst s8  }
0x11: {  	[smem:$0x3FB4] =	sst s9;
	s0 =	simm.s32 @!p0 $0x0  }
0x12: {  	s1 =	sld [smem:$0x3F9A];
	s0 =	simm.s32 @p0 $0x1  }
0x13: {  	[smem:$0x3FB5] =	sst s0;
	s0 =	simm.s32 @!p1 $0x0  }
0x14: {  	s2 =	sld [smem:$0x3F99];
	s0 =	simm.s32 @p1 $0x1  }
0x15: {  	[smem:$0x3FB6] =	sst s0;
	s0 =	simm.s32 @!p2 $0x0  }
0x16: {  	s3 =	sld [smem:$0x3FDB];
	s0 =	simm.s32 @p2 $0x1  }
0x17: {  	s4 =	simm.s32 $0x1BF5;
	[smem:$0x3FB8] =	sst s0  }
0x18: {  	s0 =	sld [smem:$0x3F9B];
	_ =	swait.ge [sflag:s4], $0x0  }
0x19: {  	s7 =	sld [smem:$0x3F9C]  }
0x1a: {  	s8 =	sadd.s32 $0xFFFFE003, lr  }
0x1b: {  	s9 =	sadd.s32 $0xFFFFFEF7, lr;
	s5 =	simm.s32 $0xFFFFFFFF;
	p2 =	slt.u32 s8, $0xFFFFF086  }
0x1c: {  	p1 =	slt.u32 s9, $0xF7A;
	s5 =	simm.s32 @!p2 $0x0  }
0x1d: {  	s5 =	simm.s32 @p1 $0x1;
	p0 =	seq.s32 s7, s2  }
0x1e: {  	s7 =	smul.u32 @!p0 $0xF7A, s2;
	p2 =	seq.s32 @!p0 s5, $0x0  }
0x1f: {  	s9 =	smul.u32 $0xF7A, s1;
	s8 =	simm.s32 @!p0 $0x1BF5;
	p2 =	por !p2, p0  }
0x20: {  	[sflag:s8] =	ssyncset.s32 @!p0 $0xFFFFF086;
	s6 =	sadd.s32 @!p0 s3, s7;
	s7 =	simm.s32 @!p0 $0x108  }
0x21: {  	s3 =	sadd.s32 s3, s9;
	s6 =	sadd.s32 @!p0 $0x88, s6;
	s7 =	simm.s32 @p2 $0x1082  }
0x22: {  	[simem:s7], [sflag:s8] =	dma.local @!p0 [hbm:s6], $0xF7A  }
0x23: {  	s9 =	sor.u32 $0xD0000000, s2;
	s6 =	simm.s32 $0x108;
	_ =	swait.ge @!p0 [sflag:s8], $0x0  }
0x24: {  	s3 =	sadd.s32 $0x88, s3;
	s6 =	simm.s32 @!p1 $0x1082;
	[sflag:s4] =	ssyncset.s32 $0xFFFFF086  }
0x25: {  	[simem:s6], [sflag:s4] =	dma.local [hbm:s3], $0xF7A  }
0x26: {  	[smem:$0x3F9C] =	sst s1;
	(tag) =	ssettag s2;
	_ =	strace s9  }
0x27: {  	s1 =	sld [smem:$0x3FAC]  }
0x28: {  	s2 =	sld [smem:$0x3FAD]  }
0x29: {  	s4 =	sld [smem:$0x3FAF]  }
0x2a: {  	p0 =	seq.s32 s5, $0x0;
	s5 =	sld [smem:$0x3FB0]  }
0x2b: {  	s6 =	sld [smem:$0x3FB1]  }
0x2c: {  	s7 =	sld [smem:$0x3FB2]  }
0x2d: {  	s3 =	simm.s32 $0x108;
	s8 =	sld [smem:$0x3FB3]  }
0x2e: {  	s3 =	simm.s32 @!p0 $0x1082;
	s9 =	sld [smem:$0x3FB4]  }
0x2f: {  	lr =	sadd.s32 s0, s3;
	s0 =	sld [smem:$0x3FAB]  }
0x30: {  	s3 =	sld [smem:$0x3FAE]  }
0x31: {  	[smem:$0x3FB7] =	sst s10  }
0x32: {  	s10 =	sld [smem:$0x3FB5];
	_ =	sdelay $0x3  }
0x33: {  	p0 =	seq.s32 s10, $0x1;
	s10 =	sld [smem:$0x3FB7];
	_ =	sdelay $0x3  }
0x34: {  	[smem:$0x3FB7] =	sst s10  }
0x35: {  	s10 =	sld [smem:$0x3FB6];
	_ =	sdelay $0x3  }
0x36: {  	p1 =	seq.s32 s10, $0x1;
	s10 =	sld [smem:$0x3FB7];
	_ =	sdelay $0x3  }
0x37: {  	[smem:$0x3FB7] =	sst s10  }
0x38: {  	s10 =	sld [smem:$0x3FB8]  }
0x39: {  	_ = 	snop;
	(pc) =	sbr.ind lr, $3  }
0x3a: {  	_ = 	snop  }
0x3b: {  	_ = 	snop  }
0x3c: {  	p2 =	seq.s32 s10, $0x1;
	s10 =	sld [smem:$0x3FB7]  }
0x3d: {  	_ =	shalt  }
0x3e: {  	_ =	shalt  }
0x3f: {  	_ =	shalt  }
0x40: {  	_ =	shalt  }
0x41: {  	_ =	shalt  }
0x42: {  	_ =	shalt  }
0x43: {  	_ =	shalt  }
0x44: {  	_ =	shalt  }
0x45: {  	_ =	shalt  }
0x46: {  	_ =	shalt  }
0x47: {  	_ =	shalt  }
0x48: {  	_ =	shalt  }
0x49: {  	_ =	shalt  }
0x4a: {  	_ =	shalt  }
0x4b: {  	_ =	shalt  }
0x4c: {  	_ =	shalt  }
0x4d: {  	_ =	shalt  }
0x4e: {  	_ =	shalt  }
0x4f: {  	_ =	shalt  }
0x50: {  	_ =	shalt  }
0x51: {  	_ =	shalt  }
0x52: {  	_ =	shalt  }
0x53: {  	_ =	shalt  }
0x54: {  	_ =	shalt  }
0x55: {  	_ =	shalt  }
0x56: {  	_ =	shalt  }
0x57: {  	_ =	shalt  }
0x58: {  	_ =	shalt  }
0x59: {  	_ =	shalt  }
0x5a: {  	_ =	shalt  }
0x5b: {  	_ =	shalt  }
0x5c: {  	_ =	shalt  }
0x5d: {  	_ =	shalt  }
0x5e: {  	_ =	shalt  }
0x5f: {  	_ =	shalt  }
0x60: {  	_ =	shalt  }
0x61: {  	_ =	shalt  }
0x62: {  	_ =	shalt  }
0x63: {  	_ =	shalt  }
0x64: {  	_ =	shalt  }
0x65: {  	_ =	shalt  }
0x66: {  	_ =	shalt  }
0x67: {  	_ =	shalt  }
0x68: {  	_ =	shalt  }
0x69: {  	_ =	shalt  }
0x6a: {  	_ =	shalt  }
0x6b: {  	_ =	shalt  }
0x6c: {  	_ =	shalt  }
0x6d: {  	_ =	shalt  }
0x6e: {  	_ =	shalt  }
0x6f: {  	_ =	shalt  }
0x70: {  	_ =	shalt  }
0x71: {  	_ =	shalt  }
0x72: {  	_ =	shalt  }
0x73: {  	_ =	shalt  }
0x74: {  	_ =	shalt  }
0x75: {  	_ =	shalt  }
0x76: {  	_ =	shalt  }
0x77: {  	_ =	shalt  }
0x78: {  	_ =	shalt  }
0x79: {  	_ =	shalt  }
0x7a: {  	_ =	shalt  }
0x7b: {  	_ =	shalt  }
0x7c: {  	_ =	shalt  }
0x7d: {  	_ =	shalt  }
0x7e: {  	_ =	shalt  }
0x7f: {  	_ =	shalt  }
0x80: {  	_ =	shalt  }
0x81: {  	_ =	shalt  }
0x82: {  	_ =	shalt  }
0x83: {  	_ =	shalt  }
0x84: {  	_ =	shalt  }
0x85: {  	_ =	shalt  }
0x86: {  	_ =	shalt  }
0x87: {  	_ =	shalt  }
.Lfunc_end0:
.L_simem_size_0:
called_computation.2_lowered:
.L_overlay_start_0:
0x88: {  	s2 =	sld [smem:$0x3FD9]  }
0x89: {  	s3 =	sld [smem:$0x3FFE];
	_ =	sdelay $0x1  }
0x8a: {  	s1 =	srdreg.scid  }
0x8b: {  	s0 =	sand.u32 $0x1, s1  }
0x8c: {  	s14 =	sshll.u32 s0, $0xA;
	s2 =	sadd.s32 s3, s2  }
0x8d: {  	s2 =	sadd.s32 s2, s14  }
0x8e: {  	[smem:$0x3FC3] =	sst s2  }
0x8f: {  	_ = 	snop  }
0x90: {  	s2 =	sld [smem:$0x3FD0];
	_ =	sdelay $0x1  }
0x91: {  	s15 =	sld [smem:$0x3FC8]  }
0x92: {  	s5 =	simm.s32 $0xA;
	s6 =	simm.s32 $0x10;
	s4 =	sld [smem:$0x3FC7]  }
0x93: {  	[smem:s6], [sflag:s5] =	dma.local [hbm:s2], $0x1  }
0x94: {  	_ =	swait.eq [sflag:s5], $0x1  }
0x95: {  	[sflag:s5] =	ssyncset.done $0x0  }
0x96: {  	s16 =	sld [smem:$0x11];
	[sflag:s5] =	ssyncadd.s32 $0xFFFFFFFF  }
0x97: {  	s17 =	sld [smem:$0x13];
	(tm) =	ssettm $0x1  }
0x98: {  	s18 =	sld [smem:$0x3FFB];
	_ =	sdelay $0x3  }
0x99: {  	_ =	strace s18  }
0x9a: {  	s6 =	sld [smem:$0x3FFC];
	_ =	sdelay $0x3  }
0x9b: {  	_ =	strace s6  }
0x9c: {  	s6 =	sld [smem:$0x3FFD];
	_ =	sdelay $0x3  }
0x9d: {  	_ =	strace s6  }
0x9e: {  	_ =	strace $0x8FFFFFFF  }
0x9f: {  	s19 =	sld [smem:$0x3FDB];
	_ =	sdelay $0x1  }
0xa0: {  	s7 =	simm.s32 $_scs_section_size  }
0xa1: {  	s8 =	simm.s32 $_size__tile_overlayer_lowered;
	s9 =	simm.s32 $_tile_overlayer_lowered  }
0xa2: {  	s22 =	simm.s32 $0x1BFF;
	s21 =	sshll.u32 s9, $0x1;
	s6 =	sadd.s32 s7, s19  }
0xa3: {  	s10 =	simm.s32 $0x0;
	s20 =	sshll.u32 s8, $0x1;
	s8 =	sadd.s32 s21, s6  }
0xa4: {  	[timem:s10], [sflag:s22] =	dma.local [hbm:s8], s20  }
0xa5: {  	_ =	swait.ge [sflag:s22], s20  }
0xa6: {  	s7 =	ssub.s32 $0x0, s20;
	[sflag:s22] =	ssyncset.done $0x0  }
0xa7: {  	[sflag:s22] =	ssyncadd.s32 s7;
	_ =	sdelay $0x1  }
0xa8: {  	s23 =	simm.s32 $0x1B8B  }
0xa9: {  	_ =	swait.ge [sflag:s23], $0x1  }
0xaa: {  	[sflag:s23] =	ssyncset.done $0x0  }
0xab: {  	s25 =	simm.s32 $0x1B8E;
	s24 =	sld [smem:$0x3FFE];
	[sflag:s23] =	ssyncadd.s32 $0xFFFFFFFF  }
0xac: {  	s26 =	simm.s32 $execute0_lowered;
	[smem:$0x3FD2] =	sst s25  }
0xad: {  	s8 =	sshll.u32 s26, $0x1;
	_ =	strace $0x8000004C;
	[dreg:$0x1] =	wrdreg $0xFFFFFFFF  }
0xae: {  	s28 =	simm.s32 $_size_execute0_lowered;
	s6 =	sadd.s32 s6, s8;
	[dreg:$0x0] =	wrdreg $0x0  }
0xaf: {  	s8 =	sshll.u32 s28, $0x1;
	[dreg:$0x2] =	wrdreg s6  }
0xb0: {  	[dreg:$0x3] =	wrdreg s8  }
0xb1: {  	[dreg:$0x4] =	wrdreg $0xC0  }
0xb2: {  	_ =	task [dreg:s10], $0x5FFFF  }
0xb3: {  	[dreg:$0x1] =	wrdreg $0xFFFFFFFF  }
0xb4: {  	[dreg:$0x0] =	wrdreg $0x60  }
0xb5: {  	[dreg:$0x2] =	wrdreg s24  }
0xb6: {  	[dreg:$0x3] =	wrdreg s15  }
0xb7: {  	[dreg:$0x4] =	wrdreg s4  }
0xb8: {  	[dreg:$0x5] =	wrdreg s16  }
0xb9: {  	[dreg:$0x6] =	wrdreg s17  }
0xba: {  	[dreg:$0x7] =	wrdreg $0x9  }
0xbb: {  	_ =	task.clear_ibuf [dreg:s10], $0x8FFFF;
	_ =	strace $0x9000004C  }
0xbc: {  	s29 =	simm.s32 $0x9;
	_ =	strace $0x8000004E  }
0xbd: {  	_ =	swait.ge [sflag:s29], $0x1  }
0xbe: {  	[sflag:s29] =	ssyncadd.s32 $0xFFFFFFFF  }
0xbf: {  	_ =	strace $0x9000004E  }
0xc0: {  	_ =	sfence  }
0xc1: {  	s30 =	sld [smem:$0x0];
	_ =	sdelay $0x2  }
0xc2: {  	s31 =	sshll.u32 s1, $0xD;
	s1 =	sshrl.u32 s1, $0x2  }
0xc3: {  	s3 =	sand.u32 $0x4000, s31;
	s1 =	sadd.s32 s1, s30  }
0xc4: {  	s0 =	sor.u32 s3, s0;
	s1 =	sshll.u32 s1, $0x11  }
0xc5: {  	s0 =	sor.u32 s1, s0  }
0xc6: {  	s0 =	sadd.s32 $0x8F2B, s0  }
0xc7: {  	[sflag:s0] =	ssyncadd.remote.s32 $0x1  }
0xc8: {  	_ =	sfence.sel $0xFFFF  }
0xc9: {  	[dreg:$0x0] =	wrdreg $0xFFFFFFFF;
	(pc) =	sbr.abs _section_cstart, $3  }
0xca: {  	[dreg:$0x1] =	wrdreg $0xFFFFFFFF  }
0xcb: {  	_ =	task.clear_ibuf [dreg:s10], $0x2FFFF;
	_ =	strace $0x9FFFFFFF  }
0xcc: {  	(tm) =	ssettm $0x7FFFFFFF  }
0xcd: {  	_ =	shalt  }
tec
execute0_lowered:
.L_overlay_start_1:
0x0: {  	(tag) =	ssettag $0x1  }
0x1: {  	s0 =	rddreg [dreg:$0x0]  }
0x2: {  	s2 =	rddreg [dreg:$0x1]  }
0x3: {  	s6 =	rddreg [dreg:$0x3];
	s3 =	srdreg.scid  }
0x4: {  	s1 =	stileid.u32;
	s7 =	rddreg [dreg:$0x4];
	s11 =	simm.s32 $0x2000  }
0x5: {  	s15 =	simm.s32 $0x15280;
	s18 =	simm.s32 $0x0;
	s4 =	sand.u32 $0x1, s3  }
0x6: {  	s5 =	sshll.u32 s1, $0x1;
	s3 =	simm.s32 $0x0;
	s9 =	sshll.u32 s1, $0xB  }
0x7: {  	s5 =	sor.u32 s4, s5;
	[smem:$0x7FF] =	sst s3;
	s9 =	sand.u32 $0x6000, s9  }
0x8: {  	s4 =	ssub.s32 $0x2, s4;
	s8 =	smul.u32 $0x1200, s5;
	s5 =	sshll.u32 s5, $0x4  }
0x9: {  	_ =	strace $0x8000004D;
	s26 =	sshrl.u32 s4, $0x1;
	s31 =	sand.u32 $0x70, s5  }
0xa: {  	s10 =	sadd.s32 s8, s0;
	s0 =	sadd.s32 s9, s0;
	s8 =	sadd.s32 $0x48000, s8  }
0xb: {  	s9 =	ssub.s32 s4, s26;
	s28 =	sshrl.u32 s8, $0x3;
	s30 =	sshrl.u32 s8, $0x1  }
0xc: {  	s5 =	sadd.s32 $0x53E00, s10;
	s0 =	sadd.s32 s31, s0;
	s9 =	smax.u32 s9, $0x1  }
0xd: {  	v0 =	vimm.f32 $0.0e+00;
	s10 =	simm.s32 $0x1;
	s29 =	sadd.s32 s2, s28;
	s6 =	sadd.s32 s6, s30  }
0xe: {  	v1 =	vimm.s32 $0xFFFFFFFF;
	v2 =	vlaneseq.u32;
	vm0 =	vmmov $0x7fff;
	s7 =	sadd.s32 s7, s30;
	s8 =	sadd.s32 $0xBE00, s0;
	[dreg:$0x6] =	wrdreg s29  }
.LBB2_1:
0xf: {  	s0 =	simm.s32 $0x40;
	s2 =	simm.s32 $0x0  }
.LBB2_2:
0x10: {  	p0 =	sne.s32 s0, $0x7FC0;
	[tilespmem:s2+$0x15280] =	vst v0;
	s2 =	smov.u32 s0;
	s0 =	sadd.s32 $0x40, s0  }
.Ltmp0:
0x11: {  	(pc) =	sbr.rel @p0 .LBB2_2-.Ltmp0, $2  }
0x12: {  	_ =	sdelay $0x2  }
0x13: {  	s2 =	sshra.s32 s2, $0x2  }
0x14: {  	[tilespmem:s2+$0x15280] =	vst v0;
	s0 =	simm.s32 $0x0;
	s1 =	rddreg [dreg:$0x2]  }
0x15: {  	[tilespmem:s0], [sflag:$0x1] =	stream.linear.gather [hbm4b:s1+s0], $0x2000, $0x38;
	[tilespmem:$0x17280] =	vst v63  }
0x16: {  	_ =	swait.ge [sflag:s10], $0x2000  }
0x17: {  	[sflag:s10] =	ssyncset.done $0x0  }
0x18: {  	s20 =	rddreg [dreg:$0x6];
	[sflag:s10] =	ssyncadd.s32 $0xFFFFE000  }
0x19: {  	[tilespmem:s11], [sflag:$0x1] =	stream.linear.gather [hbm4b:s20+s0], $0x1200, $0x38;
	[tilespmem:$0x17280] =	vst v63  }
0x1a: {  	_ =	swait.ge [sflag:s10], $0x1200  }
0x1b: {  	[sflag:s10] =	ssyncset.done $0x0  }
0x1c: {  	[sflag:s10] =	ssyncadd.s32 $0xFFFFEE00  }
0x1d: {  	s21 =	simm.s32 $0x3280;
	[tilespmem:$0x3200] =	vst v1  }
0x1e: {  	[tilespmem:s21], [sflag:$0x1] =	stream.linear.gather [hbm4b:s5+s0], $0x9000, $0x38;
	[tilespmem:$0x17280] =	vst v63  }
0x1f: {  	_ =	swait.ge [sflag:s10], $0x9000  }
0x20: {  	[sflag:s10] =	ssyncset.done $0x0  }
0x21: {  	s22 =	simm.s32 $0x2020;
	[sflag:s10] =	ssyncadd.s32 $0xFFFF7000  }
0x22: {  	v3 =	vld [tilespmem:s22+$0x10];
	_ =	sdelay $0x3  }
0x23: {  	v4 =	vld [tilespmem:s22+$0xFFFFFFE0]  }
0x24: {  	v5 =	vld [tilespmem:s22+$0xFFFFFFF0]  }
0x25: {  	s23 =	simm.s32 $0x0  }
0x26: {  	s19 =	simm.s32 $0x30;
	s2 =	sand.u32 $0x3FFFFC00, s23;
	v6 =	vld [tilespmem:s22+$0x0]  }
0x27: {  	s24 =	simm.s32 $0x10;
	s19 =	sand.u32 $0x70, s19;
	s20 =	sadd.s32 $0x3280, s2;
	v3 =	vld.idx.msk [tilespmem:v3+s3+$0x0], $0xffff  }
0x28: {  	s23 =	sand.u32 $0x50, s24;
	s22 =	sor.u32 s19, s20  }
0x29: {  	s2 =	sor.u32 s23, s20;
	v7 =	vld [tilespmem:s22+$0x0]  }
0x2a: {  	v9 =	vld [tilespmem:s2+$0x0]  }
0x2b: {  	s21 =	sand.u32 $0x40, s0;
	v4 =	vld.idx.msk [tilespmem:v4+s3+$0x0], $0xffff  }
0x2c: {  	s26 =	sor.u32 s21, s20;
	v5 =	vld.idx.msk [tilespmem:v5+s3+$0x0], $0xffff;
	vm1 =	veq.s32 v3, $0x0  }
0x2d: {  	s25 =	simm.s32 $0x20;
	v3 =	vld [tilespmem:s26+$0x0];
	v8 =	vsel vm1, $0x3F800000, v0  }
0x2e: {  	s24 =	sand.u32 $0x60, s25;
	s1 =	simm.s32 $0x0;
	v6 =	vld.idx.msk [tilespmem:v6+s3+$0x0], $0xffff;
	v10 =	vmul.f32 v8, v7  }
0x2f: {  	s0 =	sor.u32 s24, s20;
	s20 =	sand.u32 $0xFFFFFE00, s1  }
0x30: {  	v11 =	vld [tilespmem:s0+$0x0];
	s29 =	sor.u32 s20, s19;
	vm1 =	veq.s32 v4, $0x0;
	v4 =	vsub.f32 v7, v10  }
0x31: {  	v7 =	vsel vm1, $0x3F800000, v0;
	vm1 =	veq.s32 v5, $0x0;
	[tilespmem:s29+$0xC280] =	vst v10  }
0x32: {  	v15 =	vsel vm1, $0x3F800000, v0;
	v5 =	vmul.f32 v7, v3;
	[tilespmem:s29+$0x10A80] =	vst v4  }
0x33: {  	s21 =	sor.u32 s21, s20;
	vm1 =	veq.s32 v6, $0x0;
	v4 =	vmul.f32 v15, v9;
	v6 =	vld [tilespmem:s22+$0x80]  }
0x34: {  	s25 =	simm.s32 $0x2060;
	s19 =	sor.u32 s20, s23;
	v18 =	vsel vm1, $0x3F800000, v0;
	v3 =	vsub.f32 v3, v5;
	[tilespmem:s21+$0xC280] =	vst v5  }
0x35: {  	v10 =	vmul.f32 v18, v11;
	v5 =	vsub.f32 v9, v4;
	v9 =	vld [tilespmem:s25+$0x10];
	[tilespmem:s19+$0xC280] =	vst v4  }
0x36: {  	s4 =	simm.s32 $0x200;
	v4 =	vld [tilespmem:s25+$0x0];
	[tilespmem:s21+$0x10A80] =	vst v3  }
0x37: {  	s13 =	simm.s32 $0x70;
	s12 =	sand.u32 $0x3FFFFC00, s4;
	v3 =	vsub.f32 v11, v10;
	[tilespmem:s19+$0x10A80] =	vst v5;
	v5 =	vld [tilespmem:s25+$0xFFFFFFE0]  }
0x38: {  	s30 =	sand.u32 $0x70, s13;
	s14 =	sadd.s32 $0x3280, s12;
	s20 =	sor.u32 s20, s24;
	v12 =	vld [tilespmem:s26+$0x80];
	v11 =	vmul.f32 v6, v8  }
0x39: {  	s28 =	sor.u32 s30, s14;
	[tilespmem:s20+$0x10A80] =	vst v3;
	v3 =	vld [tilespmem:s25+$0xFFFFFFF0]  }
0x3a: {  	v14 =	vld [tilespmem:s28+$0x0];
	[tilespmem:s20+$0xC280] =	vst v10;
	v6 =	vsub.f32 v6, v11  }
0x3b: {  	v10 =	vld [tilespmem:s2+$0x80];
	[tilespmem:s29+$0xC300] =	vst v11  }
0x3c: {  	v11 =	vld [tilespmem:s0+$0x80];
	[tilespmem:s29+$0x10B00] =	vst v6  }
0x3d: {  	v13 =	vmul.f32 v12, v7;
	v6 =	vld [tilespmem:s22+$0x100]  }
0x3e: {  	v9 =	vld.idx.msk [tilespmem:v9+s3+$0x0], $0xffff  }
0x3f: {  	s25 =	simm.s32 $0x40;
	v16 =	vld.idx.msk [tilespmem:v4+s3+$0x0], $0xffff;
	v12 =	vsub.f32 v12, v13  }
0x40: {  	s16 =	simm.s32 $0x50;
	s31 =	sand.u32 $0x40, s25;
	[tilespmem:s21+$0xC300] =	vst v13;
	v13 =	vmul.f32 v10, v15;
	v5 =	vld.idx.msk [tilespmem:v5+s3+$0x0], $0xffff  }
0x41: {  	s17 =	simm.s32 $0x60;
	s12 =	sand.u32 $0x50, s16;
	s23 =	sor.u32 s31, s14;
	v3 =	vld.idx.msk [tilespmem:v3+s3+$0x0], $0xffff;
	[tilespmem:s21+$0x10B00] =	vst v12;
	v12 =	vmul.f32 v11, v18  }
0x42: {  	s1 =	sand.u32 $0x60, s17;
	s22 =	sor.u32 s12, s14;
	[tilespmem:s19+$0xC300] =	vst v13;
	v4 =	vsub.f32 v10, v13;
	v13 =	vld [tilespmem:s23+$0x0];
	v8 =	vmul.f32 v6, v8  }
0x43: {  	s24 =	sor.u32 s1, s14;
	v17 =	vld [tilespmem:s22+$0x0];
	[tilespmem:s20+$0xC300] =	vst v12;
	v10 =	vsub.f32 v11, v12;
	vm1 =	veq.s32 v9, $0x0  }
0x44: {  	v19 =	vld [tilespmem:s24+$0x0];
	[tilespmem:s19+$0x10B00] =	vst v4;
	v4 =	vsub.f32 v6, v8;
	v6 =	vsel vm1, $0x3F800000, v0  }
0x45: {  	s13 =	simm.s32 $0x100;
	v20 =	vld [tilespmem:s26+$0x100];
	[tilespmem:s20+$0x10B00] =	vst v10;
	vm1 =	veq.s32 v5, $0x0;
	v9 =	vmul.f32 v6, v14  }
0x46: {  	s13 =	sand.u32 $0xFFFFFE00, s13;
	v10 =	vld [tilespmem:s2+$0x100];
	vm2 =	veq.s32 v3, $0x0;
	[tilespmem:s29+$0xC380] =	vst v8;
	v3 =	vsel vm1, $0x3F800000, v0;
	vm1 =	veq.s32 v16, $0x0  }
0x47: {  	s26 =	sor.u32 s13, s30;
	v11 =	vld [tilespmem:s0+$0x100];
	[tilespmem:s29+$0x10B80] =	vst v4;
	v4 =	vsel vm2, $0x3F800000, v0;
	v21 =	vmul.f32 v3, v13;
	v16 =	vsub.f32 v14, v9  }
0x48: {  	v5 =	vsel vm1, $0x3F800000, v0;
	v12 =	vmul.f32 v4, v17;
	[tilespmem:s26+$0xC280] =	vst v9  }
0x49: {  	s31 =	sor.u32 s31, s13;
	v14 =	vmul.f32 v5, v19;
	v8 =	vsub.f32 v13, v21;
	[tilespmem:s26+$0x10A80] =	vst v16  }
0x4a: {  	v9 =	vmul.f32 v20, v7;
	[tilespmem:s31+$0xC280] =	vst v21;
	v16 =	vsub.f32 v17, v12;
	v13 =	vld [tilespmem:s28+$0x80]  }
0x4b: {  	s30 =	sor.u32 s13, s12;
	v17 =	vsub.f32 v19, v14;
	[tilespmem:s31+$0x10A80] =	vst v8;
	v8 =	vmul.f32 v10, v15  }
0x4c: {  	s2 =	simm.s32 $0x4;
	s0 =	simm.s32 $0x20A0;
	s29 =	sor.u32 s13, s1;
	v7 =	vmul.f32 v11, v18;
	v15 =	vld [tilespmem:s23+$0x80];
	[tilespmem:s30+$0x10A80] =	vst v16;
	v16 =	vsub.f32 v20, v9  }
.LBB2_4:
0x4d: {  	v18 =	vld [tilespmem:s0+$0x10];
	[tilespmem:s29+$0x10A80] =	vst v17;
	v10 =	vsub.f32 v10, v8  }
0x4e: {  	v17 =	vld [tilespmem:s0+$0xFFFFFFE0];
	[tilespmem:s30+$0xC280] =	vst v12;
	v11 =	vsub.f32 v11, v7  }
0x4f: {  	v12 =	vld [tilespmem:s0+$0xFFFFFFF0];
	[tilespmem:s29+$0xC280] =	vst v14;
	v14 =	vmul.f32 v13, v6  }
0x50: {  	v19 =	vld [tilespmem:s0+$0x0];
	[tilespmem:s21+$0x10B80] =	vst v16  }
0x51: {  	v16 =	vmul.f32 v15, v3;
	v20 =	vld [tilespmem:s22+$0x80];
	v13 =	vsub.f32 v13, v14;
	[tilespmem:s19+$0x10B80] =	vst v10  }
0x52: {  	v10 =	vld [tilespmem:s24+$0x80];
	[tilespmem:s26+$0xC300] =	vst v14  }
0x53: {  	s2 =	sadd.s32 $0x4, s2;
	v14 =	vsub.f32 v15, v16;
	[tilespmem:s26+$0x10B00] =	vst v13  }
0x54: {  	s25 =	sadd.s32 $0x40, s25;
	s1 =	sshll.u32 s2, $0x7;
	p0 =	slt.u32 s2, $0x11C;
	[tilespmem:s31+$0xC300] =	vst v16;
	v13 =	vld [tilespmem:s28+$0x100]  }
0x55: {  	s12 =	sadd.s32 $0x10, s25;
	s13 =	sadd.s32 $0x30, s25;
	s1 =	sand.u32 $0x3FFFFC00, s1;
	v15 =	vld.idx.msk [tilespmem:v18+s3+$0x0], $0xffff;
	[tilespmem:s31+$0x10B00] =	vst v14  }
0x56: {  	s13 =	sand.u32 $0x70, s13;
	s1 =	sadd.s32 $0x3280, s1;
	s28 =	sadd.s32 $0x20, s25;
	v14 =	vld.idx.msk [tilespmem:v17+s3+$0x0], $0xffff;
	v16 =	vmul.f32 v20, v4;
	[tilespmem:s20+$0x10B80] =	vst v11  }
0x57: {  	s12 =	sand.u32 $0x50, s12;
	s14 =	sand.u32 $0x60, s28;
	s28 =	sor.u32 s13, s1;
	v11 =	vld.idx.msk [tilespmem:v12+s3+$0x0], $0xffff;
	v12 =	vmul.f32 v10, v5;
	[tilespmem:s21+$0xC380] =	vst v9  }
0x58: {  	s16 =	sand.u32 $0x40, s25;
	s17 =	sor.u32 s12, s1;
	s4 =	sor.u32 s14, s1;
	v9 =	vld [tilespmem:s28+$0x0];
	[tilespmem:s30+$0xC300] =	vst v16;
	v16 =	vsub.f32 v20, v16  }
0x59: {  	s1 =	sor.u32 s16, s1;
	s21 =	smov.u32 s31;
	v17 =	vld.idx.msk [tilespmem:v19+s3+$0x0], $0xffff;
	[tilespmem:s29+$0xC300] =	vst v12;
	v10 =	vsub.f32 v10, v12;
	v12 =	vmul.f32 v13, v6  }
0x5a: {  	v18 =	vld [tilespmem:s1+$0x0];
	[tilespmem:s30+$0x10B00] =	vst v16  }
0x5b: {  	vm1 =	veq.s32 v15, $0x0;
	v16 =	vld [tilespmem:s17+$0x0];
	[tilespmem:s29+$0x10B00] =	vst v10;
	v10 =	vsub.f32 v13, v12  }
0x5c: {  	vm2 =	veq.s32 v14, $0x0;
	v6 =	vsel vm1, $0x3F800000, v0;
	v15 =	vld [tilespmem:s4+$0x0];
	[tilespmem:s19+$0xC380] =	vst v8;
	s19 =	smov.u32 s30  }
0x5d: {  	s30 =	sshll.u32 s2, $0x6;
	v8 =	vsel vm2, $0x3F800000, v0;
	vm1 =	veq.s32 v11, $0x0;
	v13 =	vmul.f32 v6, v9;
	v19 =	vld [tilespmem:s23+$0x100];
	[tilespmem:s26+$0x10B80] =	vst v10;
	s23 =	smov.u32 s1  }
0x5e: {  	s1 =	sand.u32 $0xFFFFFE00, s30;
	v20 =	vsel vm1, $0x3F800000, v0;
	v10 =	vld [tilespmem:s22+$0x100];
	[tilespmem:s20+$0xC380] =	vst v7;
	s22 =	smov.u32 s17;
	s20 =	smov.u32 s29  }
0x5f: {  	s31 =	sor.u32 s16, s1;
	s30 =	sor.u32 s1, s12;
	vm1 =	veq.s32 v17, $0x0;
	v7 =	vmul.f32 v8, v18;
	v9 =	vsub.f32 v9, v13;
	v11 =	vld [tilespmem:s24+$0x100];
	[tilespmem:s26+$0xC380] =	vst v12;
	s26 =	sor.u32 s1, s13  }
.Ltmp1:
0x60: {  	s29 =	sor.u32 s1, s14;
	v21 =	vsel vm1, $0x3F800000, v0;
	s24 =	smov.u32 s4;
	v12 =	vmul.f32 v20, v16;
	[tilespmem:s26+$0xC280] =	vst v13;
	(pc) =	sbr.rel @p0 .LBB2_4-.Ltmp1, $4  }
0x61: {  	v17 =	vsub.f32 v18, v7;
	v14 =	vmul.f32 v21, v15;
	[tilespmem:s26+$0x10A80] =	vst v9  }
0x62: {  	[tilespmem:s31+$0xC280] =	vst v7;
	v7 =	vsub.f32 v16, v12;
	v13 =	vld [tilespmem:s28+$0x80];
	v9 =	vmul.f32 v19, v3;
	v3 =	vmov v8  }
0x63: {  	[tilespmem:s31+$0x10A80] =	vst v17;
	v17 =	vsub.f32 v15, v14;
	v8 =	vmul.f32 v10, v4;
	v4 =	vmov v20  }
0x64: {  	s0 =	sadd.s32 $0x40, s0;
	v15 =	vld [tilespmem:s23+$0x80];
	[tilespmem:s30+$0x10A80] =	vst v7;
	v16 =	vsub.f32 v19, v9;
	v7 =	vmul.f32 v11, v5;
	v5 =	vmov v21  }
0x65: {  	[tilespmem:s29+$0x10A80] =	vst v17  }
0x66: {  	[tilespmem:s30+$0xC280] =	vst v12  }
0x67: {  	[tilespmem:s29+$0xC280] =	vst v14  }
0x68: {  	[tilespmem:s21+$0xC380] =	vst v9  }
0x69: {  	[tilespmem:s19+$0xC380] =	vst v8;
	v53 =	vld [tilespmem:s22+$0x80];
	v52 =	vmul.f32 v13, v6  }
0x6a: {  	v17 =	vld [tilespmem:s24+$0x80];
	[tilespmem:s21+$0x10B80] =	vst v16  }
0x6b: {  	[tilespmem:s20+$0xC380] =	vst v7;
	v54 =	vmul.f32 v15, v3;
	v13 =	vsub.f32 v13, v52  }
0x6c: {  	[tilespmem:s26+$0xC300] =	vst v52  }
0x6d: {  	v55 =	vsub.f32 v15, v54;
	[tilespmem:s26+$0x10B00] =	vst v13  }
0x6e: {  	[tilespmem:s31+$0xC300] =	vst v54;
	v56 =	vmul.f32 v53, v4;
	v57 =	vld [tilespmem:s28+$0x100]  }
0x6f: {  	v58 =	vmul.f32 v17, v5;
	[tilespmem:s31+$0x10B00] =	vst v55  }
0x70: {  	[tilespmem:s30+$0xC300] =	vst v56;
	v13 =	vsub.f32 v53, v56;
	v59 =	vld [tilespmem:s23+$0x100]  }
0x71: {  	[tilespmem:s29+$0xC300] =	vst v58;
	v12 =	vsub.f32 v17, v58  }
0x72: {  	v10 =	vsub.f32 v10, v8;
	[tilespmem:s30+$0x10B00] =	vst v13  }
0x73: {  	v11 =	vsub.f32 v11, v7;
	[tilespmem:s29+$0x10B00] =	vst v12;
	v60 =	vld [tilespmem:s22+$0x100];
	v6 =	vmul.f32 v57, v6  }
0x74: {  	[tilespmem:s19+$0x10B80] =	vst v10;
	v61 =	vld [tilespmem:s24+$0x100]  }
0x75: {  	[tilespmem:s20+$0x10B80] =	vst v11;
	v62 =	vsub.f32 v57, v6;
	v3 =	vmul.f32 v59, v3  }
0x76: {  	[tilespmem:s26+$0xC380] =	vst v6  }
0x77: {  	[tilespmem:s26+$0x10B80] =	vst v62;
	v7 =	vsub.f32 v59, v3  }
0x78: {  	v4 =	vmul.f32 v60, v4;
	[tilespmem:s31+$0xC380] =	vst v3  }
0x79: {  	v5 =	vmul.f32 v61, v5;
	[tilespmem:s31+$0x10B80] =	vst v7  }
0x7a: {  	v6 =	vsub.f32 v60, v4;
	[tilespmem:s30+$0xC380] =	vst v4  }
0x7b: {  	v63 =	vsub.f32 v61, v5;
	[tilespmem:s29+$0xC380] =	vst v5  }
0x7c: {  	[tilespmem:s30+$0x10B80] =	vst v6  }
0x7d: {  	s0 =	simm.s32 $0x0;
	s1 =	simm.s32 $0xC280;
	[tilespmem:s29+$0x10B80] =	vst v63  }
0x7e: {  	[hbm4b:s6+s0] =	stream.linear.scatter [tilespmem:s1], [sflag:$0x1], $0x4800, $0x38;
	[tilespmem:$0x17280] =	vst v63  }
0x7f: {  	_ =	swait.ge [sflag:s10], $0x4800  }
0x80: {  	[sflag:s10] =	ssyncset.done $0x0  }
0x81: {  	s25 =	simm.s32 $0x10A80;
	[sflag:s10] =	ssyncadd.s32 $0xFFFFB800  }
0x82: {  	[hbm4b:s7+s0] =	stream.linear.scatter [tilespmem:s25], [sflag:$0x1], $0x4800, $0x38;
	[tilespmem:$0x17280] =	vst v63  }
0x83: {  	s0 =	sand.u32 $0x3F000, s0  }
0x84: {  	s26 =	simm.s32 $0x0;
	_ =	swait.ge [sflag:s10], $0x4800;
	s0 =	sshrl.u32 s0, $0x2  }
0x85: {  	s1 =	sand.u32 $0x60, s26;
	[sflag:s10] =	ssyncset.done $0x0;
	s2 =	sadd.s32 $0x3280, s0  }
0x86: {  	s28 =	simm.s32 $0x1;
	[sflag:s10] =	ssyncadd.s32 $0xFFFFB800;
	s1 =	sor.u32 s1, s2  }
0x87: {  	v3 =	vadd.s32 s28, v2;
	v4 =	vld [tilespmem:s1+$0x180];
	_ =	sdelay $0x4  }
0x88: {  	s0 =	simm.s32 $0x2010;
	v3 =	vld.idx.msk [tilespmem:v3+s11+$0x0], $0xffff;
	(xrf2) =	vadd.scan.msk.f32 $0xffff, v4  }
0x89: {  	v4 =	vld [tilespmem:s0+$0xFFFFFFF0];
	_ =	sdelay $0x2  }
0x8a: {  	vm1 =	veq.s32 v2, $0xF  }
0x8b: {  	v5 =	vsel vm1, $0xFFFFFFFF, v3  }
0x8c: {  	v6 =	vsel vm0, v3, v4;
	vm2 =	vne.s32 v4, v5  }
0x8d: {  	vm3 =	vne.s32 v4, v6;
	_ =	sdelay $0x2  }
0x8e: {  	v5, _, _ =	vpop (xrf2)  }
0x8f: {  	s29 =	simm.s32 $0x10;
	v6 =	vsub.f32 $0.0e+00, v5  }
0x90: {  	s4 =	simm.s32 $0x11;
	s1 =	sand.u32 $0x70, s29;
	[tilespmem:v4+s15+$0x0] =	vst.idx.add.f32.msk vm2, v5  }
0x91: {  	s1 =	sor.u32 s1, s2;
	v4 =	vadd.s32 s4, v2;
	[tilespmem:v3+s15+$0x0] =	vst.idx.add.f32.msk vm3, v6  }
0x92: {  	v5 =	vld [tilespmem:s1+$0x180];
	_ =	sdelay $0x3  }
0x93: {  	v3 =	vld.idx.msk [tilespmem:v4+s11+$0x0], $0xffff  }
0x94: {  	v4 =	vld [tilespmem:s0+$0x0];
	(xrf2) =	vadd.scan.msk.f32 $0xffff, v5;
	_ =	sdelay $0x3  }
0x95: {  	v5 =	vsel vm1, $0xFFFFFFFF, v3  }
0x96: {  	vm3 =	vne.s32 v4, v5  }
0x97: {  	v5 =	vsel vm0, v3, v4  }
0x98: {  	vm2 =	vne.s32 v4, v5  }
0x99: {  	s19 =	simm.s32 $0x400  }
0x9a: {  	s22 =	simm.s32 $0x51;
	s30 =	sand.u32 $0x3F000, s19  }
0x9b: {  	s24 =	simm.s32 $0x21;
	s31 =	simm.s32 $0x20;
	s1 =	sshrl.u32 s30, $0x2;
	v6, _, _ =	vpop (xrf2)  }
0x9c: {  	s23 =	sand.u32 $0x60, s31;
	s2 =	simm.s32 $0x31;
	s21 =	sadd.s32 $0x3280, s1;
	[tilespmem:v4+s15+$0x0] =	vst.idx.add.f32.msk vm3, v6;
	v4 =	vsub.f32 $0.0e+00, v6  }
.LBB2_6:
0x9d: {  	s1 =	sor.u32 s23, s21  }
0x9e: {  	v5 =	vadd.s32 s24, v2;
	[tilespmem:v3+s15+$0x0] =	vst.idx.add.f32.msk vm2, v4;
	s0 =	sadd.s32 $0x20, s0;
	s4 =	smov.u32 s22;
	s20 =	sadd.s32 $0x20, s22  }
0x9f: {  	p0 =	sne.s32 s22, $0x11F1;
	v3 =	vld [tilespmem:s1+$0x180];
	_ =	sdelay $0x3  }
0xa0: {  	v4 =	vld.idx.msk [tilespmem:v5+s11+$0x0], $0xffff  }
0xa1: {  	v5 =	vld [tilespmem:s0+$0xFFFFFFF0];
	(xrf2) =	vadd.scan.msk.f32 $0xffff, v3;
	_ =	sdelay $0x4  }
0xa2: {  	v3 =	vsel vm1, $0xFFFFFFFF, v4;
	v6 =	vsel vm0, v4, v5  }
0xa3: {  	vm2 =	vne.s32 v5, v3  }
0xa4: {  	vm3 =	vne.s32 v5, v6;
	_ =	sdelay $0x2  }
0xa5: {  	v3, _, _ =	vpop (xrf2)  }
0xa6: {  	s1 =	sadd.s32 $0xFFFFFFFF, s2;
	v6 =	vsub.f32 $0.0e+00, v3  }
0xa7: {  	s1 =	sand.u32 $0x70, s1;
	[tilespmem:v5+s15+$0x0] =	vst.idx.add.f32.msk vm2, v3;
	v3 =	vadd.s32 s2, v2;
	s2 =	smov.u32 s4  }
0xa8: {  	s1 =	sor.u32 s1, s21;
	[tilespmem:v4+s15+$0x0] =	vst.idx.add.f32.msk vm3, v6  }
0xa9: {  	v4 =	vld [tilespmem:s1+$0x180];
	_ =	sdelay $0x2  }
0xaa: {  	v3 =	vld.idx.msk [tilespmem:v3+s11+$0x0], $0xffff  }
0xab: {  	v5 =	vld [tilespmem:s0+$0x0]  }
0xac: {  	(xrf2) =	vadd.scan.msk.f32 $0xffff, v4;
	_ =	sdelay $0x3  }
0xad: {  	v4 =	vsel vm1, $0xFFFFFFFF, v3;
	v6 =	vsel vm0, v3, v5  }
0xae: {  	vm3 =	vne.s32 v5, v4;
	_ =	sdelay $0x1  }
0xaf: {  	vm2 =	vne.s32 v5, v6  }
.Ltmp2:
0xb0: {  	(pc) =	sbr.rel @p0 .LBB2_6-.Ltmp2, $4  }
0xb1: {  	s19 =	sadd.s32 $0x400, s19  }
0xb2: {  	s1 =	sand.u32 $0x3F000, s19;
	v4, _, _ =	vpop (xrf2)  }
0xb3: {  	s22 =	smov.u32 s20;
	s4 =	sadd.s32 $0xFFFFFFEF, s2;
	s1 =	sshrl.u32 s1, $0x2;
	[tilespmem:v5+s15+$0x0] =	vst.idx.add.f32.msk vm3, v4;
	v4 =	vsub.f32 $0.0e+00, v4  }
0xb4: {  	s24 =	sadd.s32 $0xFFFFFFF0, s2;
	s23 =	sand.u32 $0x60, s4;
	s21 =	sadd.s32 $0x3280, s1  }
0xb5: {  	_ =	sdelay $0x4  }
0xb6: {  	s1 =	sor.u32 s23, s21;
	[tilespmem:v3+s15+$0x0] =	vst.idx.add.f32.msk vm2, v4  }
0xb7: {  	v3 =	vadd.s32 s24, v2;
	v4 =	vld [tilespmem:s1+$0x180];
	_ =	sdelay $0x4  }
0xb8: {  	s0 =	sadd.s32 $0x20, s0;
	v3 =	vld.idx.msk [tilespmem:v3+s11+$0x0], $0xffff;
	(xrf2) =	vadd.scan.msk.f32 $0xffff, v4  }
0xb9: {  	v56 =	vld [tilespmem:s0+$0xFFFFFFF0];
	_ =	sdelay $0x2  }
0xba: {  	vm1 =	veq.s32 v2, $0xF  }
0xbb: {  	v5 =	vsel vm1, $0xFFFFFFFF, v3  }
0xbc: {  	v6 =	vsel vm0, v3, v56;
	vm2 =	vne.s32 v56, v5  }
0xbd: {  	vm3 =	vne.s32 v56, v6;
	_ =	sdelay $0x2  }
0xbe: {  	v57, _, _ =	vpop (xrf2)  }
0xbf: {  	s29 =	sadd.s32 $0xFFFFFFFF, s2;
	v58 =	vsub.f32 $0.0e+00, v57  }
0xc0: {  	s1 =	sand.u32 $0x70, s29;
	[tilespmem:v56+s15+$0x0] =	vst.idx.add.f32.msk vm2, v57  }
0xc1: {  	s1 =	sor.u32 s1, s21;
	[tilespmem:v3+s15+$0x0] =	vst.idx.add.f32.msk vm3, v58  }
0xc2: {  	v3 =	vadd.s32 s2, v2;
	v4 =	vld [tilespmem:s1+$0x180];
	_ =	sdelay $0x4  }
0xc3: {  	v3 =	vld.idx.msk [tilespmem:v3+s11+$0x0], $0xffff;
	(xrf2) =	vadd.scan.msk.f32 $0xffff, v4  }
0xc4: {  	v59 =	vld [tilespmem:s0+$0x0];
	_ =	sdelay $0x3  }
0xc5: {  	v60 =	vsel vm1, $0xFFFFFFFF, v3  }
0xc6: {  	v61 =	vsel vm0, v3, v59;
	vm1 =	vne.s32 v59, v60  }
0xc7: {  	vm2 =	vne.s32 v59, v61;
	_ =	sdelay $0x2  }
0xc8: {  	v62, _, _ =	vpop (xrf2)  }
0xc9: {  	s18 =	sadd.s32 $0x1, s18;
	v63 =	vsub.f32 $0.0e+00, v62  }
0xca: {  	p0 =	sne.s32 s18, s9;
	[tilespmem:v59+s15+$0x0] =	vst.idx.add.f32.msk vm1, v62  }
.Ltmp3:
0xcb: {  	s30 =	simm.s32 $0x80;
	s31 =	simm.s32 $0x400;
	[tilespmem:v3+s15+$0x0] =	vst.idx.add.f32.msk vm2, v63;
	(pc) =	sbr.rel @p0 .LBB2_1-.Ltmp3, $4  }
0xcc: {  	[hbm4b:s8+s30] =	stream.strided.scatter [tilespmem:s15], [sflag:$0x1], $0x2000, s31, s30, $0x38;
	[tilespmem:$0x17280] =	vst v63  }
0xcd: {  	_ =	swait.ge [sflag:s10], $0x2000  }
0xce: {  	[sflag:s10] =	ssyncset.done $0x0  }
0xcf: {  	[sflag:s10] =	ssyncadd.s32 $0xFFFFE000  }
0xd0: {  	_ =	sfence.sel $0x180000  }
0xd1: {  	[bflag:$0x0] =	sbarrier.arrive $0xFFFF  }
0xd2: {  	_ =	strace $0x9000004D  }
0xd3: {  	s0 =	stileid.u32;
	[bflag:$0x2] =	sbarrier.arrive $0xFFFF  }
0xd4: {  	p0 =	sne.s32 s0, $0x0;
	s0 =	rddreg [dreg:$0x5]  }
0xd5: {  	s0 =	sadd.s32 @!p0 $0x100000, s0  }
0xd6: {  	[sflag:s0] =	ssyncadd.tile.s32 @!p0 $0x1;
	_ =	shalt  }
.Lfunc_end2:
_tile_overlayer_lowered:
.L_overlay_start_2:
0xd7: {  	(tag) =	ssettag $0x2  }
0xd8: {  	s0 =	rddreg [dreg:$0x0];
	s2 =	stileid.u32  }
0xd9: {  	s1 =	rddreg [dreg:$0x1];
	p0 =	sne.s32 s2, $0x0  }
0xda: {  	s3 =	rddreg [dreg:$0x2];
	[bflag:$0x3] =	sbarrier.arrive $0xFFFF;
	s2 =	simm.s32 @!p0 $0x1C01  }
0xdb: {  	[timem:s3], [sflag:s2] =	dma.local @!p0 [hbm:s0], s1  }
0xdc: {  	s0 =	simm.s32 @!p0 $0x1  }
0xdd: {  	_ =	swait.ge @!p0 [sflag:s0], s1  }
0xde: {  	s1 =	ssub.s32 @!p0 $0x0, s1;
	[sflag:s0] =	ssyncset.done @!p0 $0x0  }
0xdf: {  	[sflag:s0] =	ssyncadd.s32 @!p0 s1  }
0xe0: {  	[bflag:$0x3] =	sbarrier.arrive $0xFFFF  }
0xe1: {  	_ =	shalt  }

// kernel: kernel.21.cloned.1.call-start
scs
__scs_entry_jumppad:
0x0: {  	(pc) =	sbr.rel $0x88, $3  }
0x1: {  	(tag) =	ssettag $0x0;
	lr =	simm.s32 $0x1  }
0x2: {  	[smem:$0x3F9C] =	sst lr;
	_ =	strace $0xD0000000  }
0x3: {  	_ = 	snop  }
0x4: {  	_ = 	snop  }
0x5: {  	_ = 	snop  }
0x6: {  	_ = 	snop  }
0x7: {  	_ = 	snop  }
__scs_overlays_trampoline_lowered:
0x8: {  	[smem:$0x3FAB] =	sst s0  }
0x9: {  	[smem:$0x3FAC] =	sst s1  }
0xa: {  	[smem:$0x3FAD] =	sst s2  }
0xb: {  	[smem:$0x3FAE] =	sst s3  }
0xc: {  	[smem:$0x3FAF] =	sst s4  }
0xd: {  	[smem:$0x3FB0] =	sst s5  }
0xe: {  	[smem:$0x3FB1] =	sst s6  }
0xf: {  	[smem:$0x3FB2] =	sst s7  }
0x10: {  	[smem:$0x3FB3] =	sst s8  }
0x11: {  	[smem:$0x3FB4] =	sst s9;
	s0 =	simm.s32 @!p0 $0x0  }
0x12: {  	s1 =	sld [smem:$0x3F9A];
	s0 =	simm.s32 @p0 $0x1  }
0x13: {  	[smem:$0x3FB5] =	sst s0;
	s0 =	simm.s32 @!p1 $0x0  }
0x14: {  	s2 =	sld [smem:$0x3F99];
	s0 =	simm.s32 @p1 $0x1  }
0x15: {  	[smem:$0x3FB6] =	sst s0;
	s0 =	simm.s32 @!p2 $0x0  }
0x16: {  	s3 =	sld [smem:$0x3FDB];
	s0 =	simm.s32 @p2 $0x1  }
0x17: {  	s4 =	simm.s32 $0x1BF5;
	[smem:$0x3FB8] =	sst s0  }
0x18: {  	s0 =	sld [smem:$0x3F9B];
	_ =	swait.ge [sflag:s4], $0x0  }
0x19: {  	s7 =	sld [smem:$0x3F9C]  }
0x1a: {  	s8 =	sadd.s32 $0xFFFFE003, lr  }
0x1b: {  	s9 =	sadd.s32 $0xFFFFFEF7, lr;
	s5 =	simm.s32 $0xFFFFFFFF;
	p2 =	slt.u32 s8, $0xFFFFF086  }
0x1c: {  	p1 =	slt.u32 s9, $0xF7A;
	s5 =	simm.s32 @!p2 $0x0  }
0x1d: {  	s5 =	simm.s32 @p1 $0x1;
	p0 =	seq.s32 s7, s2  }
0x1e: {  	s7 =	smul.u32 @!p0 $0xF7A, s2;
	p2 =	seq.s32 @!p0 s5, $0x0  }
0x1f: {  	s9 =	smul.u32 $0xF7A, s1;
	s8 =	simm.s32 @!p0 $0x1BF5;
	p2 =	por !p2, p0  }
0x20: {  	[sflag:s8] =	ssyncset.s32 @!p0 $0xFFFFF086;
	s6 =	sadd.s32 @!p0 s3, s7;
	s7 =	simm.s32 @!p0 $0x108  }
0x21: {  	s3 =	sadd.s32 s3, s9;
	s6 =	sadd.s32 @!p0 $0x88, s6;
	s7 =	simm.s32 @p2 $0x1082  }
0x22: {  	[simem:s7], [sflag:s8] =	dma.local @!p0 [hbm:s6], $0xF7A  }
0x23: {  	s9 =	sor.u32 $0xD0000000, s2;
	s6 =	simm.s32 $0x108;
	_ =	swait.ge @!p0 [sflag:s8], $0x0  }
0x24: {  	s3 =	sadd.s32 $0x88, s3;
	s6 =	simm.s32 @!p1 $0x1082;
	[sflag:s4] =	ssyncset.s32 $0xFFFFF086  }
0x25: {  	[simem:s6], [sflag:s4] =	dma.local [hbm:s3], $0xF7A  }
0x26: {  	[smem:$0x3F9C] =	sst s1;
	(tag) =	ssettag s2;
	_ =	strace s9  }
0x27: {  	s1 =	sld [smem:$0x3FAC]  }
0x28: {  	s2 =	sld [smem:$0x3FAD]  }
0x29: {  	s4 =	sld [smem:$0x3FAF]  }
0x2a: {  	p0 =	seq.s32 s5, $0x0;
	s5 =	sld [smem:$0x3FB0]  }
0x2b: {  	s6 =	sld [smem:$0x3FB1]  }
0x2c: {  	s7 =	sld [smem:$0x3FB2]  }
0x2d: {  	s3 =	simm.s32 $0x108;
	s8 =	sld [smem:$0x3FB3]  }
0x2e: {  	s3 =	simm.s32 @!p0 $0x1082;
	s9 =	sld [smem:$0x3FB4]  }
0x2f: {  	lr =	sadd.s32 s0, s3;
	s0 =	sld [smem:$0x3FAB]  }
0x30: {  	s3 =	sld [smem:$0x3FAE]  }
0x31: {  	[smem:$0x3FB7] =	sst s10  }
0x32: {  	s10 =	sld [smem:$0x3FB5];
	_ =	sdelay $0x3  }
0x33: {  	p0 =	seq.s32 s10, $0x1;
	s10 =	sld [smem:$0x3FB7];
	_ =	sdelay $0x3  }
0x34: {  	[smem:$0x3FB7] =	sst s10  }
0x35: {  	s10 =	sld [smem:$0x3FB6];
	_ =	sdelay $0x3  }
0x36: {  	p1 =	seq.s32 s10, $0x1;
	s10 =	sld [smem:$0x3FB7];
	_ =	sdelay $0x3  }
0x37: {  	[smem:$0x3FB7] =	sst s10  }
0x38: {  	s10 =	sld [smem:$0x3FB8]  }
0x39: {  	_ = 	snop;
	(pc) =	sbr.ind lr, $3  }
0x3a: {  	_ = 	snop  }
0x3b: {  	_ = 	snop  }
0x3c: {  	p2 =	seq.s32 s10, $0x1;
	s10 =	sld [smem:$0x3FB7]  }
0x3d: {  	_ =	shalt  }
0x3e: {  	_ =	shalt  }
0x3f: {  	_ =	shalt  }
0x40: {  	_ =	shalt  }
0x41: {  	_ =	shalt  }
0x42: {  	_ =	shalt  }
0x43: {  	_ =	shalt  }
0x44: {  	_ =	shalt  }
0x45: {  	_ =	shalt  }
0x46: {  	_ =	shalt  }
0x47: {  	_ =	shalt  }
0x48: {  	_ =	shalt  }
0x49: {  	_ =	shalt  }
0x4a: {  	_ =	shalt  }
0x4b: {  	_ =	shalt  }
0x4c: {  	_ =	shalt  }
0x4d: {  	_ =	shalt  }
0x4e: {  	_ =	shalt  }
0x4f: {  	_ =	shalt  }
0x50: {  	_ =	shalt  }
0x51: {  	_ =	shalt  }
0x52: {  	_ =	shalt  }
0x53: {  	_ =	shalt  }
0x54: {  	_ =	shalt  }
0x55: {  	_ =	shalt  }
0x56: {  	_ =	shalt  }
0x57: {  	_ =	shalt  }
0x58: {  	_ =	shalt  }
0x59: {  	_ =	shalt  }
0x5a: {  	_ =	shalt  }
0x5b: {  	_ =	shalt  }
0x5c: {  	_ =	shalt  }
0x5d: {  	_ =	shalt  }
0x5e: {  	_ =	shalt  }
0x5f: {  	_ =	shalt  }
0x60: {  	_ =	shalt  }
0x61: {  	_ =	shalt  }
0x62: {  	_ =	shalt  }
0x63: {  	_ =	shalt  }
0x64: {  	_ =	shalt  }
0x65: {  	_ =	shalt  }
0x66: {  	_ =	shalt  }
0x67: {  	_ =	shalt  }
0x68: {  	_ =	shalt  }
0x69: {  	_ =	shalt  }
0x6a: {  	_ =	shalt  }
0x6b: {  	_ =	shalt  }
0x6c: {  	_ =	shalt  }
0x6d: {  	_ =	shalt  }
0x6e: {  	_ =	shalt  }
0x6f: {  	_ =	shalt  }
0x70: {  	_ =	shalt  }
0x71: {  	_ =	shalt  }
0x72: {  	_ =	shalt  }
0x73: {  	_ =	shalt  }
0x74: {  	_ =	shalt  }
0x75: {  	_ =	shalt  }
0x76: {  	_ =	shalt  }
0x77: {  	_ =	shalt  }
0x78: {  	_ =	shalt  }
0x79: {  	_ =	shalt  }
0x7a: {  	_ =	shalt  }
0x7b: {  	_ =	shalt  }
0x7c: {  	_ =	shalt  }
0x7d: {  	_ =	shalt  }
0x7e: {  	_ =	shalt  }
0x7f: {  	_ =	shalt  }
0x80: {  	_ =	shalt  }
0x81: {  	_ =	shalt  }
0x82: {  	_ =	shalt  }
0x83: {  	_ =	shalt  }
0x84: {  	_ =	shalt  }
0x85: {  	_ =	shalt  }
0x86: {  	_ =	shalt  }
0x87: {  	_ =	shalt  }
.Lfunc_end0:
.L_simem_size_0:
called_computation.3_lowered:
.L_overlay_start_0:
0x88: {  	s2 =	sld [smem:$0x3FD9]  }
0x89: {  	s3 =	sld [smem:$0x3FFE];
	_ =	sdelay $0x1  }
0x8a: {  	s1 =	srdreg.scid  }
0x8b: {  	s0 =	sand.u32 $0x1, s1  }
0x8c: {  	s14 =	sshll.u32 s0, $0xA;
	s2 =	sadd.s32 s3, s2  }
0x8d: {  	s2 =	sadd.s32 s2, s14  }
0x8e: {  	[smem:$0x3FC3] =	sst s2  }
0x8f: {  	_ = 	snop  }
0x90: {  	s2 =	sld [smem:$0x3FD0];
	_ =	sdelay $0x1  }
0x91: {  	s15 =	sld [smem:$0x3FC8]  }
0x92: {  	s5 =	simm.s32 $0xA;
	s6 =	simm.s32 $0x10;
	s4 =	sld [smem:$0x3FC7]  }
0x93: {  	[smem:s6], [sflag:s5] =	dma.local [hbm:s2], $0x1  }
0x94: {  	_ =	swait.eq [sflag:s5], $0x1  }
0x95: {  	s16 =	sld [smem:$0x11];
	[sflag:s5] =	ssyncset.done $0x0  }
0x96: {  	s17 =	sld [smem:$0x12];
	[sflag:s5] =	ssyncadd.s32 $0xFFFFFFFF  }
0x97: {  	s18 =	sld [smem:$0x13];
	(tm) =	ssettm $0x1  }
0x98: {  	s7 =	sld [smem:$0x3FFB];
	_ =	sdelay $0x3  }
0x99: {  	_ =	strace s7  }
0x9a: {  	s7 =	sld [smem:$0x3FFC];
	_ =	sdelay $0x3  }
0x9b: {  	_ =	strace s7  }
0x9c: {  	s7 =	sld [smem:$0x3FFD];
	_ =	sdelay $0x3  }
0x9d: {  	_ =	strace s7  }
0x9e: {  	_ =	strace $0x8FFFFFFF  }
0x9f: {  	s19 =	sld [smem:$0x3FDB];
	_ =	sdelay $0x1  }
0xa0: {  	s8 =	simm.s32 $_scs_section_size  }
0xa1: {  	s9 =	simm.s32 $_size__tile_overlayer_lowered;
	s10 =	simm.s32 $_tile_overlayer_lowered  }
0xa2: {  	s22 =	simm.s32 $0x1BFF;
	s21 =	sshll.u32 s10, $0x1;
	s7 =	sadd.s32 s8, s19  }
0xa3: {  	s11 =	simm.s32 $0x0;
	s20 =	sshll.u32 s9, $0x1;
	s9 =	sadd.s32 s21, s7  }
0xa4: {  	[timem:s11], [sflag:s22] =	dma.local [hbm:s9], s20  }
0xa5: {  	_ =	swait.ge [sflag:s22], s20  }
0xa6: {  	s8 =	ssub.s32 $0x0, s20;
	[sflag:s22] =	ssyncset.done $0x0  }
0xa7: {  	[sflag:s22] =	ssyncadd.s32 s8;
	_ =	sdelay $0x1  }
0xa8: {  	s23 =	simm.s32 $0x1B8B  }
0xa9: {  	_ =	swait.ge [sflag:s23], $0x1  }
0xaa: {  	[sflag:s23] =	ssyncset.done $0x0  }
0xab: {  	s25 =	simm.s32 $0x1B8E;
	s24 =	sld [smem:$0x3FFE];
	[sflag:s23] =	ssyncadd.s32 $0xFFFFFFFF  }
0xac: {  	s26 =	simm.s32 $execute0_lowered;
	[smem:$0x3FD2] =	sst s25  }
0xad: {  	s9 =	sshll.u32 s26, $0x1;
	_ =	strace $0x8000004F;
	[dreg:$0x1] =	wrdreg $0xFFFFFFFF  }
0xae: {  	s28 =	simm.s32 $_size_execute0_lowered;
	s7 =	sadd.s32 s7, s9;
	[dreg:$0x0] =	wrdreg $0x0  }
0xaf: {  	s9 =	sshll.u32 s28, $0x1;
	[dreg:$0x2] =	wrdreg s7  }
0xb0: {  	[dreg:$0x3] =	wrdreg s9  }
0xb1: {  	[dreg:$0x4] =	wrdreg $0xC0  }
0xb2: {  	_ =	task [dreg:s11], $0x5FFFF  }
0xb3: {  	[dreg:$0x1] =	wrdreg $0xFFFFFFFF  }
0xb4: {  	[dreg:$0x0] =	wrdreg $0x60  }
0xb5: {  	[dreg:$0x2] =	wrdreg s24  }
0xb6: {  	[dreg:$0x3] =	wrdreg s15  }
0xb7: {  	[dreg:$0x4] =	wrdreg s4  }
0xb8: {  	[dreg:$0x5] =	wrdreg s16  }
0xb9: {  	[dreg:$0x6] =	wrdreg s18  }
0xba: {  	[dreg:$0x7] =	wrdreg s17  }
0xbb: {  	[dreg:$0x8] =	wrdreg $0x9  }
0xbc: {  	_ =	task.clear_ibuf [dreg:s11], $0x9FFFF;
	_ =	strace $0x9000004F  }
0xbd: {  	s29 =	simm.s32 $0x9;
	_ =	strace $0x80000051  }
0xbe: {  	_ =	swait.ge [sflag:s29], $0x1  }
0xbf: {  	[sflag:s29] =	ssyncadd.s32 $0xFFFFFFFF  }
0xc0: {  	_ =	strace $0x90000051  }
0xc1: {  	_ =	sfence  }
0xc2: {  	s30 =	sld [smem:$0x0];
	_ =	sdelay $0x2  }
0xc3: {  	s31 =	sshll.u32 s1, $0xD;
	s1 =	sshrl.u32 s1, $0x2  }
0xc4: {  	s3 =	sand.u32 $0x4000, s31;
	s1 =	sadd.s32 s1, s30  }
0xc5: {  	s0 =	sor.u32 s3, s0;
	s1 =	sshll.u32 s1, $0x11  }
0xc6: {  	s0 =	sor.u32 s1, s0  }
0xc7: {  	s0 =	sadd.s32 $0x8F2B, s0  }
0xc8: {  	[sflag:s0] =	ssyncadd.remote.s32 $0x1  }
0xc9: {  	_ =	sfence.sel $0xFFFF  }
0xca: {  	[dreg:$0x0] =	wrdreg $0xFFFFFFFF;
	(pc) =	sbr.abs _section_cstart, $3  }
0xcb: {  	[dreg:$0x1] =	wrdreg $0xFFFFFFFF  }
0xcc: {  	_ =	task.clear_ibuf [dreg:s11], $0x2FFFF;
	_ =	strace $0x9FFFFFFF  }
0xcd: {  	(tm) =	ssettm $0x7FFFFFFF  }
tec
execute0_lowered:
.L_overlay_start_1:
0x0: {  	(tag) =	ssettag $0x1  }
0x1: {  	s5 =	rddreg [dreg:$0x0]  }
0x2: {  	s6 =	rddreg [dreg:$0x1]  }
0x3: {  	s7 =	rddreg [dreg:$0x3]  }
0x4: {  	s2 =	srdreg.scid;
	s0 =	stileid.u32  }
0x5: {  	s8 =	rddreg [dreg:$0x4];
	s9 =	sand.u32 $0x1, s2;
	s10 =	sshll.u32 s0, $0x1  }
0x6: {  	s4 =	simm.s32 $0x0;
	s14 =	simm.s32 $0xA280;
	s10 =	sor.u32 s9, s10  }
0x7: {  	s15 =	simm.s32 $0xCA80;
	s9 =	ssub.s32 $0x2, s9;
	s10 =	smul.u32 $0xA00, s10  }
0x8: {  	s16 =	simm.s32 $0x0;
	[smem:$0x7FF] =	sst s4;
	s30 =	sshrl.u32 s9, $0x1  }
0x9: {  	s9 =	ssub.s32 s9, s30;
	s11 =	sadd.s32 s10, s5;
	s10 =	sadd.s32 $0x6C000, s10  }
0xa: {  	_ =	strace $0x80000050;
	s9 =	smax.u32 s9, $0x1;
	s31 =	sshrl.u32 s10, $0x3  }
0xb: {  	s10 =	sshrl.u32 s10, $0x1;
	s5 =	sadd.s32 s6, s31;
	s6 =	sadd.s32 $0x13E00, s11  }
0xc: {  	v0 =	vimm.s32 $0xFFFFFFFF;
	v1 =	vimm.f32 $0.0e+00;
	s7 =	sadd.s32 s7, s10;
	s8 =	sadd.s32 s8, s10;
	s10 =	simm.s32 $0x1  }
.LBB2_1:
0xd: {  	s0 =	rddreg [dreg:$0x2]  }
0xe: {  	[tilespmem:s4], [sflag:$0x1] =	stream.linear.gather [hbm4b:s0+s4], $0x2000, $0x38;
	[tilespmem:$0xCB00] =	vst v63  }
0xf: {  	_ =	swait.ge [sflag:s10], $0x2000  }
0x10: {  	[sflag:s10] =	ssyncset.done $0x0  }
0x11: {  	s22 =	simm.s32 $0x2000;
	[sflag:s10] =	ssyncadd.s32 $0xFFFFE000  }
0x12: {  	[tilespmem:s22], [sflag:$0x1] =	stream.linear.gather [hbm4b:s5+s4], $0xA00, $0x38;
	[tilespmem:$0xCB00] =	vst v63  }
0x13: {  	_ =	swait.ge [sflag:s10], $0xA00  }
0x14: {  	[sflag:s10] =	ssyncset.done $0x0  }
0x15: {  	[sflag:s10] =	ssyncadd.s32 $0xFFFFF600  }
0x16: {  	s23 =	simm.s32 $0x2A80;
	[tilespmem:$0x2A00] =	vst v0  }
0x17: {  	[tilespmem:s23], [sflag:$0x1] =	stream.linear.gather [hbm4b:s6+s4], $0x5000, $0x38;
	[tilespmem:$0xCB00] =	vst v63  }
0x18: {  	_ =	swait.ge [sflag:s10], $0x5000  }
0x19: {  	[sflag:s10] =	ssyncset.done $0x0  }
0x1a: {  	s17 =	simm.s32 $0x2020;
	[sflag:s10] =	ssyncadd.s32 $0xFFFFB000  }
0x1b: {  	v2 =	vld [tilespmem:s17+$0x10];
	_ =	sdelay $0x3  }
0x1c: {  	v3 =	vld [tilespmem:s17+$0xFFFFFFE0]  }
0x1d: {  	v4 =	vld [tilespmem:s17+$0xFFFFFFF0]  }
0x1e: {  	s24 =	simm.s32 $0x0  }
0x1f: {  	s18 =	simm.s32 $0x30;
	v5 =	vld [tilespmem:s17+$0x0];
	s17 =	sand.u32 $0x3FFFFC00, s24  }
0x20: {  	s19 =	simm.s32 $0x10;
	s18 =	sand.u32 $0x70, s18;
	s17 =	sadd.s32 $0x2A80, s17;
	v2 =	vld.idx.msk [tilespmem:v2+s4+$0x0], $0xffff  }
0x21: {  	s23 =	sand.u32 $0x50, s19;
	s20 =	sor.u32 s18, s17  }
0x22: {  	s24 =	sor.u32 s23, s17;
	v6 =	vld [tilespmem:s20+$0x0]  }
0x23: {  	v8 =	vld [tilespmem:s24+$0x0]  }
0x24: {  	s21 =	sand.u32 $0x40, s4;
	v3 =	vld.idx.msk [tilespmem:v3+s4+$0x0], $0xffff  }
0x25: {  	s28 =	sor.u32 s21, s17;
	v4 =	vld.idx.msk [tilespmem:v4+s4+$0x0], $0xffff;
	vm0 =	veq.s32 v2, $0x0  }
0x26: {  	s22 =	simm.s32 $0x20;
	v2 =	vld [tilespmem:s28+$0x0];
	v7 =	vsel vm0, $0x3F800000, v1  }
0x27: {  	s25 =	simm.s32 $0x0;
	s22 =	sand.u32 $0x60, s22;
	v5 =	vld.idx.msk [tilespmem:v5+s4+$0x0], $0xffff;
	v9 =	vmul.f32 v7, v6  }
0x28: {  	s25 =	sand.u32 $0xFFFFFE00, s25;
	s26 =	sor.u32 s22, s17  }
0x29: {  	s29 =	sor.u32 s25, s18;
	v10 =	vld [tilespmem:s26+$0x0];
	vm10 =	veq.s32 v3, $0x0;
	v3 =	vsub.f32 v6, v9  }
0x2a: {  	vm11 =	veq.s32 v4, $0x0;
	v6 =	vsel vm10, $0x3F800000, v1;
	[tilespmem:s29+$0x7A80] =	vst v9  }
0x2b: {  	v14 =	vsel vm11, $0x3F800000, v1;
	v4 =	vmul.f32 v6, v2;
	[tilespmem:s29+$0xA280] =	vst v3  }
0x2c: {  	s19 =	sor.u32 s21, s25;
	vm12 =	veq.s32 v5, $0x0;
	v3 =	vmul.f32 v14, v8;
	v5 =	vld [tilespmem:s20+$0x80]  }
0x2d: {  	s0 =	simm.s32 $0x2060;
	s17 =	sor.u32 s25, s23;
	v17 =	vsel vm12, $0x3F800000, v1;
	v2 =	vsub.f32 v2, v4;
	[tilespmem:s19+$0x7A80] =	vst v4  }
0x2e: {  	v9 =	vmul.f32 v17, v10;
	v4 =	vsub.f32 v8, v3;
	v8 =	vld [tilespmem:s0+$0x10];
	[tilespmem:s17+$0x7A80] =	vst v3  }
0x2f: {  	s1 =	simm.s32 $0x200;
	v3 =	vld [tilespmem:s0+$0x0];
	[tilespmem:s19+$0xA280] =	vst v2  }
0x30: {  	s3 =	simm.s32 $0x70;
	s2 =	sand.u32 $0x3FFFFC00, s1;
	v2 =	vsub.f32 v10, v9;
	[tilespmem:s17+$0xA280] =	vst v4;
	v4 =	vld [tilespmem:s0+$0xFFFFFFE0]  }
0x31: {  	s30 =	sand.u32 $0x70, s3;
	s11 =	sadd.s32 $0x2A80, s2;
	s18 =	sor.u32 s25, s22;
	v11 =	vld [tilespmem:s28+$0x80];
	v10 =	vmul.f32 v5, v7  }
0x32: {  	s25 =	sor.u32 s30, s11;
	[tilespmem:s18+$0xA280] =	vst v2;
	v2 =	vld [tilespmem:s0+$0xFFFFFFF0]  }
0x33: {  	v13 =	vld [tilespmem:s25+$0x0];
	[tilespmem:s18+$0x7A80] =	vst v9;
	v5 =	vsub.f32 v5, v10  }
0x34: {  	v9 =	vld [tilespmem:s24+$0x80];
	[tilespmem:s29+$0x7B00] =	vst v10  }
0x35: {  	v10 =	vld [tilespmem:s26+$0x80];
	[tilespmem:s29+$0xA300] =	vst v5  }
0x36: {  	v12 =	vmul.f32 v11, v6;
	v5 =	vld [tilespmem:s20+$0x100]  }
0x37: {  	v8 =	vld.idx.msk [tilespmem:v8+s4+$0x0], $0xffff  }
0x38: {  	s23 =	simm.s32 $0x40;
	v15 =	vld.idx.msk [tilespmem:v3+s4+$0x0], $0xffff;
	v11 =	vsub.f32 v11, v12  }
0x39: {  	s12 =	simm.s32 $0x50;
	s31 =	sand.u32 $0x40, s23;
	[tilespmem:s19+$0x7B00] =	vst v12;
	v12 =	vmul.f32 v9, v14;
	v4 =	vld.idx.msk [tilespmem:v4+s4+$0x0], $0xffff  }
0x3a: {  	s13 =	sand.u32 $0x50, s12;
	s2 =	simm.s32 $0x60;
	s21 =	sor.u32 s31, s11;
	v2 =	vld.idx.msk [tilespmem:v2+s4+$0x0], $0xffff;
	[tilespmem:s19+$0xA300] =	vst v11;
	v11 =	vmul.f32 v10, v17  }
0x3b: {  	s2 =	sand.u32 $0x60, s2;
	s20 =	sor.u32 s13, s11;
	[tilespmem:s17+$0x7B00] =	vst v12;
	v3 =	vsub.f32 v9, v12;
	v12 =	vld [tilespmem:s21+$0x0];
	v7 =	vmul.f32 v5, v7  }
0x3c: {  	s22 =	sor.u32 s2, s11;
	v16 =	vld [tilespmem:s20+$0x0];
	[tilespmem:s18+$0x7B00] =	vst v11;
	v9 =	vsub.f32 v10, v11;
	vm13 =	veq.s32 v8, $0x0  }
0x3d: {  	v18 =	vld [tilespmem:s22+$0x0];
	[tilespmem:s17+$0xA300] =	vst v3;
	v3 =	vsub.f32 v5, v7;
	v5 =	vsel vm13, $0x3F800000, v1  }
0x3e: {  	s1 =	simm.s32 $0x100;
	v19 =	vld [tilespmem:s28+$0x100];
	[tilespmem:s18+$0xA300] =	vst v9;
	vm14 =	veq.s32 v4, $0x0;
	v8 =	vmul.f32 v5, v13  }
0x3f: {  	s1 =	sand.u32 $0xFFFFFE00, s1;
	vm15 =	veq.s32 v15, $0x0;
	v9 =	vld [tilespmem:s24+$0x100];
	vm1 =	veq.s32 v2, $0x0;
	v2 =	vsel vm14, $0x3F800000, v1;
	[tilespmem:s29+$0x7B80] =	vst v7  }
0x40: {  	s24 =	sor.u32 s1, s30;
	v10 =	vld [tilespmem:s26+$0x100];
	v20 =	vmul.f32 v2, v12;
	[tilespmem:s29+$0xA380] =	vst v3;
	v3 =	vsel vm1, $0x3F800000, v1;
	v15 =	vsub.f32 v13, v8  }
0x41: {  	v4 =	vsel vm15, $0x3F800000, v1;
	v11 =	vmul.f32 v3, v16;
	[tilespmem:s24+$0x7A80] =	vst v8  }
0x42: {  	s29 =	sor.u32 s31, s1;
	v7 =	vsub.f32 v12, v20;
	v13 =	vmul.f32 v4, v18;
	[tilespmem:s24+$0xA280] =	vst v15  }
0x43: {  	[tilespmem:s29+$0x7A80] =	vst v20;
	v8 =	vmul.f32 v19, v6;
	v15 =	vsub.f32 v16, v11;
	v12 =	vld [tilespmem:s25+$0x80]  }
0x44: {  	s28 =	sor.u32 s1, s13;
	[tilespmem:s29+$0xA280] =	vst v7;
	v16 =	vsub.f32 v18, v13;
	v7 =	vmul.f32 v9, v14  }
0x45: {  	s30 =	simm.s32 $0x4;
	s26 =	sor.u32 s1, s2;
	s31 =	simm.s32 $0x20A0;
	v6 =	vmul.f32 v10, v17;
	v14 =	vld [tilespmem:s21+$0x80];
	[tilespmem:s28+$0xA280] =	vst v15;
	v15 =	vsub.f32 v19, v8  }
.LBB2_2:
0x46: {  	v17 =	vld [tilespmem:s31+$0x10];
	[tilespmem:s26+$0xA280] =	vst v16;
	v9 =	vsub.f32 v9, v7  }
0x47: {  	v16 =	vld [tilespmem:s31+$0xFFFFFFE0];
	[tilespmem:s28+$0x7A80] =	vst v11;
	v10 =	vsub.f32 v10, v6  }
0x48: {  	v11 =	vld [tilespmem:s31+$0xFFFFFFF0];
	[tilespmem:s26+$0x7A80] =	vst v13;
	v13 =	vmul.f32 v12, v5  }
0x49: {  	v18 =	vld [tilespmem:s31+$0x0];
	[tilespmem:s19+$0xA380] =	vst v15  }
0x4a: {  	v15 =	vmul.f32 v14, v2;
	v19 =	vld [tilespmem:s20+$0x80];
	v12 =	vsub.f32 v12, v13;
	[tilespmem:s17+$0xA380] =	vst v9  }
0x4b: {  	v9 =	vld [tilespmem:s22+$0x80];
	[tilespmem:s24+$0x7B00] =	vst v13  }
0x4c: {  	s30 =	sadd.s32 $0x4, s30;
	v13 =	vsub.f32 v14, v15;
	[tilespmem:s24+$0xA300] =	vst v12  }
0x4d: {  	s23 =	sadd.s32 $0x40, s23;
	s0 =	sshll.u32 s30, $0x7;
	p0 =	slt.u32 s30, $0x9C;
	[tilespmem:s29+$0x7B00] =	vst v15;
	v12 =	vld [tilespmem:s25+$0x100]  }
0x4e: {  	s1 =	sadd.s32 $0x10, s23;
	s2 =	sadd.s32 $0x30, s23;
	s0 =	sand.u32 $0x3FFFFC00, s0;
	v14 =	vld.idx.msk [tilespmem:v17+s4+$0x0], $0xffff;
	[tilespmem:s29+$0xA300] =	vst v13  }
0x4f: {  	s2 =	sand.u32 $0x70, s2;
	s0 =	sadd.s32 $0x2A80, s0;
	s25 =	sadd.s32 $0x20, s23;
	v13 =	vld.idx.msk [tilespmem:v16+s4+$0x0], $0xffff;
	v15 =	vmul.f32 v19, v3;
	[tilespmem:s18+$0xA380] =	vst v10  }
0x50: {  	s1 =	sand.u32 $0x50, s1;
	s3 =	sand.u32 $0x60, s25;
	s25 =	sor.u32 s2, s0;
	v10 =	vld.idx.msk [tilespmem:v11+s4+$0x0], $0xffff;
	v11 =	vmul.f32 v9, v4;
	[tilespmem:s19+$0x7B80] =	vst v8  }
0x51: {  	s11 =	sand.u32 $0x40, s23;
	s12 =	sor.u32 s1, s0;
	s13 =	sor.u32 s3, s0;
	v8 =	vld [tilespmem:s25+$0x0];
	[tilespmem:s28+$0x7B00] =	vst v15;
	v15 =	vsub.f32 v19, v15  }
0x52: {  	s0 =	sor.u32 s11, s0;
	s19 =	smov.u32 s29;
	v16 =	vld.idx.msk [tilespmem:v18+s4+$0x0], $0xffff;
	[tilespmem:s26+$0x7B00] =	vst v11;
	v9 =	vsub.f32 v9, v11;
	v11 =	vmul.f32 v12, v5  }
0x53: {  	v17 =	vld [tilespmem:s0+$0x0];
	[tilespmem:s28+$0xA300] =	vst v15  }
0x54: {  	vm0 =	veq.s32 v14, $0x0;
	v15 =	vld [tilespmem:s12+$0x0];
	[tilespmem:s26+$0xA300] =	vst v9;
	v9 =	vsub.f32 v12, v11  }
0x55: {  	vm1 =	veq.s32 v13, $0x0;
	v5 =	vsel vm0, $0x3F800000, v1;
	v14 =	vld [tilespmem:s13+$0x0];
	[tilespmem:s17+$0x7B80] =	vst v7;
	s17 =	smov.u32 s28  }
0x56: {  	s28 =	sshll.u32 s30, $0x6;
	v7 =	vsel vm1, $0x3F800000, v1;
	vm0 =	veq.s32 v10, $0x0;
	v12 =	vmul.f32 v5, v8;
	v18 =	vld [tilespmem:s21+$0x100];
	[tilespmem:s24+$0xA380] =	vst v9;
	s21 =	smov.u32 s0  }
0x57: {  	s0 =	sand.u32 $0xFFFFFE00, s28;
	v19 =	vsel vm0, $0x3F800000, v1;
	v9 =	vld [tilespmem:s20+$0x100];
	[tilespmem:s18+$0x7B80] =	vst v6;
	s20 =	smov.u32 s12;
	s18 =	smov.u32 s26  }
0x58: {  	s29 =	sor.u32 s11, s0;
	s28 =	sor.u32 s0, s1;
	vm0 =	veq.s32 v16, $0x0;
	v6 =	vmul.f32 v7, v17;
	v8 =	vsub.f32 v8, v12;
	v10 =	vld [tilespmem:s22+$0x100];
	[tilespmem:s24+$0x7B80] =	vst v11;
	s24 =	sor.u32 s0, s2  }
.Ltmp0:
0x59: {  	s26 =	sor.u32 s0, s3;
	v20 =	vsel vm0, $0x3F800000, v1;
	s22 =	smov.u32 s13;
	v11 =	vmul.f32 v19, v15;
	[tilespmem:s24+$0x7A80] =	vst v12;
	(pc) =	sbr.rel @p0 .LBB2_2-.Ltmp0, $4  }
0x5a: {  	v16 =	vsub.f32 v17, v6;
	v13 =	vmul.f32 v20, v14;
	[tilespmem:s24+$0xA280] =	vst v8  }
0x5b: {  	[tilespmem:s29+$0x7A80] =	vst v6;
	v6 =	vsub.f32 v15, v11;
	v12 =	vld [tilespmem:s25+$0x80];
	v8 =	vmul.f32 v18, v2;
	v2 =	vmov v7  }
0x5c: {  	[tilespmem:s29+$0xA280] =	vst v16;
	v16 =	vsub.f32 v14, v13;
	v7 =	vmul.f32 v9, v3;
	v3 =	vmov v19  }
0x5d: {  	s31 =	sadd.s32 $0x40, s31;
	v14 =	vld [tilespmem:s21+$0x80];
	[tilespmem:s28+$0xA280] =	vst v6;
	v15 =	vsub.f32 v18, v8;
	v6 =	vmul.f32 v10, v4;
	v4 =	vmov v20  }
0x5e: {  	[tilespmem:s26+$0xA280] =	vst v16  }
0x5f: {  	[tilespmem:s28+$0x7A80] =	vst v11  }
0x60: {  	[tilespmem:s26+$0x7A80] =	vst v13  }
0x61: {  	[tilespmem:s19+$0x7B80] =	vst v8  }
0x62: {  	[tilespmem:s17+$0x7B80] =	vst v7;
	v49 =	vld [tilespmem:s20+$0x80];
	v48 =	vmul.f32 v12, v5  }
0x63: {  	v16 =	vld [tilespmem:s22+$0x80];
	[tilespmem:s19+$0xA380] =	vst v15  }
0x64: {  	[tilespmem:s18+$0x7B80] =	vst v6;
	v50 =	vmul.f32 v14, v2;
	v12 =	vsub.f32 v12, v48  }
0x65: {  	[tilespmem:s24+$0x7B00] =	vst v48  }
0x66: {  	v51 =	vsub.f32 v14, v50;
	[tilespmem:s24+$0xA300] =	vst v12  }
0x67: {  	[tilespmem:s29+$0x7B00] =	vst v50;
	v52 =	vmul.f32 v49, v3;
	v53 =	vld [tilespmem:s25+$0x100]  }
0x68: {  	v54 =	vmul.f32 v16, v4;
	[tilespmem:s29+$0xA300] =	vst v51  }
0x69: {  	[tilespmem:s28+$0x7B00] =	vst v52;
	v12 =	vsub.f32 v49, v52;
	v55 =	vld [tilespmem:s21+$0x100]  }
0x6a: {  	[tilespmem:s26+$0x7B00] =	vst v54;
	v11 =	vsub.f32 v16, v54  }
0x6b: {  	v9 =	vsub.f32 v9, v7;
	[tilespmem:s28+$0xA300] =	vst v12  }
0x6c: {  	v10 =	vsub.f32 v10, v6;
	[tilespmem:s26+$0xA300] =	vst v11;
	v56 =	vld [tilespmem:s20+$0x100];
	v57 =	vmul.f32 v53, v5  }
0x6d: {  	[tilespmem:s17+$0xA380] =	vst v9;
	v58 =	vld [tilespmem:s22+$0x100]  }
0x6e: {  	[tilespmem:s18+$0xA380] =	vst v10;
	v59 =	vsub.f32 v53, v57;
	v2 =	vmul.f32 v55, v2  }
0x6f: {  	[tilespmem:s24+$0x7B80] =	vst v57  }
0x70: {  	[tilespmem:s24+$0xA380] =	vst v59;
	v60 =	vsub.f32 v55, v2  }
0x71: {  	v3 =	vmul.f32 v56, v3;
	[tilespmem:s29+$0x7B80] =	vst v2  }
0x72: {  	v61 =	vmul.f32 v58, v4;
	[tilespmem:s29+$0xA380] =	vst v60  }
0x73: {  	v62 =	vsub.f32 v56, v3;
	[tilespmem:s28+$0x7B80] =	vst v3  }
0x74: {  	v63 =	vsub.f32 v58, v61;
	[tilespmem:s26+$0x7B80] =	vst v61  }
0x75: {  	[tilespmem:s28+$0xA380] =	vst v62  }
0x76: {  	s0 =	simm.s32 $0x7A80;
	[tilespmem:s26+$0xA380] =	vst v63  }
0x77: {  	[hbm4b:s7+s4] =	stream.linear.scatter [tilespmem:s0], [sflag:$0x1], $0x2800, $0x38;
	[tilespmem:$0xCB00] =	vst v63  }
0x78: {  	_ =	swait.ge [sflag:s10], $0x2800  }
0x79: {  	[sflag:s10] =	ssyncset.done $0x0  }
0x7a: {  	[sflag:s10] =	ssyncadd.s32 $0xFFFFD800  }
0x7b: {  	[hbm4b:s8+s4] =	stream.linear.scatter [tilespmem:s14], [sflag:$0x1], $0x2800, $0x38;
	[tilespmem:$0xCB00] =	vst v63  }
0x7c: {  	_ =	swait.ge [sflag:s10], $0x2800  }
0x7d: {  	s16 =	sadd.s32 $0x1, s16;
	[sflag:s10] =	ssyncset.done $0x0  }
0x7e: {  	p0 =	sne.s32 s16, s9;
	[sflag:s10] =	ssyncadd.s32 $0xFFFFD800  }
.Ltmp1:
0x7f: {  	[tilespmem:$0xCA80] =	vst v1;
	s31 =	rddreg [dreg:$0x5];
	(pc) =	sbr.rel @p0 .LBB2_1-.Ltmp1, $4  }
0x80: {  	[hbm4b:s31+s4] =	stream.linear.scatter [tilespmem:s15], [sflag:$0x1], $0x80, $0x38;
	[tilespmem:$0xCB00] =	vst v63  }
0x81: {  	_ =	swait.ge [sflag:s10], $0x80  }
0x82: {  	[sflag:s10] =	ssyncset.done $0x0  }
0x83: {  	[sflag:s10] =	ssyncadd.s32 $0xFFFFFF80  }
0x84: {  	_ =	sfence.sel $0x180000  }
0x85: {  	[bflag:$0x0] =	sbarrier.arrive $0xFFFF  }
0x86: {  	_ =	strace $0x90000050  }
0x87: {  	s0 =	stileid.u32;
	[bflag:$0x2] =	sbarrier.arrive $0xFFFF  }
0x88: {  	p0 =	sne.s32 s0, $0x0;
	s0 =	rddreg [dreg:$0x6]  }
0x89: {  	s0 =	sadd.s32 @!p0 $0x100000, s0  }
0x8a: {  	[sflag:s0] =	ssyncadd.tile.s32 @!p0 $0x1;
	_ =	shalt  }
.Lfunc_end2:
_tile_overlayer_lowered:
.L_overlay_start_2:
0x8b: {  	(tag) =	ssettag $0x2  }
0x8c: {  	s0 =	rddreg [dreg:$0x0];
	s2 =	stileid.u32  }
0x8d: {  	s1 =	rddreg [dreg:$0x1];
	p0 =	sne.s32 s2, $0x0  }
0x8e: {  	s3 =	rddreg [dreg:$0x2];
	[bflag:$0x3] =	sbarrier.arrive $0xFFFF;
	s2 =	simm.s32 @!p0 $0x1C01  }
0x8f: {  	[timem:s3], [sflag:s2] =	dma.local @!p0 [hbm:s0], s1  }
0x90: {  	s0 =	simm.s32 @!p0 $0x1  }
0x91: {  	_ =	swait.ge @!p0 [sflag:s0], s1  }
0x92: {  	s1 =	ssub.s32 @!p0 $0x0, s1;
	[sflag:s0] =	ssyncset.done @!p0 $0x0  }
0x93: {  	[sflag:s0] =	ssyncadd.s32 @!p0 s1  }
0x94: {  	[bflag:$0x3] =	sbarrier.arrive $0xFFFF  }
0x95: {  	_ =	shalt  }

// kernel: kernel.24.cloned.1.call-start
scs
__scs_entry_jumppad:
0x0: {  	(pc) =	sbr.rel $0x88, $3  }
0x1: {  	(tag) =	ssettag $0x0;
	lr =	simm.s32 $0x1  }
0x2: {  	[smem:$0x3F9C] =	sst lr;
	_ =	strace $0xD0000000  }
0x3: {  	_ = 	snop  }
0x4: {  	_ = 	snop  }
0x5: {  	_ = 	snop  }
0x6: {  	_ = 	snop  }
0x7: {  	_ = 	snop  }
__scs_overlays_trampoline_lowered:
0x8: {  	[smem:$0x3FAB] =	sst s0  }
0x9: {  	[smem:$0x3FAC] =	sst s1  }
0xa: {  	[smem:$0x3FAD] =	sst s2  }
0xb: {  	[smem:$0x3FAE] =	sst s3  }
0xc: {  	[smem:$0x3FAF] =	sst s4  }
0xd: {  	[smem:$0x3FB0] =	sst s5  }
0xe: {  	[smem:$0x3FB1] =	sst s6  }
0xf: {  	[smem:$0x3FB2] =	sst s7  }
0x10: {  	[smem:$0x3FB3] =	sst s8  }
0x11: {  	[smem:$0x3FB4] =	sst s9;
	s0 =	simm.s32 @!p0 $0x0  }
0x12: {  	s1 =	sld [smem:$0x3F9A];
	s0 =	simm.s32 @p0 $0x1  }
0x13: {  	[smem:$0x3FB5] =	sst s0;
	s0 =	simm.s32 @!p1 $0x0  }
0x14: {  	s2 =	sld [smem:$0x3F99];
	s0 =	simm.s32 @p1 $0x1  }
0x15: {  	[smem:$0x3FB6] =	sst s0;
	s0 =	simm.s32 @!p2 $0x0  }
0x16: {  	s3 =	sld [smem:$0x3FDB];
	s0 =	simm.s32 @p2 $0x1  }
0x17: {  	s4 =	simm.s32 $0x1BF5;
	[smem:$0x3FB8] =	sst s0  }
0x18: {  	s0 =	sld [smem:$0x3F9B];
	_ =	swait.ge [sflag:s4], $0x0  }
0x19: {  	s7 =	sld [smem:$0x3F9C]  }
0x1a: {  	s8 =	sadd.s32 $0xFFFFE003, lr  }
0x1b: {  	s9 =	sadd.s32 $0xFFFFFEF7, lr;
	s5 =	simm.s32 $0xFFFFFFFF;
	p2 =	slt.u32 s8, $0xFFFFF086  }
0x1c: {  	p1 =	slt.u32 s9, $0xF7A;
	s5 =	simm.s32 @!p2 $0x0  }
0x1d: {  	s5 =	simm.s32 @p1 $0x1;
	p0 =	seq.s32 s7, s2  }
0x1e: {  	s7 =	smul.u32 @!p0 $0xF7A, s2;
	p2 =	seq.s32 @!p0 s5, $0x0  }
0x1f: {  	s9 =	smul.u32 $0xF7A, s1;
	s8 =	simm.s32 @!p0 $0x1BF5;
	p2 =	por !p2, p0  }
0x20: {  	[sflag:s8] =	ssyncset.s32 @!p0 $0xFFFFF086;
	s6 =	sadd.s32 @!p0 s3, s7;
	s7 =	simm.s32 @!p0 $0x108  }
0x21: {  	s3 =	sadd.s32 s3, s9;
	s6 =	sadd.s32 @!p0 $0x88, s6;
	s7 =	simm.s32 @p2 $0x1082  }
0x22: {  	[simem:s7], [sflag:s8] =	dma.local @!p0 [hbm:s6], $0xF7A  }
0x23: {  	s9 =	sor.u32 $0xD0000000, s2;
	s6 =	simm.s32 $0x108;
	_ =	swait.ge @!p0 [sflag:s8], $0x0  }
0x24: {  	s3 =	sadd.s32 $0x88, s3;
	s6 =	simm.s32 @!p1 $0x1082;
	[sflag:s4] =	ssyncset.s32 $0xFFFFF086  }
0x25: {  	[simem:s6], [sflag:s4] =	dma.local [hbm:s3], $0xF7A  }
0x26: {  	[smem:$0x3F9C] =	sst s1;
	(tag) =	ssettag s2;
	_ =	strace s9  }
0x27: {  	s1 =	sld [smem:$0x3FAC]  }
0x28: {  	s2 =	sld [smem:$0x3FAD]  }
0x29: {  	s4 =	sld [smem:$0x3FAF]  }
0x2a: {  	p0 =	seq.s32 s5, $0x0;
	s5 =	sld [smem:$0x3FB0]  }
0x2b: {  	s6 =	sld [smem:$0x3FB1]  }
0x2c: {  	s7 =	sld [smem:$0x3FB2]  }
0x2d: {  	s3 =	simm.s32 $0x108;
	s8 =	sld [smem:$0x3FB3]  }
0x2e: {  	s3 =	simm.s32 @!p0 $0x1082;
	s9 =	sld [smem:$0x3FB4]  }
0x2f: {  	lr =	sadd.s32 s0, s3;
	s0 =	sld [smem:$0x3FAB]  }
0x30: {  	s3 =	sld [smem:$0x3FAE]  }
0x31: {  	[smem:$0x3FB7] =	sst s10  }
0x32: {  	s10 =	sld [smem:$0x3FB5];
	_ =	sdelay $0x3  }
0x33: {  	p0 =	seq.s32 s10, $0x1;
	s10 =	sld [smem:$0x3FB7];
	_ =	sdelay $0x3  }
0x34: {  	[smem:$0x3FB7] =	sst s10  }
0x35: {  	s10 =	sld [smem:$0x3FB6];
	_ =	sdelay $0x3  }
0x36: {  	p1 =	seq.s32 s10, $0x1;
	s10 =	sld [smem:$0x3FB7];
	_ =	sdelay $0x3  }
0x37: {  	[smem:$0x3FB7] =	sst s10  }
0x38: {  	s10 =	sld [smem:$0x3FB8]  }
0x39: {  	_ = 	snop;
	(pc) =	sbr.ind lr, $3  }
0x3a: {  	_ = 	snop  }
0x3b: {  	_ = 	snop  }
0x3c: {  	p2 =	seq.s32 s10, $0x1;
	s10 =	sld [smem:$0x3FB7]  }
0x3d: {  	_ =	shalt  }
0x3e: {  	_ =	shalt  }
0x3f: {  	_ =	shalt  }
0x40: {  	_ =	shalt  }
0x41: {  	_ =	shalt  }
0x42: {  	_ =	shalt  }
0x43: {  	_ =	shalt  }
0x44: {  	_ =	shalt  }
0x45: {  	_ =	shalt  }
0x46: {  	_ =	shalt  }
0x47: {  	_ =	shalt  }
0x48: {  	_ =	shalt  }
0x49: {  	_ =	shalt  }
0x4a: {  	_ =	shalt  }
0x4b: {  	_ =	shalt  }
0x4c: {  	_ =	shalt  }
0x4d: {  	_ =	shalt  }
0x4e: {  	_ =	shalt  }
0x4f: {  	_ =	shalt  }
0x50: {  	_ =	shalt  }
0x51: {  	_ =	shalt  }
0x52: {  	_ =	shalt  }
0x53: {  	_ =	shalt  }
0x54: {  	_ =	shalt  }
0x55: {  	_ =	shalt  }
0x56: {  	_ =	shalt  }
0x57: {  	_ =	shalt  }
0x58: {  	_ =	shalt  }
0x59: {  	_ =	shalt  }
0x5a: {  	_ =	shalt  }
0x5b: {  	_ =	shalt  }
0x5c: {  	_ =	shalt  }
0x5d: {  	_ =	shalt  }
0x5e: {  	_ =	shalt  }
0x5f: {  	_ =	shalt  }
0x60: {  	_ =	shalt  }
0x61: {  	_ =	shalt  }
0x62: {  	_ =	shalt  }
0x63: {  	_ =	shalt  }
0x64: {  	_ =	shalt  }
0x65: {  	_ =	shalt  }
0x66: {  	_ =	shalt  }
0x67: {  	_ =	shalt  }
0x68: {  	_ =	shalt  }
0x69: {  	_ =	shalt  }
0x6a: {  	_ =	shalt  }
0x6b: {  	_ =	shalt  }
0x6c: {  	_ =	shalt  }
0x6d: {  	_ =	shalt  }
0x6e: {  	_ =	shalt  }
0x6f: {  	_ =	shalt  }
0x70: {  	_ =	shalt  }
0x71: {  	_ =	shalt  }
0x72: {  	_ =	shalt  }
0x73: {  	_ =	shalt  }
0x74: {  	_ =	shalt  }
0x75: {  	_ =	shalt  }
0x76: {  	_ =	shalt  }
0x77: {  	_ =	shalt  }
0x78: {  	_ =	shalt  }
0x79: {  	_ =	shalt  }
0x7a: {  	_ =	shalt  }
0x7b: {  	_ =	shalt  }
0x7c: {  	_ =	shalt  }
0x7d: {  	_ =	shalt  }
0x7e: {  	_ =	shalt  }
0x7f: {  	_ =	shalt  }
0x80: {  	_ =	shalt  }
0x81: {  	_ =	shalt  }
0x82: {  	_ =	shalt  }
0x83: {  	_ =	shalt  }
0x84: {  	_ =	shalt  }
0x85: {  	_ =	shalt  }
0x86: {  	_ =	shalt  }
0x87: {  	_ =	shalt  }
.Lfunc_end0:
.L_simem_size_0:
called_computation.4_lowered:
.L_overlay_start_0:
0x88: {  	s2 =	sld [smem:$0x3FD9]  }
0x89: {  	s3 =	sld [smem:$0x3FFE];
	_ =	sdelay $0x1  }
0x8a: {  	s1 =	srdreg.scid  }
0x8b: {  	s0 =	sand.u32 $0x1, s1  }
0x8c: {  	s17 =	sshll.u32 s0, $0xA;
	s2 =	sadd.s32 s3, s2  }
0x8d: {  	s2 =	sadd.s32 s2, s17  }
0x8e: {  	[smem:$0x3FC3] =	sst s2  }
0x8f: {  	_ = 	snop  }
0x90: {  	s2 =	sld [smem:$0x3FC8];
	(tm) =	ssettm $0x1  }
0x91: {  	s18 =	sld [smem:$0x3FFB];
	_ =	sdelay $0x3  }
0x92: {  	_ =	strace s18  }
0x93: {  	s3 =	sld [smem:$0x3FFC];
	_ =	sdelay $0x3  }
0x94: {  	_ =	strace s3  }
0x95: {  	s3 =	sld [smem:$0x3FFD];
	_ =	sdelay $0x3  }
0x96: {  	_ =	strace s3  }
0x97: {  	_ =	strace $0x8FFFFFFF  }
0x98: {  	s19 =	sld [smem:$0x3FDB];
	_ =	sdelay $0x1  }
0x99: {  	s4 =	simm.s32 $_scs_section_size  }
0x9a: {  	s5 =	simm.s32 $_size__tile_overlayer_lowered;
	s6 =	simm.s32 $_tile_overlayer_lowered  }
0x9b: {  	s22 =	simm.s32 $0x1BFF;
	s21 =	sshll.u32 s6, $0x1;
	s3 =	sadd.s32 s4, s19  }
0x9c: {  	s7 =	simm.s32 $0x0;
	s20 =	sshll.u32 s5, $0x1;
	s5 =	sadd.s32 s21, s3  }
0x9d: {  	[timem:s7], [sflag:s22] =	dma.local [hbm:s5], s20  }
0x9e: {  	_ =	swait.ge [sflag:s22], s20  }
0x9f: {  	s4 =	ssub.s32 $0x0, s20;
	[sflag:s22] =	ssyncset.done $0x0  }
0xa0: {  	[sflag:s22] =	ssyncadd.s32 s4;
	_ =	sdelay $0x1  }
0xa1: {  	s23 =	simm.s32 $0x1B8B  }
0xa2: {  	_ =	swait.ge [sflag:s23], $0x1  }
0xa3: {  	[sflag:s23] =	ssyncset.done $0x0  }
0xa4: {  	s25 =	simm.s32 $0x1B8E;
	s24 =	sld [smem:$0x3FFE];
	[sflag:s23] =	ssyncadd.s32 $0xFFFFFFFF  }
0xa5: {  	s26 =	simm.s32 $execute0_lowered;
	[smem:$0x3FD2] =	sst s25  }
0xa6: {  	s5 =	sshll.u32 s26, $0x1;
	_ =	strace $0x80000052;
	[dreg:$0x1] =	wrdreg $0xFFFFFFFF  }
0xa7: {  	s28 =	simm.s32 $_size_execute0_lowered;
	s3 =	sadd.s32 s3, s5;
	[dreg:$0x0] =	wrdreg $0x0  }
0xa8: {  	s5 =	sshll.u32 s28, $0x1;
	[dreg:$0x2] =	wrdreg s3  }
0xa9: {  	[dreg:$0x3] =	wrdreg s5  }
0xaa: {  	[dreg:$0x4] =	wrdreg $0xC0  }
0xab: {  	_ =	task [dreg:s7], $0x5FFFF  }
0xac: {  	[dreg:$0x1] =	wrdreg $0xFFFFFFFF  }
0xad: {  	[dreg:$0x0] =	wrdreg $0x60  }
0xae: {  	[dreg:$0x2] =	wrdreg s24  }
0xaf: {  	[dreg:$0x3] =	wrdreg s2  }
0xb0: {  	[dreg:$0x4] =	wrdreg $0x9  }
0xb1: {  	_ =	task.clear_ibuf [dreg:s7], $0x5FFFF;
	_ =	strace $0x90000052  }
0xb2: {  	s29 =	simm.s32 $0x9;
	_ =	strace $0x80000054  }
0xb3: {  	_ =	swait.ge [sflag:s29], $0x1  }
0xb4: {  	[sflag:s29] =	ssyncadd.s32 $0xFFFFFFFF  }
0xb5: {  	_ =	strace $0x90000054  }
0xb6: {  	_ =	sfence  }
0xb7: {  	s30 =	sld [smem:$0x0];
	_ =	sdelay $0x2  }
0xb8: {  	s31 =	sshll.u32 s1, $0xD;
	s1 =	sshrl.u32 s1, $0x2  }
0xb9: {  	s3 =	sand.u32 $0x4000, s31;
	s1 =	sadd.s32 s1, s30  }
0xba: {  	s0 =	sor.u32 s3, s0;
	s1 =	sshll.u32 s1, $0x11  }
0xbb: {  	s0 =	sor.u32 s1, s0  }
0xbc: {  	s0 =	sadd.s32 $0x8F2B, s0  }
0xbd: {  	[sflag:s0] =	ssyncadd.remote.s32 $0x1  }
0xbe: {  	_ =	sfence.sel $0xFFFF  }
0xbf: {  	[dreg:$0x0] =	wrdreg $0xFFFFFFFF;
	(pc) =	sbr.abs _section_cstart, $3  }
0xc0: {  	[dreg:$0x1] =	wrdreg $0xFFFFFFFF  }
0xc1: {  	_ =	task.clear_ibuf [dreg:s7], $0x2FFFF;
	_ =	strace $0x9FFFFFFF  }
0xc2: {  	(tm) =	ssettm $0x7FFFFFFF  }
0xc3: {  	_ =	shalt  }
tec
execute0_lowered:
.L_overlay_start_1:
0x0: {  	(tag) =	ssettag $0x1  }
0x1: {  	s3 =	rddreg [dreg:$0x0];
	s1 =	srdreg.scid  }
0x2: {  	s0 =	stileid.u32;
	s4 =	rddreg [dreg:$0x1]  }
0x3: {  	s10 =	simm.s32 $0x80;
	s11 =	simm.s32 $0x400;
	s12 =	simm.s32 $0x0  }
0x4: {  	s5 =	sand.u32 $0x1, s1;
	s2 =	sshll.u32 s0, $0x1;
	s1 =	rddreg [dreg:$0x2]  }
0x5: {  	s8 =	sshll.u32 s0, $0xB;
	s6 =	sor.u32 s5, s2;
	s2 =	simm.s32 $0x0  }
0x6: {  	s8 =	sand.u32 $0x6000, s8;
	s26 =	ssub.s32 $0x2, s5;
	s7 =	smul.u32 $0xA00, s6  }
0x7: {  	[smem:$0x7FF] =	sst s2;
	s8 =	sadd.s32 s8, s3;
	s6 =	sshll.u32 s6, $0x4  }
0x8: {  	s29 =	sshrl.u32 s26, $0x1;
	_ =	strace $0x80000053;
	s30 =	sand.u32 $0x70, s6  }
0x9: {  	s31 =	ssub.s32 s26, s29;
	s9 =	sadd.s32 s7, s3;
	s28 =	sshrl.u32 s7, $0x3  }
0xa: {  	s5 =	sadd.s32 s30, s8;
	s6 =	smax.u32 s31, $0x1;
	s7 =	simm.s32 $0x1  }
0xb: {  	v0 =	vimm.f32 $0.0e+00;
	s8 =	simm.s32 $0xA80;
	s4 =	sadd.s32 s4, s28;
	s5 =	sadd.s32 $0x2FE00, s5  }
0xc: {  	v1 =	vimm.s32 $0xFFFFFFFF;
	v2 =	vlaneseq.u32;
	vm0 =	vmmov $0x7fff;
	s3 =	sadd.s32 $0xD800, s4;
	s4 =	sadd.s32 $0x13E00, s9;
	s9 =	simm.s32 $0x5A80  }
.LBB2_1:
0xd: {  	s13 =	simm.s32 $0x40;
	s14 =	simm.s32 $0x0  }
.LBB2_2:
0xe: {  	p0 =	sne.s32 s13, $0x7FC0;
	[tilespmem:s14+$0x5A80] =	vst v0;
	s14 =	smov.u32 s13;
	s13 =	sadd.s32 $0x40, s13  }
.Ltmp0:
0xf: {  	(pc) =	sbr.rel @p0 .LBB2_2-.Ltmp0, $2  }
0x10: {  	_ =	sdelay $0x2  }
0x11: {  	s14 =	sshra.s32 s14, $0x2  }
0x12: {  	[tilespmem:s14+$0x5A80] =	vst v0;
	s13 =	simm.s32 $0x0  }
0x13: {  	[tilespmem:s13], [sflag:$0x1] =	stream.linear.gather [hbm4b:s3+s13], $0xA00, $0x38;
	[tilespmem:$0x7A80] =	vst v63  }
0x14: {  	_ =	swait.ge [sflag:s7], $0xA00  }
0x15: {  	[sflag:s7] =	ssyncset.done $0x0  }
0x16: {  	[sflag:s7] =	ssyncadd.s32 $0xFFFFF600  }
0x17: {  	[tilespmem:$0xA00] =	vst v1  }
0x18: {  	[tilespmem:s8], [sflag:$0x1] =	stream.linear.gather [hbm4b:s4+s13], $0x5000, $0x38;
	[tilespmem:$0x7A80] =	vst v63  }
0x19: {  	s13 =	sand.u32 $0x1F000, s13  }
0x1a: {  	s28 =	simm.s32 $0x0;
	_ =	swait.ge [sflag:s7], $0x5000;
	s13 =	sshrl.u32 s13, $0x2  }
0x1b: {  	s14 =	sand.u32 $0x60, s28;
	[sflag:s7] =	ssyncset.done $0x0;
	s15 =	sadd.s32 $0xA80, s13  }
0x1c: {  	s29 =	simm.s32 $0x1;
	[sflag:s7] =	ssyncadd.s32 $0xFFFFB000;
	s14 =	sor.u32 s14, s15  }
0x1d: {  	v3 =	vadd.s32 s29, v2;
	v4 =	vld [tilespmem:s14+$0x180];
	_ =	sdelay $0x4  }
0x1e: {  	s13 =	simm.s32 $0x10;
	v3 =	vld.idx.msk [tilespmem:v3+s2+$0x0], $0xffff;
	(xrf2) =	vadd.scan.msk.f32 $0xffff, v4  }
0x1f: {  	v4 =	vld [tilespmem:s13+$0xFFFFFFF0];
	_ =	sdelay $0x2  }
0x20: {  	vm1 =	veq.s32 v2, $0xF  }
0x21: {  	v5 =	vsel vm1, $0xFFFFFFFF, v3  }
0x22: {  	v6 =	vsel vm0, v3, v4;
	vm2 =	vne.s32 v4, v5  }
0x23: {  	vm3 =	vne.s32 v4, v6;
	_ =	sdelay $0x2  }
0x24: {  	v5, _, _ =	vpop (xrf2)  }
0x25: {  	s30 =	simm.s32 $0x10;
	v6 =	vsub.f32 $0.0e+00, v5  }
0x26: {  	s16 =	simm.s32 $0x11;
	s14 =	sand.u32 $0x70, s30;
	[tilespmem:v4+s9+$0x0] =	vst.idx.add.f32.msk vm2, v5  }
0x27: {  	s14 =	sor.u32 s14, s15;
	v4 =	vadd.s32 s16, v2;
	[tilespmem:v3+s9+$0x0] =	vst.idx.add.f32.msk vm3, v6  }
0x28: {  	v5 =	vld [tilespmem:s14+$0x180];
	_ =	sdelay $0x3  }
0x29: {  	v3 =	vld.idx.msk [tilespmem:v4+s2+$0x0], $0xffff  }
0x2a: {  	v4 =	vld [tilespmem:s13+$0x0];
	(xrf2) =	vadd.scan.msk.f32 $0xffff, v5;
	_ =	sdelay $0x3  }
0x2b: {  	v5 =	vsel vm1, $0xFFFFFFFF, v3  }
0x2c: {  	vm3 =	vne.s32 v4, v5  }
0x2d: {  	v5 =	vsel vm0, v3, v4  }
0x2e: {  	vm2 =	vne.s32 v4, v5  }
0x2f: {  	s15 =	simm.s32 $0x400  }
0x30: {  	s18 =	simm.s32 $0x51;
	s31 =	sand.u32 $0x1F000, s15  }
0x31: {  	s17 =	simm.s32 $0x20;
	s20 =	simm.s32 $0x21;
	s16 =	sshrl.u32 s31, $0x2;
	v6, _, _ =	vpop (xrf2)  }
0x32: {  	s19 =	sand.u32 $0x60, s17;
	s17 =	sadd.s32 $0xA80, s16;
	s14 =	simm.s32 $0x31;
	[tilespmem:v4+s9+$0x0] =	vst.idx.add.f32.msk vm3, v6;
	v4 =	vsub.f32 $0.0e+00, v6  }
.LBB2_4:
0x33: {  	s19 =	sor.u32 s19, s17  }
0x34: {  	v5 =	vadd.s32 s20, v2;
	[tilespmem:v3+s9+$0x0] =	vst.idx.add.f32.msk vm2, v4;
	s13 =	sadd.s32 $0x20, s13;
	s20 =	smov.u32 s18;
	s16 =	sadd.s32 $0x20, s18  }
0x35: {  	p0 =	sne.s32 s18, $0x9F1;
	v3 =	vld [tilespmem:s19+$0x180];
	_ =	sdelay $0x3  }
0x36: {  	v4 =	vld.idx.msk [tilespmem:v5+s2+$0x0], $0xffff  }
0x37: {  	v5 =	vld [tilespmem:s13+$0xFFFFFFF0];
	(xrf2) =	vadd.scan.msk.f32 $0xffff, v3;
	_ =	sdelay $0x4  }
0x38: {  	v3 =	vsel vm1, $0xFFFFFFFF, v4;
	v6 =	vsel vm0, v4, v5  }
0x39: {  	vm2 =	vne.s32 v5, v3  }
0x3a: {  	vm3 =	vne.s32 v5, v6;
	_ =	sdelay $0x2  }
0x3b: {  	v3, _, _ =	vpop (xrf2)  }
0x3c: {  	s18 =	sadd.s32 $0xFFFFFFFF, s14;
	v6 =	vsub.f32 $0.0e+00, v3  }
0x3d: {  	s18 =	sand.u32 $0x70, s18;
	[tilespmem:v5+s9+$0x0] =	vst.idx.add.f32.msk vm2, v3;
	v3 =	vadd.s32 s14, v2;
	s14 =	smov.u32 s20  }
0x3e: {  	s17 =	sor.u32 s18, s17;
	[tilespmem:v4+s9+$0x0] =	vst.idx.add.f32.msk vm3, v6  }
0x3f: {  	v4 =	vld [tilespmem:s17+$0x180];
	_ =	sdelay $0x2  }
0x40: {  	v3 =	vld.idx.msk [tilespmem:v3+s2+$0x0], $0xffff  }
0x41: {  	v5 =	vld [tilespmem:s13+$0x0]  }
0x42: {  	(xrf2) =	vadd.scan.msk.f32 $0xffff, v4;
	_ =	sdelay $0x3  }
0x43: {  	v4 =	vsel vm1, $0xFFFFFFFF, v3;
	v6 =	vsel vm0, v3, v5  }
0x44: {  	vm3 =	vne.s32 v5, v4;
	_ =	sdelay $0x1  }
0x45: {  	vm2 =	vne.s32 v5, v6  }
.Ltmp1:
0x46: {  	(pc) =	sbr.rel @p0 .LBB2_4-.Ltmp1, $4  }
0x47: {  	s15 =	sadd.s32 $0x400, s15  }
0x48: {  	s17 =	sand.u32 $0x1F000, s15;
	v4, _, _ =	vpop (xrf2)  }
0x49: {  	s18 =	sadd.s32 $0xFFFFFFEF, s14;
	s20 =	sadd.s32 $0xFFFFFFF0, s14;
	s17 =	sshrl.u32 s17, $0x2;
	[tilespmem:v5+s9+$0x0] =	vst.idx.add.f32.msk vm3, v4;
	v4 =	vsub.f32 $0.0e+00, v4  }
0x4a: {  	s19 =	sand.u32 $0x60, s18;
	s18 =	smov.u32 s16;
	s17 =	sadd.s32 $0xA80, s17  }
0x4b: {  	_ =	sdelay $0x4  }
0x4c: {  	s15 =	sor.u32 s19, s17;
	[tilespmem:v3+s9+$0x0] =	vst.idx.add.f32.msk vm2, v4  }
0x4d: {  	v3 =	vadd.s32 s20, v2;
	v4 =	vld [tilespmem:s15+$0x180];
	_ =	sdelay $0x4  }
0x4e: {  	s13 =	sadd.s32 $0x20, s13;
	v3 =	vld.idx.msk [tilespmem:v3+s2+$0x0], $0xffff;
	(xrf2) =	vadd.scan.msk.f32 $0xffff, v4  }
0x4f: {  	v56 =	vld [tilespmem:s13+$0xFFFFFFF0];
	_ =	sdelay $0x2  }
0x50: {  	vm1 =	veq.s32 v2, $0xF  }
0x51: {  	v5 =	vsel vm1, $0xFFFFFFFF, v3  }
0x52: {  	v6 =	vsel vm0, v3, v56;
	vm2 =	vne.s32 v56, v5  }
0x53: {  	vm3 =	vne.s32 v56, v6;
	_ =	sdelay $0x2  }
0x54: {  	v57, _, _ =	vpop (xrf2)  }
0x55: {  	s31 =	sadd.s32 $0xFFFFFFFF, s14;
	v58 =	vsub.f32 $0.0e+00, v57  }
0x56: {  	s15 =	sand.u32 $0x70, s31;
	[tilespmem:v56+s9+$0x0] =	vst.idx.add.f32.msk vm2, v57  }
0x57: {  	s15 =	sor.u32 s15, s17;
	[tilespmem:v3+s9+$0x0] =	vst.idx.add.f32.msk vm3, v58  }
0x58: {  	v3 =	vadd.s32 s14, v2;
	v4 =	vld [tilespmem:s15+$0x180];
	_ =	sdelay $0x4  }
0x59: {  	v3 =	vld.idx.msk [tilespmem:v3+s2+$0x0], $0xffff;
	(xrf2) =	vadd.scan.msk.f32 $0xffff, v4  }
0x5a: {  	v59 =	vld [tilespmem:s13+$0x0];
	_ =	sdelay $0x3  }
0x5b: {  	v60 =	vsel vm1, $0xFFFFFFFF, v3  }
0x5c: {  	v61 =	vsel vm0, v3, v59;
	vm1 =	vne.s32 v59, v60  }
0x5d: {  	vm2 =	vne.s32 v59, v61;
	_ =	sdelay $0x2  }
0x5e: {  	v62, _, _ =	vpop (xrf2)  }
0x5f: {  	s12 =	sadd.s32 $0x1, s12;
	v63 =	vsub.f32 $0.0e+00, v62  }
0x60: {  	p0 =	sne.s32 s12, s6;
	[tilespmem:v59+s9+$0x0] =	vst.idx.add.f32.msk vm1, v62  }
.Ltmp2:
0x61: {  	[tilespmem:v3+s9+$0x0] =	vst.idx.add.f32.msk vm2, v63;
	(pc) =	sbr.rel @p0 .LBB2_1-.Ltmp2, $4  }
0x62: {  	[hbm4b:s5+s10] =	stream.strided.scatter [tilespmem:s9], [sflag:$0x1], $0x2000, s11, s10, $0x38;
	[tilespmem:$0x7A80] =	vst v63  }
0x63: {  	_ =	swait.ge [sflag:s7], $0x2000  }
0x64: {  	[sflag:s7] =	ssyncset.done $0x0  }
0x65: {  	[sflag:s7] =	ssyncadd.s32 $0xFFFFE000  }
0x66: {  	_ =	sfence.sel $0x180000  }
0x67: {  	[bflag:$0x0] =	sbarrier.arrive $0xFFFF  }
0x68: {  	p0 =	sne.s32 s0, $0x0;
	_ =	strace $0x90000053  }
0x69: {  	s0 =	sadd.s32 @!p0 $0x100000, s1;
	[bflag:$0x2] =	sbarrier.arrive $0xFFFF  }
0x6a: {  	[sflag:s0] =	ssyncadd.tile.s32 @!p0 $0x1;
	_ =	shalt  }
.Lfunc_end2:
_tile_overlayer_lowered:
.L_overlay_start_2:
0x6b: {  	(tag) =	ssettag $0x2  }
0x6c: {  	s0 =	rddreg [dreg:$0x0];
	s2 =	stileid.u32  }
0x6d: {  	s1 =	rddreg [dreg:$0x1];
	p0 =	sne.s32 s2, $0x0  }
0x6e: {  	s3 =	rddreg [dreg:$0x2];
	[bflag:$0x3] =	sbarrier.arrive $0xFFFF;
	s2 =	simm.s32 @!p0 $0x1C01  }
0x6f: {  	[timem:s3], [sflag:s2] =	dma.local @!p0 [hbm:s0], s1  }
0x70: {  	s0 =	simm.s32 @!p0 $0x1  }
0x71: {  	_ =	swait.ge @!p0 [sflag:s0], s1  }
0x72: {  	s1 =	ssub.s32 @!p0 $0x0, s1;
	[sflag:s0] =	ssyncset.done @!p0 $0x0  }
0x73: {  	[sflag:s0] =	ssyncadd.s32 @!p0 s1  }
0x74: {  	[bflag:$0x3] =	sbarrier.arrive $0xFFFF  }
0x75: {  	_ =	shalt  }

</sc_bundles>
